<compile_context>
chip_gen: v7x
topology: tpu7x:2x2x1
jax: 0.10.2.dev20260603
libtpu: 0.0.44.dev20260713+nightly
codegen_flags: <defaults>
</compile_context>

<pallas_src>
import functools

import jax
import jax.numpy as jnp
from jax import lax
from jax.experimental import pallas as pl
from jax.experimental.pallas import tpu as pltpu
from jax.experimental.pallas import tpu_sc as plsc

N_NODES = 10000
N_EDGES = 320000
D = 128
DG = 8
NC = 2
NS = 16
NW = NC * NS
EPT = N_EDGES // NW
K = 40
CHUNKS = EPT // K
BLOCKS = 2
BCH = CHUNKS // BLOCKS
RING = 6
HALF = 4
GROUPS = (BCH - RING) // RING
PEEL = (BCH - RING) % RING
ROWS_PT = 640
N_PAD = NS * ROWS_PT


def _sc_aggregate(x, ei2, zrows, zdeg, ones8):
    mesh = plsc.VectorSubcoreMesh(core_axis_name="c", subcore_axis_name="s")

    @functools.partial(
        pl.kernel,
        out_type=(jax.ShapeDtypeStruct((NC, N_PAD, D), jnp.float32),
                  jax.ShapeDtypeStruct((NC, N_PAD, DG), jnp.float32)),
        mesh=mesh,
        scratch_types=[
            pltpu.VMEM((BCH, K), jnp.int32),
            pltpu.VMEM((BCH, K), jnp.int32),
            pltpu.VMEM((RING, K, D), jnp.float32),
            pltpu.VMEM((K, DG), jnp.float32),
            pltpu.VMEM_SHARED((N_PAD, D), jnp.float32),
            pltpu.VMEM_SHARED((N_PAD, DG), jnp.float32),
            pltpu.SemaphoreType.DMA((RING,)),
            pltpu.SemaphoreType.DMA((RING,)),
            pltpu.SemaphoreType.DMA((RING,)),
        ],
        compiler_params=pltpu.CompilerParams(use_tc_tiling_on_sc=False),
    )
    def body(x_hbm, ei_hbm, zrows_hbm, zdeg_hbm, ones8_hbm,
             out_hbm, outd_hbm,
             src_v, dst_v, rows, ones_v, agg_sh, deg_sh, gsem, ssem, dsem):
        cid = lax.axis_index("c")
        sid = lax.axis_index("s")
        wid = cid * NS + sid
        crow = wid * CHUNKS

        def gather_start(j, b):
            pltpu.async_copy(x_hbm.at[src_v.at[j]], rows.at[b], gsem.at[b])

        def gather_wait(j, b):
            pltpu.make_async_copy(
                x_hbm.at[src_v.at[j]], rows.at[b], gsem.at[b]).wait()

        def scatter_start(j, b):
            pltpu.async_copy(rows.at[b], agg_sh.at[dst_v.at[j]],
                             ssem.at[b], add=True)
            pltpu.async_copy(ones_v, deg_sh.at[dst_v.at[j]],
                             dsem.at[b], add=True)

        def scatter_wait(j, b):
            pltpu.make_async_copy(
                rows.at[b], agg_sh.at[dst_v.at[j]], ssem.at[b]).wait()
            pltpu.make_async_copy(
                ones_v, deg_sh.at[dst_v.at[j]], dsem.at[b]).wait()

        rbase = sid * ROWS_PT
        c0 = pltpu.async_copy(ones8_hbm, ones_v, gsem.at[0])
        c1 = pltpu.async_copy(
            zrows_hbm, agg_sh.at[pl.ds(rbase, ROWS_PT), :], gsem.at[1])
        c2 = pltpu.async_copy(
            zdeg_hbm, deg_sh.at[pl.ds(rbase, ROWS_PT), :], gsem.at[2])
        c3 = pltpu.async_copy(
            ei_hbm.at[0, pl.ds(crow, BCH), :], src_v, gsem.at[3])
        c4 = pltpu.async_copy(
            ei_hbm.at[1, pl.ds(crow, BCH), :], dst_v, gsem.at[4])
        c0.wait(); c1.wait(); c2.wait(); c3.wait(); c4.wait()
        plsc.subcore_barrier()

        for h in range(BLOCKS):
            if h > 0:
                pltpu.sync_copy(
                    ei_hbm.at[0, pl.ds(crow + h * BCH, BCH), :], src_v)
                pltpu.sync_copy(
                    ei_hbm.at[1, pl.ds(crow + h * BCH, BCH), :], dst_v)

            for b in range(HALF):
                gather_start(b, b)
            for b in range(HALF, RING):
                gather_start(b, b)
                gather_wait(b - HALF, b - HALF)
                scatter_start(b - HALF, b - HALF)

            def group(g, _):
                j0 = RING + g * RING
                for b in range(RING):
                    j = j0 + b
                    scatter_wait(j - RING, b)
                    gather_start(j, b)
                    bm = (b - HALF) % RING
                    gather_wait(j - HALF, bm)
                    scatter_start(j - HALF, bm)
                return 0

            lax.fori_loop(0, GROUPS, group, 0)

            for i in range(PEEL):
                j = RING + GROUPS * RING + i
                b = j % RING
                scatter_wait(j - RING, b)
                gather_start(j, b)
                bm = (b - HALF) % RING
                gather_wait(j - HALF, bm)
                scatter_start(j - HALF, bm)

            for i in range(HALF):
                j = BCH - HALF + i
                b = j % RING
                gather_wait(j, b)
                scatter_start(j, b)
            for b in range(RING):
                jj = BCH - RING + b
                scatter_wait(jj, jj % RING)

        plsc.subcore_barrier()

        pltpu.sync_copy(agg_sh.at[pl.ds(rbase, ROWS_PT), :],
                        out_hbm.at[cid, pl.ds(rbase, ROWS_PT), :])
        pltpu.sync_copy(deg_sh.at[pl.ds(rbase, ROWS_PT), :],
                        outd_hbm.at[cid, pl.ds(rbase, ROWS_PT), :])

    return body(x, ei2, zrows, zdeg, ones8)


def _tc_xw1(x, W, b2d):
    R = 2000
    grid = (N_NODES // R,)

    def body(x_ref, w_ref, b_ref, o_ref):
        o_ref[...] = jnp.dot(
            x_ref[...], w_ref[:D], preferred_element_type=jnp.float32
        ) + b_ref[...]

    return pl.pallas_call(
        body,
        grid=grid,
        in_specs=[
            pl.BlockSpec((R, D), lambda i: (i, 0)),
            pl.BlockSpec((2 * D, D), lambda i: (0, 0)),
            pl.BlockSpec((1, D), lambda i: (0, 0)),
        ],
        out_specs=pl.BlockSpec((R, D), lambda i: (i, 0)),
        out_shape=jax.ShapeDtypeStruct((N_NODES, D), jnp.float32),
    )(x, W, b2d)


def _tc_combine(xw, part, dpart, W):
    R = 2000
    grid = (N_NODES // R,)

    def body(xw_ref, p_ref, d_ref, w_ref, o_ref):
        acc = p_ref[0] + p_ref[1]
        dsum = d_ref[0] + d_ref[1]
        deg = jnp.maximum(dsum[:, 0:1], 1.0)
        mean = acc / deg
        o_ref[...] = xw_ref[...] + jnp.dot(
            mean, w_ref[D:], preferred_element_type=jnp.float32)

    return pl.pallas_call(
        body,
        grid=grid,
        in_specs=[
            pl.BlockSpec((R, D), lambda i: (i, 0)),
            pl.BlockSpec((2, R, D), lambda i: (0, i, 0)),
            pl.BlockSpec((2, R, DG), lambda i: (0, i, 0)),
            pl.BlockSpec((2 * D, D), lambda i: (0, 0)),
        ],
        out_specs=pl.BlockSpec((R, D), lambda i: (i, 0)),
        out_shape=jax.ShapeDtypeStruct((N_NODES, D), jnp.float32),
    )(xw, part, dpart, W)


def kernel(x, edge_index, W, b):
    ei2 = edge_index.astype(jnp.int32).reshape(2, N_EDGES // K, K)
    zrows = jnp.zeros((ROWS_PT, D), jnp.float32)
    zdeg = jnp.zeros((ROWS_PT, DG), jnp.float32)
    ones8 = jnp.zeros((K, DG), jnp.float32).at[:, 0].set(1.0)
    xw = _tc_xw1(x, W, b.reshape(1, D))
    part, dpart = _sc_aggregate(x, ei2, zrows, zdeg, ones8)
    return _tc_combine(xw, part, dpart, W)

# --- scband reference (transcript-rebuilt; emitter-appended) ---
"""Pipeline reference for scband-sagelayer-14310831031090 (READ-ONLY COPY).

The authoritative reference and input builder live on the scoring server;
editing this copy changes nothing except your own understanding.
"""

import jax, jax.numpy as jnp
import numpy as np

N_NODES = 10000
N_EDGES = 320000
IN_FEATS = 128
OUT_FEATS = 128


def setup_inputs(seed: int = 0) -> dict:
    key = jax.random.key(seed)
    k1, k2, k3, k4, k5 = jax.random.split(key, 5)
    x = jax.random.normal(k1, (N_NODES, IN_FEATS), dtype=jnp.float32)
    edge_index = jax.random.randint(k2, (2, N_EDGES), 0, N_NODES, dtype=jnp.int64)
    # fc: Linear(2*in_feats, out_feats)
    limit = 1.0 / np.sqrt(2 * IN_FEATS)
    W = jax.random.uniform(k3, (2 * IN_FEATS, OUT_FEATS), dtype=jnp.float32, minval=-limit, maxval=limit)
    b = jax.random.uniform(k4, (OUT_FEATS,), dtype=jnp.float32, minval=-limit, maxval=limit)
    return {"x": x, "edge_index": edge_index, "W": W, "b": b}


def reference(x, edge_index, W, b):
    # MeanAggregator: graph.row_norm() then spmm(graph, x)
    # i.e. out[i] = (1/deg(i)) * sum_{(j->i) in E} x[j]
    src = edge_index[0]
    dst = edge_index[1]
    gathered = jnp.take(x, src, axis=0)                     # gather source features [E, d]
    agg = jax.ops.segment_sum(gathered, dst, num_segments=N_NODES)  # scatter-add by dst
    deg = jax.ops.segment_sum(jnp.ones((src.shape[0],), dtype=x.dtype), dst, num_segments=N_NODES)
    deg = jnp.maximum(deg, 1.0)
    mean = agg / deg[:, None]
    # torch.cat([x, out], dim=-1) then fc
    h = jnp.concatenate([x, mean], axis=-1)
    out = h @ W + b
    # normalize=False, norm=None, activation=None, dropout=0 -> identity
    return out


if False:  # reference __main__ guard neutralized (emitter)
    inp = setup_inputs()
    out = reference(**inp)
    print(out.shape, out.dtype)

if __name__ == "__main__":
    import jax
    _d = setup_inputs()
    print(jax.jit(kernel)(*tuple(_d.values())))

</pallas_src>

<mosaic_0001>
#map = affine_map<(d0, d1) -> (0, 0)>
#map1 = affine_map<(d0, d1) -> (0, 0, 0)>
module attributes {stable_mosaic.version = 14 : i64} {
  func.func @body(%arg0: i32, %arg1: i32, %arg2: memref<10000x128xf32, #tpu.memory_space<hbm>>, %arg3: memref<2x8000x40xi32, #tpu.memory_space<hbm>>, %arg4: memref<640x128xf32, #tpu.memory_space<hbm>>, %arg5: memref<640x8xf32, #tpu.memory_space<hbm>>, %arg6: memref<40x8xf32, #tpu.memory_space<hbm>>, %arg7: memref<2x10240x128xf32, #tpu.memory_space<hbm>>, %arg8: memref<2x10240x8xf32, #tpu.memory_space<hbm>>, %arg9: memref<125x40xi32, #tpu.memory_space<vmem>>, %arg10: memref<125x40xi32, #tpu.memory_space<vmem>>, %arg11: memref<6x40x128xf32, #tpu.memory_space<vmem>>, %arg12: memref<40x8xf32, #tpu.memory_space<vmem>>, %arg13: memref<10240x128xf32, #tpu.memory_space<vmem_shared>>, %arg14: memref<10240x8xf32, #tpu.memory_space<vmem_shared>>, %arg15: memref<6x!tpu.dma_semaphore, #tpu.memory_space<semaphore_mem>>, %arg16: memref<6x!tpu.dma_semaphore, #tpu.memory_space<semaphore_mem>>, %arg17: memref<6x!tpu.dma_semaphore, #tpu.memory_space<semaphore_mem>>) attributes {dimension_semantics = [#tpu.dimension_semantics<core_parallel>, #tpu.dimension_semantics<subcore_parallel>], iteration_bounds = array<i64: 2, 16>, scalar_prefetch = 0 : i64, scratch_operands = 9 : i64, tpu.core_type = #tpu.core_type<sc_vector_subcore>, window_params = [{transform_indices = #map}, {transform_indices = #map1}, {transform_indices = #map}, {transform_indices = #map}, {transform_indices = #map}, {transform_indices = #map1}, {transform_indices = #map1}]} {
    %mul3A = arith.constant 16 : i32
    %mul3A_0 = arith.muli %arg0, %mul3A : i32
    %add3A = arith.addi %mul3A_0, %arg1 : i32
    %mul3A_1 = arith.constant 250 : i32
    %mul3A_2 = arith.muli %add3A, %mul3A_1 : i32
    %mul3A_3 = arith.constant 640 : i32
    %mul3A_4 = arith.muli %arg1, %mul3A_3 : i32
    %dma_start3A = arith.constant 0 : i32
    %dma_start3A_5 = tpu.memref_slice %arg15[%dma_start3A] : memref<6x!tpu.dma_semaphore, #tpu.memory_space<semaphore_mem>> -> memref<1x!tpu.dma_semaphore, #tpu.memory_space<semaphore_mem>>
    %dma_start3A_6 = tpu.memref_squeeze %dma_start3A_5 : memref<1x!tpu.dma_semaphore, #tpu.memory_space<semaphore_mem>> -> memref<!tpu.dma_semaphore, #tpu.memory_space<semaphore_mem>>
    tpu.enqueue_dma source(%arg6 : memref<40x8xf32, #tpu.memory_space<hbm>>) target(%arg12 : memref<40x8xf32, #tpu.memory_space<vmem>>) target_semaphore(%dma_start3A_6 : memref<!tpu.dma_semaphore, #tpu.memory_space<semaphore_mem>>)
    %dma_start3A_7 = arith.constant 1 : i32
    %dma_start3A_8 = tpu.memref_slice %arg15[%dma_start3A_7] : memref<6x!tpu.dma_semaphore, #tpu.memory_space<semaphore_mem>> -> memref<1x!tpu.dma_semaphore, #tpu.memory_space<semaphore_mem>>
    %dma_start3A_9 = tpu.memref_squeeze %dma_start3A_8 : memref<1x!tpu.dma_semaphore, #tpu.memory_space<semaphore_mem>> -> memref<!tpu.dma_semaphore, #tpu.memory_space<semaphore_mem>>
    %dma_start3A_10 = arith.constant 0 : i32
    %dma_start3A_11 = tpu.memref_slice %arg13[%mul3A_4, %dma_start3A_10] : memref<10240x128xf32, #tpu.memory_space<vmem_shared>> -> memref<640x128xf32, #tpu.memory_space<vmem_shared>>
    tpu.enqueue_dma source(%arg4 : memref<640x128xf32, #tpu.memory_space<hbm>>) target(%dma_start3A_11 : memref<640x128xf32, #tpu.memory_space<vmem_shared>>) target_semaphore(%dma_start3A_9 : memref<!tpu.dma_semaphore, #tpu.memory_space<semaphore_mem>>)
    %dma_start3A_12 = arith.constant 2 : i32
    %dma_start3A_13 = tpu.memref_slice %arg15[%dma_start3A_12] : memref<6x!tpu.dma_semaphore, #tpu.memory_space<semaphore_mem>> -> memref<1x!tpu.dma_semaphore, #tpu.memory_space<semaphore_mem>>
    %dma_start3A_14 = tpu.memref_squeeze %dma_start3A_13 : memref<1x!tpu.dma_semaphore, #tpu.memory_space<semaphore_mem>> -> memref<!tpu.dma_semaphore, #tpu.memory_space<semaphore_mem>>
    %dma_start3A_15 = arith.constant 0 : i32
    %dma_start3A_16 = tpu.memref_slice %arg14[%mul3A_4, %dma_start3A_15] : memref<10240x8xf32, #tpu.memory_space<vmem_shared>> -> memref<640x8xf32, #tpu.memory_space<vmem_shared>>
    tpu.enqueue_dma source(%arg5 : memref<640x8xf32, #tpu.memory_space<hbm>>) target(%dma_start3A_16 : memref<640x8xf32, #tpu.memory_space<vmem_shared>>) target_semaphore(%dma_start3A_14 : memref<!tpu.dma_semaphore, #tpu.memory_space<semaphore_mem>>)
    %dma_start3A_17 = arith.constant 0 : i32
    %dma_start3A_18 = arith.constant 3 : i32
    %dma_start3A_19 = arith.constant 0 : i32
    %dma_start3A_20 = tpu.memref_slice %arg3[%dma_start3A_17, %mul3A_2, %dma_start3A_19] : memref<2x8000x40xi32, #tpu.memory_space<hbm>> -> memref<1x125x40xi32, #tpu.memory_space<hbm>>
    %dma_start3A_21 = tpu.memref_squeeze %dma_start3A_20 : memref<1x125x40xi32, #tpu.memory_space<hbm>> -> memref<125x40xi32, #tpu.memory_space<hbm>>
    %dma_start3A_22 = tpu.memref_slice %arg15[%dma_start3A_18] : memref<6x!tpu.dma_semaphore, #tpu.memory_space<semaphore_mem>> -> memref<1x!tpu.dma_semaphore, #tpu.memory_space<semaphore_mem>>
    %dma_start3A_23 = tpu.memref_squeeze %dma_start3A_22 : memref<1x!tpu.dma_semaphore, #tpu.memory_space<semaphore_mem>> -> memref<!tpu.dma_semaphore, #tpu.memory_space<semaphore_mem>>
    %dma_start3A_24 = arith.constant 0 : i32
    %dma_start3A_25 = tpu.memref_slice %arg3[%dma_start3A_17, %mul3A_2, %dma_start3A_24] : memref<2x8000x40xi32, #tpu.memory_space<hbm>> -> memref<1x125x40xi32, #tpu.memory_space<hbm>>
    %dma_start3A_26 = tpu.memref_squeeze %dma_start3A_25 : memref<1x125x40xi32, #tpu.memory_space<hbm>> -> memref<125x40xi32, #tpu.memory_space<hbm>>
    tpu.enqueue_dma source(%dma_start3A_26 : memref<125x40xi32, #tpu.memory_space<hbm>>) target(%arg9 : memref<125x40xi32, #tpu.memory_space<vmem>>) target_semaphore(%dma_start3A_23 : memref<!tpu.dma_semaphore, #tpu.memory_space<semaphore_mem>>)
    %dma_start3A_27 = arith.constant 1 : i32
    %dma_start3A_28 = arith.constant 4 : i32
    %dma_start3A_29 = arith.constant 0 : i32
    %dma_start3A_30 = tpu.memref_slice %arg3[%dma_start3A_27, %mul3A_2, %dma_start3A_29] : memref<2x8000x40xi32, #tpu.memory_space<hbm>> -> memref<1x125x40xi32, #tpu.memory_space<hbm>>
    %dma_start3A_31 = tpu.memref_squeeze %dma_start3A_30 : memref<1x125x40xi32, #tpu.memory_space<hbm>> -> memref<125x40xi32, #tpu.memory_space<hbm>>
    %dma_start3A_32 = tpu.memref_slice %arg15[%dma_start3A_28] : memref<6x!tpu.dma_semaphore, #tpu.memory_space<semaphore_mem>> -> memref<1x!tpu.dma_semaphore, #tpu.memory_space<semaphore_mem>>
    %dma_start3A_33 = tpu.memref_squeeze %dma_start3A_32 : memref<1x!tpu.dma_semaphore, #tpu.memory_space<semaphore_mem>> -> memref<!tpu.dma_semaphore, #tpu.memory_space<semaphore_mem>>
    %dma_start3A_34 = arith.constant 0 : i32
    %dma_start3A_35 = tpu.memref_slice %arg3[%dma_start3A_27, %mul3A_2, %dma_start3A_34] : memref<2x8000x40xi32, #tpu.memory_space<hbm>> -> memref<1x125x40xi32, #tpu.memory_space<hbm>>
    %dma_start3A_36 = tpu.memref_squeeze %dma_start3A_35 : memref<1x125x40xi32, #tpu.memory_space<hbm>> -> memref<125x40xi32, #tpu.memory_space<hbm>>
    tpu.enqueue_dma source(%dma_start3A_36 : memref<125x40xi32, #tpu.memory_space<hbm>>) target(%arg10 : memref<125x40xi32, #tpu.memory_space<vmem>>) target_semaphore(%dma_start3A_33 : memref<!tpu.dma_semaphore, #tpu.memory_space<semaphore_mem>>)
    %dma_wait3A = arith.constant 0 : i32
    %dma_wait3A_37 = tpu.memref_slice %arg15[%dma_wait3A] : memref<6x!tpu.dma_semaphore, #tpu.memory_space<semaphore_mem>> -> memref<1x!tpu.dma_semaphore, #tpu.memory_space<semaphore_mem>>
    %dma_wait3A_38 = tpu.memref_squeeze %dma_wait3A_37 : memref<1x!tpu.dma_semaphore, #tpu.memory_space<semaphore_mem>> -> memref<!tpu.dma_semaphore, #tpu.memory_space<semaphore_mem>>
    tpu.wait_dma2 semaphore(%dma_wait3A_38 : memref<!tpu.dma_semaphore, #tpu.memory_space<semaphore_mem>>) src(%arg6 : memref<40x8xf32, #tpu.memory_space<hbm>>) dst(%arg12 : memref<40x8xf32, #tpu.memory_space<vmem>>)
    %dma_wait3A_39 = arith.constant 1 : i32
    %dma_wait3A_40 = tpu.memref_slice %arg15[%dma_wait3A_39] : memref<6x!tpu.dma_semaphore, #tpu.memory_space<semaphore_mem>> -> memref<1x!tpu.dma_semaphore, #tpu.memory_space<semaphore_mem>>
    %dma_wait3A_41 = tpu.memref_squeeze %dma_wait3A_40 : memref<1x!tpu.dma_semaphore, #tpu.memory_space<semaphore_mem>> -> memref<!tpu.dma_semaphore, #tpu.memory_space<semaphore_mem>>
    %dma_wait3A_42 = arith.constant 0 : i32
    %dma_wait3A_43 = tpu.memref_slice %arg13[%mul3A_4, %dma_wait3A_42] : memref<10240x128xf32, #tpu.memory_space<vmem_shared>> -> memref<640x128xf32, #tpu.memory_space<vmem_shared>>
    tpu.wait_dma2 semaphore(%dma_wait3A_41 : memref<!tpu.dma_semaphore, #tpu.memory_space<semaphore_mem>>) src(%arg4 : memref<640x128xf32, #tpu.memory_space<hbm>>) dst(%dma_wait3A_43 : memref<640x128xf32, #tpu.memory_space<vmem_shared>>)
    %dma_wait3A_44 = arith.constant 2 : i32
    %dma_wait3A_45 = tpu.memref_slice %arg15[%dma_wait3A_44] : memref<6x!tpu.dma_semaphore, #tpu.memory_space<semaphore_mem>> -> memref<1x!tpu.dma_semaphore, #tpu.memory_space<semaphore_mem>>
    %dma_wait3A_46 = tpu.memref_squeeze %dma_wait3A_45 : memref<1x!tpu.dma_semaphore, #tpu.memory_space<semaphore_mem>> -> memref<!tpu.dma_semaphore, #tpu.memory_space<semaphore_mem>>
    %dma_wait3A_47 = arith.constant 0 : i32
    %dma_wait3A_48 = tpu.memref_slice %arg14[%mul3A_4, %dma_wait3A_47] : memref<10240x8xf32, #tpu.memory_space<vmem_shared>> -> memref<640x8xf32, #tpu.memory_space<vmem_shared>>
    tpu.wait_dma2 semaphore(%dma_wait3A_46 : memref<!tpu.dma_semaphore, #tpu.memory_space<semaphore_mem>>) src(%arg5 : memref<640x8xf32, #tpu.memory_space<hbm>>) dst(%dma_wait3A_48 : memref<640x8xf32, #tpu.memory_space<vmem_shared>>)
    %dma_wait3A_49 = arith.constant 0 : i32
    %dma_wait3A_50 = arith.constant 3 : i32
    %dma_wait3A_51 = arith.constant 0 : i32
    %dma_wait3A_52 = tpu.memref_slice %arg3[%dma_wait3A_49, %mul3A_2, %dma_wait3A_51] : memref<2x8000x40xi32, #tpu.memory_space<hbm>> -> memref<1x125x40xi32, #tpu.memory_space<hbm>>
    %dma_wait3A_53 = tpu.memref_squeeze %dma_wait3A_52 : memref<1x125x40xi32, #tpu.memory_space<hbm>> -> memref<125x40xi32, #tpu.memory_space<hbm>>
    %dma_wait3A_54 = tpu.memref_slice %arg15[%dma_wait3A_50] : memref<6x!tpu.dma_semaphore, #tpu.memory_space<semaphore_mem>> -> memref<1x!tpu.dma_semaphore, #tpu.memory_space<semaphore_mem>>
    %dma_wait3A_55 = tpu.memref_squeeze %dma_wait3A_54 : memref<1x!tpu.dma_semaphore, #tpu.memory_space<semaphore_mem>> -> memref<!tpu.dma_semaphore, #tpu.memory_space<semaphore_mem>>
    %dma_wait3A_56 = arith.constant 0 : i32
    %dma_wait3A_57 = tpu.memref_slice %arg3[%dma_wait3A_49, %mul3A_2, %dma_wait3A_56] : memref<2x8000x40xi32, #tpu.memory_space<hbm>> -> memref<1x125x40xi32, #tpu.memory_space<hbm>>
    %dma_wait3A_58 = tpu.memref_squeeze %dma_wait3A_57 : memref<1x125x40xi32, #tpu.memory_space<hbm>> -> memref<125x40xi32, #tpu.memory_space<hbm>>
    tpu.wait_dma2 semaphore(%dma_wait3A_55 : memref<!tpu.dma_semaphore, #tpu.memory_space<semaphore_mem>>) src(%dma_wait3A_58 : memref<125x40xi32, #tpu.memory_space<hbm>>) dst(%arg9 : memref<125x40xi32, #tpu.memory_space<vmem>>)
    %dma_wait3A_59 = arith.constant 1 : i32
    %dma_wait3A_60 = arith.constant 4 : i32
    %dma_wait3A_61 = arith.constant 0 : i32
    %dma_wait3A_62 = tpu.memref_slice %arg3[%dma_wait3A_59, %mul3A_2, %dma_wait3A_61] : memref<2x8000x40xi32, #tpu.memory_space<hbm>> -> memref<1x125x40xi32, #tpu.memory_space<hbm>>
    %dma_wait3A_63 = tpu.memref_squeeze %dma_wait3A_62 : memref<1x125x40xi32, #tpu.memory_space<hbm>> -> memref<125x40xi32, #tpu.memory_space<hbm>>
    %dma_wait3A_64 = tpu.memref_slice %arg15[%dma_wait3A_60] : memref<6x!tpu.dma_semaphore, #tpu.memory_space<semaphore_mem>> -> memref<1x!tpu.dma_semaphore, #tpu.memory_space<semaphore_mem>>
    %dma_wait3A_65 = tpu.memref_squeeze %dma_wait3A_64 : memref<1x!tpu.dma_semaphore, #tpu.memory_space<semaphore_mem>> -> memref<!tpu.dma_semaphore, #tpu.memory_space<semaphore_mem>>
    %dma_wait3A_66 = arith.constant 0 : i32
    %dma_wait3A_67 = tpu.memref_slice %arg3[%dma_wait3A_59, %mul3A_2, %dma_wait3A_66] : memref<2x8000x40xi32, #tpu.memory_space<hbm>> -> memref<1x125x40xi32, #tpu.memory_space<hbm>>
    %dma_wait3A_68 = tpu.memref_squeeze %dma_wait3A_67 : memref<1x125x40xi32, #tpu.memory_space<hbm>> -> memref<125x40xi32, #tpu.memory_space<hbm>>
    tpu.wait_dma2 semaphore(%dma_wait3A_65 : memref<!tpu.dma_semaphore, #tpu.memory_space<semaphore_mem>>) src(%dma_wait3A_68 : memref<125x40xi32, #tpu.memory_space<hbm>>) dst(%arg10 : memref<125x40xi32, #tpu.memory_space<vmem>>)
    %barrier3A = arith.constant 0 : index
    tpu.barrier barrier_id(%barrier3A)
    %dma_start3A_69 = arith.constant 0 : i32
    %dma_start3A_70 = arith.constant 0 : i32
    %dma_start3A_71 = arith.constant 0 : i32
    %dma_start3A_72 = arith.constant 0 : i32
    %dma_start3A_73 = arith.constant 0 : i32
    %dma_start3A_74 = tpu.memref_slice %arg11[%dma_start3A_70, %dma_start3A_72, %dma_start3A_73] : memref<6x40x128xf32, #tpu.memory_space<vmem>> -> memref<1x40x128xf32, #tpu.memory_space<vmem>>
    %dma_start3A_75 = tpu.memref_squeeze %dma_start3A_74 : memref<1x40x128xf32, #tpu.memory_space<vmem>> -> memref<40x128xf32, #tpu.memory_space<vmem>>
    %dma_start3A_76 = arith.constant 0 : i32
    %dma_start3A_77 = tpu.memref_slice %arg9[%dma_start3A_69, %dma_start3A_76] : memref<125x40xi32, #tpu.memory_space<vmem>> -> memref<1x40xi32, #tpu.memory_space<vmem>>
    %dma_start3A_78 = tpu.memref_squeeze %dma_start3A_77 : memref<1x40xi32, #tpu.memory_space<vmem>> -> memref<40xi32, #tpu.memory_space<vmem>>
    %dma_start3A_79 = arith.constant 0 : i32
    %dma_start3A_80 = arith.constant 0 : i32
    %dma_start3A_81 = tpu.memref_slice %arg2[%dma_start3A_79, %dma_start3A_80] : memref<10000x128xf32, #tpu.memory_space<hbm>> -> memref<10000x128xf32, #tpu.memory_space<hbm>>
    %dma_start3A_82 = tpu.memref_slice %arg15[%dma_start3A_71] : memref<6x!tpu.dma_semaphore, #tpu.memory_space<semaphore_mem>> -> memref<1x!tpu.dma_semaphore, #tpu.memory_space<semaphore_mem>>
    %dma_start3A_83 = tpu.memref_squeeze %dma_start3A_82 : memref<1x!tpu.dma_semaphore, #tpu.memory_space<semaphore_mem>> -> memref<!tpu.dma_semaphore, #tpu.memory_space<semaphore_mem>>
    tpu.enqueue_indirect_dma source(%dma_start3A_81 : memref<10000x128xf32, #tpu.memory_space<hbm>>) target(%dma_start3A_75 : memref<40x128xf32, #tpu.memory_space<vmem>>) offsets(%dma_start3A_78 : memref<40xi32, #tpu.memory_space<vmem>>) semaphore(%dma_start3A_83 : memref<!tpu.dma_semaphore, #tpu.memory_space<semaphore_mem>>)
    %dma_start3A_84 = arith.constant 1 : i32
    %dma_start3A_85 = arith.constant 1 : i32
    %dma_start3A_86 = arith.constant 1 : i32
    %dma_start3A_87 = arith.constant 0 : i32
    %dma_start3A_88 = arith.constant 0 : i32
    %dma_start3A_89 = tpu.memref_slice %arg11[%dma_start3A_85, %dma_start3A_87, %dma_start3A_88] : memref<6x40x128xf32, #tpu.memory_space<vmem>> -> memref<1x40x128xf32, #tpu.memory_space<vmem>>
    %dma_start3A_90 = tpu.memref_squeeze %dma_start3A_89 : memref<1x40x128xf32, #tpu.memory_space<vmem>> -> memref<40x128xf32, #tpu.memory_space<vmem>>
    %dma_start3A_91 = arith.constant 0 : i32
    %dma_start3A_92 = tpu.memref_slice %arg9[%dma_start3A_84, %dma_start3A_91] : memref<125x40xi32, #tpu.memory_space<vmem>> -> memref<1x40xi32, #tpu.memory_space<vmem>>
    %dma_start3A_93 = tpu.memref_squeeze %dma_start3A_92 : memref<1x40xi32, #tpu.memory_space<vmem>> -> memref<40xi32, #tpu.memory_space<vmem>>
    %dma_start3A_94 = arith.constant 0 : i32
    %dma_start3A_95 = arith.constant 0 : i32
    %dma_start3A_96 = tpu.memref_slice %arg2[%dma_start3A_94, %dma_start3A_95] : memref<10000x128xf32, #tpu.memory_space<hbm>> -> memref<10000x128xf32, #tpu.memory_space<hbm>>
    %dma_start3A_97 = tpu.memref_slice %arg15[%dma_start3A_86] : memref<6x!tpu.dma_semaphore, #tpu.memory_space<semaphore_mem>> -> memref<1x!tpu.dma_semaphore, #tpu.memory_space<semaphore_mem>>
    %dma_start3A_98 = tpu.memref_squeeze %dma_start3A_97 : memref<1x!tpu.dma_semaphore, #tpu.memory_space<semaphore_mem>> -> memref<!tpu.dma_semaphore, #tpu.memory_space<semaphore_mem>>
    tpu.enqueue_indirect_dma source(%dma_start3A_96 : memref<10000x128xf32, #tpu.memory_space<hbm>>) target(%dma_start3A_90 : memref<40x128xf32, #tpu.memory_space<vmem>>) offsets(%dma_start3A_93 : memref<40xi32, #tpu.memory_space<vmem>>) semaphore(%dma_start3A_98 : memref<!tpu.dma_semaphore, #tpu.memory_space<semaphore_mem>>)
    %dma_start3A_99 = arith.constant 2 : i32
    %dma_start3A_100 = arith.constant 2 : i32
    %dma_start3A_101 = arith.constant 2 : i32
    %dma_start3A_102 = arith.constant 0 : i32
    %dma_start3A_103 = arith.constant 0 : i32
    %dma_start3A_104 = tpu.memref_slice %arg11[%dma_start3A_100, %dma_start3A_102, %dma_start3A_103] : memref<6x40x128xf32, #tpu.memory_space<vmem>> -> memref<1x40x128xf32, #tpu.memory_space<vmem>>
    %dma_start3A_105 = tpu.memref_squeeze %dma_start3A_104 : memref<1x40x128xf32, #tpu.memory_space<vmem>> -> memref<40x128xf32, #tpu.memory_space<vmem>>
    %dma_start3A_106 = arith.constant 0 : i32
    %dma_start3A_107 = tpu.memref_slice %arg9[%dma_start3A_99, %dma_start3A_106] : memref<125x40xi32, #tpu.memory_space<vmem>> -> memref<1x40xi32, #tpu.memory_space<vmem>>
    %dma_start3A_108 = tpu.memref_squeeze %dma_start3A_107 : memref<1x40xi32, #tpu.memory_space<vmem>> -> memref<40xi32, #tpu.memory_space<vmem>>
    %dma_start3A_109 = arith.constant 0 : i32
    %dma_start3A_110 = arith.constant 0 : i32
    %dma_start3A_111 = tpu.memref_slice %arg2[%dma_start3A_109, %dma_start3A_110] : memref<10000x128xf32, #tpu.memory_space<hbm>> -> memref<10000x128xf32, #tpu.memory_space<hbm>>
    %dma_start3A_112 = tpu.memref_slice %arg15[%dma_start3A_101] : memref<6x!tpu.dma_semaphore, #tpu.memory_space<semaphore_mem>> -> memref<1x!tpu.dma_semaphore, #tpu.memory_space<semaphore_mem>>
    %dma_start3A_113 = tpu.memref_squeeze %dma_start3A_112 : memref<1x!tpu.dma_semaphore, #tpu.memory_space<semaphore_mem>> -> memref<!tpu.dma_semaphore, #tpu.memory_space<semaphore_mem>>
    tpu.enqueue_indirect_dma source(%dma_start3A_111 : memref<10000x128xf32, #tpu.memory_space<hbm>>) target(%dma_start3A_105 : memref<40x128xf32, #tpu.memory_space<vmem>>) offsets(%dma_start3A_108 : memref<40xi32, #tpu.memory_space<vmem>>) semaphore(%dma_start3A_113 : memref<!tpu.dma_semaphore, #tpu.memory_space<semaphore_mem>>)
    %dma_start3A_114 = arith.constant 3 : i32
    %dma_start3A_115 = arith.constant 3 : i32
    %dma_start3A_116 = arith.constant 3 : i32
    %dma_start3A_117 = arith.constant 0 : i32
    %dma_start3A_118 = arith.constant 0 : i32
    %dma_start3A_119 = tpu.memref_slice %arg11[%dma_start3A_115, %dma_start3A_117, %dma_start3A_118] : memref<6x40x128xf32, #tpu.memory_space<vmem>> -> memref<1x40x128xf32, #tpu.memory_space<vmem>>
    %dma_start3A_120 = tpu.memref_squeeze %dma_start3A_119 : memref<1x40x128xf32, #tpu.memory_space<vmem>> -> memref<40x128xf32, #tpu.memory_space<vmem>>
    %dma_start3A_121 = arith.constant 0 : i32
    %dma_start3A_122 = tpu.memref_slice %arg9[%dma_start3A_114, %dma_start3A_121] : memref<125x40xi32, #tpu.memory_space<vmem>> -> memref<1x40xi32, #tpu.memory_space<vmem>>
    %dma_start3A_123 = tpu.memref_squeeze %dma_start3A_122 : memref<1x40xi32, #tpu.memory_space<vmem>> -> memref<40xi32, #tpu.memory_space<vmem>>
    %dma_start3A_124 = arith.constant 0 : i32
    %dma_start3A_125 = arith.constant 0 : i32
    %dma_start3A_126 = tpu.memref_slice %arg2[%dma_start3A_124, %dma_start3A_125] : memref<10000x128xf32, #tpu.memory_space<hbm>> -> memref<10000x128xf32, #tpu.memory_space<hbm>>
    %dma_start3A_127 = tpu.memref_slice %arg15[%dma_start3A_116] : memref<6x!tpu.dma_semaphore, #tpu.memory_space<semaphore_mem>> -> memref<1x!tpu.dma_semaphore, #tpu.memory_space<semaphore_mem>>
    %dma_start3A_128 = tpu.memref_squeeze %dma_start3A_127 : memref<1x!tpu.dma_semaphore, #tpu.memory_space<semaphore_mem>> -> memref<!tpu.dma_semaphore, #tpu.memory_space<semaphore_mem>>
    tpu.enqueue_indirect_dma source(%dma_start3A_126 : memref<10000x128xf32, #tpu.memory_space<hbm>>) target(%dma_start3A_120 : memref<40x128xf32, #tpu.memory_space<vmem>>) offsets(%dma_start3A_123 : memref<40xi32, #tpu.memory_space<vmem>>) semaphore(%dma_start3A_128 : memref<!tpu.dma_semaphore, #tpu.memory_space<semaphore_mem>>)
    %dma_start3A_129 = arith.constant 4 : i32
    %dma_start3A_130 = arith.constant 4 : i32
    %dma_start3A_131 = arith.constant 4 : i32
    %dma_start3A_132 = arith.constant 0 : i32
    %dma_start3A_133 = arith.constant 0 : i32
    %dma_start3A_134 = tpu.memref_slice %arg11[%dma_start3A_130, %dma_start3A_132, %dma_start3A_133] : memref<6x40x128xf32, #tpu.memory_space<vmem>> -> memref<1x40x128xf32, #tpu.memory_space<vmem>>
    %dma_start3A_135 = tpu.memref_squeeze %dma_start3A_134 : memref<1x40x128xf32, #tpu.memory_space<vmem>> -> memref<40x128xf32, #tpu.memory_space<vmem>>
    %dma_start3A_136 = arith.constant 0 : i32
    %dma_start3A_137 = tpu.memref_slice %arg9[%dma_start3A_129, %dma_start3A_136] : memref<125x40xi32, #tpu.memory_space<vmem>> -> memref<1x40xi32, #tpu.memory_space<vmem>>
    %dma_start3A_138 = tpu.memref_squeeze %dma_start3A_137 : memref<1x40xi32, #tpu.memory_space<vmem>> -> memref<40xi32, #tpu.memory_space<vmem>>
    %dma_start3A_139 = arith.constant 0 : i32
    %dma_start3A_140 = arith.constant 0 : i32
    %dma_start3A_141 = tpu.memref_slice %arg2[%dma_start3A_139, %dma_start3A_140] : memref<10000x128xf32, #tpu.memory_space<hbm>> -> memref<10000x128xf32, #tpu.memory_space<hbm>>
    %dma_start3A_142 = tpu.memref_slice %arg15[%dma_start3A_131] : memref<6x!tpu.dma_semaphore, #tpu.memory_space<semaphore_mem>> -> memref<1x!tpu.dma_semaphore, #tpu.memory_space<semaphore_mem>>
    %dma_start3A_143 = tpu.memref_squeeze %dma_start3A_142 : memref<1x!tpu.dma_semaphore, #tpu.memory_space<semaphore_mem>> -> memref<!tpu.dma_semaphore, #tpu.memory_space<semaphore_mem>>
    tpu.enqueue_indirect_dma source(%dma_start3A_141 : memref<10000x128xf32, #tpu.memory_space<hbm>>) target(%dma_start3A_135 : memref<40x128xf32, #tpu.memory_space<vmem>>) offsets(%dma_start3A_138 : memref<40xi32, #tpu.memory_space<vmem>>) semaphore(%dma_start3A_143 : memref<!tpu.dma_semaphore, #tpu.memory_space<semaphore_mem>>)
    %dma_wait3A_144 = arith.constant 0 : i32
    %dma_wait3A_145 = arith.constant 0 : i32
    %dma_wait3A_146 = arith.constant 0 : i32
    %dma_wait3A_147 = arith.constant 0 : i32
    %dma_wait3A_148 = arith.constant 0 : i32
    %dma_wait3A_149 = tpu.memref_slice %arg11[%dma_wait3A_145, %dma_wait3A_147, %dma_wait3A_148] : memref<6x40x128xf32, #tpu.memory_space<vmem>> -> memref<1x40x128xf32, #tpu.memory_space<vmem>>
    %dma_wait3A_150 = tpu.memref_squeeze %dma_wait3A_149 : memref<1x40x128xf32, #tpu.memory_space<vmem>> -> memref<40x128xf32, #tpu.memory_space<vmem>>
    %dma_wait3A_151 = arith.constant 0 : i32
    %dma_wait3A_152 = tpu.memref_slice %arg9[%dma_wait3A_144, %dma_wait3A_151] : memref<125x40xi32, #tpu.memory_space<vmem>> -> memref<1x40xi32, #tpu.memory_space<vmem>>
    %dma_wait3A_153 = tpu.memref_squeeze %dma_wait3A_152 : memref<1x40xi32, #tpu.memory_space<vmem>> -> memref<40xi32, #tpu.memory_space<vmem>>
    %dma_wait3A_154 = arith.constant 0 : i32
    %dma_wait3A_155 = arith.constant 0 : i32
    %dma_wait3A_156 = tpu.memref_slice %arg2[%dma_wait3A_154, %dma_wait3A_155] : memref<10000x128xf32, #tpu.memory_space<hbm>> -> memref<10000x128xf32, #tpu.memory_space<hbm>>
    %dma_wait3A_157 = tpu.memref_slice %arg15[%dma_wait3A_146] : memref<6x!tpu.dma_semaphore, #tpu.memory_space<semaphore_mem>> -> memref<1x!tpu.dma_semaphore, #tpu.memory_space<semaphore_mem>>
    %dma_wait3A_158 = tpu.memref_squeeze %dma_wait3A_157 : memref<1x!tpu.dma_semaphore, #tpu.memory_space<semaphore_mem>> -> memref<!tpu.dma_semaphore, #tpu.memory_space<semaphore_mem>>
    tpu.wait_indirect_dma semaphore(%dma_wait3A_158 : memref<!tpu.dma_semaphore, #tpu.memory_space<semaphore_mem>>) src(%dma_wait3A_156 : memref<10000x128xf32, #tpu.memory_space<hbm>>) dst(%dma_wait3A_150 : memref<40x128xf32, #tpu.memory_space<vmem>>)
    %dma_start3A_159 = arith.constant 0 : i32
    %dma_start3A_160 = arith.constant 0 : i32
    %dma_start3A_161 = arith.constant 0 : i32
    %dma_start3A_162 = arith.constant 0 : i32
    %dma_start3A_163 = arith.constant 0 : i32
    %dma_start3A_164 = tpu.memref_slice %arg11[%dma_start3A_159, %dma_start3A_162, %dma_start3A_163] : memref<6x40x128xf32, #tpu.memory_space<vmem>> -> memref<1x40x128xf32, #tpu.memory_space<vmem>>
    %dma_start3A_165 = tpu.memref_squeeze %dma_start3A_164 : memref<1x40x128xf32, #tpu.memory_space<vmem>> -> memref<40x128xf32, #tpu.memory_space<vmem>>
    %dma_start3A_166 = arith.constant 0 : i32
    %dma_start3A_167 = tpu.memref_slice %arg10[%dma_start3A_160, %dma_start3A_166] : memref<125x40xi32, #tpu.memory_space<vmem>> -> memref<1x40xi32, #tpu.memory_space<vmem>>
    %dma_start3A_168 = tpu.memref_squeeze %dma_start3A_167 : memref<1x40xi32, #tpu.memory_space<vmem>> -> memref<40xi32, #tpu.memory_space<vmem>>
    %dma_start3A_169 = arith.constant 0 : i32
    %dma_start3A_170 = arith.constant 0 : i32
    %dma_start3A_171 = tpu.memref_slice %arg13[%dma_start3A_169, %dma_start3A_170] : memref<10240x128xf32, #tpu.memory_space<vmem_shared>> -> memref<10240x128xf32, #tpu.memory_space<vmem_shared>>
    %dma_start3A_172 = tpu.memref_slice %arg16[%dma_start3A_161] : memref<6x!tpu.dma_semaphore, #tpu.memory_space<semaphore_mem>> -> memref<1x!tpu.dma_semaphore, #tpu.memory_space<semaphore_mem>>
    %dma_start3A_173 = tpu.memref_squeeze %dma_start3A_172 : memref<1x!tpu.dma_semaphore, #tpu.memory_space<semaphore_mem>> -> memref<!tpu.dma_semaphore, #tpu.memory_space<semaphore_mem>>
    tpu.enqueue_indirect_dma source(%dma_start3A_165 : memref<40x128xf32, #tpu.memory_space<vmem>>) target(%dma_start3A_171 : memref<10240x128xf32, #tpu.memory_space<vmem_shared>>) offsets(%dma_start3A_168 : memref<40xi32, #tpu.memory_space<vmem>>) semaphore(%dma_start3A_173 : memref<!tpu.dma_semaphore, #tpu.memory_space<semaphore_mem>>) {add = true}
    %dma_start3A_174 = arith.constant 0 : i32
    %dma_start3A_175 = arith.constant 0 : i32
    %dma_start3A_176 = arith.constant 0 : i32
    %dma_start3A_177 = tpu.memref_slice %arg10[%dma_start3A_174, %dma_start3A_176] : memref<125x40xi32, #tpu.memory_space<vmem>> -> memref<1x40xi32, #tpu.memory_space<vmem>>
    %dma_start3A_178 = tpu.memref_squeeze %dma_start3A_177 : memref<1x40xi32, #tpu.memory_space<vmem>> -> memref<40xi32, #tpu.memory_space<vmem>>
    %dma_start3A_179 = arith.constant 0 : i32
    %dma_start3A_180 = arith.constant 0 : i32
    %dma_start3A_181 = tpu.memref_slice %arg14[%dma_start3A_179, %dma_start3A_180] : memref<10240x8xf32, #tpu.memory_space<vmem_shared>> -> memref<10240x8xf32, #tpu.memory_space<vmem_shared>>
    %dma_start3A_182 = tpu.memref_slice %arg17[%dma_start3A_175] : memref<6x!tpu.dma_semaphore, #tpu.memory_space<semaphore_mem>> -> memref<1x!tpu.dma_semaphore, #tpu.memory_space<semaphore_mem>>
    %dma_start3A_183 = tpu.memref_squeeze %dma_start3A_182 : memref<1x!tpu.dma_semaphore, #tpu.memory_space<semaphore_mem>> -> memref<!tpu.dma_semaphore, #tpu.memory_space<semaphore_mem>>
    tpu.enqueue_indirect_dma source(%arg12 : memref<40x8xf32, #tpu.memory_space<vmem>>) target(%dma_start3A_181 : memref<10240x8xf32, #tpu.memory_space<vmem_shared>>) offsets(%dma_start3A_178 : memref<40xi32, #tpu.memory_space<vmem>>) semaphore(%dma_start3A_183 : memref<!tpu.dma_semaphore, #tpu.memory_space<semaphore_mem>>) {add = true}
    %dma_start3A_184 = arith.constant 5 : i32
    %dma_start3A_185 = arith.constant 5 : i32
    %dma_start3A_186 = arith.constant 5 : i32
    %dma_start3A_187 = arith.constant 0 : i32
    %dma_start3A_188 = arith.constant 0 : i32
    %dma_start3A_189 = tpu.memref_slice %arg11[%dma_start3A_185, %dma_start3A_187, %dma_start3A_188] : memref<6x40x128xf32, #tpu.memory_space<vmem>> -> memref<1x40x128xf32, #tpu.memory_space<vmem>>
    %dma_start3A_190 = tpu.memref_squeeze %dma_start3A_189 : memref<1x40x128xf32, #tpu.memory_space<vmem>> -> memref<40x128xf32, #tpu.memory_space<vmem>>
    %dma_start3A_191 = arith.constant 0 : i32
    %dma_start3A_192 = tpu.memref_slice %arg9[%dma_start3A_184, %dma_start3A_191] : memref<125x40xi32, #tpu.memory_space<vmem>> -> memref<1x40xi32, #tpu.memory_space<vmem>>
    %dma_start3A_193 = tpu.memref_squeeze %dma_start3A_192 : memref<1x40xi32, #tpu.memory_space<vmem>> -> memref<40xi32, #tpu.memory_space<vmem>>
    %dma_start3A_194 = arith.constant 0 : i32
    %dma_start3A_195 = arith.constant 0 : i32
    %dma_start3A_196 = tpu.memref_slice %arg2[%dma_start3A_194, %dma_start3A_195] : memref<10000x128xf32, #tpu.memory_space<hbm>> -> memref<10000x128xf32, #tpu.memory_space<hbm>>
    %dma_start3A_197 = tpu.memref_slice %arg15[%dma_start3A_186] : memref<6x!tpu.dma_semaphore, #tpu.memory_space<semaphore_mem>> -> memref<1x!tpu.dma_semaphore, #tpu.memory_space<semaphore_mem>>
    %dma_start3A_198 = tpu.memref_squeeze %dma_start3A_197 : memref<1x!tpu.dma_semaphore, #tpu.memory_space<semaphore_mem>> -> memref<!tpu.dma_semaphore, #tpu.memory_space<semaphore_mem>>
    tpu.enqueue_indirect_dma source(%dma_start3A_196 : memref<10000x128xf32, #tpu.memory_space<hbm>>) target(%dma_start3A_190 : memref<40x128xf32, #tpu.memory_space<vmem>>) offsets(%dma_start3A_193 : memref<40xi32, #tpu.memory_space<vmem>>) semaphore(%dma_start3A_198 : memref<!tpu.dma_semaphore, #tpu.memory_space<semaphore_mem>>)
    %dma_wait3A_199 = arith.constant 1 : i32
    %dma_wait3A_200 = arith.constant 1 : i32
    %dma_wait3A_201 = arith.constant 1 : i32
    %dma_wait3A_202 = arith.constant 0 : i32
    %dma_wait3A_203 = arith.constant 0 : i32
    %dma_wait3A_204 = tpu.memref_slice %arg11[%dma_wait3A_200, %dma_wait3A_202, %dma_wait3A_203] : memref<6x40x128xf32, #tpu.memory_space<vmem>> -> memref<1x40x128xf32, #tpu.memory_space<vmem>>
    %dma_wait3A_205 = tpu.memref_squeeze %dma_wait3A_204 : memref<1x40x128xf32, #tpu.memory_space<vmem>> -> memref<40x128xf32, #tpu.memory_space<vmem>>
    %dma_wait3A_206 = arith.constant 0 : i32
    %dma_wait3A_207 = tpu.memref_slice %arg9[%dma_wait3A_199, %dma_wait3A_206] : memref<125x40xi32, #tpu.memory_space<vmem>> -> memref<1x40xi32, #tpu.memory_space<vmem>>
    %dma_wait3A_208 = tpu.memref_squeeze %dma_wait3A_207 : memref<1x40xi32, #tpu.memory_space<vmem>> -> memref<40xi32, #tpu.memory_space<vmem>>
    %dma_wait3A_209 = arith.constant 0 : i32
    %dma_wait3A_210 = arith.constant 0 : i32
    %dma_wait3A_211 = tpu.memref_slice %arg2[%dma_wait3A_209, %dma_wait3A_210] : memref<10000x128xf32, #tpu.memory_space<hbm>> -> memref<10000x128xf32, #tpu.memory_space<hbm>>
    %dma_wait3A_212 = tpu.memref_slice %arg15[%dma_wait3A_201] : memref<6x!tpu.dma_semaphore, #tpu.memory_space<semaphore_mem>> -> memref<1x!tpu.dma_semaphore, #tpu.memory_space<semaphore_mem>>
    %dma_wait3A_213 = tpu.memref_squeeze %dma_wait3A_212 : memref<1x!tpu.dma_semaphore, #tpu.memory_space<semaphore_mem>> -> memref<!tpu.dma_semaphore, #tpu.memory_space<semaphore_mem>>
    tpu.wait_indirect_dma semaphore(%dma_wait3A_213 : memref<!tpu.dma_semaphore, #tpu.memory_space<semaphore_mem>>) src(%dma_wait3A_211 : memref<10000x128xf32, #tpu.memory_space<hbm>>) dst(%dma_wait3A_205 : memref<40x128xf32, #tpu.memory_space<vmem>>)
    %dma_start3A_214 = arith.constant 1 : i32
    %dma_start3A_215 = arith.constant 1 : i32
    %dma_start3A_216 = arith.constant 1 : i32
    %dma_start3A_217 = arith.constant 0 : i32
    %dma_start3A_218 = arith.constant 0 : i32
    %dma_start3A_219 = tpu.memref_slice %arg11[%dma_start3A_214, %dma_start3A_217, %dma_start3A_218] : memref<6x40x128xf32, #tpu.memory_space<vmem>> -> memref<1x40x128xf32, #tpu.memory_space<vmem>>
    %dma_start3A_220 = tpu.memref_squeeze %dma_start3A_219 : memref<1x40x128xf32, #tpu.memory_space<vmem>> -> memref<40x128xf32, #tpu.memory_space<vmem>>
    %dma_start3A_221 = arith.constant 0 : i32
    %dma_start3A_222 = tpu.memref_slice %arg10[%dma_start3A_215, %dma_start3A_221] : memref<125x40xi32, #tpu.memory_space<vmem>> -> memref<1x40xi32, #tpu.memory_space<vmem>>
    %dma_start3A_223 = tpu.memref_squeeze %dma_start3A_222 : memref<1x40xi32, #tpu.memory_space<vmem>> -> memref<40xi32, #tpu.memory_space<vmem>>
    %dma_start3A_224 = arith.constant 0 : i32
    %dma_start3A_225 = arith.constant 0 : i32
    %dma_start3A_226 = tpu.memref_slice %arg13[%dma_start3A_224, %dma_start3A_225] : memref<10240x128xf32, #tpu.memory_space<vmem_shared>> -> memref<10240x128xf32, #tpu.memory_space<vmem_shared>>
    %dma_start3A_227 = tpu.memref_slice %arg16[%dma_start3A_216] : memref<6x!tpu.dma_semaphore, #tpu.memory_space<semaphore_mem>> -> memref<1x!tpu.dma_semaphore, #tpu.memory_space<semaphore_mem>>
    %dma_start3A_228 = tpu.memref_squeeze %dma_start3A_227 : memref<1x!tpu.dma_semaphore, #tpu.memory_space<semaphore_mem>> -> memref<!tpu.dma_semaphore, #tpu.memory_space<semaphore_mem>>
    tpu.enqueue_indirect_dma source(%dma_start3A_220 : memref<40x128xf32, #tpu.memory_space<vmem>>) target(%dma_start3A_226 : memref<10240x128xf32, #tpu.memory_space<vmem_shared>>) offsets(%dma_start3A_223 : memref<40xi32, #tpu.memory_space<vmem>>) semaphore(%dma_start3A_228 : memref<!tpu.dma_semaphore, #tpu.memory_space<semaphore_mem>>) {add = true}
    %dma_start3A_229 = arith.constant 1 : i32
    %dma_start3A_230 = arith.constant 1 : i32
    %dma_start3A_231 = arith.constant 0 : i32
    %dma_start3A_232 = tpu.memref_slice %arg10[%dma_start3A_229, %dma_start3A_231] : memref<125x40xi32, #tpu.memory_space<vmem>> -> memref<1x40xi32, #tpu.memory_space<vmem>>
    %dma_start3A_233 = tpu.memref_squeeze %dma_start3A_232 : memref<1x40xi32, #tpu.memory_space<vmem>> -> memref<40xi32, #tpu.memory_space<vmem>>
    %dma_start3A_234 = arith.constant 0 : i32
    %dma_start3A_235 = arith.constant 0 : i32
    %dma_start3A_236 = tpu.memref_slice %arg14[%dma_start3A_234, %dma_start3A_235] : memref<10240x8xf32, #tpu.memory_space<vmem_shared>> -> memref<10240x8xf32, #tpu.memory_space<vmem_shared>>
    %dma_start3A_237 = tpu.memref_slice %arg17[%dma_start3A_230] : memref<6x!tpu.dma_semaphore, #tpu.memory_space<semaphore_mem>> -> memref<1x!tpu.dma_semaphore, #tpu.memory_space<semaphore_mem>>
    %dma_start3A_238 = tpu.memref_squeeze %dma_start3A_237 : memref<1x!tpu.dma_semaphore, #tpu.memory_space<semaphore_mem>> -> memref<!tpu.dma_semaphore, #tpu.memory_space<semaphore_mem>>
    tpu.enqueue_indirect_dma source(%arg12 : memref<40x8xf32, #tpu.memory_space<vmem>>) target(%dma_start3A_236 : memref<10240x8xf32, #tpu.memory_space<vmem_shared>>) offsets(%dma_start3A_233 : memref<40xi32, #tpu.memory_space<vmem>>) semaphore(%dma_start3A_238 : memref<!tpu.dma_semaphore, #tpu.memory_space<semaphore_mem>>) {add = true}
    %scan3A = arith.constant 0 : i32
    %scan3A_239 = arith.constant 0 : i32
    %scan3A_240 = arith.constant 19 : i32
    %scan3A_241 = arith.addi %scan3A_239, %scan3A_240 : i32
    %scan3A_242 = arith.constant 1 : i32
    %scan3A_243 = scf.for %scan3A_1848 = %scan3A_239 to %scan3A_241 step %scan3A_242 iter_args(%scan3A_1849 = %scan3A) -> (i32)  : i32 {
      %mul3A_1850 = arith.constant 6 : i32
      %mul3A_1851 = arith.muli %scan3A_1848, %mul3A_1850 : i32
      %add3A_1852 = arith.constant 6 : i32
      %add3A_1853 = arith.addi %add3A_1852, %mul3A_1851 : i32
      %add3A_1854 = arith.constant 0 : i32
      %add3A_1855 = arith.addi %add3A_1853, %add3A_1854 : i32
      %sub3A = arith.constant 6 : i32
      %sub3A_1856 = arith.subi %add3A_1855, %sub3A : i32
      %dma_wait3A_1857 = arith.constant 0 : i32
      %dma_wait3A_1858 = arith.constant 0 : i32
      %dma_wait3A_1859 = arith.constant 0 : i32
      %dma_wait3A_1860 = arith.constant 0 : i32
      %dma_wait3A_1861 = tpu.memref_slice %arg11[%dma_wait3A_1857, %dma_wait3A_1859, %dma_wait3A_1860] : memref<6x40x128xf32, #tpu.memory_space<vmem>> -> memref<1x40x128xf32, #tpu.memory_space<vmem>>
      %dma_wait3A_1862 = tpu.memref_squeeze %dma_wait3A_1861 : memref<1x40x128xf32, #tpu.memory_space<vmem>> -> memref<40x128xf32, #tpu.memory_space<vmem>>
      %dma_wait3A_1863 = arith.constant 0 : i32
      %dma_wait3A_1864 = tpu.memref_slice %arg10[%sub3A_1856, %dma_wait3A_1863] : memref<125x40xi32, #tpu.memory_space<vmem>> -> memref<1x40xi32, #tpu.memory_space<vmem>>
      %dma_wait3A_1865 = tpu.memref_squeeze %dma_wait3A_1864 : memref<1x40xi32, #tpu.memory_space<vmem>> -> memref<40xi32, #tpu.memory_space<vmem>>
      %dma_wait3A_1866 = arith.constant 0 : i32
      %dma_wait3A_1867 = arith.constant 0 : i32
      %dma_wait3A_1868 = tpu.memref_slice %arg13[%dma_wait3A_1866, %dma_wait3A_1867] : memref<10240x128xf32, #tpu.memory_space<vmem_shared>> -> memref<10240x128xf32, #tpu.memory_space<vmem_shared>>
      %dma_wait3A_1869 = tpu.memref_slice %arg16[%dma_wait3A_1858] : memref<6x!tpu.dma_semaphore, #tpu.memory_space<semaphore_mem>> -> memref<1x!tpu.dma_semaphore, #tpu.memory_space<semaphore_mem>>
      %dma_wait3A_1870 = tpu.memref_squeeze %dma_wait3A_1869 : memref<1x!tpu.dma_semaphore, #tpu.memory_space<semaphore_mem>> -> memref<!tpu.dma_semaphore, #tpu.memory_space<semaphore_mem>>
      tpu.wait_indirect_dma semaphore(%dma_wait3A_1870 : memref<!tpu.dma_semaphore, #tpu.memory_space<semaphore_mem>>) src(%dma_wait3A_1862 : memref<40x128xf32, #tpu.memory_space<vmem>>) dst(%dma_wait3A_1868 : memref<10240x128xf32, #tpu.memory_space<vmem_shared>>)
      %dma_wait3A_1871 = arith.constant 0 : i32
      %dma_wait3A_1872 = arith.constant 0 : i32
      %dma_wait3A_1873 = tpu.memref_slice %arg10[%sub3A_1856, %dma_wait3A_1872] : memref<125x40xi32, #tpu.memory_space<vmem>> -> memref<1x40xi32, #tpu.memory_space<vmem>>
      %dma_wait3A_1874 = tpu.memref_squeeze %dma_wait3A_1873 : memref<1x40xi32, #tpu.memory_space<vmem>> -> memref<40xi32, #tpu.memory_space<vmem>>
      %dma_wait3A_1875 = arith.constant 0 : i32
      %dma_wait3A_1876 = arith.constant 0 : i32
      %dma_wait3A_1877 = tpu.memref_slice %arg14[%dma_wait3A_1875, %dma_wait3A_1876] : memref<10240x8xf32, #tpu.memory_space<vmem_shared>> -> memref<10240x8xf32, #tpu.memory_space<vmem_shared>>
      %dma_wait3A_1878 = tpu.memref_slice %arg17[%dma_wait3A_1871] : memref<6x!tpu.dma_semaphore, #tpu.memory_space<semaphore_mem>> -> memref<1x!tpu.dma_semaphore, #tpu.memory_space<semaphore_mem>>
      %dma_wait3A_1879 = tpu.memref_squeeze %dma_wait3A_1878 : memref<1x!tpu.dma_semaphore, #tpu.memory_space<semaphore_mem>> -> memref<!tpu.dma_semaphore, #tpu.memory_space<semaphore_mem>>
      tpu.wait_indirect_dma semaphore(%dma_wait3A_1879 : memref<!tpu.dma_semaphore, #tpu.memory_space<semaphore_mem>>) src(%arg12 : memref<40x8xf32, #tpu.memory_space<vmem>>) dst(%dma_wait3A_1877 : memref<10240x8xf32, #tpu.memory_space<vmem_shared>>)
      %dma_start3A_1880 = arith.constant 0 : i32
      %dma_start3A_1881 = arith.constant 0 : i32
      %dma_start3A_1882 = arith.constant 0 : i32
      %dma_start3A_1883 = arith.constant 0 : i32
      %dma_start3A_1884 = tpu.memref_slice %arg11[%dma_start3A_1880, %dma_start3A_1882, %dma_start3A_1883] : memref<6x40x128xf32, #tpu.memory_space<vmem>> -> memref<1x40x128xf32, #tpu.memory_space<vmem>>
      %dma_start3A_1885 = tpu.memref_squeeze %dma_start3A_1884 : memref<1x40x128xf32, #tpu.memory_space<vmem>> -> memref<40x128xf32, #tpu.memory_space<vmem>>
      %dma_start3A_1886 = arith.constant 0 : i32
      %dma_start3A_1887 = tpu.memref_slice %arg9[%add3A_1855, %dma_start3A_1886] : memref<125x40xi32, #tpu.memory_space<vmem>> -> memref<1x40xi32, #tpu.memory_space<vmem>>
      %dma_start3A_1888 = tpu.memref_squeeze %dma_start3A_1887 : memref<1x40xi32, #tpu.memory_space<vmem>> -> memref<40xi32, #tpu.memory_space<vmem>>
      %dma_start3A_1889 = arith.constant 0 : i32
      %dma_start3A_1890 = arith.constant 0 : i32
      %dma_start3A_1891 = tpu.memref_slice %arg2[%dma_start3A_1889, %dma_start3A_1890] : memref<10000x128xf32, #tpu.memory_space<hbm>> -> memref<10000x128xf32, #tpu.memory_space<hbm>>
      %dma_start3A_1892 = tpu.memref_slice %arg15[%dma_start3A_1881] : memref<6x!tpu.dma_semaphore, #tpu.memory_space<semaphore_mem>> -> memref<1x!tpu.dma_semaphore, #tpu.memory_space<semaphore_mem>>
      %dma_start3A_1893 = tpu.memref_squeeze %dma_start3A_1892 : memref<1x!tpu.dma_semaphore, #tpu.memory_space<semaphore_mem>> -> memref<!tpu.dma_semaphore, #tpu.memory_space<semaphore_mem>>
      tpu.enqueue_indirect_dma source(%dma_start3A_1891 : memref<10000x128xf32, #tpu.memory_space<hbm>>) target(%dma_start3A_1885 : memref<40x128xf32, #tpu.memory_space<vmem>>) offsets(%dma_start3A_1888 : memref<40xi32, #tpu.memory_space<vmem>>) semaphore(%dma_start3A_1893 : memref<!tpu.dma_semaphore, #tpu.memory_space<semaphore_mem>>)
      %sub3A_1894 = arith.constant 4 : i32
      %sub3A_1895 = arith.subi %add3A_1855, %sub3A_1894 : i32
      %dma_wait3A_1896 = arith.constant 2 : i32
      %dma_wait3A_1897 = arith.constant 2 : i32
      %dma_wait3A_1898 = arith.constant 0 : i32
      %dma_wait3A_1899 = arith.constant 0 : i32
      %dma_wait3A_1900 = tpu.memref_slice %arg11[%dma_wait3A_1896, %dma_wait3A_1898, %dma_wait3A_1899] : memref<6x40x128xf32, #tpu.memory_space<vmem>> -> memref<1x40x128xf32, #tpu.memory_space<vmem>>
      %dma_wait3A_1901 = tpu.memref_squeeze %dma_wait3A_1900 : memref<1x40x128xf32, #tpu.memory_space<vmem>> -> memref<40x128xf32, #tpu.memory_space<vmem>>
      %dma_wait3A_1902 = arith.constant 0 : i32
      %dma_wait3A_1903 = tpu.memref_slice %arg9[%sub3A_1895, %dma_wait3A_1902] : memref<125x40xi32, #tpu.memory_space<vmem>> -> memref<1x40xi32, #tpu.memory_space<vmem>>
      %dma_wait3A_1904 = tpu.memref_squeeze %dma_wait3A_1903 : memref<1x40xi32, #tpu.memory_space<vmem>> -> memref<40xi32, #tpu.memory_space<vmem>>
      %dma_wait3A_1905 = arith.constant 0 : i32
      %dma_wait3A_1906 = arith.constant 0 : i32
      %dma_wait3A_1907 = tpu.memref_slice %arg2[%dma_wait3A_1905, %dma_wait3A_1906] : memref<10000x128xf32, #tpu.memory_space<hbm>> -> memref<10000x128xf32, #tpu.memory_space<hbm>>
      %dma_wait3A_1908 = tpu.memref_slice %arg15[%dma_wait3A_1897] : memref<6x!tpu.dma_semaphore, #tpu.memory_space<semaphore_mem>> -> memref<1x!tpu.dma_semaphore, #tpu.memory_space<semaphore_mem>>
      %dma_wait3A_1909 = tpu.memref_squeeze %dma_wait3A_1908 : memref<1x!tpu.dma_semaphore, #tpu.memory_space<semaphore_mem>> -> memref<!tpu.dma_semaphore, #tpu.memory_space<semaphore_mem>>
      tpu.wait_indirect_dma semaphore(%dma_wait3A_1909 : memref<!tpu.dma_semaphore, #tpu.memory_space<semaphore_mem>>) src(%dma_wait3A_1907 : memref<10000x128xf32, #tpu.memory_space<hbm>>) dst(%dma_wait3A_1901 : memref<40x128xf32, #tpu.memory_space<vmem>>)
      %sub3A_1910 = arith.constant 4 : i32
      %sub3A_1911 = arith.subi %add3A_1855, %sub3A_1910 : i32
      %dma_start3A_1912 = arith.constant 2 : i32
      %dma_start3A_1913 = arith.constant 2 : i32
      %dma_start3A_1914 = arith.constant 0 : i32
      %dma_start3A_1915 = arith.constant 0 : i32
      %dma_start3A_1916 = tpu.memref_slice %arg11[%dma_start3A_1912, %dma_start3A_1914, %dma_start3A_1915] : memref<6x40x128xf32, #tpu.memory_space<vmem>> -> memref<1x40x128xf32, #tpu.memory_space<vmem>>
      %dma_start3A_1917 = tpu.memref_squeeze %dma_start3A_1916 : memref<1x40x128xf32, #tpu.memory_space<vmem>> -> memref<40x128xf32, #tpu.memory_space<vmem>>
      %dma_start3A_1918 = arith.constant 0 : i32
      %dma_start3A_1919 = tpu.memref_slice %arg10[%sub3A_1911, %dma_start3A_1918] : memref<125x40xi32, #tpu.memory_space<vmem>> -> memref<1x40xi32, #tpu.memory_space<vmem>>
      %dma_start3A_1920 = tpu.memref_squeeze %dma_start3A_1919 : memref<1x40xi32, #tpu.memory_space<vmem>> -> memref<40xi32, #tpu.memory_space<vmem>>
      %dma_start3A_1921 = arith.constant 0 : i32
      %dma_start3A_1922 = arith.constant 0 : i32
      %dma_start3A_1923 = tpu.memref_slice %arg13[%dma_start3A_1921, %dma_start3A_1922] : memref<10240x128xf32, #tpu.memory_space<vmem_shared>> -> memref<10240x128xf32, #tpu.memory_space<vmem_shared>>
      %dma_start3A_1924 = tpu.memref_slice %arg16[%dma_start3A_1913] : memref<6x!tpu.dma_semaphore, #tpu.memory_space<semaphore_mem>> -> memref<1x!tpu.dma_semaphore, #tpu.memory_space<semaphore_mem>>
      %dma_start3A_1925 = tpu.memref_squeeze %dma_start3A_1924 : memref<1x!tpu.dma_semaphore, #tpu.memory_space<semaphore_mem>> -> memref<!tpu.dma_semaphore, #tpu.memory_space<semaphore_mem>>
      tpu.enqueue_indirect_dma source(%dma_start3A_1917 : memref<40x128xf32, #tpu.memory_space<vmem>>) target(%dma_start3A_1923 : memref<10240x128xf32, #tpu.memory_space<vmem_shared>>) offsets(%dma_start3A_1920 : memref<40xi32, #tpu.memory_space<vmem>>) semaphore(%dma_start3A_1925 : memref<!tpu.dma_semaphore, #tpu.memory_space<semaphore_mem>>) {add = true}
      %dma_start3A_1926 = arith.constant 2 : i32
      %dma_start3A_1927 = arith.constant 0 : i32
      %dma_start3A_1928 = tpu.memref_slice %arg10[%sub3A_1911, %dma_start3A_1927] : memref<125x40xi32, #tpu.memory_space<vmem>> -> memref<1x40xi32, #tpu.memory_space<vmem>>
      %dma_start3A_1929 = tpu.memref_squeeze %dma_start3A_1928 : memref<1x40xi32, #tpu.memory_space<vmem>> -> memref<40xi32, #tpu.memory_space<vmem>>
      %dma_start3A_1930 = arith.constant 0 : i32
      %dma_start3A_1931 = arith.constant 0 : i32
      %dma_start3A_1932 = tpu.memref_slice %arg14[%dma_start3A_1930, %dma_start3A_1931] : memref<10240x8xf32, #tpu.memory_space<vmem_shared>> -> memref<10240x8xf32, #tpu.memory_space<vmem_shared>>
      %dma_start3A_1933 = tpu.memref_slice %arg17[%dma_start3A_1926] : memref<6x!tpu.dma_semaphore, #tpu.memory_space<semaphore_mem>> -> memref<1x!tpu.dma_semaphore, #tpu.memory_space<semaphore_mem>>
      %dma_start3A_1934 = tpu.memref_squeeze %dma_start3A_1933 : memref<1x!tpu.dma_semaphore, #tpu.memory_space<semaphore_mem>> -> memref<!tpu.dma_semaphore, #tpu.memory_space<semaphore_mem>>
      tpu.enqueue_indirect_dma source(%arg12 : memref<40x8xf32, #tpu.memory_space<vmem>>) target(%dma_start3A_1932 : memref<10240x8xf32, #tpu.memory_space<vmem_shared>>) offsets(%dma_start3A_1929 : memref<40xi32, #tpu.memory_space<vmem>>) semaphore(%dma_start3A_1934 : memref<!tpu.dma_semaphore, #tpu.memory_space<semaphore_mem>>) {add = true}
      %add3A_1935 = arith.constant 1 : i32
      %add3A_1936 = arith.addi %add3A_1853, %add3A_1935 : i32
      %sub3A_1937 = arith.constant 6 : i32
      %sub3A_1938 = arith.subi %add3A_1936, %sub3A_1937 : i32
      %dma_wait3A_1939 = arith.constant 1 : i32
      %dma_wait3A_1940 = arith.constant 1 : i32
      %dma_wait3A_1941 = arith.constant 0 : i32
      %dma_wait3A_1942 = arith.constant 0 : i32
      %dma_wait3A_1943 = tpu.memref_slice %arg11[%dma_wait3A_1939, %dma_wait3A_1941, %dma_wait3A_1942] : memref<6x40x128xf32, #tpu.memory_space<vmem>> -> memref<1x40x128xf32, #tpu.memory_space<vmem>>
      %dma_wait3A_1944 = tpu.memref_squeeze %dma_wait3A_1943 : memref<1x40x128xf32, #tpu.memory_space<vmem>> -> memref<40x128xf32, #tpu.memory_space<vmem>>
      %dma_wait3A_1945 = arith.constant 0 : i32
      %dma_wait3A_1946 = tpu.memref_slice %arg10[%sub3A_1938, %dma_wait3A_1945] : memref<125x40xi32, #tpu.memory_space<vmem>> -> memref<1x40xi32, #tpu.memory_space<vmem>>
      %dma_wait3A_1947 = tpu.memref_squeeze %dma_wait3A_1946 : memref<1x40xi32, #tpu.memory_space<vmem>> -> memref<40xi32, #tpu.memory_space<vmem>>
      %dma_wait3A_1948 = arith.constant 0 : i32
      %dma_wait3A_1949 = arith.constant 0 : i32
      %dma_wait3A_1950 = tpu.memref_slice %arg13[%dma_wait3A_1948, %dma_wait3A_1949] : memref<10240x128xf32, #tpu.memory_space<vmem_shared>> -> memref<10240x128xf32, #tpu.memory_space<vmem_shared>>
      %dma_wait3A_1951 = tpu.memref_slice %arg16[%dma_wait3A_1940] : memref<6x!tpu.dma_semaphore, #tpu.memory_space<semaphore_mem>> -> memref<1x!tpu.dma_semaphore, #tpu.memory_space<semaphore_mem>>
      %dma_wait3A_1952 = tpu.memref_squeeze %dma_wait3A_1951 : memref<1x!tpu.dma_semaphore, #tpu.memory_space<semaphore_mem>> -> memref<!tpu.dma_semaphore, #tpu.memory_space<semaphore_mem>>
      tpu.wait_indirect_dma semaphore(%dma_wait3A_1952 : memref<!tpu.dma_semaphore, #tpu.memory_space<semaphore_mem>>) src(%dma_wait3A_1944 : memref<40x128xf32, #tpu.memory_space<vmem>>) dst(%dma_wait3A_1950 : memref<10240x128xf32, #tpu.memory_space<vmem_shared>>)
      %dma_wait3A_1953 = arith.constant 1 : i32
      %dma_wait3A_1954 = arith.constant 0 : i32
      %dma_wait3A_1955 = tpu.memref_slice %arg10[%sub3A_1938, %dma_wait3A_1954] : memref<125x40xi32, #tpu.memory_space<vmem>> -> memref<1x40xi32, #tpu.memory_space<vmem>>
      %dma_wait3A_1956 = tpu.memref_squeeze %dma_wait3A_1955 : memref<1x40xi32, #tpu.memory_space<vmem>> -> memref<40xi32, #tpu.memory_space<vmem>>
      %dma_wait3A_1957 = arith.constant 0 : i32
      %dma_wait3A_1958 = arith.constant 0 : i32
      %dma_wait3A_1959 = tpu.memref_slice %arg14[%dma_wait3A_1957, %dma_wait3A_1958] : memref<10240x8xf32, #tpu.memory_space<vmem_shared>> -> memref<10240x8xf32, #tpu.memory_space<vmem_shared>>
      %dma_wait3A_1960 = tpu.memref_slice %arg17[%dma_wait3A_1953] : memref<6x!tpu.dma_semaphore, #tpu.memory_space<semaphore_mem>> -> memref<1x!tpu.dma_semaphore, #tpu.memory_space<semaphore_mem>>
      %dma_wait3A_1961 = tpu.memref_squeeze %dma_wait3A_1960 : memref<1x!tpu.dma_semaphore, #tpu.memory_space<semaphore_mem>> -> memref<!tpu.dma_semaphore, #tpu.memory_space<semaphore_mem>>
      tpu.wait_indirect_dma semaphore(%dma_wait3A_1961 : memref<!tpu.dma_semaphore, #tpu.memory_space<semaphore_mem>>) src(%arg12 : memref<40x8xf32, #tpu.memory_space<vmem>>) dst(%dma_wait3A_1959 : memref<10240x8xf32, #tpu.memory_space<vmem_shared>>)
      %dma_start3A_1962 = arith.constant 1 : i32
      %dma_start3A_1963 = arith.constant 1 : i32
      %dma_start3A_1964 = arith.constant 0 : i32
      %dma_start3A_1965 = arith.constant 0 : i32
      %dma_start3A_1966 = tpu.memref_slice %arg11[%dma_start3A_1962, %dma_start3A_1964, %dma_start3A_1965] : memref<6x40x128xf32, #tpu.memory_space<vmem>> -> memref<1x40x128xf32, #tpu.memory_space<vmem>>
      %dma_start3A_1967 = tpu.memref_squeeze %dma_start3A_1966 : memref<1x40x128xf32, #tpu.memory_space<vmem>> -> memref<40x128xf32, #tpu.memory_space<vmem>>
      %dma_start3A_1968 = arith.constant 0 : i32
      %dma_start3A_1969 = tpu.memref_slice %arg9[%add3A_1936, %dma_start3A_1968] : memref<125x40xi32, #tpu.memory_space<vmem>> -> memref<1x40xi32, #tpu.memory_space<vmem>>
      %dma_start3A_1970 = tpu.memref_squeeze %dma_start3A_1969 : memref<1x40xi32, #tpu.memory_space<vmem>> -> memref<40xi32, #tpu.memory_space<vmem>>
      %dma_start3A_1971 = arith.constant 0 : i32
      %dma_start3A_1972 = arith.constant 0 : i32
      %dma_start3A_1973 = tpu.memref_slice %arg2[%dma_start3A_1971, %dma_start3A_1972] : memref<10000x128xf32, #tpu.memory_space<hbm>> -> memref<10000x128xf32, #tpu.memory_space<hbm>>
      %dma_start3A_1974 = tpu.memref_slice %arg15[%dma_start3A_1963] : memref<6x!tpu.dma_semaphore, #tpu.memory_space<semaphore_mem>> -> memref<1x!tpu.dma_semaphore, #tpu.memory_space<semaphore_mem>>
      %dma_start3A_1975 = tpu.memref_squeeze %dma_start3A_1974 : memref<1x!tpu.dma_semaphore, #tpu.memory_space<semaphore_mem>> -> memref<!tpu.dma_semaphore, #tpu.memory_space<semaphore_mem>>
      tpu.enqueue_indirect_dma source(%dma_start3A_1973 : memref<10000x128xf32, #tpu.memory_space<hbm>>) target(%dma_start3A_1967 : memref<40x128xf32, #tpu.memory_space<vmem>>) offsets(%dma_start3A_1970 : memref<40xi32, #tpu.memory_space<vmem>>) semaphore(%dma_start3A_1975 : memref<!tpu.dma_semaphore, #tpu.memory_space<semaphore_mem>>)
      %sub3A_1976 = arith.constant 4 : i32
      %sub3A_1977 = arith.subi %add3A_1936, %sub3A_1976 : i32
      %dma_wait3A_1978 = arith.constant 3 : i32
      %dma_wait3A_1979 = arith.constant 3 : i32
      %dma_wait3A_1980 = arith.constant 0 : i32
      %dma_wait3A_1981 = arith.constant 0 : i32
      %dma_wait3A_1982 = tpu.memref_slice %arg11[%dma_wait3A_1978, %dma_wait3A_1980, %dma_wait3A_1981] : memref<6x40x128xf32, #tpu.memory_space<vmem>> -> memref<1x40x128xf32, #tpu.memory_space<vmem>>
      %dma_wait3A_1983 = tpu.memref_squeeze %dma_wait3A_1982 : memref<1x40x128xf32, #tpu.memory_space<vmem>> -> memref<40x128xf32, #tpu.memory_space<vmem>>
      %dma_wait3A_1984 = arith.constant 0 : i32
      %dma_wait3A_1985 = tpu.memref_slice %arg9[%sub3A_1977, %dma_wait3A_1984] : memref<125x40xi32, #tpu.memory_space<vmem>> -> memref<1x40xi32, #tpu.memory_space<vmem>>
      %dma_wait3A_1986 = tpu.memref_squeeze %dma_wait3A_1985 : memref<1x40xi32, #tpu.memory_space<vmem>> -> memref<40xi32, #tpu.memory_space<vmem>>
      %dma_wait3A_1987 = arith.constant 0 : i32
      %dma_wait3A_1988 = arith.constant 0 : i32
      %dma_wait3A_1989 = tpu.memref_slice %arg2[%dma_wait3A_1987, %dma_wait3A_1988] : memref<10000x128xf32, #tpu.memory_space<hbm>> -> memref<10000x128xf32, #tpu.memory_space<hbm>>
      %dma_wait3A_1990 = tpu.memref_slice %arg15[%dma_wait3A_1979] : memref<6x!tpu.dma_semaphore, #tpu.memory_space<semaphore_mem>> -> memref<1x!tpu.dma_semaphore, #tpu.memory_space<semaphore_mem>>
      %dma_wait3A_1991 = tpu.memref_squeeze %dma_wait3A_1990 : memref<1x!tpu.dma_semaphore, #tpu.memory_space<semaphore_mem>> -> memref<!tpu.dma_semaphore, #tpu.memory_space<semaphore_mem>>
      tpu.wait_indirect_dma semaphore(%dma_wait3A_1991 : memref<!tpu.dma_semaphore, #tpu.memory_space<semaphore_mem>>) src(%dma_wait3A_1989 : memref<10000x128xf32, #tpu.memory_space<hbm>>) dst(%dma_wait3A_1983 : memref<40x128xf32, #tpu.memory_space<vmem>>)
      %sub3A_1992 = arith.constant 4 : i32
      %sub3A_1993 = arith.subi %add3A_1936, %sub3A_1992 : i32
      %dma_start3A_1994 = arith.constant 3 : i32
      %dma_start3A_1995 = arith.constant 3 : i32
      %dma_start3A_1996 = arith.constant 0 : i32
      %dma_start3A_1997 = arith.constant 0 : i32
      %dma_start3A_1998 = tpu.memref_slice %arg11[%dma_start3A_1994, %dma_start3A_1996, %dma_start3A_1997] : memref<6x40x128xf32, #tpu.memory_space<vmem>> -> memref<1x40x128xf32, #tpu.memory_space<vmem>>
      %dma_start3A_1999 = tpu.memref_squeeze %dma_start3A_1998 : memref<1x40x128xf32, #tpu.memory_space<vmem>> -> memref<40x128xf32, #tpu.memory_space<vmem>>
      %dma_start3A_2000 = arith.constant 0 : i32
      %dma_start3A_2001 = tpu.memref_slice %arg10[%sub3A_1993, %dma_start3A_2000] : memref<125x40xi32, #tpu.memory_space<vmem>> -> memref<1x40xi32, #tpu.memory_space<vmem>>
      %dma_start3A_2002 = tpu.memref_squeeze %dma_start3A_2001 : memref<1x40xi32, #tpu.memory_space<vmem>> -> memref<40xi32, #tpu.memory_space<vmem>>
      %dma_start3A_2003 = arith.constant 0 : i32
      %dma_start3A_2004 = arith.constant 0 : i32
      %dma_start3A_2005 = tpu.memref_slice %arg13[%dma_start3A_2003, %dma_start3A_2004] : memref<10240x128xf32, #tpu.memory_space<vmem_shared>> -> memref<10240x128xf32, #tpu.memory_space<vmem_shared>>
      %dma_start3A_2006 = tpu.memref_slice %arg16[%dma_start3A_1995] : memref<6x!tpu.dma_semaphore, #tpu.memory_space<semaphore_mem>> -> memref<1x!tpu.dma_semaphore, #tpu.memory_space<semaphore_mem>>
      %dma_start3A_2007 = tpu.memref_squeeze %dma_start3A_2006 : memref<1x!tpu.dma_semaphore, #tpu.memory_space<semaphore_mem>> -> memref<!tpu.dma_semaphore, #tpu.memory_space<semaphore_mem>>
      tpu.enqueue_indirect_dma source(%dma_start3A_1999 : memref<40x128xf32, #tpu.memory_space<vmem>>) target(%dma_start3A_2005 : memref<10240x128xf32, #tpu.memory_space<vmem_shared>>) offsets(%dma_start3A_2002 : memref<40xi32, #tpu.memory_space<vmem>>) semaphore(%dma_start3A_2007 : memref<!tpu.dma_semaphore, #tpu.memory_space<semaphore_mem>>) {add = true}
      %dma_start3A_2008 = arith.constant 3 : i32
      %dma_start3A_2009 = arith.constant 0 : i32
      %dma_start3A_2010 = tpu.memref_slice %arg10[%sub3A_1993, %dma_start3A_2009] : memref<125x40xi32, #tpu.memory_space<vmem>> -> memref<1x40xi32, #tpu.memory_space<vmem>>
      %dma_start3A_2011 = tpu.memref_squeeze %dma_start3A_2010 : memref<1x40xi32, #tpu.memory_space<vmem>> -> memref<40xi32, #tpu.memory_space<vmem>>
      %dma_start3A_2012 = arith.constant 0 : i32
      %dma_start3A_2013 = arith.constant 0 : i32
      %dma_start3A_2014 = tpu.memref_slice %arg14[%dma_start3A_2012, %dma_start3A_2013] : memref<10240x8xf32, #tpu.memory_space<vmem_shared>> -> memref<10240x8xf32, #tpu.memory_space<vmem_shared>>
      %dma_start3A_2015 = tpu.memref_slice %arg17[%dma_start3A_2008] : memref<6x!tpu.dma_semaphore, #tpu.memory_space<semaphore_mem>> -> memref<1x!tpu.dma_semaphore, #tpu.memory_space<semaphore_mem>>
      %dma_start3A_2016 = tpu.memref_squeeze %dma_start3A_2015 : memref<1x!tpu.dma_semaphore, #tpu.memory_space<semaphore_mem>> -> memref<!tpu.dma_semaphore, #tpu.memory_space<semaphore_mem>>
      tpu.enqueue_indirect_dma source(%arg12 : memref<40x8xf32, #tpu.memory_space<vmem>>) target(%dma_start3A_2014 : memref<10240x8xf32, #tpu.memory_space<vmem_shared>>) offsets(%dma_start3A_2011 : memref<40xi32, #tpu.memory_space<vmem>>) semaphore(%dma_start3A_2016 : memref<!tpu.dma_semaphore, #tpu.memory_space<semaphore_mem>>) {add = true}
      %add3A_2017 = arith.constant 2 : i32
      %add3A_2018 = arith.addi %add3A_1853, %add3A_2017 : i32
      %sub3A_2019 = arith.constant 6 : i32
      %sub3A_2020 = arith.subi %add3A_2018, %sub3A_2019 : i32
      %dma_wait3A_2021 = arith.constant 2 : i32
      %dma_wait3A_2022 = arith.constant 2 : i32
      %dma_wait3A_2023 = arith.constant 0 : i32
      %dma_wait3A_2024 = arith.constant 0 : i32
      %dma_wait3A_2025 = tpu.memref_slice %arg11[%dma_wait3A_2021, %dma_wait3A_2023, %dma_wait3A_2024] : memref<6x40x128xf32, #tpu.memory_space<vmem>> -> memref<1x40x128xf32, #tpu.memory_space<vmem>>
      %dma_wait3A_2026 = tpu.memref_squeeze %dma_wait3A_2025 : memref<1x40x128xf32, #tpu.memory_space<vmem>> -> memref<40x128xf32, #tpu.memory_space<vmem>>
      %dma_wait3A_2027 = arith.constant 0 : i32
      %dma_wait3A_2028 = tpu.memref_slice %arg10[%sub3A_2020, %dma_wait3A_2027] : memref<125x40xi32, #tpu.memory_space<vmem>> -> memref<1x40xi32, #tpu.memory_space<vmem>>
      %dma_wait3A_2029 = tpu.memref_squeeze %dma_wait3A_2028 : memref<1x40xi32, #tpu.memory_space<vmem>> -> memref<40xi32, #tpu.memory_space<vmem>>
      %dma_wait3A_2030 = arith.constant 0 : i32
      %dma_wait3A_2031 = arith.constant 0 : i32
      %dma_wait3A_2032 = tpu.memref_slice %arg13[%dma_wait3A_2030, %dma_wait3A_2031] : memref<10240x128xf32, #tpu.memory_space<vmem_shared>> -> memref<10240x128xf32, #tpu.memory_space<vmem_shared>>
      %dma_wait3A_2033 = tpu.memref_slice %arg16[%dma_wait3A_2022] : memref<6x!tpu.dma_semaphore, #tpu.memory_space<semaphore_mem>> -> memref<1x!tpu.dma_semaphore, #tpu.memory_space<semaphore_mem>>
      %dma_wait3A_2034 = tpu.memref_squeeze %dma_wait3A_2033 : memref<1x!tpu.dma_semaphore, #tpu.memory_space<semaphore_mem>> -> memref<!tpu.dma_semaphore, #tpu.memory_space<semaphore_mem>>
      tpu.wait_indirect_dma semaphore(%dma_wait3A_2034 : memref<!tpu.dma_semaphore, #tpu.memory_space<semaphore_mem>>) src(%dma_wait3A_2026 : memref<40x128xf32, #tpu.memory_space<vmem>>) dst(%dma_wait3A_2032 : memref<10240x128xf32, #tpu.memory_space<vmem_shared>>)
      %dma_wait3A_2035 = arith.constant 2 : i32
      %dma_wait3A_2036 = arith.constant 0 : i32
      %dma_wait3A_2037 = tpu.memref_slice %arg10[%sub3A_2020, %dma_wait3A_2036] : memref<125x40xi32, #tpu.memory_space<vmem>> -> memref<1x40xi32, #tpu.memory_space<vmem>>
      %dma_wait3A_2038 = tpu.memref_squeeze %dma_wait3A_2037 : memref<1x40xi32, #tpu.memory_space<vmem>> -> memref<40xi32, #tpu.memory_space<vmem>>
      %dma_wait3A_2039 = arith.constant 0 : i32
      %dma_wait3A_2040 = arith.constant 0 : i32
      %dma_wait3A_2041 = tpu.memref_slice %arg14[%dma_wait3A_2039, %dma_wait3A_2040] : memref<10240x8xf32, #tpu.memory_space<vmem_shared>> -> memref<10240x8xf32, #tpu.memory_space<vmem_shared>>
      %dma_wait3A_2042 = tpu.memref_slice %arg17[%dma_wait3A_2035] : memref<6x!tpu.dma_semaphore, #tpu.memory_space<semaphore_mem>> -> memref<1x!tpu.dma_semaphore, #tpu.memory_space<semaphore_mem>>
      %dma_wait3A_2043 = tpu.memref_squeeze %dma_wait3A_2042 : memref<1x!tpu.dma_semaphore, #tpu.memory_space<semaphore_mem>> -> memref<!tpu.dma_semaphore, #tpu.memory_space<semaphore_mem>>
      tpu.wait_indirect_dma semaphore(%dma_wait3A_2043 : memref<!tpu.dma_semaphore, #tpu.memory_space<semaphore_mem>>) src(%arg12 : memref<40x8xf32, #tpu.memory_space<vmem>>) dst(%dma_wait3A_2041 : memref<10240x8xf32, #tpu.memory_space<vmem_shared>>)
      %dma_start3A_2044 = arith.constant 2 : i32
      %dma_start3A_2045 = arith.constant 2 : i32
      %dma_start3A_2046 = arith.constant 0 : i32
      %dma_start3A_2047 = arith.constant 0 : i32
      %dma_start3A_2048 = tpu.memref_slice %arg11[%dma_start3A_2044, %dma_start3A_2046, %dma_start3A_2047] : memref<6x40x128xf32, #tpu.memory_space<vmem>> -> memref<1x40x128xf32, #tpu.memory_space<vmem>>
      %dma_start3A_2049 = tpu.memref_squeeze %dma_start3A_2048 : memref<1x40x128xf32, #tpu.memory_space<vmem>> -> memref<40x128xf32, #tpu.memory_space<vmem>>
      %dma_start3A_2050 = arith.constant 0 : i32
      %dma_start3A_2051 = tpu.memref_slice %arg9[%add3A_2018, %dma_start3A_2050] : memref<125x40xi32, #tpu.memory_space<vmem>> -> memref<1x40xi32, #tpu.memory_space<vmem>>
      %dma_start3A_2052 = tpu.memref_squeeze %dma_start3A_2051 : memref<1x40xi32, #tpu.memory_space<vmem>> -> memref<40xi32, #tpu.memory_space<vmem>>
      %dma_start3A_2053 = arith.constant 0 : i32
      %dma_start3A_2054 = arith.constant 0 : i32
      %dma_start3A_2055 = tpu.memref_slice %arg2[%dma_start3A_2053, %dma_start3A_2054] : memref<10000x128xf32, #tpu.memory_space<hbm>> -> memref<10000x128xf32, #tpu.memory_space<hbm>>
      %dma_start3A_2056 = tpu.memref_slice %arg15[%dma_start3A_2045] : memref<6x!tpu.dma_semaphore, #tpu.memory_space<semaphore_mem>> -> memref<1x!tpu.dma_semaphore, #tpu.memory_space<semaphore_mem>>
      %dma_start3A_2057 = tpu.memref_squeeze %dma_start3A_2056 : memref<1x!tpu.dma_semaphore, #tpu.memory_space<semaphore_mem>> -> memref<!tpu.dma_semaphore, #tpu.memory_space<semaphore_mem>>
      tpu.enqueue_indirect_dma source(%dma_start3A_2055 : memref<10000x128xf32, #tpu.memory_space<hbm>>) target(%dma_start3A_2049 : memref<40x128xf32, #tpu.memory_space<vmem>>) offsets(%dma_start3A_2052 : memref<40xi32, #tpu.memory_space<vmem>>) semaphore(%dma_start3A_2057 : memref<!tpu.dma_semaphore, #tpu.memory_space<semaphore_mem>>)
      %sub3A_2058 = arith.constant 4 : i32
      %sub3A_2059 = arith.subi %add3A_2018, %sub3A_2058 : i32
      %dma_wait3A_2060 = arith.constant 4 : i32
      %dma_wait3A_2061 = arith.constant 4 : i32
      %dma_wait3A_2062 = arith.constant 0 : i32
      %dma_wait3A_2063 = arith.constant 0 : i32
      %dma_wait3A_2064 = tpu.memref_slice %arg11[%dma_wait3A_2060, %dma_wait3A_2062, %dma_wait3A_2063] : memref<6x40x128xf32, #tpu.memory_space<vmem>> -> memref<1x40x128xf32, #tpu.memory_space<vmem>>
      %dma_wait3A_2065 = tpu.memref_squeeze %dma_wait3A_2064 : memref<1x40x128xf32, #tpu.memory_space<vmem>> -> memref<40x128xf32, #tpu.memory_space<vmem>>
      %dma_wait3A_2066 = arith.constant 0 : i32
      %dma_wait3A_2067 = tpu.memref_slice %arg9[%sub3A_2059, %dma_wait3A_2066] : memref<125x40xi32, #tpu.memory_space<vmem>> -> memref<1x40xi32, #tpu.memory_space<vmem>>
      %dma_wait3A_2068 = tpu.memref_squeeze %dma_wait3A_2067 : memref<1x40xi32, #tpu.memory_space<vmem>> -> memref<40xi32, #tpu.memory_space<vmem>>
      %dma_wait3A_2069 = arith.constant 0 : i32
      %dma_wait3A_2070 = arith.constant 0 : i32
      %dma_wait3A_2071 = tpu.memref_slice %arg2[%dma_wait3A_2069, %dma_wait3A_2070] : memref<10000x128xf32, #tpu.memory_space<hbm>> -> memref<10000x128xf32, #tpu.memory_space<hbm>>
      %dma_wait3A_2072 = tpu.memref_slice %arg15[%dma_wait3A_2061] : memref<6x!tpu.dma_semaphore, #tpu.memory_space<semaphore_mem>> -> memref<1x!tpu.dma_semaphore, #tpu.memory_space<semaphore_mem>>
      %dma_wait3A_2073 = tpu.memref_squeeze %dma_wait3A_2072 : memref<1x!tpu.dma_semaphore, #tpu.memory_space<semaphore_mem>> -> memref<!tpu.dma_semaphore, #tpu.memory_space<semaphore_mem>>
      tpu.wait_indirect_dma semaphore(%dma_wait3A_2073 : memref<!tpu.dma_semaphore, #tpu.memory_space<semaphore_mem>>) src(%dma_wait3A_2071 : memref<10000x128xf32, #tpu.memory_space<hbm>>) dst(%dma_wait3A_2065 : memref<40x128xf32, #tpu.memory_space<vmem>>)
      %sub3A_2074 = arith.constant 4 : i32
      %sub3A_2075 = arith.subi %add3A_2018, %sub3A_2074 : i32
      %dma_start3A_2076 = arith.constant 4 : i32
      %dma_start3A_2077 = arith.constant 4 : i32
      %dma_start3A_2078 = arith.constant 0 : i32
      %dma_start3A_2079 = arith.constant 0 : i32
      %dma_start3A_2080 = tpu.memref_slice %arg11[%dma_start3A_2076, %dma_start3A_2078, %dma_start3A_2079] : memref<6x40x128xf32, #tpu.memory_space<vmem>> -> memref<1x40x128xf32, #tpu.memory_space<vmem>>
      %dma_start3A_2081 = tpu.memref_squeeze %dma_start3A_2080 : memref<1x40x128xf32, #tpu.memory_space<vmem>> -> memref<40x128xf32, #tpu.memory_space<vmem>>
      %dma_start3A_2082 = arith.constant 0 : i32
      %dma_start3A_2083 = tpu.memref_slice %arg10[%sub3A_2075, %dma_start3A_2082] : memref<125x40xi32, #tpu.memory_space<vmem>> -> memref<1x40xi32, #tpu.memory_space<vmem>>
      %dma_start3A_2084 = tpu.memref_squeeze %dma_start3A_2083 : memref<1x40xi32, #tpu.memory_space<vmem>> -> memref<40xi32, #tpu.memory_space<vmem>>
      %dma_start3A_2085 = arith.constant 0 : i32
      %dma_start3A_2086 = arith.constant 0 : i32
      %dma_start3A_2087 = tpu.memref_slice %arg13[%dma_start3A_2085, %dma_start3A_2086] : memref<10240x128xf32, #tpu.memory_space<vmem_shared>> -> memref<10240x128xf32, #tpu.memory_space<vmem_shared>>
      %dma_start3A_2088 = tpu.memref_slice %arg16[%dma_start3A_2077] : memref<6x!tpu.dma_semaphore, #tpu.memory_space<semaphore_mem>> -> memref<1x!tpu.dma_semaphore, #tpu.memory_space<semaphore_mem>>
      %dma_start3A_2089 = tpu.memref_squeeze %dma_start3A_2088 : memref<1x!tpu.dma_semaphore, #tpu.memory_space<semaphore_mem>> -> memref<!tpu.dma_semaphore, #tpu.memory_space<semaphore_mem>>
      tpu.enqueue_indirect_dma source(%dma_start3A_2081 : memref<40x128xf32, #tpu.memory_space<vmem>>) target(%dma_start3A_2087 : memref<10240x128xf32, #tpu.memory_space<vmem_shared>>) offsets(%dma_start3A_2084 : memref<40xi32, #tpu.memory_space<vmem>>) semaphore(%dma_start3A_2089 : memref<!tpu.dma_semaphore, #tpu.memory_space<semaphore_mem>>) {add = true}
      %dma_start3A_2090 = arith.constant 4 : i32
      %dma_start3A_2091 = arith.constant 0 : i32
      %dma_start3A_2092 = tpu.memref_slice %arg10[%sub3A_2075, %dma_start3A_2091] : memref<125x40xi32, #tpu.memory_space<vmem>> -> memref<1x40xi32, #tpu.memory_space<vmem>>
      %dma_start3A_2093 = tpu.memref_squeeze %dma_start3A_2092 : memref<1x40xi32, #tpu.memory_space<vmem>> -> memref<40xi32, #tpu.memory_space<vmem>>
      %dma_start3A_2094 = arith.constant 0 : i32
      %dma_start3A_2095 = arith.constant 0 : i32
      %dma_start3A_2096 = tpu.memref_slice %arg14[%dma_start3A_2094, %dma_start3A_2095] : memref<10240x8xf32, #tpu.memory_space<vmem_shared>> -> memref<10240x8xf32, #tpu.memory_space<vmem_shared>>
      %dma_start3A_2097 = tpu.memref_slice %arg17[%dma_start3A_2090] : memref<6x!tpu.dma_semaphore, #tpu.memory_space<semaphore_mem>> -> memref<1x!tpu.dma_semaphore, #tpu.memory_space<semaphore_mem>>
      %dma_start3A_2098 = tpu.memref_squeeze %dma_start3A_2097 : memref<1x!tpu.dma_semaphore, #tpu.memory_space<semaphore_mem>> -> memref<!tpu.dma_semaphore, #tpu.memory_space<semaphore_mem>>
      tpu.enqueue_indirect_dma source(%arg12 : memref<40x8xf32, #tpu.memory_space<vmem>>) target(%dma_start3A_2096 : memref<10240x8xf32, #tpu.memory_space<vmem_shared>>) offsets(%dma_start3A_2093 : memref<40xi32, #tpu.memory_space<vmem>>) semaphore(%dma_start3A_2098 : memref<!tpu.dma_semaphore, #tpu.memory_space<semaphore_mem>>) {add = true}
      %add3A_2099 = arith.constant 3 : i32
      %add3A_2100 = arith.addi %add3A_1853, %add3A_2099 : i32
      %sub3A_2101 = arith.constant 6 : i32
      %sub3A_2102 = arith.subi %add3A_2100, %sub3A_2101 : i32
      %dma_wait3A_2103 = arith.constant 3 : i32
      %dma_wait3A_2104 = arith.constant 3 : i32
      %dma_wait3A_2105 = arith.constant 0 : i32
      %dma_wait3A_2106 = arith.constant 0 : i32
      %dma_wait3A_2107 = tpu.memref_slice %arg11[%dma_wait3A_2103, %dma_wait3A_2105, %dma_wait3A_2106] : memref<6x40x128xf32, #tpu.memory_space<vmem>> -> memref<1x40x128xf32, #tpu.memory_space<vmem>>
      %dma_wait3A_2108 = tpu.memref_squeeze %dma_wait3A_2107 : memref<1x40x128xf32, #tpu.memory_space<vmem>> -> memref<40x128xf32, #tpu.memory_space<vmem>>
      %dma_wait3A_2109 = arith.constant 0 : i32
      %dma_wait3A_2110 = tpu.memref_slice %arg10[%sub3A_2102, %dma_wait3A_2109] : memref<125x40xi32, #tpu.memory_space<vmem>> -> memref<1x40xi32, #tpu.memory_space<vmem>>
      %dma_wait3A_2111 = tpu.memref_squeeze %dma_wait3A_2110 : memref<1x40xi32, #tpu.memory_space<vmem>> -> memref<40xi32, #tpu.memory_space<vmem>>
      %dma_wait3A_2112 = arith.constant 0 : i32
      %dma_wait3A_2113 = arith.constant 0 : i32
      %dma_wait3A_2114 = tpu.memref_slice %arg13[%dma_wait3A_2112, %dma_wait3A_2113] : memref<10240x128xf32, #tpu.memory_space<vmem_shared>> -> memref<10240x128xf32, #tpu.memory_space<vmem_shared>>
      %dma_wait3A_2115 = tpu.memref_slice %arg16[%dma_wait3A_2104] : memref<6x!tpu.dma_semaphore, #tpu.memory_space<semaphore_mem>> -> memref<1x!tpu.dma_semaphore, #tpu.memory_space<semaphore_mem>>
      %dma_wait3A_2116 = tpu.memref_squeeze %dma_wait3A_2115 : memref<1x!tpu.dma_semaphore, #tpu.memory_space<semaphore_mem>> -> memref<!tpu.dma_semaphore, #tpu.memory_space<semaphore_mem>>
      tpu.wait_indirect_dma semaphore(%dma_wait3A_2116 : memref<!tpu.dma_semaphore, #tpu.memory_space<semaphore_mem>>) src(%dma_wait3A_2108 : memref<40x128xf32, #tpu.memory_space<vmem>>) dst(%dma_wait3A_2114 : memref<10240x128xf32, #tpu.memory_space<vmem_shared>>)
      %dma_wait3A_2117 = arith.constant 3 : i32
      %dma_wait3A_2118 = arith.constant 0 : i32
      %dma_wait3A_2119 = tpu.memref_slice %arg10[%sub3A_2102, %dma_wait3A_2118] : memref<125x40xi32, #tpu.memory_space<vmem>> -> memref<1x40xi32, #tpu.memory_space<vmem>>
      %dma_wait3A_2120 = tpu.memref_squeeze %dma_wait3A_2119 : memref<1x40xi32, #tpu.memory_space<vmem>> -> memref<40xi32, #tpu.memory_space<vmem>>
      %dma_wait3A_2121 = arith.constant 0 : i32
      %dma_wait3A_2122 = arith.constant 0 : i32
      %dma_wait3A_2123 = tpu.memref_slice %arg14[%dma_wait3A_2121, %dma_wait3A_2122] : memref<10240x8xf32, #tpu.memory_space<vmem_shared>> -> memref<10240x8xf32, #tpu.memory_space<vmem_shared>>
      %dma_wait3A_2124 = tpu.memref_slice %arg17[%dma_wait3A_2117] : memref<6x!tpu.dma_semaphore, #tpu.memory_space<semaphore_mem>> -> memref<1x!tpu.dma_semaphore, #tpu.memory_space<semaphore_mem>>
      %dma_wait3A_2125 = tpu.memref_squeeze %dma_wait3A_2124 : memref<1x!tpu.dma_semaphore, #tpu.memory_space<semaphore_mem>> -> memref<!tpu.dma_semaphore, #tpu.memory_space<semaphore_mem>>
      tpu.wait_indirect_dma semaphore(%dma_wait3A_2125 : memref<!tpu.dma_semaphore, #tpu.memory_space<semaphore_mem>>) src(%arg12 : memref<40x8xf32, #tpu.memory_space<vmem>>) dst(%dma_wait3A_2123 : memref<10240x8xf32, #tpu.memory_space<vmem_shared>>)
      %dma_start3A_2126 = arith.constant 3 : i32
      %dma_start3A_2127 = arith.constant 3 : i32
      %dma_start3A_2128 = arith.constant 0 : i32
      %dma_start3A_2129 = arith.constant 0 : i32
      %dma_start3A_2130 = tpu.memref_slice %arg11[%dma_start3A_2126, %dma_start3A_2128, %dma_start3A_2129] : memref<6x40x128xf32, #tpu.memory_space<vmem>> -> memref<1x40x128xf32, #tpu.memory_space<vmem>>
      %dma_start3A_2131 = tpu.memref_squeeze %dma_start3A_2130 : memref<1x40x128xf32, #tpu.memory_space<vmem>> -> memref<40x128xf32, #tpu.memory_space<vmem>>
      %dma_start3A_2132 = arith.constant 0 : i32
      %dma_start3A_2133 = tpu.memref_slice %arg9[%add3A_2100, %dma_start3A_2132] : memref<125x40xi32, #tpu.memory_space<vmem>> -> memref<1x40xi32, #tpu.memory_space<vmem>>
      %dma_start3A_2134 = tpu.memref_squeeze %dma_start3A_2133 : memref<1x40xi32, #tpu.memory_space<vmem>> -> memref<40xi32, #tpu.memory_space<vmem>>
      %dma_start3A_2135 = arith.constant 0 : i32
      %dma_start3A_2136 = arith.constant 0 : i32
      %dma_start3A_2137 = tpu.memref_slice %arg2[%dma_start3A_2135, %dma_start3A_2136] : memref<10000x128xf32, #tpu.memory_space<hbm>> -> memref<10000x128xf32, #tpu.memory_space<hbm>>
      %dma_start3A_2138 = tpu.memref_slice %arg15[%dma_start3A_2127] : memref<6x!tpu.dma_semaphore, #tpu.memory_space<semaphore_mem>> -> memref<1x!tpu.dma_semaphore, #tpu.memory_space<semaphore_mem>>
      %dma_start3A_2139 = tpu.memref_squeeze %dma_start3A_2138 : memref<1x!tpu.dma_semaphore, #tpu.memory_space<semaphore_mem>> -> memref<!tpu.dma_semaphore, #tpu.memory_space<semaphore_mem>>
      tpu.enqueue_indirect_dma source(%dma_start3A_2137 : memref<10000x128xf32, #tpu.memory_space<hbm>>) target(%dma_start3A_2131 : memref<40x128xf32, #tpu.memory_space<vmem>>) offsets(%dma_start3A_2134 : memref<40xi32, #tpu.memory_space<vmem>>) semaphore(%dma_start3A_2139 : memref<!tpu.dma_semaphore, #tpu.memory_space<semaphore_mem>>)
      %sub3A_2140 = arith.constant 4 : i32
      %sub3A_2141 = arith.subi %add3A_2100, %sub3A_2140 : i32
      %dma_wait3A_2142 = arith.constant 5 : i32
      %dma_wait3A_2143 = arith.constant 5 : i32
      %dma_wait3A_2144 = arith.constant 0 : i32
      %dma_wait3A_2145 = arith.constant 0 : i32
      %dma_wait3A_2146 = tpu.memref_slice %arg11[%dma_wait3A_2142, %dma_wait3A_2144, %dma_wait3A_2145] : memref<6x40x128xf32, #tpu.memory_space<vmem>> -> memref<1x40x128xf32, #tpu.memory_space<vmem>>
      %dma_wait3A_2147 = tpu.memref_squeeze %dma_wait3A_2146 : memref<1x40x128xf32, #tpu.memory_space<vmem>> -> memref<40x128xf32, #tpu.memory_space<vmem>>
      %dma_wait3A_2148 = arith.constant 0 : i32
      %dma_wait3A_2149 = tpu.memref_slice %arg9[%sub3A_2141, %dma_wait3A_2148] : memref<125x40xi32, #tpu.memory_space<vmem>> -> memref<1x40xi32, #tpu.memory_space<vmem>>
      %dma_wait3A_2150 = tpu.memref_squeeze %dma_wait3A_2149 : memref<1x40xi32, #tpu.memory_space<vmem>> -> memref<40xi32, #tpu.memory_space<vmem>>
      %dma_wait3A_2151 = arith.constant 0 : i32
      %dma_wait3A_2152 = arith.constant 0 : i32
      %dma_wait3A_2153 = tpu.memref_slice %arg2[%dma_wait3A_2151, %dma_wait3A_2152] : memref<10000x128xf32, #tpu.memory_space<hbm>> -> memref<10000x128xf32, #tpu.memory_space<hbm>>
      %dma_wait3A_2154 = tpu.memref_slice %arg15[%dma_wait3A_2143] : memref<6x!tpu.dma_semaphore, #tpu.memory_space<semaphore_mem>> -> memref<1x!tpu.dma_semaphore, #tpu.memory_space<semaphore_mem>>
      %dma_wait3A_2155 = tpu.memref_squeeze %dma_wait3A_2154 : memref<1x!tpu.dma_semaphore, #tpu.memory_space<semaphore_mem>> -> memref<!tpu.dma_semaphore, #tpu.memory_space<semaphore_mem>>
      tpu.wait_indirect_dma semaphore(%dma_wait3A_2155 : memref<!tpu.dma_semaphore, #tpu.memory_space<semaphore_mem>>) src(%dma_wait3A_2153 : memref<10000x128xf32, #tpu.memory_space<hbm>>) dst(%dma_wait3A_2147 : memref<40x128xf32, #tpu.memory_space<vmem>>)
      %sub3A_2156 = arith.constant 4 : i32
      %sub3A_2157 = arith.subi %add3A_2100, %sub3A_2156 : i32
      %dma_start3A_2158 = arith.constant 5 : i32
      %dma_start3A_2159 = arith.constant 5 : i32
      %dma_start3A_2160 = arith.constant 0 : i32
      %dma_start3A_2161 = arith.constant 0 : i32
      %dma_start3A_2162 = tpu.memref_slice %arg11[%dma_start3A_2158, %dma_start3A_2160, %dma_start3A_2161] : memref<6x40x128xf32, #tpu.memory_space<vmem>> -> memref<1x40x128xf32, #tpu.memory_space<vmem>>
      %dma_start3A_2163 = tpu.memref_squeeze %dma_start3A_2162 : memref<1x40x128xf32, #tpu.memory_space<vmem>> -> memref<40x128xf32, #tpu.memory_space<vmem>>
      %dma_start3A_2164 = arith.constant 0 : i32
      %dma_start3A_2165 = tpu.memref_slice %arg10[%sub3A_2157, %dma_start3A_2164] : memref<125x40xi32, #tpu.memory_space<vmem>> -> memref<1x40xi32, #tpu.memory_space<vmem>>
      %dma_start3A_2166 = tpu.memref_squeeze %dma_start3A_2165 : memref<1x40xi32, #tpu.memory_space<vmem>> -> memref<40xi32, #tpu.memory_space<vmem>>
      %dma_start3A_2167 = arith.constant 0 : i32
      %dma_start3A_2168 = arith.constant 0 : i32
      %dma_start3A_2169 = tpu.memref_slice %arg13[%dma_start3A_2167, %dma_start3A_2168] : memref<10240x128xf32, #tpu.memory_space<vmem_shared>> -> memref<10240x128xf32, #tpu.memory_space<vmem_shared>>
      %dma_start3A_2170 = tpu.memref_slice %arg16[%dma_start3A_2159] : memref<6x!tpu.dma_semaphore, #tpu.memory_space<semaphore_mem>> -> memref<1x!tpu.dma_semaphore, #tpu.memory_space<semaphore_mem>>
      %dma_start3A_2171 = tpu.memref_squeeze %dma_start3A_2170 : memref<1x!tpu.dma_semaphore, #tpu.memory_space<semaphore_mem>> -> memref<!tpu.dma_semaphore, #tpu.memory_space<semaphore_mem>>
      tpu.enqueue_indirect_dma source(%dma_start3A_2163 : memref<40x128xf32, #tpu.memory_space<vmem>>) target(%dma_start3A_2169 : memref<10240x128xf32, #tpu.memory_space<vmem_shared>>) offsets(%dma_start3A_2166 : memref<40xi32, #tpu.memory_space<vmem>>) semaphore(%dma_start3A_2171 : memref<!tpu.dma_semaphore, #tpu.memory_space<semaphore_mem>>) {add = true}
      %dma_start3A_2172 = arith.constant 5 : i32
      %dma_start3A_2173 = arith.constant 0 : i32
      %dma_start3A_2174 = tpu.memref_slice %arg10[%sub3A_2157, %dma_start3A_2173] : memref<125x40xi32, #tpu.memory_space<vmem>> -> memref<1x40xi32, #tpu.memory_space<vmem>>
      %dma_start3A_2175 = tpu.memref_squeeze %dma_start3A_2174 : memref<1x40xi32, #tpu.memory_space<vmem>> -> memref<40xi32, #tpu.memory_space<vmem>>
      %dma_start3A_2176 = arith.constant 0 : i32
      %dma_start3A_2177 = arith.constant 0 : i32
      %dma_start3A_2178 = tpu.memref_slice %arg14[%dma_start3A_2176, %dma_start3A_2177] : memref<10240x8xf32, #tpu.memory_space<vmem_shared>> -> memref<10240x8xf32, #tpu.memory_space<vmem_shared>>
      %dma_start3A_2179 = tpu.memref_slice %arg17[%dma_start3A_2172] : memref<6x!tpu.dma_semaphore, #tpu.memory_space<semaphore_mem>> -> memref<1x!tpu.dma_semaphore, #tpu.memory_space<semaphore_mem>>
      %dma_start3A_2180 = tpu.memref_squeeze %dma_start3A_2179 : memref<1x!tpu.dma_semaphore, #tpu.memory_space<semaphore_mem>> -> memref<!tpu.dma_semaphore, #tpu.memory_space<semaphore_mem>>
      tpu.enqueue_indirect_dma source(%arg12 : memref<40x8xf32, #tpu.memory_space<vmem>>) target(%dma_start3A_2178 : memref<10240x8xf32, #tpu.memory_space<vmem_shared>>) offsets(%dma_start3A_2175 : memref<40xi32, #tpu.memory_space<vmem>>) semaphore(%dma_start3A_2180 : memref<!tpu.dma_semaphore, #tpu.memory_space<semaphore_mem>>) {add = true}
      %add3A_2181 = arith.constant 4 : i32
      %add3A_2182 = arith.addi %add3A_1853, %add3A_2181 : i32
      %sub3A_2183 = arith.constant 6 : i32
      %sub3A_2184 = arith.subi %add3A_2182, %sub3A_2183 : i32
      %dma_wait3A_2185 = arith.constant 4 : i32
      %dma_wait3A_2186 = arith.constant 4 : i32
      %dma_wait3A_2187 = arith.constant 0 : i32
      %dma_wait3A_2188 = arith.constant 0 : i32
      %dma_wait3A_2189 = tpu.memref_slice %arg11[%dma_wait3A_2185, %dma_wait3A_2187, %dma_wait3A_2188] : memref<6x40x128xf32, #tpu.memory_space<vmem>> -> memref<1x40x128xf32, #tpu.memory_space<vmem>>
      %dma_wait3A_2190 = tpu.memref_squeeze %dma_wait3A_2189 : memref<1x40x128xf32, #tpu.memory_space<vmem>> -> memref<40x128xf32, #tpu.memory_space<vmem>>
      %dma_wait3A_2191 = arith.constant 0 : i32
      %dma_wait3A_2192 = tpu.memref_slice %arg10[%sub3A_2184, %dma_wait3A_2191] : memref<125x40xi32, #tpu.memory_space<vmem>> -> memref<1x40xi32, #tpu.memory_space<vmem>>
      %dma_wait3A_2193 = tpu.memref_squeeze %dma_wait3A_2192 : memref<1x40xi32, #tpu.memory_space<vmem>> -> memref<40xi32, #tpu.memory_space<vmem>>
      %dma_wait3A_2194 = arith.constant 0 : i32
      %dma_wait3A_2195 = arith.constant 0 : i32
      %dma_wait3A_2196 = tpu.memref_slice %arg13[%dma_wait3A_2194, %dma_wait3A_2195] : memref<10240x128xf32, #tpu.memory_space<vmem_shared>> -> memref<10240x128xf32, #tpu.memory_space<vmem_shared>>
      %dma_wait3A_2197 = tpu.memref_slice %arg16[%dma_wait3A_2186] : memref<6x!tpu.dma_semaphore, #tpu.memory_space<semaphore_mem>> -> memref<1x!tpu.dma_semaphore, #tpu.memory_space<semaphore_mem>>
      %dma_wait3A_2198 = tpu.memref_squeeze %dma_wait3A_2197 : memref<1x!tpu.dma_semaphore, #tpu.memory_space<semaphore_mem>> -> memref<!tpu.dma_semaphore, #tpu.memory_space<semaphore_mem>>
      tpu.wait_indirect_dma semaphore(%dma_wait3A_2198 : memref<!tpu.dma_semaphore, #tpu.memory_space<semaphore_mem>>) src(%dma_wait3A_2190 : memref<40x128xf32, #tpu.memory_space<vmem>>) dst(%dma_wait3A_2196 : memref<10240x128xf32, #tpu.memory_space<vmem_shared>>)
      %dma_wait3A_2199 = arith.constant 4 : i32
      %dma_wait3A_2200 = arith.constant 0 : i32
      %dma_wait3A_2201 = tpu.memref_slice %arg10[%sub3A_2184, %dma_wait3A_2200] : memref<125x40xi32, #tpu.memory_space<vmem>> -> memref<1x40xi32, #tpu.memory_space<vmem>>
      %dma_wait3A_2202 = tpu.memref_squeeze %dma_wait3A_2201 : memref<1x40xi32, #tpu.memory_space<vmem>> -> memref<40xi32, #tpu.memory_space<vmem>>
      %dma_wait3A_2203 = arith.constant 0 : i32
      %dma_wait3A_2204 = arith.constant 0 : i32
      %dma_wait3A_2205 = tpu.memref_slice %arg14[%dma_wait3A_2203, %dma_wait3A_2204] : memref<10240x8xf32, #tpu.memory_space<vmem_shared>> -> memref<10240x8xf32, #tpu.memory_space<vmem_shared>>
      %dma_wait3A_2206 = tpu.memref_slice %arg17[%dma_wait3A_2199] : memref<6x!tpu.dma_semaphore, #tpu.memory_space<semaphore_mem>> -> memref<1x!tpu.dma_semaphore, #tpu.memory_space<semaphore_mem>>
      %dma_wait3A_2207 = tpu.memref_squeeze %dma_wait3A_2206 : memref<1x!tpu.dma_semaphore, #tpu.memory_space<semaphore_mem>> -> memref<!tpu.dma_semaphore, #tpu.memory_space<semaphore_mem>>
      tpu.wait_indirect_dma semaphore(%dma_wait3A_2207 : memref<!tpu.dma_semaphore, #tpu.memory_space<semaphore_mem>>) src(%arg12 : memref<40x8xf32, #tpu.memory_space<vmem>>) dst(%dma_wait3A_2205 : memref<10240x8xf32, #tpu.memory_space<vmem_shared>>)
      %dma_start3A_2208 = arith.constant 4 : i32
      %dma_start3A_2209 = arith.constant 4 : i32
      %dma_start3A_2210 = arith.constant 0 : i32
      %dma_start3A_2211 = arith.constant 0 : i32
      %dma_start3A_2212 = tpu.memref_slice %arg11[%dma_start3A_2208, %dma_start3A_2210, %dma_start3A_2211] : memref<6x40x128xf32, #tpu.memory_space<vmem>> -> memref<1x40x128xf32, #tpu.memory_space<vmem>>
      %dma_start3A_2213 = tpu.memref_squeeze %dma_start3A_2212 : memref<1x40x128xf32, #tpu.memory_space<vmem>> -> memref<40x128xf32, #tpu.memory_space<vmem>>
      %dma_start3A_2214 = arith.constant 0 : i32
      %dma_start3A_2215 = tpu.memref_slice %arg9[%add3A_2182, %dma_start3A_2214] : memref<125x40xi32, #tpu.memory_space<vmem>> -> memref<1x40xi32, #tpu.memory_space<vmem>>
      %dma_start3A_2216 = tpu.memref_squeeze %dma_start3A_2215 : memref<1x40xi32, #tpu.memory_space<vmem>> -> memref<40xi32, #tpu.memory_space<vmem>>
      %dma_start3A_2217 = arith.constant 0 : i32
      %dma_start3A_2218 = arith.constant 0 : i32
      %dma_start3A_2219 = tpu.memref_slice %arg2[%dma_start3A_2217, %dma_start3A_2218] : memref<10000x128xf32, #tpu.memory_space<hbm>> -> memref<10000x128xf32, #tpu.memory_space<hbm>>
      %dma_start3A_2220 = tpu.memref_slice %arg15[%dma_start3A_2209] : memref<6x!tpu.dma_semaphore, #tpu.memory_space<semaphore_mem>> -> memref<1x!tpu.dma_semaphore, #tpu.memory_space<semaphore_mem>>
      %dma_start3A_2221 = tpu.memref_squeeze %dma_start3A_2220 : memref<1x!tpu.dma_semaphore, #tpu.memory_space<semaphore_mem>> -> memref<!tpu.dma_semaphore, #tpu.memory_space<semaphore_mem>>
      tpu.enqueue_indirect_dma source(%dma_start3A_2219 : memref<10000x128xf32, #tpu.memory_space<hbm>>) target(%dma_start3A_2213 : memref<40x128xf32, #tpu.memory_space<vmem>>) offsets(%dma_start3A_2216 : memref<40xi32, #tpu.memory_space<vmem>>) semaphore(%dma_start3A_2221 : memref<!tpu.dma_semaphore, #tpu.memory_space<semaphore_mem>>)
      %sub3A_2222 = arith.constant 4 : i32
      %sub3A_2223 = arith.subi %add3A_2182, %sub3A_2222 : i32
      %dma_wait3A_2224 = arith.constant 0 : i32
      %dma_wait3A_2225 = arith.constant 0 : i32
      %dma_wait3A_2226 = arith.constant 0 : i32
      %dma_wait3A_2227 = arith.constant 0 : i32
      %dma_wait3A_2228 = tpu.memref_slice %arg11[%dma_wait3A_2224, %dma_wait3A_2226, %dma_wait3A_2227] : memref<6x40x128xf32, #tpu.memory_space<vmem>> -> memref<1x40x128xf32, #tpu.memory_space<vmem>>
      %dma_wait3A_2229 = tpu.memref_squeeze %dma_wait3A_2228 : memref<1x40x128xf32, #tpu.memory_space<vmem>> -> memref<40x128xf32, #tpu.memory_space<vmem>>
      %dma_wait3A_2230 = arith.constant 0 : i32
      %dma_wait3A_2231 = tpu.memref_slice %arg9[%sub3A_2223, %dma_wait3A_2230] : memref<125x40xi32, #tpu.memory_space<vmem>> -> memref<1x40xi32, #tpu.memory_space<vmem>>
      %dma_wait3A_2232 = tpu.memref_squeeze %dma_wait3A_2231 : memref<1x40xi32, #tpu.memory_space<vmem>> -> memref<40xi32, #tpu.memory_space<vmem>>
      %dma_wait3A_2233 = arith.constant 0 : i32
      %dma_wait3A_2234 = arith.constant 0 : i32
      %dma_wait3A_2235 = tpu.memref_slice %arg2[%dma_wait3A_2233, %dma_wait3A_2234] : memref<10000x128xf32, #tpu.memory_space<hbm>> -> memref<10000x128xf32, #tpu.memory_space<hbm>>
      %dma_wait3A_2236 = tpu.memref_slice %arg15[%dma_wait3A_2225] : memref<6x!tpu.dma_semaphore, #tpu.memory_space<semaphore_mem>> -> memref<1x!tpu.dma_semaphore, #tpu.memory_space<semaphore_mem>>
      %dma_wait3A_2237 = tpu.memref_squeeze %dma_wait3A_2236 : memref<1x!tpu.dma_semaphore, #tpu.memory_space<semaphore_mem>> -> memref<!tpu.dma_semaphore, #tpu.memory_space<semaphore_mem>>
      tpu.wait_indirect_dma semaphore(%dma_wait3A_2237 : memref<!tpu.dma_semaphore, #tpu.memory_space<semaphore_mem>>) src(%dma_wait3A_2235 : memref<10000x128xf32, #tpu.memory_space<hbm>>) dst(%dma_wait3A_2229 : memref<40x128xf32, #tpu.memory_space<vmem>>)
      %sub3A_2238 = arith.constant 4 : i32
      %sub3A_2239 = arith.subi %add3A_2182, %sub3A_2238 : i32
      %dma_start3A_2240 = arith.constant 0 : i32
      %dma_start3A_2241 = arith.constant 0 : i32
      %dma_start3A_2242 = arith.constant 0 : i32
      %dma_start3A_2243 = arith.constant 0 : i32
      %dma_start3A_2244 = tpu.memref_slice %arg11[%dma_start3A_2240, %dma_start3A_2242, %dma_start3A_2243] : memref<6x40x128xf32, #tpu.memory_space<vmem>> -> memref<1x40x128xf32, #tpu.memory_space<vmem>>
      %dma_start3A_2245 = tpu.memref_squeeze %dma_start3A_2244 : memref<1x40x128xf32, #tpu.memory_space<vmem>> -> memref<40x128xf32, #tpu.memory_space<vmem>>
      %dma_start3A_2246 = arith.constant 0 : i32
      %dma_start3A_2247 = tpu.memref_slice %arg10[%sub3A_2239, %dma_start3A_2246] : memref<125x40xi32, #tpu.memory_space<vmem>> -> memref<1x40xi32, #tpu.memory_space<vmem>>
      %dma_start3A_2248 = tpu.memref_squeeze %dma_start3A_2247 : memref<1x40xi32, #tpu.memory_space<vmem>> -> memref<40xi32, #tpu.memory_space<vmem>>
      %dma_start3A_2249 = arith.constant 0 : i32
      %dma_start3A_2250 = arith.constant 0 : i32
      %dma_start3A_2251 = tpu.memref_slice %arg13[%dma_start3A_2249, %dma_start3A_2250] : memref<10240x128xf32, #tpu.memory_space<vmem_shared>> -> memref<10240x128xf32, #tpu.memory_space<vmem_shared>>
      %dma_start3A_2252 = tpu.memref_slice %arg16[%dma_start3A_2241] : memref<6x!tpu.dma_semaphore, #tpu.memory_space<semaphore_mem>> -> memref<1x!tpu.dma_semaphore, #tpu.memory_space<semaphore_mem>>
      %dma_start3A_2253 = tpu.memref_squeeze %dma_start3A_2252 : memref<1x!tpu.dma_semaphore, #tpu.memory_space<semaphore_mem>> -> memref<!tpu.dma_semaphore, #tpu.memory_space<semaphore_mem>>
      tpu.enqueue_indirect_dma source(%dma_start3A_2245 : memref<40x128xf32, #tpu.memory_space<vmem>>) target(%dma_start3A_2251 : memref<10240x128xf32, #tpu.memory_space<vmem_shared>>) offsets(%dma_start3A_2248 : memref<40xi32, #tpu.memory_space<vmem>>) semaphore(%dma_start3A_2253 : memref<!tpu.dma_semaphore, #tpu.memory_space<semaphore_mem>>) {add = true}
      %dma_start3A_2254 = arith.constant 0 : i32
      %dma_start3A_2255 = arith.constant 0 : i32
      %dma_start3A_2256 = tpu.memref_slice %arg10[%sub3A_2239, %dma_start3A_2255] : memref<125x40xi32, #tpu.memory_space<vmem>> -> memref<1x40xi32, #tpu.memory_space<vmem>>
      %dma_start3A_2257 = tpu.memref_squeeze %dma_start3A_2256 : memref<1x40xi32, #tpu.memory_space<vmem>> -> memref<40xi32, #tpu.memory_space<vmem>>
      %dma_start3A_2258 = arith.constant 0 : i32
      %dma_start3A_2259 = arith.constant 0 : i32
      %dma_start3A_2260 = tpu.memref_slice %arg14[%dma_start3A_2258, %dma_start3A_2259] : memref<10240x8xf32, #tpu.memory_space<vmem_shared>> -> memref<10240x8xf32, #tpu.memory_space<vmem_shared>>
      %dma_start3A_2261 = tpu.memref_slice %arg17[%dma_start3A_2254] : memref<6x!tpu.dma_semaphore, #tpu.memory_space<semaphore_mem>> -> memref<1x!tpu.dma_semaphore, #tpu.memory_space<semaphore_mem>>
      %dma_start3A_2262 = tpu.memref_squeeze %dma_start3A_2261 : memref<1x!tpu.dma_semaphore, #tpu.memory_space<semaphore_mem>> -> memref<!tpu.dma_semaphore, #tpu.memory_space<semaphore_mem>>
      tpu.enqueue_indirect_dma source(%arg12 : memref<40x8xf32, #tpu.memory_space<vmem>>) target(%dma_start3A_2260 : memref<10240x8xf32, #tpu.memory_space<vmem_shared>>) offsets(%dma_start3A_2257 : memref<40xi32, #tpu.memory_space<vmem>>) semaphore(%dma_start3A_2262 : memref<!tpu.dma_semaphore, #tpu.memory_space<semaphore_mem>>) {add = true}
      %add3A_2263 = arith.constant 5 : i32
      %add3A_2264 = arith.addi %add3A_1853, %add3A_2263 : i32
      %sub3A_2265 = arith.constant 6 : i32
      %sub3A_2266 = arith.subi %add3A_2264, %sub3A_2265 : i32
      %dma_wait3A_2267 = arith.constant 5 : i32
      %dma_wait3A_2268 = arith.constant 5 : i32
      %dma_wait3A_2269 = arith.constant 0 : i32
      %dma_wait3A_2270 = arith.constant 0 : i32
      %dma_wait3A_2271 = tpu.memref_slice %arg11[%dma_wait3A_2267, %dma_wait3A_2269, %dma_wait3A_2270] : memref<6x40x128xf32, #tpu.memory_space<vmem>> -> memref<1x40x128xf32, #tpu.memory_space<vmem>>
      %dma_wait3A_2272 = tpu.memref_squeeze %dma_wait3A_2271 : memref<1x40x128xf32, #tpu.memory_space<vmem>> -> memref<40x128xf32, #tpu.memory_space<vmem>>
      %dma_wait3A_2273 = arith.constant 0 : i32
      %dma_wait3A_2274 = tpu.memref_slice %arg10[%sub3A_2266, %dma_wait3A_2273] : memref<125x40xi32, #tpu.memory_space<vmem>> -> memref<1x40xi32, #tpu.memory_space<vmem>>
      %dma_wait3A_2275 = tpu.memref_squeeze %dma_wait3A_2274 : memref<1x40xi32, #tpu.memory_space<vmem>> -> memref<40xi32, #tpu.memory_space<vmem>>
      %dma_wait3A_2276 = arith.constant 0 : i32
      %dma_wait3A_2277 = arith.constant 0 : i32
      %dma_wait3A_2278 = tpu.memref_slice %arg13[%dma_wait3A_2276, %dma_wait3A_2277] : memref<10240x128xf32, #tpu.memory_space<vmem_shared>> -> memref<10240x128xf32, #tpu.memory_space<vmem_shared>>
      %dma_wait3A_2279 = tpu.memref_slice %arg16[%dma_wait3A_2268] : memref<6x!tpu.dma_semaphore, #tpu.memory_space<semaphore_mem>> -> memref<1x!tpu.dma_semaphore, #tpu.memory_space<semaphore_mem>>
      %dma_wait3A_2280 = tpu.memref_squeeze %dma_wait3A_2279 : memref<1x!tpu.dma_semaphore, #tpu.memory_space<semaphore_mem>> -> memref<!tpu.dma_semaphore, #tpu.memory_space<semaphore_mem>>
      tpu.wait_indirect_dma semaphore(%dma_wait3A_2280 : memref<!tpu.dma_semaphore, #tpu.memory_space<semaphore_mem>>) src(%dma_wait3A_2272 : memref<40x128xf32, #tpu.memory_space<vmem>>) dst(%dma_wait3A_2278 : memref<10240x128xf32, #tpu.memory_space<vmem_shared>>)
      %dma_wait3A_2281 = arith.constant 5 : i32
      %dma_wait3A_2282 = arith.constant 0 : i32
      %dma_wait3A_2283 = tpu.memref_slice %arg10[%sub3A_2266, %dma_wait3A_2282] : memref<125x40xi32, #tpu.memory_space<vmem>> -> memref<1x40xi32, #tpu.memory_space<vmem>>
      %dma_wait3A_2284 = tpu.memref_squeeze %dma_wait3A_2283 : memref<1x40xi32, #tpu.memory_space<vmem>> -> memref<40xi32, #tpu.memory_space<vmem>>
      %dma_wait3A_2285 = arith.constant 0 : i32
      %dma_wait3A_2286 = arith.constant 0 : i32
      %dma_wait3A_2287 = tpu.memref_slice %arg14[%dma_wait3A_2285, %dma_wait3A_2286] : memref<10240x8xf32, #tpu.memory_space<vmem_shared>> -> memref<10240x8xf32, #tpu.memory_space<vmem_shared>>
      %dma_wait3A_2288 = tpu.memref_slice %arg17[%dma_wait3A_2281] : memref<6x!tpu.dma_semaphore, #tpu.memory_space<semaphore_mem>> -> memref<1x!tpu.dma_semaphore, #tpu.memory_space<semaphore_mem>>
      %dma_wait3A_2289 = tpu.memref_squeeze %dma_wait3A_2288 : memref<1x!tpu.dma_semaphore, #tpu.memory_space<semaphore_mem>> -> memref<!tpu.dma_semaphore, #tpu.memory_space<semaphore_mem>>
      tpu.wait_indirect_dma semaphore(%dma_wait3A_2289 : memref<!tpu.dma_semaphore, #tpu.memory_space<semaphore_mem>>) src(%arg12 : memref<40x8xf32, #tpu.memory_space<vmem>>) dst(%dma_wait3A_2287 : memref<10240x8xf32, #tpu.memory_space<vmem_shared>>)
      %dma_start3A_2290 = arith.constant 5 : i32
      %dma_start3A_2291 = arith.constant 5 : i32
      %dma_start3A_2292 = arith.constant 0 : i32
      %dma_start3A_2293 = arith.constant 0 : i32
      %dma_start3A_2294 = tpu.memref_slice %arg11[%dma_start3A_2290, %dma_start3A_2292, %dma_start3A_2293] : memref<6x40x128xf32, #tpu.memory_space<vmem>> -> memref<1x40x128xf32, #tpu.memory_space<vmem>>
      %dma_start3A_2295 = tpu.memref_squeeze %dma_start3A_2294 : memref<1x40x128xf32, #tpu.memory_space<vmem>> -> memref<40x128xf32, #tpu.memory_space<vmem>>
      %dma_start3A_2296 = arith.constant 0 : i32
      %dma_start3A_2297 = tpu.memref_slice %arg9[%add3A_2264, %dma_start3A_2296] : memref<125x40xi32, #tpu.memory_space<vmem>> -> memref<1x40xi32, #tpu.memory_space<vmem>>
      %dma_start3A_2298 = tpu.memref_squeeze %dma_start3A_2297 : memref<1x40xi32, #tpu.memory_space<vmem>> -> memref<40xi32, #tpu.memory_space<vmem>>
      %dma_start3A_2299 = arith.constant 0 : i32
      %dma_start3A_2300 = arith.constant 0 : i32
      %dma_start3A_2301 = tpu.memref_slice %arg2[%dma_start3A_2299, %dma_start3A_2300] : memref<10000x128xf32, #tpu.memory_space<hbm>> -> memref<10000x128xf32, #tpu.memory_space<hbm>>
      %dma_start3A_2302 = tpu.memref_slice %arg15[%dma_start3A_2291] : memref<6x!tpu.dma_semaphore, #tpu.memory_space<semaphore_mem>> -> memref<1x!tpu.dma_semaphore, #tpu.memory_space<semaphore_mem>>
      %dma_start3A_2303 = tpu.memref_squeeze %dma_start3A_2302 : memref<1x!tpu.dma_semaphore, #tpu.memory_space<semaphore_mem>> -> memref<!tpu.dma_semaphore, #tpu.memory_space<semaphore_mem>>
      tpu.enqueue_indirect_dma source(%dma_start3A_2301 : memref<10000x128xf32, #tpu.memory_space<hbm>>) target(%dma_start3A_2295 : memref<40x128xf32, #tpu.memory_space<vmem>>) offsets(%dma_start3A_2298 : memref<40xi32, #tpu.memory_space<vmem>>) semaphore(%dma_start3A_2303 : memref<!tpu.dma_semaphore, #tpu.memory_space<semaphore_mem>>)
      %sub3A_2304 = arith.constant 4 : i32
      %sub3A_2305 = arith.subi %add3A_2264, %sub3A_2304 : i32
      %dma_wait3A_2306 = arith.constant 1 : i32
      %dma_wait3A_2307 = arith.constant 1 : i32
      %dma_wait3A_2308 = arith.constant 0 : i32
      %dma_wait3A_2309 = arith.constant 0 : i32
      %dma_wait3A_2310 = tpu.memref_slice %arg11[%dma_wait3A_2306, %dma_wait3A_2308, %dma_wait3A_2309] : memref<6x40x128xf32, #tpu.memory_space<vmem>> -> memref<1x40x128xf32, #tpu.memory_space<vmem>>
      %dma_wait3A_2311 = tpu.memref_squeeze %dma_wait3A_2310 : memref<1x40x128xf32, #tpu.memory_space<vmem>> -> memref<40x128xf32, #tpu.memory_space<vmem>>
      %dma_wait3A_2312 = arith.constant 0 : i32
      %dma_wait3A_2313 = tpu.memref_slice %arg9[%sub3A_2305, %dma_wait3A_2312] : memref<125x40xi32, #tpu.memory_space<vmem>> -> memref<1x40xi32, #tpu.memory_space<vmem>>
      %dma_wait3A_2314 = tpu.memref_squeeze %dma_wait3A_2313 : memref<1x40xi32, #tpu.memory_space<vmem>> -> memref<40xi32, #tpu.memory_space<vmem>>
      %dma_wait3A_2315 = arith.constant 0 : i32
      %dma_wait3A_2316 = arith.constant 0 : i32
      %dma_wait3A_2317 = tpu.memref_slice %arg2[%dma_wait3A_2315, %dma_wait3A_2316] : memref<10000x128xf32, #tpu.memory_space<hbm>> -> memref<10000x128xf32, #tpu.memory_space<hbm>>
      %dma_wait3A_2318 = tpu.memref_slice %arg15[%dma_wait3A_2307] : memref<6x!tpu.dma_semaphore, #tpu.memory_space<semaphore_mem>> -> memref<1x!tpu.dma_semaphore, #tpu.memory_space<semaphore_mem>>
      %dma_wait3A_2319 = tpu.memref_squeeze %dma_wait3A_2318 : memref<1x!tpu.dma_semaphore, #tpu.memory_space<semaphore_mem>> -> memref<!tpu.dma_semaphore, #tpu.memory_space<semaphore_mem>>
      tpu.wait_indirect_dma semaphore(%dma_wait3A_2319 : memref<!tpu.dma_semaphore, #tpu.memory_space<semaphore_mem>>) src(%dma_wait3A_2317 : memref<10000x128xf32, #tpu.memory_space<hbm>>) dst(%dma_wait3A_2311 : memref<40x128xf32, #tpu.memory_space<vmem>>)
      %sub3A_2320 = arith.constant 4 : i32
      %sub3A_2321 = arith.subi %add3A_2264, %sub3A_2320 : i32
      %dma_start3A_2322 = arith.constant 1 : i32
      %dma_start3A_2323 = arith.constant 1 : i32
      %dma_start3A_2324 = arith.constant 0 : i32
      %dma_start3A_2325 = arith.constant 0 : i32
      %dma_start3A_2326 = tpu.memref_slice %arg11[%dma_start3A_2322, %dma_start3A_2324, %dma_start3A_2325] : memref<6x40x128xf32, #tpu.memory_space<vmem>> -> memref<1x40x128xf32, #tpu.memory_space<vmem>>
      %dma_start3A_2327 = tpu.memref_squeeze %dma_start3A_2326 : memref<1x40x128xf32, #tpu.memory_space<vmem>> -> memref<40x128xf32, #tpu.memory_space<vmem>>
      %dma_start3A_2328 = arith.constant 0 : i32
      %dma_start3A_2329 = tpu.memref_slice %arg10[%sub3A_2321, %dma_start3A_2328] : memref<125x40xi32, #tpu.memory_space<vmem>> -> memref<1x40xi32, #tpu.memory_space<vmem>>
      %dma_start3A_2330 = tpu.memref_squeeze %dma_start3A_2329 : memref<1x40xi32, #tpu.memory_space<vmem>> -> memref<40xi32, #tpu.memory_space<vmem>>
      %dma_start3A_2331 = arith.constant 0 : i32
      %dma_start3A_2332 = arith.constant 0 : i32
      %dma_start3A_2333 = tpu.memref_slice %arg13[%dma_start3A_2331, %dma_start3A_2332] : memref<10240x128xf32, #tpu.memory_space<vmem_shared>> -> memref<10240x128xf32, #tpu.memory_space<vmem_shared>>
      %dma_start3A_2334 = tpu.memref_slice %arg16[%dma_start3A_2323] : memref<6x!tpu.dma_semaphore, #tpu.memory_space<semaphore_mem>> -> memref<1x!tpu.dma_semaphore, #tpu.memory_space<semaphore_mem>>
      %dma_start3A_2335 = tpu.memref_squeeze %dma_start3A_2334 : memref<1x!tpu.dma_semaphore, #tpu.memory_space<semaphore_mem>> -> memref<!tpu.dma_semaphore, #tpu.memory_space<semaphore_mem>>
      tpu.enqueue_indirect_dma source(%dma_start3A_2327 : memref<40x128xf32, #tpu.memory_space<vmem>>) target(%dma_start3A_2333 : memref<10240x128xf32, #tpu.memory_space<vmem_shared>>) offsets(%dma_start3A_2330 : memref<40xi32, #tpu.memory_space<vmem>>) semaphore(%dma_start3A_2335 : memref<!tpu.dma_semaphore, #tpu.memory_space<semaphore_mem>>) {add = true}
      %dma_start3A_2336 = arith.constant 1 : i32
      %dma_start3A_2337 = arith.constant 0 : i32
      %dma_start3A_2338 = tpu.memref_slice %arg10[%sub3A_2321, %dma_start3A_2337] : memref<125x40xi32, #tpu.memory_space<vmem>> -> memref<1x40xi32, #tpu.memory_space<vmem>>
      %dma_start3A_2339 = tpu.memref_squeeze %dma_start3A_2338 : memref<1x40xi32, #tpu.memory_space<vmem>> -> memref<40xi32, #tpu.memory_space<vmem>>
      %dma_start3A_2340 = arith.constant 0 : i32
      %dma_start3A_2341 = arith.constant 0 : i32
      %dma_start3A_2342 = tpu.memref_slice %arg14[%dma_start3A_2340, %dma_start3A_2341] : memref<10240x8xf32, #tpu.memory_space<vmem_shared>> -> memref<10240x8xf32, #tpu.memory_space<vmem_shared>>
      %dma_start3A_2343 = tpu.memref_slice %arg17[%dma_start3A_2336] : memref<6x!tpu.dma_semaphore, #tpu.memory_space<semaphore_mem>> -> memref<1x!tpu.dma_semaphore, #tpu.memory_space<semaphore_mem>>
      %dma_start3A_2344 = tpu.memref_squeeze %dma_start3A_2343 : memref<1x!tpu.dma_semaphore, #tpu.memory_space<semaphore_mem>> -> memref<!tpu.dma_semaphore, #tpu.memory_space<semaphore_mem>>
      tpu.enqueue_indirect_dma source(%arg12 : memref<40x8xf32, #tpu.memory_space<vmem>>) target(%dma_start3A_2342 : memref<10240x8xf32, #tpu.memory_space<vmem_shared>>) offsets(%dma_start3A_2339 : memref<40xi32, #tpu.memory_space<vmem>>) semaphore(%dma_start3A_2344 : memref<!tpu.dma_semaphore, #tpu.memory_space<semaphore_mem>>) {add = true}
      %scan3A_2345 = arith.constant 0 : i32
      scf.yield %scan3A_2345 : i32
    }
    %scan3A_244 = arith.constant 19 : i32
    %dma_wait3A_245 = arith.constant 0 : i32
    %dma_wait3A_246 = arith.constant 114 : i32
    %dma_wait3A_247 = arith.constant 0 : i32
    %dma_wait3A_248 = arith.constant 0 : i32
    %dma_wait3A_249 = arith.constant 0 : i32
    %dma_wait3A_250 = tpu.memref_slice %arg11[%dma_wait3A_245, %dma_wait3A_248, %dma_wait3A_249] : memref<6x40x128xf32, #tpu.memory_space<vmem>> -> memref<1x40x128xf32, #tpu.memory_space<vmem>>
    %dma_wait3A_251 = tpu.memref_squeeze %dma_wait3A_250 : memref<1x40x128xf32, #tpu.memory_space<vmem>> -> memref<40x128xf32, #tpu.memory_space<vmem>>
    %dma_wait3A_252 = arith.constant 0 : i32
    %dma_wait3A_253 = tpu.memref_slice %arg10[%dma_wait3A_246, %dma_wait3A_252] : memref<125x40xi32, #tpu.memory_space<vmem>> -> memref<1x40xi32, #tpu.memory_space<vmem>>
    %dma_wait3A_254 = tpu.memref_squeeze %dma_wait3A_253 : memref<1x40xi32, #tpu.memory_space<vmem>> -> memref<40xi32, #tpu.memory_space<vmem>>
    %dma_wait3A_255 = arith.constant 0 : i32
    %dma_wait3A_256 = arith.constant 0 : i32
    %dma_wait3A_257 = tpu.memref_slice %arg13[%dma_wait3A_255, %dma_wait3A_256] : memref<10240x128xf32, #tpu.memory_space<vmem_shared>> -> memref<10240x128xf32, #tpu.memory_space<vmem_shared>>
    %dma_wait3A_258 = tpu.memref_slice %arg16[%dma_wait3A_247] : memref<6x!tpu.dma_semaphore, #tpu.memory_space<semaphore_mem>> -> memref<1x!tpu.dma_semaphore, #tpu.memory_space<semaphore_mem>>
    %dma_wait3A_259 = tpu.memref_squeeze %dma_wait3A_258 : memref<1x!tpu.dma_semaphore, #tpu.memory_space<semaphore_mem>> -> memref<!tpu.dma_semaphore, #tpu.memory_space<semaphore_mem>>
    tpu.wait_indirect_dma semaphore(%dma_wait3A_259 : memref<!tpu.dma_semaphore, #tpu.memory_space<semaphore_mem>>) src(%dma_wait3A_251 : memref<40x128xf32, #tpu.memory_space<vmem>>) dst(%dma_wait3A_257 : memref<10240x128xf32, #tpu.memory_space<vmem_shared>>)
    %dma_wait3A_260 = arith.constant 114 : i32
    %dma_wait3A_261 = arith.constant 0 : i32
    %dma_wait3A_262 = arith.constant 0 : i32
    %dma_wait3A_263 = tpu.memref_slice %arg10[%dma_wait3A_260, %dma_wait3A_262] : memref<125x40xi32, #tpu.memory_space<vmem>> -> memref<1x40xi32, #tpu.memory_space<vmem>>
    %dma_wait3A_264 = tpu.memref_squeeze %dma_wait3A_263 : memref<1x40xi32, #tpu.memory_space<vmem>> -> memref<40xi32, #tpu.memory_space<vmem>>
    %dma_wait3A_265 = arith.constant 0 : i32
    %dma_wait3A_266 = arith.constant 0 : i32
    %dma_wait3A_267 = tpu.memref_slice %arg14[%dma_wait3A_265, %dma_wait3A_266] : memref<10240x8xf32, #tpu.memory_space<vmem_shared>> -> memref<10240x8xf32, #tpu.memory_space<vmem_shared>>
    %dma_wait3A_268 = tpu.memref_slice %arg17[%dma_wait3A_261] : memref<6x!tpu.dma_semaphore, #tpu.memory_space<semaphore_mem>> -> memref<1x!tpu.dma_semaphore, #tpu.memory_space<semaphore_mem>>
    %dma_wait3A_269 = tpu.memref_squeeze %dma_wait3A_268 : memref<1x!tpu.dma_semaphore, #tpu.memory_space<semaphore_mem>> -> memref<!tpu.dma_semaphore, #tpu.memory_space<semaphore_mem>>
    tpu.wait_indirect_dma semaphore(%dma_wait3A_269 : memref<!tpu.dma_semaphore, #tpu.memory_space<semaphore_mem>>) src(%arg12 : memref<40x8xf32, #tpu.memory_space<vmem>>) dst(%dma_wait3A_267 : memref<10240x8xf32, #tpu.memory_space<vmem_shared>>)
    %dma_start3A_270 = arith.constant 120 : i32
    %dma_start3A_271 = arith.constant 0 : i32
    %dma_start3A_272 = arith.constant 0 : i32
    %dma_start3A_273 = arith.constant 0 : i32
    %dma_start3A_274 = arith.constant 0 : i32
    %dma_start3A_275 = tpu.memref_slice %arg11[%dma_start3A_271, %dma_start3A_273, %dma_start3A_274] : memref<6x40x128xf32, #tpu.memory_space<vmem>> -> memref<1x40x128xf32, #tpu.memory_space<vmem>>
    %dma_start3A_276 = tpu.memref_squeeze %dma_start3A_275 : memref<1x40x128xf32, #tpu.memory_space<vmem>> -> memref<40x128xf32, #tpu.memory_space<vmem>>
    %dma_start3A_277 = arith.constant 0 : i32
    %dma_start3A_278 = tpu.memref_slice %arg9[%dma_start3A_270, %dma_start3A_277] : memref<125x40xi32, #tpu.memory_space<vmem>> -> memref<1x40xi32, #tpu.memory_space<vmem>>
    %dma_start3A_279 = tpu.memref_squeeze %dma_start3A_278 : memref<1x40xi32, #tpu.memory_space<vmem>> -> memref<40xi32, #tpu.memory_space<vmem>>
    %dma_start3A_280 = arith.constant 0 : i32
    %dma_start3A_281 = arith.constant 0 : i32
    %dma_start3A_282 = tpu.memref_slice %arg2[%dma_start3A_280, %dma_start3A_281] : memref<10000x128xf32, #tpu.memory_space<hbm>> -> memref<10000x128xf32, #tpu.memory_space<hbm>>
    %dma_start3A_283 = tpu.memref_slice %arg15[%dma_start3A_272] : memref<6x!tpu.dma_semaphore, #tpu.memory_space<semaphore_mem>> -> memref<1x!tpu.dma_semaphore, #tpu.memory_space<semaphore_mem>>
    %dma_start3A_284 = tpu.memref_squeeze %dma_start3A_283 : memref<1x!tpu.dma_semaphore, #tpu.memory_space<semaphore_mem>> -> memref<!tpu.dma_semaphore, #tpu.memory_space<semaphore_mem>>
    tpu.enqueue_indirect_dma source(%dma_start3A_282 : memref<10000x128xf32, #tpu.memory_space<hbm>>) target(%dma_start3A_276 : memref<40x128xf32, #tpu.memory_space<vmem>>) offsets(%dma_start3A_279 : memref<40xi32, #tpu.memory_space<vmem>>) semaphore(%dma_start3A_284 : memref<!tpu.dma_semaphore, #tpu.memory_space<semaphore_mem>>)
    %dma_wait3A_285 = arith.constant 116 : i32
    %dma_wait3A_286 = arith.constant 2 : i32
    %dma_wait3A_287 = arith.constant 2 : i32
    %dma_wait3A_288 = arith.constant 0 : i32
    %dma_wait3A_289 = arith.constant 0 : i32
    %dma_wait3A_290 = tpu.memref_slice %arg11[%dma_wait3A_286, %dma_wait3A_288, %dma_wait3A_289] : memref<6x40x128xf32, #tpu.memory_space<vmem>> -> memref<1x40x128xf32, #tpu.memory_space<vmem>>
    %dma_wait3A_291 = tpu.memref_squeeze %dma_wait3A_290 : memref<1x40x128xf32, #tpu.memory_space<vmem>> -> memref<40x128xf32, #tpu.memory_space<vmem>>
    %dma_wait3A_292 = arith.constant 0 : i32
    %dma_wait3A_293 = tpu.memref_slice %arg9[%dma_wait3A_285, %dma_wait3A_292] : memref<125x40xi32, #tpu.memory_space<vmem>> -> memref<1x40xi32, #tpu.memory_space<vmem>>
    %dma_wait3A_294 = tpu.memref_squeeze %dma_wait3A_293 : memref<1x40xi32, #tpu.memory_space<vmem>> -> memref<40xi32, #tpu.memory_space<vmem>>
    %dma_wait3A_295 = arith.constant 0 : i32
    %dma_wait3A_296 = arith.constant 0 : i32
    %dma_wait3A_297 = tpu.memref_slice %arg2[%dma_wait3A_295, %dma_wait3A_296] : memref<10000x128xf32, #tpu.memory_space<hbm>> -> memref<10000x128xf32, #tpu.memory_space<hbm>>
    %dma_wait3A_298 = tpu.memref_slice %arg15[%dma_wait3A_287] : memref<6x!tpu.dma_semaphore, #tpu.memory_space<semaphore_mem>> -> memref<1x!tpu.dma_semaphore, #tpu.memory_space<semaphore_mem>>
    %dma_wait3A_299 = tpu.memref_squeeze %dma_wait3A_298 : memref<1x!tpu.dma_semaphore, #tpu.memory_space<semaphore_mem>> -> memref<!tpu.dma_semaphore, #tpu.memory_space<semaphore_mem>>
    tpu.wait_indirect_dma semaphore(%dma_wait3A_299 : memref<!tpu.dma_semaphore, #tpu.memory_space<semaphore_mem>>) src(%dma_wait3A_297 : memref<10000x128xf32, #tpu.memory_space<hbm>>) dst(%dma_wait3A_291 : memref<40x128xf32, #tpu.memory_space<vmem>>)
    %dma_start3A_300 = arith.constant 2 : i32
    %dma_start3A_301 = arith.constant 116 : i32
    %dma_start3A_302 = arith.constant 2 : i32
    %dma_start3A_303 = arith.constant 0 : i32
    %dma_start3A_304 = arith.constant 0 : i32
    %dma_start3A_305 = tpu.memref_slice %arg11[%dma_start3A_300, %dma_start3A_303, %dma_start3A_304] : memref<6x40x128xf32, #tpu.memory_space<vmem>> -> memref<1x40x128xf32, #tpu.memory_space<vmem>>
    %dma_start3A_306 = tpu.memref_squeeze %dma_start3A_305 : memref<1x40x128xf32, #tpu.memory_space<vmem>> -> memref<40x128xf32, #tpu.memory_space<vmem>>
    %dma_start3A_307 = arith.constant 0 : i32
    %dma_start3A_308 = tpu.memref_slice %arg10[%dma_start3A_301, %dma_start3A_307] : memref<125x40xi32, #tpu.memory_space<vmem>> -> memref<1x40xi32, #tpu.memory_space<vmem>>
    %dma_start3A_309 = tpu.memref_squeeze %dma_start3A_308 : memref<1x40xi32, #tpu.memory_space<vmem>> -> memref<40xi32, #tpu.memory_space<vmem>>
    %dma_start3A_310 = arith.constant 0 : i32
    %dma_start3A_311 = arith.constant 0 : i32
    %dma_start3A_312 = tpu.memref_slice %arg13[%dma_start3A_310, %dma_start3A_311] : memref<10240x128xf32, #tpu.memory_space<vmem_shared>> -> memref<10240x128xf32, #tpu.memory_space<vmem_shared>>
    %dma_start3A_313 = tpu.memref_slice %arg16[%dma_start3A_302] : memref<6x!tpu.dma_semaphore, #tpu.memory_space<semaphore_mem>> -> memref<1x!tpu.dma_semaphore, #tpu.memory_space<semaphore_mem>>
    %dma_start3A_314 = tpu.memref_squeeze %dma_start3A_313 : memref<1x!tpu.dma_semaphore, #tpu.memory_space<semaphore_mem>> -> memref<!tpu.dma_semaphore, #tpu.memory_space<semaphore_mem>>
    tpu.enqueue_indirect_dma source(%dma_start3A_306 : memref<40x128xf32, #tpu.memory_space<vmem>>) target(%dma_start3A_312 : memref<10240x128xf32, #tpu.memory_space<vmem_shared>>) offsets(%dma_start3A_309 : memref<40xi32, #tpu.memory_space<vmem>>) semaphore(%dma_start3A_314 : memref<!tpu.dma_semaphore, #tpu.memory_space<semaphore_mem>>) {add = true}
    %dma_start3A_315 = arith.constant 116 : i32
    %dma_start3A_316 = arith.constant 2 : i32
    %dma_start3A_317 = arith.constant 0 : i32
    %dma_start3A_318 = tpu.memref_slice %arg10[%dma_start3A_315, %dma_start3A_317] : memref<125x40xi32, #tpu.memory_space<vmem>> -> memref<1x40xi32, #tpu.memory_space<vmem>>
    %dma_start3A_319 = tpu.memref_squeeze %dma_start3A_318 : memref<1x40xi32, #tpu.memory_space<vmem>> -> memref<40xi32, #tpu.memory_space<vmem>>
    %dma_start3A_320 = arith.constant 0 : i32
    %dma_start3A_321 = arith.constant 0 : i32
    %dma_start3A_322 = tpu.memref_slice %arg14[%dma_start3A_320, %dma_start3A_321] : memref<10240x8xf32, #tpu.memory_space<vmem_shared>> -> memref<10240x8xf32, #tpu.memory_space<vmem_shared>>
    %dma_start3A_323 = tpu.memref_slice %arg17[%dma_start3A_316] : memref<6x!tpu.dma_semaphore, #tpu.memory_space<semaphore_mem>> -> memref<1x!tpu.dma_semaphore, #tpu.memory_space<semaphore_mem>>
    %dma_start3A_324 = tpu.memref_squeeze %dma_start3A_323 : memref<1x!tpu.dma_semaphore, #tpu.memory_space<semaphore_mem>> -> memref<!tpu.dma_semaphore, #tpu.memory_space<semaphore_mem>>
    tpu.enqueue_indirect_dma source(%arg12 : memref<40x8xf32, #tpu.memory_space<vmem>>) target(%dma_start3A_322 : memref<10240x8xf32, #tpu.memory_space<vmem_shared>>) offsets(%dma_start3A_319 : memref<40xi32, #tpu.memory_space<vmem>>) semaphore(%dma_start3A_324 : memref<!tpu.dma_semaphore, #tpu.memory_space<semaphore_mem>>) {add = true}
    %dma_wait3A_325 = arith.constant 1 : i32
    %dma_wait3A_326 = arith.constant 115 : i32
    %dma_wait3A_327 = arith.constant 1 : i32
    %dma_wait3A_328 = arith.constant 0 : i32
    %dma_wait3A_329 = arith.constant 0 : i32
    %dma_wait3A_330 = tpu.memref_slice %arg11[%dma_wait3A_325, %dma_wait3A_328, %dma_wait3A_329] : memref<6x40x128xf32, #tpu.memory_space<vmem>> -> memref<1x40x128xf32, #tpu.memory_space<vmem>>
    %dma_wait3A_331 = tpu.memref_squeeze %dma_wait3A_330 : memref<1x40x128xf32, #tpu.memory_space<vmem>> -> memref<40x128xf32, #tpu.memory_space<vmem>>
    %dma_wait3A_332 = arith.constant 0 : i32
    %dma_wait3A_333 = tpu.memref_slice %arg10[%dma_wait3A_326, %dma_wait3A_332] : memref<125x40xi32, #tpu.memory_space<vmem>> -> memref<1x40xi32, #tpu.memory_space<vmem>>
    %dma_wait3A_334 = tpu.memref_squeeze %dma_wait3A_333 : memref<1x40xi32, #tpu.memory_space<vmem>> -> memref<40xi32, #tpu.memory_space<vmem>>
    %dma_wait3A_335 = arith.constant 0 : i32
    %dma_wait3A_336 = arith.constant 0 : i32
    %dma_wait3A_337 = tpu.memref_slice %arg13[%dma_wait3A_335, %dma_wait3A_336] : memref<10240x128xf32, #tpu.memory_space<vmem_shared>> -> memref<10240x128xf32, #tpu.memory_space<vmem_shared>>
    %dma_wait3A_338 = tpu.memref_slice %arg16[%dma_wait3A_327] : memref<6x!tpu.dma_semaphore, #tpu.memory_space<semaphore_mem>> -> memref<1x!tpu.dma_semaphore, #tpu.memory_space<semaphore_mem>>
    %dma_wait3A_339 = tpu.memref_squeeze %dma_wait3A_338 : memref<1x!tpu.dma_semaphore, #tpu.memory_space<semaphore_mem>> -> memref<!tpu.dma_semaphore, #tpu.memory_space<semaphore_mem>>
    tpu.wait_indirect_dma semaphore(%dma_wait3A_339 : memref<!tpu.dma_semaphore, #tpu.memory_space<semaphore_mem>>) src(%dma_wait3A_331 : memref<40x128xf32, #tpu.memory_space<vmem>>) dst(%dma_wait3A_337 : memref<10240x128xf32, #tpu.memory_space<vmem_shared>>)
    %dma_wait3A_340 = arith.constant 115 : i32
    %dma_wait3A_341 = arith.constant 1 : i32
    %dma_wait3A_342 = arith.constant 0 : i32
    %dma_wait3A_343 = tpu.memref_slice %arg10[%dma_wait3A_340, %dma_wait3A_342] : memref<125x40xi32, #tpu.memory_space<vmem>> -> memref<1x40xi32, #tpu.memory_space<vmem>>
    %dma_wait3A_344 = tpu.memref_squeeze %dma_wait3A_343 : memref<1x40xi32, #tpu.memory_space<vmem>> -> memref<40xi32, #tpu.memory_space<vmem>>
    %dma_wait3A_345 = arith.constant 0 : i32
    %dma_wait3A_346 = arith.constant 0 : i32
    %dma_wait3A_347 = tpu.memref_slice %arg14[%dma_wait3A_345, %dma_wait3A_346] : memref<10240x8xf32, #tpu.memory_space<vmem_shared>> -> memref<10240x8xf32, #tpu.memory_space<vmem_shared>>
    %dma_wait3A_348 = tpu.memref_slice %arg17[%dma_wait3A_341] : memref<6x!tpu.dma_semaphore, #tpu.memory_space<semaphore_mem>> -> memref<1x!tpu.dma_semaphore, #tpu.memory_space<semaphore_mem>>
    %dma_wait3A_349 = tpu.memref_squeeze %dma_wait3A_348 : memref<1x!tpu.dma_semaphore, #tpu.memory_space<semaphore_mem>> -> memref<!tpu.dma_semaphore, #tpu.memory_space<semaphore_mem>>
    tpu.wait_indirect_dma semaphore(%dma_wait3A_349 : memref<!tpu.dma_semaphore, #tpu.memory_space<semaphore_mem>>) src(%arg12 : memref<40x8xf32, #tpu.memory_space<vmem>>) dst(%dma_wait3A_347 : memref<10240x8xf32, #tpu.memory_space<vmem_shared>>)
    %dma_start3A_350 = arith.constant 121 : i32
    %dma_start3A_351 = arith.constant 1 : i32
    %dma_start3A_352 = arith.constant 1 : i32
    %dma_start3A_353 = arith.constant 0 : i32
    %dma_start3A_354 = arith.constant 0 : i32
    %dma_start3A_355 = tpu.memref_slice %arg11[%dma_start3A_351, %dma_start3A_353, %dma_start3A_354] : memref<6x40x128xf32, #tpu.memory_space<vmem>> -> memref<1x40x128xf32, #tpu.memory_space<vmem>>
    %dma_start3A_356 = tpu.memref_squeeze %dma_start3A_355 : memref<1x40x128xf32, #tpu.memory_space<vmem>> -> memref<40x128xf32, #tpu.memory_space<vmem>>
    %dma_start3A_357 = arith.constant 0 : i32
    %dma_start3A_358 = tpu.memref_slice %arg9[%dma_start3A_350, %dma_start3A_357] : memref<125x40xi32, #tpu.memory_space<vmem>> -> memref<1x40xi32, #tpu.memory_space<vmem>>
    %dma_start3A_359 = tpu.memref_squeeze %dma_start3A_358 : memref<1x40xi32, #tpu.memory_space<vmem>> -> memref<40xi32, #tpu.memory_space<vmem>>
    %dma_start3A_360 = arith.constant 0 : i32
    %dma_start3A_361 = arith.constant 0 : i32
    %dma_start3A_362 = tpu.memref_slice %arg2[%dma_start3A_360, %dma_start3A_361] : memref<10000x128xf32, #tpu.memory_space<hbm>> -> memref<10000x128xf32, #tpu.memory_space<hbm>>
    %dma_start3A_363 = tpu.memref_slice %arg15[%dma_start3A_352] : memref<6x!tpu.dma_semaphore, #tpu.memory_space<semaphore_mem>> -> memref<1x!tpu.dma_semaphore, #tpu.memory_space<semaphore_mem>>
    %dma_start3A_364 = tpu.memref_squeeze %dma_start3A_363 : memref<1x!tpu.dma_semaphore, #tpu.memory_space<semaphore_mem>> -> memref<!tpu.dma_semaphore, #tpu.memory_space<semaphore_mem>>
    tpu.enqueue_indirect_dma source(%dma_start3A_362 : memref<10000x128xf32, #tpu.memory_space<hbm>>) target(%dma_start3A_356 : memref<40x128xf32, #tpu.memory_space<vmem>>) offsets(%dma_start3A_359 : memref<40xi32, #tpu.memory_space<vmem>>) semaphore(%dma_start3A_364 : memref<!tpu.dma_semaphore, #tpu.memory_space<semaphore_mem>>)
    %dma_wait3A_365 = arith.constant 117 : i32
    %dma_wait3A_366 = arith.constant 3 : i32
    %dma_wait3A_367 = arith.constant 3 : i32
    %dma_wait3A_368 = arith.constant 0 : i32
    %dma_wait3A_369 = arith.constant 0 : i32
    %dma_wait3A_370 = tpu.memref_slice %arg11[%dma_wait3A_366, %dma_wait3A_368, %dma_wait3A_369] : memref<6x40x128xf32, #tpu.memory_space<vmem>> -> memref<1x40x128xf32, #tpu.memory_space<vmem>>
    %dma_wait3A_371 = tpu.memref_squeeze %dma_wait3A_370 : memref<1x40x128xf32, #tpu.memory_space<vmem>> -> memref<40x128xf32, #tpu.memory_space<vmem>>
    %dma_wait3A_372 = arith.constant 0 : i32
    %dma_wait3A_373 = tpu.memref_slice %arg9[%dma_wait3A_365, %dma_wait3A_372] : memref<125x40xi32, #tpu.memory_space<vmem>> -> memref<1x40xi32, #tpu.memory_space<vmem>>
    %dma_wait3A_374 = tpu.memref_squeeze %dma_wait3A_373 : memref<1x40xi32, #tpu.memory_space<vmem>> -> memref<40xi32, #tpu.memory_space<vmem>>
    %dma_wait3A_375 = arith.constant 0 : i32
    %dma_wait3A_376 = arith.constant 0 : i32
    %dma_wait3A_377 = tpu.memref_slice %arg2[%dma_wait3A_375, %dma_wait3A_376] : memref<10000x128xf32, #tpu.memory_space<hbm>> -> memref<10000x128xf32, #tpu.memory_space<hbm>>
    %dma_wait3A_378 = tpu.memref_slice %arg15[%dma_wait3A_367] : memref<6x!tpu.dma_semaphore, #tpu.memory_space<semaphore_mem>> -> memref<1x!tpu.dma_semaphore, #tpu.memory_space<semaphore_mem>>
    %dma_wait3A_379 = tpu.memref_squeeze %dma_wait3A_378 : memref<1x!tpu.dma_semaphore, #tpu.memory_space<semaphore_mem>> -> memref<!tpu.dma_semaphore, #tpu.memory_space<semaphore_mem>>
    tpu.wait_indirect_dma semaphore(%dma_wait3A_379 : memref<!tpu.dma_semaphore, #tpu.memory_space<semaphore_mem>>) src(%dma_wait3A_377 : memref<10000x128xf32, #tpu.memory_space<hbm>>) dst(%dma_wait3A_371 : memref<40x128xf32, #tpu.memory_space<vmem>>)
    %dma_start3A_380 = arith.constant 3 : i32
    %dma_start3A_381 = arith.constant 117 : i32
    %dma_start3A_382 = arith.constant 3 : i32
    %dma_start3A_383 = arith.constant 0 : i32
    %dma_start3A_384 = arith.constant 0 : i32
    %dma_start3A_385 = tpu.memref_slice %arg11[%dma_start3A_380, %dma_start3A_383, %dma_start3A_384] : memref<6x40x128xf32, #tpu.memory_space<vmem>> -> memref<1x40x128xf32, #tpu.memory_space<vmem>>
    %dma_start3A_386 = tpu.memref_squeeze %dma_start3A_385 : memref<1x40x128xf32, #tpu.memory_space<vmem>> -> memref<40x128xf32, #tpu.memory_space<vmem>>
    %dma_start3A_387 = arith.constant 0 : i32
    %dma_start3A_388 = tpu.memref_slice %arg10[%dma_start3A_381, %dma_start3A_387] : memref<125x40xi32, #tpu.memory_space<vmem>> -> memref<1x40xi32, #tpu.memory_space<vmem>>
    %dma_start3A_389 = tpu.memref_squeeze %dma_start3A_388 : memref<1x40xi32, #tpu.memory_space<vmem>> -> memref<40xi32, #tpu.memory_space<vmem>>
    %dma_start3A_390 = arith.constant 0 : i32
    %dma_start3A_391 = arith.constant 0 : i32
    %dma_start3A_392 = tpu.memref_slice %arg13[%dma_start3A_390, %dma_start3A_391] : memref<10240x128xf32, #tpu.memory_space<vmem_shared>> -> memref<10240x128xf32, #tpu.memory_space<vmem_shared>>
    %dma_start3A_393 = tpu.memref_slice %arg16[%dma_start3A_382] : memref<6x!tpu.dma_semaphore, #tpu.memory_space<semaphore_mem>> -> memref<1x!tpu.dma_semaphore, #tpu.memory_space<semaphore_mem>>
    %dma_start3A_394 = tpu.memref_squeeze %dma_start3A_393 : memref<1x!tpu.dma_semaphore, #tpu.memory_space<semaphore_mem>> -> memref<!tpu.dma_semaphore, #tpu.memory_space<semaphore_mem>>
    tpu.enqueue_indirect_dma source(%dma_start3A_386 : memref<40x128xf32, #tpu.memory_space<vmem>>) target(%dma_start3A_392 : memref<10240x128xf32, #tpu.memory_space<vmem_shared>>) offsets(%dma_start3A_389 : memref<40xi32, #tpu.memory_space<vmem>>) semaphore(%dma_start3A_394 : memref<!tpu.dma_semaphore, #tpu.memory_space<semaphore_mem>>) {add = true}
    %dma_start3A_395 = arith.constant 117 : i32
    %dma_start3A_396 = arith.constant 3 : i32
    %dma_start3A_397 = arith.constant 0 : i32
    %dma_start3A_398 = tpu.memref_slice %arg10[%dma_start3A_395, %dma_start3A_397] : memref<125x40xi32, #tpu.memory_space<vmem>> -> memref<1x40xi32, #tpu.memory_space<vmem>>
    %dma_start3A_399 = tpu.memref_squeeze %dma_start3A_398 : memref<1x40xi32, #tpu.memory_space<vmem>> -> memref<40xi32, #tpu.memory_space<vmem>>
    %dma_start3A_400 = arith.constant 0 : i32
    %dma_start3A_401 = arith.constant 0 : i32
    %dma_start3A_402 = tpu.memref_slice %arg14[%dma_start3A_400, %dma_start3A_401] : memref<10240x8xf32, #tpu.memory_space<vmem_shared>> -> memref<10240x8xf32, #tpu.memory_space<vmem_shared>>
    %dma_start3A_403 = tpu.memref_slice %arg17[%dma_start3A_396] : memref<6x!tpu.dma_semaphore, #tpu.memory_space<semaphore_mem>> -> memref<1x!tpu.dma_semaphore, #tpu.memory_space<semaphore_mem>>
    %dma_start3A_404 = tpu.memref_squeeze %dma_start3A_403 : memref<1x!tpu.dma_semaphore, #tpu.memory_space<semaphore_mem>> -> memref<!tpu.dma_semaphore, #tpu.memory_space<semaphore_mem>>
    tpu.enqueue_indirect_dma source(%arg12 : memref<40x8xf32, #tpu.memory_space<vmem>>) target(%dma_start3A_402 : memref<10240x8xf32, #tpu.memory_space<vmem_shared>>) offsets(%dma_start3A_399 : memref<40xi32, #tpu.memory_space<vmem>>) semaphore(%dma_start3A_404 : memref<!tpu.dma_semaphore, #tpu.memory_space<semaphore_mem>>) {add = true}
    %dma_wait3A_405 = arith.constant 2 : i32
    %dma_wait3A_406 = arith.constant 116 : i32
    %dma_wait3A_407 = arith.constant 2 : i32
    %dma_wait3A_408 = arith.constant 0 : i32
    %dma_wait3A_409 = arith.constant 0 : i32
    %dma_wait3A_410 = tpu.memref_slice %arg11[%dma_wait3A_405, %dma_wait3A_408, %dma_wait3A_409] : memref<6x40x128xf32, #tpu.memory_space<vmem>> -> memref<1x40x128xf32, #tpu.memory_space<vmem>>
    %dma_wait3A_411 = tpu.memref_squeeze %dma_wait3A_410 : memref<1x40x128xf32, #tpu.memory_space<vmem>> -> memref<40x128xf32, #tpu.memory_space<vmem>>
    %dma_wait3A_412 = arith.constant 0 : i32
    %dma_wait3A_413 = tpu.memref_slice %arg10[%dma_wait3A_406, %dma_wait3A_412] : memref<125x40xi32, #tpu.memory_space<vmem>> -> memref<1x40xi32, #tpu.memory_space<vmem>>
    %dma_wait3A_414 = tpu.memref_squeeze %dma_wait3A_413 : memref<1x40xi32, #tpu.memory_space<vmem>> -> memref<40xi32, #tpu.memory_space<vmem>>
    %dma_wait3A_415 = arith.constant 0 : i32
    %dma_wait3A_416 = arith.constant 0 : i32
    %dma_wait3A_417 = tpu.memref_slice %arg13[%dma_wait3A_415, %dma_wait3A_416] : memref<10240x128xf32, #tpu.memory_space<vmem_shared>> -> memref<10240x128xf32, #tpu.memory_space<vmem_shared>>
    %dma_wait3A_418 = tpu.memref_slice %arg16[%dma_wait3A_407] : memref<6x!tpu.dma_semaphore, #tpu.memory_space<semaphore_mem>> -> memref<1x!tpu.dma_semaphore, #tpu.memory_space<semaphore_mem>>
    %dma_wait3A_419 = tpu.memref_squeeze %dma_wait3A_418 : memref<1x!tpu.dma_semaphore, #tpu.memory_space<semaphore_mem>> -> memref<!tpu.dma_semaphore, #tpu.memory_space<semaphore_mem>>
    tpu.wait_indirect_dma semaphore(%dma_wait3A_419 : memref<!tpu.dma_semaphore, #tpu.memory_space<semaphore_mem>>) src(%dma_wait3A_411 : memref<40x128xf32, #tpu.memory_space<vmem>>) dst(%dma_wait3A_417 : memref<10240x128xf32, #tpu.memory_space<vmem_shared>>)
    %dma_wait3A_420 = arith.constant 116 : i32
    %dma_wait3A_421 = arith.constant 2 : i32
    %dma_wait3A_422 = arith.constant 0 : i32
    %dma_wait3A_423 = tpu.memref_slice %arg10[%dma_wait3A_420, %dma_wait3A_422] : memref<125x40xi32, #tpu.memory_space<vmem>> -> memref<1x40xi32, #tpu.memory_space<vmem>>
    %dma_wait3A_424 = tpu.memref_squeeze %dma_wait3A_423 : memref<1x40xi32, #tpu.memory_space<vmem>> -> memref<40xi32, #tpu.memory_space<vmem>>
    %dma_wait3A_425 = arith.constant 0 : i32
    %dma_wait3A_426 = arith.constant 0 : i32
    %dma_wait3A_427 = tpu.memref_slice %arg14[%dma_wait3A_425, %dma_wait3A_426] : memref<10240x8xf32, #tpu.memory_space<vmem_shared>> -> memref<10240x8xf32, #tpu.memory_space<vmem_shared>>
    %dma_wait3A_428 = tpu.memref_slice %arg17[%dma_wait3A_421] : memref<6x!tpu.dma_semaphore, #tpu.memory_space<semaphore_mem>> -> memref<1x!tpu.dma_semaphore, #tpu.memory_space<semaphore_mem>>
    %dma_wait3A_429 = tpu.memref_squeeze %dma_wait3A_428 : memref<1x!tpu.dma_semaphore, #tpu.memory_space<semaphore_mem>> -> memref<!tpu.dma_semaphore, #tpu.memory_space<semaphore_mem>>
    tpu.wait_indirect_dma semaphore(%dma_wait3A_429 : memref<!tpu.dma_semaphore, #tpu.memory_space<semaphore_mem>>) src(%arg12 : memref<40x8xf32, #tpu.memory_space<vmem>>) dst(%dma_wait3A_427 : memref<10240x8xf32, #tpu.memory_space<vmem_shared>>)
    %dma_start3A_430 = arith.constant 122 : i32
    %dma_start3A_431 = arith.constant 2 : i32
    %dma_start3A_432 = arith.constant 2 : i32
    %dma_start3A_433 = arith.constant 0 : i32
    %dma_start3A_434 = arith.constant 0 : i32
    %dma_start3A_435 = tpu.memref_slice %arg11[%dma_start3A_431, %dma_start3A_433, %dma_start3A_434] : memref<6x40x128xf32, #tpu.memory_space<vmem>> -> memref<1x40x128xf32, #tpu.memory_space<vmem>>
    %dma_start3A_436 = tpu.memref_squeeze %dma_start3A_435 : memref<1x40x128xf32, #tpu.memory_space<vmem>> -> memref<40x128xf32, #tpu.memory_space<vmem>>
    %dma_start3A_437 = arith.constant 0 : i32
    %dma_start3A_438 = tpu.memref_slice %arg9[%dma_start3A_430, %dma_start3A_437] : memref<125x40xi32, #tpu.memory_space<vmem>> -> memref<1x40xi32, #tpu.memory_space<vmem>>
    %dma_start3A_439 = tpu.memref_squeeze %dma_start3A_438 : memref<1x40xi32, #tpu.memory_space<vmem>> -> memref<40xi32, #tpu.memory_space<vmem>>
    %dma_start3A_440 = arith.constant 0 : i32
    %dma_start3A_441 = arith.constant 0 : i32
    %dma_start3A_442 = tpu.memref_slice %arg2[%dma_start3A_440, %dma_start3A_441] : memref<10000x128xf32, #tpu.memory_space<hbm>> -> memref<10000x128xf32, #tpu.memory_space<hbm>>
    %dma_start3A_443 = tpu.memref_slice %arg15[%dma_start3A_432] : memref<6x!tpu.dma_semaphore, #tpu.memory_space<semaphore_mem>> -> memref<1x!tpu.dma_semaphore, #tpu.memory_space<semaphore_mem>>
    %dma_start3A_444 = tpu.memref_squeeze %dma_start3A_443 : memref<1x!tpu.dma_semaphore, #tpu.memory_space<semaphore_mem>> -> memref<!tpu.dma_semaphore, #tpu.memory_space<semaphore_mem>>
    tpu.enqueue_indirect_dma source(%dma_start3A_442 : memref<10000x128xf32, #tpu.memory_space<hbm>>) target(%dma_start3A_436 : memref<40x128xf32, #tpu.memory_space<vmem>>) offsets(%dma_start3A_439 : memref<40xi32, #tpu.memory_space<vmem>>) semaphore(%dma_start3A_444 : memref<!tpu.dma_semaphore, #tpu.memory_space<semaphore_mem>>)
    %dma_wait3A_445 = arith.constant 118 : i32
    %dma_wait3A_446 = arith.constant 4 : i32
    %dma_wait3A_447 = arith.constant 4 : i32
    %dma_wait3A_448 = arith.constant 0 : i32
    %dma_wait3A_449 = arith.constant 0 : i32
    %dma_wait3A_450 = tpu.memref_slice %arg11[%dma_wait3A_446, %dma_wait3A_448, %dma_wait3A_449] : memref<6x40x128xf32, #tpu.memory_space<vmem>> -> memref<1x40x128xf32, #tpu.memory_space<vmem>>
    %dma_wait3A_451 = tpu.memref_squeeze %dma_wait3A_450 : memref<1x40x128xf32, #tpu.memory_space<vmem>> -> memref<40x128xf32, #tpu.memory_space<vmem>>
    %dma_wait3A_452 = arith.constant 0 : i32
    %dma_wait3A_453 = tpu.memref_slice %arg9[%dma_wait3A_445, %dma_wait3A_452] : memref<125x40xi32, #tpu.memory_space<vmem>> -> memref<1x40xi32, #tpu.memory_space<vmem>>
    %dma_wait3A_454 = tpu.memref_squeeze %dma_wait3A_453 : memref<1x40xi32, #tpu.memory_space<vmem>> -> memref<40xi32, #tpu.memory_space<vmem>>
    %dma_wait3A_455 = arith.constant 0 : i32
    %dma_wait3A_456 = arith.constant 0 : i32
    %dma_wait3A_457 = tpu.memref_slice %arg2[%dma_wait3A_455, %dma_wait3A_456] : memref<10000x128xf32, #tpu.memory_space<hbm>> -> memref<10000x128xf32, #tpu.memory_space<hbm>>
    %dma_wait3A_458 = tpu.memref_slice %arg15[%dma_wait3A_447] : memref<6x!tpu.dma_semaphore, #tpu.memory_space<semaphore_mem>> -> memref<1x!tpu.dma_semaphore, #tpu.memory_space<semaphore_mem>>
    %dma_wait3A_459 = tpu.memref_squeeze %dma_wait3A_458 : memref<1x!tpu.dma_semaphore, #tpu.memory_space<semaphore_mem>> -> memref<!tpu.dma_semaphore, #tpu.memory_space<semaphore_mem>>
    tpu.wait_indirect_dma semaphore(%dma_wait3A_459 : memref<!tpu.dma_semaphore, #tpu.memory_space<semaphore_mem>>) src(%dma_wait3A_457 : memref<10000x128xf32, #tpu.memory_space<hbm>>) dst(%dma_wait3A_451 : memref<40x128xf32, #tpu.memory_space<vmem>>)
    %dma_start3A_460 = arith.constant 4 : i32
    %dma_start3A_461 = arith.constant 118 : i32
    %dma_start3A_462 = arith.constant 4 : i32
    %dma_start3A_463 = arith.constant 0 : i32
    %dma_start3A_464 = arith.constant 0 : i32
    %dma_start3A_465 = tpu.memref_slice %arg11[%dma_start3A_460, %dma_start3A_463, %dma_start3A_464] : memref<6x40x128xf32, #tpu.memory_space<vmem>> -> memref<1x40x128xf32, #tpu.memory_space<vmem>>
    %dma_start3A_466 = tpu.memref_squeeze %dma_start3A_465 : memref<1x40x128xf32, #tpu.memory_space<vmem>> -> memref<40x128xf32, #tpu.memory_space<vmem>>
    %dma_start3A_467 = arith.constant 0 : i32
    %dma_start3A_468 = tpu.memref_slice %arg10[%dma_start3A_461, %dma_start3A_467] : memref<125x40xi32, #tpu.memory_space<vmem>> -> memref<1x40xi32, #tpu.memory_space<vmem>>
    %dma_start3A_469 = tpu.memref_squeeze %dma_start3A_468 : memref<1x40xi32, #tpu.memory_space<vmem>> -> memref<40xi32, #tpu.memory_space<vmem>>
    %dma_start3A_470 = arith.constant 0 : i32
    %dma_start3A_471 = arith.constant 0 : i32
    %dma_start3A_472 = tpu.memref_slice %arg13[%dma_start3A_470, %dma_start3A_471] : memref<10240x128xf32, #tpu.memory_space<vmem_shared>> -> memref<10240x128xf32, #tpu.memory_space<vmem_shared>>
    %dma_start3A_473 = tpu.memref_slice %arg16[%dma_start3A_462] : memref<6x!tpu.dma_semaphore, #tpu.memory_space<semaphore_mem>> -> memref<1x!tpu.dma_semaphore, #tpu.memory_space<semaphore_mem>>
    %dma_start3A_474 = tpu.memref_squeeze %dma_start3A_473 : memref<1x!tpu.dma_semaphore, #tpu.memory_space<semaphore_mem>> -> memref<!tpu.dma_semaphore, #tpu.memory_space<semaphore_mem>>
    tpu.enqueue_indirect_dma source(%dma_start3A_466 : memref<40x128xf32, #tpu.memory_space<vmem>>) target(%dma_start3A_472 : memref<10240x128xf32, #tpu.memory_space<vmem_shared>>) offsets(%dma_start3A_469 : memref<40xi32, #tpu.memory_space<vmem>>) semaphore(%dma_start3A_474 : memref<!tpu.dma_semaphore, #tpu.memory_space<semaphore_mem>>) {add = true}
    %dma_start3A_475 = arith.constant 118 : i32
    %dma_start3A_476 = arith.constant 4 : i32
    %dma_start3A_477 = arith.constant 0 : i32
    %dma_start3A_478 = tpu.memref_slice %arg10[%dma_start3A_475, %dma_start3A_477] : memref<125x40xi32, #tpu.memory_space<vmem>> -> memref<1x40xi32, #tpu.memory_space<vmem>>
    %dma_start3A_479 = tpu.memref_squeeze %dma_start3A_478 : memref<1x40xi32, #tpu.memory_space<vmem>> -> memref<40xi32, #tpu.memory_space<vmem>>
    %dma_start3A_480 = arith.constant 0 : i32
    %dma_start3A_481 = arith.constant 0 : i32
    %dma_start3A_482 = tpu.memref_slice %arg14[%dma_start3A_480, %dma_start3A_481] : memref<10240x8xf32, #tpu.memory_space<vmem_shared>> -> memref<10240x8xf32, #tpu.memory_space<vmem_shared>>
    %dma_start3A_483 = tpu.memref_slice %arg17[%dma_start3A_476] : memref<6x!tpu.dma_semaphore, #tpu.memory_space<semaphore_mem>> -> memref<1x!tpu.dma_semaphore, #tpu.memory_space<semaphore_mem>>
    %dma_start3A_484 = tpu.memref_squeeze %dma_start3A_483 : memref<1x!tpu.dma_semaphore, #tpu.memory_space<semaphore_mem>> -> memref<!tpu.dma_semaphore, #tpu.memory_space<semaphore_mem>>
    tpu.enqueue_indirect_dma source(%arg12 : memref<40x8xf32, #tpu.memory_space<vmem>>) target(%dma_start3A_482 : memref<10240x8xf32, #tpu.memory_space<vmem_shared>>) offsets(%dma_start3A_479 : memref<40xi32, #tpu.memory_space<vmem>>) semaphore(%dma_start3A_484 : memref<!tpu.dma_semaphore, #tpu.memory_space<semaphore_mem>>) {add = true}
    %dma_wait3A_485 = arith.constant 3 : i32
    %dma_wait3A_486 = arith.constant 117 : i32
    %dma_wait3A_487 = arith.constant 3 : i32
    %dma_wait3A_488 = arith.constant 0 : i32
    %dma_wait3A_489 = arith.constant 0 : i32
    %dma_wait3A_490 = tpu.memref_slice %arg11[%dma_wait3A_485, %dma_wait3A_488, %dma_wait3A_489] : memref<6x40x128xf32, #tpu.memory_space<vmem>> -> memref<1x40x128xf32, #tpu.memory_space<vmem>>
    %dma_wait3A_491 = tpu.memref_squeeze %dma_wait3A_490 : memref<1x40x128xf32, #tpu.memory_space<vmem>> -> memref<40x128xf32, #tpu.memory_space<vmem>>
    %dma_wait3A_492 = arith.constant 0 : i32
    %dma_wait3A_493 = tpu.memref_slice %arg10[%dma_wait3A_486, %dma_wait3A_492] : memref<125x40xi32, #tpu.memory_space<vmem>> -> memref<1x40xi32, #tpu.memory_space<vmem>>
    %dma_wait3A_494 = tpu.memref_squeeze %dma_wait3A_493 : memref<1x40xi32, #tpu.memory_space<vmem>> -> memref<40xi32, #tpu.memory_space<vmem>>
    %dma_wait3A_495 = arith.constant 0 : i32
    %dma_wait3A_496 = arith.constant 0 : i32
    %dma_wait3A_497 = tpu.memref_slice %arg13[%dma_wait3A_495, %dma_wait3A_496] : memref<10240x128xf32, #tpu.memory_space<vmem_shared>> -> memref<10240x128xf32, #tpu.memory_space<vmem_shared>>
    %dma_wait3A_498 = tpu.memref_slice %arg16[%dma_wait3A_487] : memref<6x!tpu.dma_semaphore, #tpu.memory_space<semaphore_mem>> -> memref<1x!tpu.dma_semaphore, #tpu.memory_space<semaphore_mem>>
    %dma_wait3A_499 = tpu.memref_squeeze %dma_wait3A_498 : memref<1x!tpu.dma_semaphore, #tpu.memory_space<semaphore_mem>> -> memref<!tpu.dma_semaphore, #tpu.memory_space<semaphore_mem>>
    tpu.wait_indirect_dma semaphore(%dma_wait3A_499 : memref<!tpu.dma_semaphore, #tpu.memory_space<semaphore_mem>>) src(%dma_wait3A_491 : memref<40x128xf32, #tpu.memory_space<vmem>>) dst(%dma_wait3A_497 : memref<10240x128xf32, #tpu.memory_space<vmem_shared>>)
    %dma_wait3A_500 = arith.constant 117 : i32
    %dma_wait3A_501 = arith.constant 3 : i32
    %dma_wait3A_502 = arith.constant 0 : i32
    %dma_wait3A_503 = tpu.memref_slice %arg10[%dma_wait3A_500, %dma_wait3A_502] : memref<125x40xi32, #tpu.memory_space<vmem>> -> memref<1x40xi32, #tpu.memory_space<vmem>>
    %dma_wait3A_504 = tpu.memref_squeeze %dma_wait3A_503 : memref<1x40xi32, #tpu.memory_space<vmem>> -> memref<40xi32, #tpu.memory_space<vmem>>
    %dma_wait3A_505 = arith.constant 0 : i32
    %dma_wait3A_506 = arith.constant 0 : i32
    %dma_wait3A_507 = tpu.memref_slice %arg14[%dma_wait3A_505, %dma_wait3A_506] : memref<10240x8xf32, #tpu.memory_space<vmem_shared>> -> memref<10240x8xf32, #tpu.memory_space<vmem_shared>>
    %dma_wait3A_508 = tpu.memref_slice %arg17[%dma_wait3A_501] : memref<6x!tpu.dma_semaphore, #tpu.memory_space<semaphore_mem>> -> memref<1x!tpu.dma_semaphore, #tpu.memory_space<semaphore_mem>>
    %dma_wait3A_509 = tpu.memref_squeeze %dma_wait3A_508 : memref<1x!tpu.dma_semaphore, #tpu.memory_space<semaphore_mem>> -> memref<!tpu.dma_semaphore, #tpu.memory_space<semaphore_mem>>
    tpu.wait_indirect_dma semaphore(%dma_wait3A_509 : memref<!tpu.dma_semaphore, #tpu.memory_space<semaphore_mem>>) src(%arg12 : memref<40x8xf32, #tpu.memory_space<vmem>>) dst(%dma_wait3A_507 : memref<10240x8xf32, #tpu.memory_space<vmem_shared>>)
    %dma_start3A_510 = arith.constant 123 : i32
    %dma_start3A_511 = arith.constant 3 : i32
    %dma_start3A_512 = arith.constant 3 : i32
    %dma_start3A_513 = arith.constant 0 : i32
    %dma_start3A_514 = arith.constant 0 : i32
    %dma_start3A_515 = tpu.memref_slice %arg11[%dma_start3A_511, %dma_start3A_513, %dma_start3A_514] : memref<6x40x128xf32, #tpu.memory_space<vmem>> -> memref<1x40x128xf32, #tpu.memory_space<vmem>>
    %dma_start3A_516 = tpu.memref_squeeze %dma_start3A_515 : memref<1x40x128xf32, #tpu.memory_space<vmem>> -> memref<40x128xf32, #tpu.memory_space<vmem>>
    %dma_start3A_517 = arith.constant 0 : i32
    %dma_start3A_518 = tpu.memref_slice %arg9[%dma_start3A_510, %dma_start3A_517] : memref<125x40xi32, #tpu.memory_space<vmem>> -> memref<1x40xi32, #tpu.memory_space<vmem>>
    %dma_start3A_519 = tpu.memref_squeeze %dma_start3A_518 : memref<1x40xi32, #tpu.memory_space<vmem>> -> memref<40xi32, #tpu.memory_space<vmem>>
    %dma_start3A_520 = arith.constant 0 : i32
    %dma_start3A_521 = arith.constant 0 : i32
    %dma_start3A_522 = tpu.memref_slice %arg2[%dma_start3A_520, %dma_start3A_521] : memref<10000x128xf32, #tpu.memory_space<hbm>> -> memref<10000x128xf32, #tpu.memory_space<hbm>>
    %dma_start3A_523 = tpu.memref_slice %arg15[%dma_start3A_512] : memref<6x!tpu.dma_semaphore, #tpu.memory_space<semaphore_mem>> -> memref<1x!tpu.dma_semaphore, #tpu.memory_space<semaphore_mem>>
    %dma_start3A_524 = tpu.memref_squeeze %dma_start3A_523 : memref<1x!tpu.dma_semaphore, #tpu.memory_space<semaphore_mem>> -> memref<!tpu.dma_semaphore, #tpu.memory_space<semaphore_mem>>
    tpu.enqueue_indirect_dma source(%dma_start3A_522 : memref<10000x128xf32, #tpu.memory_space<hbm>>) target(%dma_start3A_516 : memref<40x128xf32, #tpu.memory_space<vmem>>) offsets(%dma_start3A_519 : memref<40xi32, #tpu.memory_space<vmem>>) semaphore(%dma_start3A_524 : memref<!tpu.dma_semaphore, #tpu.memory_space<semaphore_mem>>)
    %dma_wait3A_525 = arith.constant 119 : i32
    %dma_wait3A_526 = arith.constant 5 : i32
    %dma_wait3A_527 = arith.constant 5 : i32
    %dma_wait3A_528 = arith.constant 0 : i32
    %dma_wait3A_529 = arith.constant 0 : i32
    %dma_wait3A_530 = tpu.memref_slice %arg11[%dma_wait3A_526, %dma_wait3A_528, %dma_wait3A_529] : memref<6x40x128xf32, #tpu.memory_space<vmem>> -> memref<1x40x128xf32, #tpu.memory_space<vmem>>
    %dma_wait3A_531 = tpu.memref_squeeze %dma_wait3A_530 : memref<1x40x128xf32, #tpu.memory_space<vmem>> -> memref<40x128xf32, #tpu.memory_space<vmem>>
    %dma_wait3A_532 = arith.constant 0 : i32
    %dma_wait3A_533 = tpu.memref_slice %arg9[%dma_wait3A_525, %dma_wait3A_532] : memref<125x40xi32, #tpu.memory_space<vmem>> -> memref<1x40xi32, #tpu.memory_space<vmem>>
    %dma_wait3A_534 = tpu.memref_squeeze %dma_wait3A_533 : memref<1x40xi32, #tpu.memory_space<vmem>> -> memref<40xi32, #tpu.memory_space<vmem>>
    %dma_wait3A_535 = arith.constant 0 : i32
    %dma_wait3A_536 = arith.constant 0 : i32
    %dma_wait3A_537 = tpu.memref_slice %arg2[%dma_wait3A_535, %dma_wait3A_536] : memref<10000x128xf32, #tpu.memory_space<hbm>> -> memref<10000x128xf32, #tpu.memory_space<hbm>>
    %dma_wait3A_538 = tpu.memref_slice %arg15[%dma_wait3A_527] : memref<6x!tpu.dma_semaphore, #tpu.memory_space<semaphore_mem>> -> memref<1x!tpu.dma_semaphore, #tpu.memory_space<semaphore_mem>>
    %dma_wait3A_539 = tpu.memref_squeeze %dma_wait3A_538 : memref<1x!tpu.dma_semaphore, #tpu.memory_space<semaphore_mem>> -> memref<!tpu.dma_semaphore, #tpu.memory_space<semaphore_mem>>
    tpu.wait_indirect_dma semaphore(%dma_wait3A_539 : memref<!tpu.dma_semaphore, #tpu.memory_space<semaphore_mem>>) src(%dma_wait3A_537 : memref<10000x128xf32, #tpu.memory_space<hbm>>) dst(%dma_wait3A_531 : memref<40x128xf32, #tpu.memory_space<vmem>>)
    %dma_start3A_540 = arith.constant 5 : i32
    %dma_start3A_541 = arith.constant 119 : i32
    %dma_start3A_542 = arith.constant 5 : i32
    %dma_start3A_543 = arith.constant 0 : i32
    %dma_start3A_544 = arith.constant 0 : i32
    %dma_start3A_545 = tpu.memref_slice %arg11[%dma_start3A_540, %dma_start3A_543, %dma_start3A_544] : memref<6x40x128xf32, #tpu.memory_space<vmem>> -> memref<1x40x128xf32, #tpu.memory_space<vmem>>
    %dma_start3A_546 = tpu.memref_squeeze %dma_start3A_545 : memref<1x40x128xf32, #tpu.memory_space<vmem>> -> memref<40x128xf32, #tpu.memory_space<vmem>>
    %dma_start3A_547 = arith.constant 0 : i32
    %dma_start3A_548 = tpu.memref_slice %arg10[%dma_start3A_541, %dma_start3A_547] : memref<125x40xi32, #tpu.memory_space<vmem>> -> memref<1x40xi32, #tpu.memory_space<vmem>>
    %dma_start3A_549 = tpu.memref_squeeze %dma_start3A_548 : memref<1x40xi32, #tpu.memory_space<vmem>> -> memref<40xi32, #tpu.memory_space<vmem>>
    %dma_start3A_550 = arith.constant 0 : i32
    %dma_start3A_551 = arith.constant 0 : i32
    %dma_start3A_552 = tpu.memref_slice %arg13[%dma_start3A_550, %dma_start3A_551] : memref<10240x128xf32, #tpu.memory_space<vmem_shared>> -> memref<10240x128xf32, #tpu.memory_space<vmem_shared>>
    %dma_start3A_553 = tpu.memref_slice %arg16[%dma_start3A_542] : memref<6x!tpu.dma_semaphore, #tpu.memory_space<semaphore_mem>> -> memref<1x!tpu.dma_semaphore, #tpu.memory_space<semaphore_mem>>
    %dma_start3A_554 = tpu.memref_squeeze %dma_start3A_553 : memref<1x!tpu.dma_semaphore, #tpu.memory_space<semaphore_mem>> -> memref<!tpu.dma_semaphore, #tpu.memory_space<semaphore_mem>>
    tpu.enqueue_indirect_dma source(%dma_start3A_546 : memref<40x128xf32, #tpu.memory_space<vmem>>) target(%dma_start3A_552 : memref<10240x128xf32, #tpu.memory_space<vmem_shared>>) offsets(%dma_start3A_549 : memref<40xi32, #tpu.memory_space<vmem>>) semaphore(%dma_start3A_554 : memref<!tpu.dma_semaphore, #tpu.memory_space<semaphore_mem>>) {add = true}
    %dma_start3A_555 = arith.constant 119 : i32
    %dma_start3A_556 = arith.constant 5 : i32
    %dma_start3A_557 = arith.constant 0 : i32
    %dma_start3A_558 = tpu.memref_slice %arg10[%dma_start3A_555, %dma_start3A_557] : memref<125x40xi32, #tpu.memory_space<vmem>> -> memref<1x40xi32, #tpu.memory_space<vmem>>
    %dma_start3A_559 = tpu.memref_squeeze %dma_start3A_558 : memref<1x40xi32, #tpu.memory_space<vmem>> -> memref<40xi32, #tpu.memory_space<vmem>>
    %dma_start3A_560 = arith.constant 0 : i32
    %dma_start3A_561 = arith.constant 0 : i32
    %dma_start3A_562 = tpu.memref_slice %arg14[%dma_start3A_560, %dma_start3A_561] : memref<10240x8xf32, #tpu.memory_space<vmem_shared>> -> memref<10240x8xf32, #tpu.memory_space<vmem_shared>>
    %dma_start3A_563 = tpu.memref_slice %arg17[%dma_start3A_556] : memref<6x!tpu.dma_semaphore, #tpu.memory_space<semaphore_mem>> -> memref<1x!tpu.dma_semaphore, #tpu.memory_space<semaphore_mem>>
    %dma_start3A_564 = tpu.memref_squeeze %dma_start3A_563 : memref<1x!tpu.dma_semaphore, #tpu.memory_space<semaphore_mem>> -> memref<!tpu.dma_semaphore, #tpu.memory_space<semaphore_mem>>
    tpu.enqueue_indirect_dma source(%arg12 : memref<40x8xf32, #tpu.memory_space<vmem>>) target(%dma_start3A_562 : memref<10240x8xf32, #tpu.memory_space<vmem_shared>>) offsets(%dma_start3A_559 : memref<40xi32, #tpu.memory_space<vmem>>) semaphore(%dma_start3A_564 : memref<!tpu.dma_semaphore, #tpu.memory_space<semaphore_mem>>) {add = true}
    %dma_wait3A_565 = arith.constant 4 : i32
    %dma_wait3A_566 = arith.constant 118 : i32
    %dma_wait3A_567 = arith.constant 4 : i32
    %dma_wait3A_568 = arith.constant 0 : i32
    %dma_wait3A_569 = arith.constant 0 : i32
    %dma_wait3A_570 = tpu.memref_slice %arg11[%dma_wait3A_565, %dma_wait3A_568, %dma_wait3A_569] : memref<6x40x128xf32, #tpu.memory_space<vmem>> -> memref<1x40x128xf32, #tpu.memory_space<vmem>>
    %dma_wait3A_571 = tpu.memref_squeeze %dma_wait3A_570 : memref<1x40x128xf32, #tpu.memory_space<vmem>> -> memref<40x128xf32, #tpu.memory_space<vmem>>
    %dma_wait3A_572 = arith.constant 0 : i32
    %dma_wait3A_573 = tpu.memref_slice %arg10[%dma_wait3A_566, %dma_wait3A_572] : memref<125x40xi32, #tpu.memory_space<vmem>> -> memref<1x40xi32, #tpu.memory_space<vmem>>
    %dma_wait3A_574 = tpu.memref_squeeze %dma_wait3A_573 : memref<1x40xi32, #tpu.memory_space<vmem>> -> memref<40xi32, #tpu.memory_space<vmem>>
    %dma_wait3A_575 = arith.constant 0 : i32
    %dma_wait3A_576 = arith.constant 0 : i32
    %dma_wait3A_577 = tpu.memref_slice %arg13[%dma_wait3A_575, %dma_wait3A_576] : memref<10240x128xf32, #tpu.memory_space<vmem_shared>> -> memref<10240x128xf32, #tpu.memory_space<vmem_shared>>
    %dma_wait3A_578 = tpu.memref_slice %arg16[%dma_wait3A_567] : memref<6x!tpu.dma_semaphore, #tpu.memory_space<semaphore_mem>> -> memref<1x!tpu.dma_semaphore, #tpu.memory_space<semaphore_mem>>
    %dma_wait3A_579 = tpu.memref_squeeze %dma_wait3A_578 : memref<1x!tpu.dma_semaphore, #tpu.memory_space<semaphore_mem>> -> memref<!tpu.dma_semaphore, #tpu.memory_space<semaphore_mem>>
    tpu.wait_indirect_dma semaphore(%dma_wait3A_579 : memref<!tpu.dma_semaphore, #tpu.memory_space<semaphore_mem>>) src(%dma_wait3A_571 : memref<40x128xf32, #tpu.memory_space<vmem>>) dst(%dma_wait3A_577 : memref<10240x128xf32, #tpu.memory_space<vmem_shared>>)
    %dma_wait3A_580 = arith.constant 118 : i32
    %dma_wait3A_581 = arith.constant 4 : i32
    %dma_wait3A_582 = arith.constant 0 : i32
    %dma_wait3A_583 = tpu.memref_slice %arg10[%dma_wait3A_580, %dma_wait3A_582] : memref<125x40xi32, #tpu.memory_space<vmem>> -> memref<1x40xi32, #tpu.memory_space<vmem>>
    %dma_wait3A_584 = tpu.memref_squeeze %dma_wait3A_583 : memref<1x40xi32, #tpu.memory_space<vmem>> -> memref<40xi32, #tpu.memory_space<vmem>>
    %dma_wait3A_585 = arith.constant 0 : i32
    %dma_wait3A_586 = arith.constant 0 : i32
    %dma_wait3A_587 = tpu.memref_slice %arg14[%dma_wait3A_585, %dma_wait3A_586] : memref<10240x8xf32, #tpu.memory_space<vmem_shared>> -> memref<10240x8xf32, #tpu.memory_space<vmem_shared>>
    %dma_wait3A_588 = tpu.memref_slice %arg17[%dma_wait3A_581] : memref<6x!tpu.dma_semaphore, #tpu.memory_space<semaphore_mem>> -> memref<1x!tpu.dma_semaphore, #tpu.memory_space<semaphore_mem>>
    %dma_wait3A_589 = tpu.memref_squeeze %dma_wait3A_588 : memref<1x!tpu.dma_semaphore, #tpu.memory_space<semaphore_mem>> -> memref<!tpu.dma_semaphore, #tpu.memory_space<semaphore_mem>>
    tpu.wait_indirect_dma semaphore(%dma_wait3A_589 : memref<!tpu.dma_semaphore, #tpu.memory_space<semaphore_mem>>) src(%arg12 : memref<40x8xf32, #tpu.memory_space<vmem>>) dst(%dma_wait3A_587 : memref<10240x8xf32, #tpu.memory_space<vmem_shared>>)
    %dma_start3A_590 = arith.constant 124 : i32
    %dma_start3A_591 = arith.constant 4 : i32
    %dma_start3A_592 = arith.constant 4 : i32
    %dma_start3A_593 = arith.constant 0 : i32
    %dma_start3A_594 = arith.constant 0 : i32
    %dma_start3A_595 = tpu.memref_slice %arg11[%dma_start3A_591, %dma_start3A_593, %dma_start3A_594] : memref<6x40x128xf32, #tpu.memory_space<vmem>> -> memref<1x40x128xf32, #tpu.memory_space<vmem>>
    %dma_start3A_596 = tpu.memref_squeeze %dma_start3A_595 : memref<1x40x128xf32, #tpu.memory_space<vmem>> -> memref<40x128xf32, #tpu.memory_space<vmem>>
    %dma_start3A_597 = arith.constant 0 : i32
    %dma_start3A_598 = tpu.memref_slice %arg9[%dma_start3A_590, %dma_start3A_597] : memref<125x40xi32, #tpu.memory_space<vmem>> -> memref<1x40xi32, #tpu.memory_space<vmem>>
    %dma_start3A_599 = tpu.memref_squeeze %dma_start3A_598 : memref<1x40xi32, #tpu.memory_space<vmem>> -> memref<40xi32, #tpu.memory_space<vmem>>
    %dma_start3A_600 = arith.constant 0 : i32
    %dma_start3A_601 = arith.constant 0 : i32
    %dma_start3A_602 = tpu.memref_slice %arg2[%dma_start3A_600, %dma_start3A_601] : memref<10000x128xf32, #tpu.memory_space<hbm>> -> memref<10000x128xf32, #tpu.memory_space<hbm>>
    %dma_start3A_603 = tpu.memref_slice %arg15[%dma_start3A_592] : memref<6x!tpu.dma_semaphore, #tpu.memory_space<semaphore_mem>> -> memref<1x!tpu.dma_semaphore, #tpu.memory_space<semaphore_mem>>
    %dma_start3A_604 = tpu.memref_squeeze %dma_start3A_603 : memref<1x!tpu.dma_semaphore, #tpu.memory_space<semaphore_mem>> -> memref<!tpu.dma_semaphore, #tpu.memory_space<semaphore_mem>>
    tpu.enqueue_indirect_dma source(%dma_start3A_602 : memref<10000x128xf32, #tpu.memory_space<hbm>>) target(%dma_start3A_596 : memref<40x128xf32, #tpu.memory_space<vmem>>) offsets(%dma_start3A_599 : memref<40xi32, #tpu.memory_space<vmem>>) semaphore(%dma_start3A_604 : memref<!tpu.dma_semaphore, #tpu.memory_space<semaphore_mem>>)
    %dma_wait3A_605 = arith.constant 120 : i32
    %dma_wait3A_606 = arith.constant 0 : i32
    %dma_wait3A_607 = arith.constant 0 : i32
    %dma_wait3A_608 = arith.constant 0 : i32
    %dma_wait3A_609 = arith.constant 0 : i32
    %dma_wait3A_610 = tpu.memref_slice %arg11[%dma_wait3A_606, %dma_wait3A_608, %dma_wait3A_609] : memref<6x40x128xf32, #tpu.memory_space<vmem>> -> memref<1x40x128xf32, #tpu.memory_space<vmem>>
    %dma_wait3A_611 = tpu.memref_squeeze %dma_wait3A_610 : memref<1x40x128xf32, #tpu.memory_space<vmem>> -> memref<40x128xf32, #tpu.memory_space<vmem>>
    %dma_wait3A_612 = arith.constant 0 : i32
    %dma_wait3A_613 = tpu.memref_slice %arg9[%dma_wait3A_605, %dma_wait3A_612] : memref<125x40xi32, #tpu.memory_space<vmem>> -> memref<1x40xi32, #tpu.memory_space<vmem>>
    %dma_wait3A_614 = tpu.memref_squeeze %dma_wait3A_613 : memref<1x40xi32, #tpu.memory_space<vmem>> -> memref<40xi32, #tpu.memory_space<vmem>>
    %dma_wait3A_615 = arith.constant 0 : i32
    %dma_wait3A_616 = arith.constant 0 : i32
    %dma_wait3A_617 = tpu.memref_slice %arg2[%dma_wait3A_615, %dma_wait3A_616] : memref<10000x128xf32, #tpu.memory_space<hbm>> -> memref<10000x128xf32, #tpu.memory_space<hbm>>
    %dma_wait3A_618 = tpu.memref_slice %arg15[%dma_wait3A_607] : memref<6x!tpu.dma_semaphore, #tpu.memory_space<semaphore_mem>> -> memref<1x!tpu.dma_semaphore, #tpu.memory_space<semaphore_mem>>
    %dma_wait3A_619 = tpu.memref_squeeze %dma_wait3A_618 : memref<1x!tpu.dma_semaphore, #tpu.memory_space<semaphore_mem>> -> memref<!tpu.dma_semaphore, #tpu.memory_space<semaphore_mem>>
    tpu.wait_indirect_dma semaphore(%dma_wait3A_619 : memref<!tpu.dma_semaphore, #tpu.memory_space<semaphore_mem>>) src(%dma_wait3A_617 : memref<10000x128xf32, #tpu.memory_space<hbm>>) dst(%dma_wait3A_611 : memref<40x128xf32, #tpu.memory_space<vmem>>)
    %dma_start3A_620 = arith.constant 0 : i32
    %dma_start3A_621 = arith.constant 120 : i32
    %dma_start3A_622 = arith.constant 0 : i32
    %dma_start3A_623 = arith.constant 0 : i32
    %dma_start3A_624 = arith.constant 0 : i32
    %dma_start3A_625 = tpu.memref_slice %arg11[%dma_start3A_620, %dma_start3A_623, %dma_start3A_624] : memref<6x40x128xf32, #tpu.memory_space<vmem>> -> memref<1x40x128xf32, #tpu.memory_space<vmem>>
    %dma_start3A_626 = tpu.memref_squeeze %dma_start3A_625 : memref<1x40x128xf32, #tpu.memory_space<vmem>> -> memref<40x128xf32, #tpu.memory_space<vmem>>
    %dma_start3A_627 = arith.constant 0 : i32
    %dma_start3A_628 = tpu.memref_slice %arg10[%dma_start3A_621, %dma_start3A_627] : memref<125x40xi32, #tpu.memory_space<vmem>> -> memref<1x40xi32, #tpu.memory_space<vmem>>
    %dma_start3A_629 = tpu.memref_squeeze %dma_start3A_628 : memref<1x40xi32, #tpu.memory_space<vmem>> -> memref<40xi32, #tpu.memory_space<vmem>>
    %dma_start3A_630 = arith.constant 0 : i32
    %dma_start3A_631 = arith.constant 0 : i32
    %dma_start3A_632 = tpu.memref_slice %arg13[%dma_start3A_630, %dma_start3A_631] : memref<10240x128xf32, #tpu.memory_space<vmem_shared>> -> memref<10240x128xf32, #tpu.memory_space<vmem_shared>>
    %dma_start3A_633 = tpu.memref_slice %arg16[%dma_start3A_622] : memref<6x!tpu.dma_semaphore, #tpu.memory_space<semaphore_mem>> -> memref<1x!tpu.dma_semaphore, #tpu.memory_space<semaphore_mem>>
    %dma_start3A_634 = tpu.memref_squeeze %dma_start3A_633 : memref<1x!tpu.dma_semaphore, #tpu.memory_space<semaphore_mem>> -> memref<!tpu.dma_semaphore, #tpu.memory_space<semaphore_mem>>
    tpu.enqueue_indirect_dma source(%dma_start3A_626 : memref<40x128xf32, #tpu.memory_space<vmem>>) target(%dma_start3A_632 : memref<10240x128xf32, #tpu.memory_space<vmem_shared>>) offsets(%dma_start3A_629 : memref<40xi32, #tpu.memory_space<vmem>>) semaphore(%dma_start3A_634 : memref<!tpu.dma_semaphore, #tpu.memory_space<semaphore_mem>>) {add = true}
    %dma_start3A_635 = arith.constant 120 : i32
    %dma_start3A_636 = arith.constant 0 : i32
    %dma_start3A_637 = arith.constant 0 : i32
    %dma_start3A_638 = tpu.memref_slice %arg10[%dma_start3A_635, %dma_start3A_637] : memref<125x40xi32, #tpu.memory_space<vmem>> -> memref<1x40xi32, #tpu.memory_space<vmem>>
    %dma_start3A_639 = tpu.memref_squeeze %dma_start3A_638 : memref<1x40xi32, #tpu.memory_space<vmem>> -> memref<40xi32, #tpu.memory_space<vmem>>
    %dma_start3A_640 = arith.constant 0 : i32
    %dma_start3A_641 = arith.constant 0 : i32
    %dma_start3A_642 = tpu.memref_slice %arg14[%dma_start3A_640, %dma_start3A_641] : memref<10240x8xf32, #tpu.memory_space<vmem_shared>> -> memref<10240x8xf32, #tpu.memory_space<vmem_shared>>
    %dma_start3A_643 = tpu.memref_slice %arg17[%dma_start3A_636] : memref<6x!tpu.dma_semaphore, #tpu.memory_space<semaphore_mem>> -> memref<1x!tpu.dma_semaphore, #tpu.memory_space<semaphore_mem>>
    %dma_start3A_644 = tpu.memref_squeeze %dma_start3A_643 : memref<1x!tpu.dma_semaphore, #tpu.memory_space<semaphore_mem>> -> memref<!tpu.dma_semaphore, #tpu.memory_space<semaphore_mem>>
    tpu.enqueue_indirect_dma source(%arg12 : memref<40x8xf32, #tpu.memory_space<vmem>>) target(%dma_start3A_642 : memref<10240x8xf32, #tpu.memory_space<vmem_shared>>) offsets(%dma_start3A_639 : memref<40xi32, #tpu.memory_space<vmem>>) semaphore(%dma_start3A_644 : memref<!tpu.dma_semaphore, #tpu.memory_space<semaphore_mem>>) {add = true}
    %dma_wait3A_645 = arith.constant 121 : i32
    %dma_wait3A_646 = arith.constant 1 : i32
    %dma_wait3A_647 = arith.constant 1 : i32
    %dma_wait3A_648 = arith.constant 0 : i32
    %dma_wait3A_649 = arith.constant 0 : i32
    %dma_wait3A_650 = tpu.memref_slice %arg11[%dma_wait3A_646, %dma_wait3A_648, %dma_wait3A_649] : memref<6x40x128xf32, #tpu.memory_space<vmem>> -> memref<1x40x128xf32, #tpu.memory_space<vmem>>
    %dma_wait3A_651 = tpu.memref_squeeze %dma_wait3A_650 : memref<1x40x128xf32, #tpu.memory_space<vmem>> -> memref<40x128xf32, #tpu.memory_space<vmem>>
    %dma_wait3A_652 = arith.constant 0 : i32
    %dma_wait3A_653 = tpu.memref_slice %arg9[%dma_wait3A_645, %dma_wait3A_652] : memref<125x40xi32, #tpu.memory_space<vmem>> -> memref<1x40xi32, #tpu.memory_space<vmem>>
    %dma_wait3A_654 = tpu.memref_squeeze %dma_wait3A_653 : memref<1x40xi32, #tpu.memory_space<vmem>> -> memref<40xi32, #tpu.memory_space<vmem>>
    %dma_wait3A_655 = arith.constant 0 : i32
    %dma_wait3A_656 = arith.constant 0 : i32
    %dma_wait3A_657 = tpu.memref_slice %arg2[%dma_wait3A_655, %dma_wait3A_656] : memref<10000x128xf32, #tpu.memory_space<hbm>> -> memref<10000x128xf32, #tpu.memory_space<hbm>>
    %dma_wait3A_658 = tpu.memref_slice %arg15[%dma_wait3A_647] : memref<6x!tpu.dma_semaphore, #tpu.memory_space<semaphore_mem>> -> memref<1x!tpu.dma_semaphore, #tpu.memory_space<semaphore_mem>>
    %dma_wait3A_659 = tpu.memref_squeeze %dma_wait3A_658 : memref<1x!tpu.dma_semaphore, #tpu.memory_space<semaphore_mem>> -> memref<!tpu.dma_semaphore, #tpu.memory_space<semaphore_mem>>
    tpu.wait_indirect_dma semaphore(%dma_wait3A_659 : memref<!tpu.dma_semaphore, #tpu.memory_space<semaphore_mem>>) src(%dma_wait3A_657 : memref<10000x128xf32, #tpu.memory_space<hbm>>) dst(%dma_wait3A_651 : memref<40x128xf32, #tpu.memory_space<vmem>>)
    %dma_start3A_660 = arith.constant 1 : i32
    %dma_start3A_661 = arith.constant 121 : i32
    %dma_start3A_662 = arith.constant 1 : i32
    %dma_start3A_663 = arith.constant 0 : i32
    %dma_start3A_664 = arith.constant 0 : i32
    %dma_start3A_665 = tpu.memref_slice %arg11[%dma_start3A_660, %dma_start3A_663, %dma_start3A_664] : memref<6x40x128xf32, #tpu.memory_space<vmem>> -> memref<1x40x128xf32, #tpu.memory_space<vmem>>
    %dma_start3A_666 = tpu.memref_squeeze %dma_start3A_665 : memref<1x40x128xf32, #tpu.memory_space<vmem>> -> memref<40x128xf32, #tpu.memory_space<vmem>>
    %dma_start3A_667 = arith.constant 0 : i32
    %dma_start3A_668 = tpu.memref_slice %arg10[%dma_start3A_661, %dma_start3A_667] : memref<125x40xi32, #tpu.memory_space<vmem>> -> memref<1x40xi32, #tpu.memory_space<vmem>>
    %dma_start3A_669 = tpu.memref_squeeze %dma_start3A_668 : memref<1x40xi32, #tpu.memory_space<vmem>> -> memref<40xi32, #tpu.memory_space<vmem>>
    %dma_start3A_670 = arith.constant 0 : i32
    %dma_start3A_671 = arith.constant 0 : i32
    %dma_start3A_672 = tpu.memref_slice %arg13[%dma_start3A_670, %dma_start3A_671] : memref<10240x128xf32, #tpu.memory_space<vmem_shared>> -> memref<10240x128xf32, #tpu.memory_space<vmem_shared>>
    %dma_start3A_673 = tpu.memref_slice %arg16[%dma_start3A_662] : memref<6x!tpu.dma_semaphore, #tpu.memory_space<semaphore_mem>> -> memref<1x!tpu.dma_semaphore, #tpu.memory_space<semaphore_mem>>
    %dma_start3A_674 = tpu.memref_squeeze %dma_start3A_673 : memref<1x!tpu.dma_semaphore, #tpu.memory_space<semaphore_mem>> -> memref<!tpu.dma_semaphore, #tpu.memory_space<semaphore_mem>>
    tpu.enqueue_indirect_dma source(%dma_start3A_666 : memref<40x128xf32, #tpu.memory_space<vmem>>) target(%dma_start3A_672 : memref<10240x128xf32, #tpu.memory_space<vmem_shared>>) offsets(%dma_start3A_669 : memref<40xi32, #tpu.memory_space<vmem>>) semaphore(%dma_start3A_674 : memref<!tpu.dma_semaphore, #tpu.memory_space<semaphore_mem>>) {add = true}
    %dma_start3A_675 = arith.constant 121 : i32
    %dma_start3A_676 = arith.constant 1 : i32
    %dma_start3A_677 = arith.constant 0 : i32
    %dma_start3A_678 = tpu.memref_slice %arg10[%dma_start3A_675, %dma_start3A_677] : memref<125x40xi32, #tpu.memory_space<vmem>> -> memref<1x40xi32, #tpu.memory_space<vmem>>
    %dma_start3A_679 = tpu.memref_squeeze %dma_start3A_678 : memref<1x40xi32, #tpu.memory_space<vmem>> -> memref<40xi32, #tpu.memory_space<vmem>>
    %dma_start3A_680 = arith.constant 0 : i32
    %dma_start3A_681 = arith.constant 0 : i32
    %dma_start3A_682 = tpu.memref_slice %arg14[%dma_start3A_680, %dma_start3A_681] : memref<10240x8xf32, #tpu.memory_space<vmem_shared>> -> memref<10240x8xf32, #tpu.memory_space<vmem_shared>>
    %dma_start3A_683 = tpu.memref_slice %arg17[%dma_start3A_676] : memref<6x!tpu.dma_semaphore, #tpu.memory_space<semaphore_mem>> -> memref<1x!tpu.dma_semaphore, #tpu.memory_space<semaphore_mem>>
    %dma_start3A_684 = tpu.memref_squeeze %dma_start3A_683 : memref<1x!tpu.dma_semaphore, #tpu.memory_space<semaphore_mem>> -> memref<!tpu.dma_semaphore, #tpu.memory_space<semaphore_mem>>
    tpu.enqueue_indirect_dma source(%arg12 : memref<40x8xf32, #tpu.memory_space<vmem>>) target(%dma_start3A_682 : memref<10240x8xf32, #tpu.memory_space<vmem_shared>>) offsets(%dma_start3A_679 : memref<40xi32, #tpu.memory_space<vmem>>) semaphore(%dma_start3A_684 : memref<!tpu.dma_semaphore, #tpu.memory_space<semaphore_mem>>) {add = true}
    %dma_wait3A_685 = arith.constant 122 : i32
    %dma_wait3A_686 = arith.constant 2 : i32
    %dma_wait3A_687 = arith.constant 2 : i32
    %dma_wait3A_688 = arith.constant 0 : i32
    %dma_wait3A_689 = arith.constant 0 : i32
    %dma_wait3A_690 = tpu.memref_slice %arg11[%dma_wait3A_686, %dma_wait3A_688, %dma_wait3A_689] : memref<6x40x128xf32, #tpu.memory_space<vmem>> -> memref<1x40x128xf32, #tpu.memory_space<vmem>>
    %dma_wait3A_691 = tpu.memref_squeeze %dma_wait3A_690 : memref<1x40x128xf32, #tpu.memory_space<vmem>> -> memref<40x128xf32, #tpu.memory_space<vmem>>
    %dma_wait3A_692 = arith.constant 0 : i32
    %dma_wait3A_693 = tpu.memref_slice %arg9[%dma_wait3A_685, %dma_wait3A_692] : memref<125x40xi32, #tpu.memory_space<vmem>> -> memref<1x40xi32, #tpu.memory_space<vmem>>
    %dma_wait3A_694 = tpu.memref_squeeze %dma_wait3A_693 : memref<1x40xi32, #tpu.memory_space<vmem>> -> memref<40xi32, #tpu.memory_space<vmem>>
    %dma_wait3A_695 = arith.constant 0 : i32
    %dma_wait3A_696 = arith.constant 0 : i32
    %dma_wait3A_697 = tpu.memref_slice %arg2[%dma_wait3A_695, %dma_wait3A_696] : memref<10000x128xf32, #tpu.memory_space<hbm>> -> memref<10000x128xf32, #tpu.memory_space<hbm>>
    %dma_wait3A_698 = tpu.memref_slice %arg15[%dma_wait3A_687] : memref<6x!tpu.dma_semaphore, #tpu.memory_space<semaphore_mem>> -> memref<1x!tpu.dma_semaphore, #tpu.memory_space<semaphore_mem>>
    %dma_wait3A_699 = tpu.memref_squeeze %dma_wait3A_698 : memref<1x!tpu.dma_semaphore, #tpu.memory_space<semaphore_mem>> -> memref<!tpu.dma_semaphore, #tpu.memory_space<semaphore_mem>>
    tpu.wait_indirect_dma semaphore(%dma_wait3A_699 : memref<!tpu.dma_semaphore, #tpu.memory_space<semaphore_mem>>) src(%dma_wait3A_697 : memref<10000x128xf32, #tpu.memory_space<hbm>>) dst(%dma_wait3A_691 : memref<40x128xf32, #tpu.memory_space<vmem>>)
    %dma_start3A_700 = arith.constant 2 : i32
    %dma_start3A_701 = arith.constant 122 : i32
    %dma_start3A_702 = arith.constant 2 : i32
    %dma_start3A_703 = arith.constant 0 : i32
    %dma_start3A_704 = arith.constant 0 : i32
    %dma_start3A_705 = tpu.memref_slice %arg11[%dma_start3A_700, %dma_start3A_703, %dma_start3A_704] : memref<6x40x128xf32, #tpu.memory_space<vmem>> -> memref<1x40x128xf32, #tpu.memory_space<vmem>>
    %dma_start3A_706 = tpu.memref_squeeze %dma_start3A_705 : memref<1x40x128xf32, #tpu.memory_space<vmem>> -> memref<40x128xf32, #tpu.memory_space<vmem>>
    %dma_start3A_707 = arith.constant 0 : i32
    %dma_start3A_708 = tpu.memref_slice %arg10[%dma_start3A_701, %dma_start3A_707] : memref<125x40xi32, #tpu.memory_space<vmem>> -> memref<1x40xi32, #tpu.memory_space<vmem>>
    %dma_start3A_709 = tpu.memref_squeeze %dma_start3A_708 : memref<1x40xi32, #tpu.memory_space<vmem>> -> memref<40xi32, #tpu.memory_space<vmem>>
    %dma_start3A_710 = arith.constant 0 : i32
    %dma_start3A_711 = arith.constant 0 : i32
    %dma_start3A_712 = tpu.memref_slice %arg13[%dma_start3A_710, %dma_start3A_711] : memref<10240x128xf32, #tpu.memory_space<vmem_shared>> -> memref<10240x128xf32, #tpu.memory_space<vmem_shared>>
    %dma_start3A_713 = tpu.memref_slice %arg16[%dma_start3A_702] : memref<6x!tpu.dma_semaphore, #tpu.memory_space<semaphore_mem>> -> memref<1x!tpu.dma_semaphore, #tpu.memory_space<semaphore_mem>>
    %dma_start3A_714 = tpu.memref_squeeze %dma_start3A_713 : memref<1x!tpu.dma_semaphore, #tpu.memory_space<semaphore_mem>> -> memref<!tpu.dma_semaphore, #tpu.memory_space<semaphore_mem>>
    tpu.enqueue_indirect_dma source(%dma_start3A_706 : memref<40x128xf32, #tpu.memory_space<vmem>>) target(%dma_start3A_712 : memref<10240x128xf32, #tpu.memory_space<vmem_shared>>) offsets(%dma_start3A_709 : memref<40xi32, #tpu.memory_space<vmem>>) semaphore(%dma_start3A_714 : memref<!tpu.dma_semaphore, #tpu.memory_space<semaphore_mem>>) {add = true}
    %dma_start3A_715 = arith.constant 122 : i32
    %dma_start3A_716 = arith.constant 2 : i32
    %dma_start3A_717 = arith.constant 0 : i32
    %dma_start3A_718 = tpu.memref_slice %arg10[%dma_start3A_715, %dma_start3A_717] : memref<125x40xi32, #tpu.memory_space<vmem>> -> memref<1x40xi32, #tpu.memory_space<vmem>>
    %dma_start3A_719 = tpu.memref_squeeze %dma_start3A_718 : memref<1x40xi32, #tpu.memory_space<vmem>> -> memref<40xi32, #tpu.memory_space<vmem>>
    %dma_start3A_720 = arith.constant 0 : i32
    %dma_start3A_721 = arith.constant 0 : i32
    %dma_start3A_722 = tpu.memref_slice %arg14[%dma_start3A_720, %dma_start3A_721] : memref<10240x8xf32, #tpu.memory_space<vmem_shared>> -> memref<10240x8xf32, #tpu.memory_space<vmem_shared>>
    %dma_start3A_723 = tpu.memref_slice %arg17[%dma_start3A_716] : memref<6x!tpu.dma_semaphore, #tpu.memory_space<semaphore_mem>> -> memref<1x!tpu.dma_semaphore, #tpu.memory_space<semaphore_mem>>
    %dma_start3A_724 = tpu.memref_squeeze %dma_start3A_723 : memref<1x!tpu.dma_semaphore, #tpu.memory_space<semaphore_mem>> -> memref<!tpu.dma_semaphore, #tpu.memory_space<semaphore_mem>>
    tpu.enqueue_indirect_dma source(%arg12 : memref<40x8xf32, #tpu.memory_space<vmem>>) target(%dma_start3A_722 : memref<10240x8xf32, #tpu.memory_space<vmem_shared>>) offsets(%dma_start3A_719 : memref<40xi32, #tpu.memory_space<vmem>>) semaphore(%dma_start3A_724 : memref<!tpu.dma_semaphore, #tpu.memory_space<semaphore_mem>>) {add = true}
    %dma_wait3A_725 = arith.constant 123 : i32
    %dma_wait3A_726 = arith.constant 3 : i32
    %dma_wait3A_727 = arith.constant 3 : i32
    %dma_wait3A_728 = arith.constant 0 : i32
    %dma_wait3A_729 = arith.constant 0 : i32
    %dma_wait3A_730 = tpu.memref_slice %arg11[%dma_wait3A_726, %dma_wait3A_728, %dma_wait3A_729] : memref<6x40x128xf32, #tpu.memory_space<vmem>> -> memref<1x40x128xf32, #tpu.memory_space<vmem>>
    %dma_wait3A_731 = tpu.memref_squeeze %dma_wait3A_730 : memref<1x40x128xf32, #tpu.memory_space<vmem>> -> memref<40x128xf32, #tpu.memory_space<vmem>>
    %dma_wait3A_732 = arith.constant 0 : i32
    %dma_wait3A_733 = tpu.memref_slice %arg9[%dma_wait3A_725, %dma_wait3A_732] : memref<125x40xi32, #tpu.memory_space<vmem>> -> memref<1x40xi32, #tpu.memory_space<vmem>>
    %dma_wait3A_734 = tpu.memref_squeeze %dma_wait3A_733 : memref<1x40xi32, #tpu.memory_space<vmem>> -> memref<40xi32, #tpu.memory_space<vmem>>
    %dma_wait3A_735 = arith.constant 0 : i32
    %dma_wait3A_736 = arith.constant 0 : i32
    %dma_wait3A_737 = tpu.memref_slice %arg2[%dma_wait3A_735, %dma_wait3A_736] : memref<10000x128xf32, #tpu.memory_space<hbm>> -> memref<10000x128xf32, #tpu.memory_space<hbm>>
    %dma_wait3A_738 = tpu.memref_slice %arg15[%dma_wait3A_727] : memref<6x!tpu.dma_semaphore, #tpu.memory_space<semaphore_mem>> -> memref<1x!tpu.dma_semaphore, #tpu.memory_space<semaphore_mem>>
    %dma_wait3A_739 = tpu.memref_squeeze %dma_wait3A_738 : memref<1x!tpu.dma_semaphore, #tpu.memory_space<semaphore_mem>> -> memref<!tpu.dma_semaphore, #tpu.memory_space<semaphore_mem>>
    tpu.wait_indirect_dma semaphore(%dma_wait3A_739 : memref<!tpu.dma_semaphore, #tpu.memory_space<semaphore_mem>>) src(%dma_wait3A_737 : memref<10000x128xf32, #tpu.memory_space<hbm>>) dst(%dma_wait3A_731 : memref<40x128xf32, #tpu.memory_space<vmem>>)
    %dma_start3A_740 = arith.constant 3 : i32
    %dma_start3A_741 = arith.constant 123 : i32
    %dma_start3A_742 = arith.constant 3 : i32
    %dma_start3A_743 = arith.constant 0 : i32
    %dma_start3A_744 = arith.constant 0 : i32
    %dma_start3A_745 = tpu.memref_slice %arg11[%dma_start3A_740, %dma_start3A_743, %dma_start3A_744] : memref<6x40x128xf32, #tpu.memory_space<vmem>> -> memref<1x40x128xf32, #tpu.memory_space<vmem>>
    %dma_start3A_746 = tpu.memref_squeeze %dma_start3A_745 : memref<1x40x128xf32, #tpu.memory_space<vmem>> -> memref<40x128xf32, #tpu.memory_space<vmem>>
    %dma_start3A_747 = arith.constant 0 : i32
    %dma_start3A_748 = tpu.memref_slice %arg10[%dma_start3A_741, %dma_start3A_747] : memref<125x40xi32, #tpu.memory_space<vmem>> -> memref<1x40xi32, #tpu.memory_space<vmem>>
    %dma_start3A_749 = tpu.memref_squeeze %dma_start3A_748 : memref<1x40xi32, #tpu.memory_space<vmem>> -> memref<40xi32, #tpu.memory_space<vmem>>
    %dma_start3A_750 = arith.constant 0 : i32
    %dma_start3A_751 = arith.constant 0 : i32
    %dma_start3A_752 = tpu.memref_slice %arg13[%dma_start3A_750, %dma_start3A_751] : memref<10240x128xf32, #tpu.memory_space<vmem_shared>> -> memref<10240x128xf32, #tpu.memory_space<vmem_shared>>
    %dma_start3A_753 = tpu.memref_slice %arg16[%dma_start3A_742] : memref<6x!tpu.dma_semaphore, #tpu.memory_space<semaphore_mem>> -> memref<1x!tpu.dma_semaphore, #tpu.memory_space<semaphore_mem>>
    %dma_start3A_754 = tpu.memref_squeeze %dma_start3A_753 : memref<1x!tpu.dma_semaphore, #tpu.memory_space<semaphore_mem>> -> memref<!tpu.dma_semaphore, #tpu.memory_space<semaphore_mem>>
    tpu.enqueue_indirect_dma source(%dma_start3A_746 : memref<40x128xf32, #tpu.memory_space<vmem>>) target(%dma_start3A_752 : memref<10240x128xf32, #tpu.memory_space<vmem_shared>>) offsets(%dma_start3A_749 : memref<40xi32, #tpu.memory_space<vmem>>) semaphore(%dma_start3A_754 : memref<!tpu.dma_semaphore, #tpu.memory_space<semaphore_mem>>) {add = true}
    %dma_start3A_755 = arith.constant 123 : i32
    %dma_start3A_756 = arith.constant 3 : i32
    %dma_start3A_757 = arith.constant 0 : i32
    %dma_start3A_758 = tpu.memref_slice %arg10[%dma_start3A_755, %dma_start3A_757] : memref<125x40xi32, #tpu.memory_space<vmem>> -> memref<1x40xi32, #tpu.memory_space<vmem>>
    %dma_start3A_759 = tpu.memref_squeeze %dma_start3A_758 : memref<1x40xi32, #tpu.memory_space<vmem>> -> memref<40xi32, #tpu.memory_space<vmem>>
    %dma_start3A_760 = arith.constant 0 : i32
    %dma_start3A_761 = arith.constant 0 : i32
    %dma_start3A_762 = tpu.memref_slice %arg14[%dma_start3A_760, %dma_start3A_761] : memref<10240x8xf32, #tpu.memory_space<vmem_shared>> -> memref<10240x8xf32, #tpu.memory_space<vmem_shared>>
    %dma_start3A_763 = tpu.memref_slice %arg17[%dma_start3A_756] : memref<6x!tpu.dma_semaphore, #tpu.memory_space<semaphore_mem>> -> memref<1x!tpu.dma_semaphore, #tpu.memory_space<semaphore_mem>>
    %dma_start3A_764 = tpu.memref_squeeze %dma_start3A_763 : memref<1x!tpu.dma_semaphore, #tpu.memory_space<semaphore_mem>> -> memref<!tpu.dma_semaphore, #tpu.memory_space<semaphore_mem>>
    tpu.enqueue_indirect_dma source(%arg12 : memref<40x8xf32, #tpu.memory_space<vmem>>) target(%dma_start3A_762 : memref<10240x8xf32, #tpu.memory_space<vmem_shared>>) offsets(%dma_start3A_759 : memref<40xi32, #tpu.memory_space<vmem>>) semaphore(%dma_start3A_764 : memref<!tpu.dma_semaphore, #tpu.memory_space<semaphore_mem>>) {add = true}
    %dma_wait3A_765 = arith.constant 124 : i32
    %dma_wait3A_766 = arith.constant 4 : i32
    %dma_wait3A_767 = arith.constant 4 : i32
    %dma_wait3A_768 = arith.constant 0 : i32
    %dma_wait3A_769 = arith.constant 0 : i32
    %dma_wait3A_770 = tpu.memref_slice %arg11[%dma_wait3A_766, %dma_wait3A_768, %dma_wait3A_769] : memref<6x40x128xf32, #tpu.memory_space<vmem>> -> memref<1x40x128xf32, #tpu.memory_space<vmem>>
    %dma_wait3A_771 = tpu.memref_squeeze %dma_wait3A_770 : memref<1x40x128xf32, #tpu.memory_space<vmem>> -> memref<40x128xf32, #tpu.memory_space<vmem>>
    %dma_wait3A_772 = arith.constant 0 : i32
    %dma_wait3A_773 = tpu.memref_slice %arg9[%dma_wait3A_765, %dma_wait3A_772] : memref<125x40xi32, #tpu.memory_space<vmem>> -> memref<1x40xi32, #tpu.memory_space<vmem>>
    %dma_wait3A_774 = tpu.memref_squeeze %dma_wait3A_773 : memref<1x40xi32, #tpu.memory_space<vmem>> -> memref<40xi32, #tpu.memory_space<vmem>>
    %dma_wait3A_775 = arith.constant 0 : i32
    %dma_wait3A_776 = arith.constant 0 : i32
    %dma_wait3A_777 = tpu.memref_slice %arg2[%dma_wait3A_775, %dma_wait3A_776] : memref<10000x128xf32, #tpu.memory_space<hbm>> -> memref<10000x128xf32, #tpu.memory_space<hbm>>
    %dma_wait3A_778 = tpu.memref_slice %arg15[%dma_wait3A_767] : memref<6x!tpu.dma_semaphore, #tpu.memory_space<semaphore_mem>> -> memref<1x!tpu.dma_semaphore, #tpu.memory_space<semaphore_mem>>
    %dma_wait3A_779 = tpu.memref_squeeze %dma_wait3A_778 : memref<1x!tpu.dma_semaphore, #tpu.memory_space<semaphore_mem>> -> memref<!tpu.dma_semaphore, #tpu.memory_space<semaphore_mem>>
    tpu.wait_indirect_dma semaphore(%dma_wait3A_779 : memref<!tpu.dma_semaphore, #tpu.memory_space<semaphore_mem>>) src(%dma_wait3A_777 : memref<10000x128xf32, #tpu.memory_space<hbm>>) dst(%dma_wait3A_771 : memref<40x128xf32, #tpu.memory_space<vmem>>)
    %dma_start3A_780 = arith.constant 4 : i32
    %dma_start3A_781 = arith.constant 124 : i32
    %dma_start3A_782 = arith.constant 4 : i32
    %dma_start3A_783 = arith.constant 0 : i32
    %dma_start3A_784 = arith.constant 0 : i32
    %dma_start3A_785 = tpu.memref_slice %arg11[%dma_start3A_780, %dma_start3A_783, %dma_start3A_784] : memref<6x40x128xf32, #tpu.memory_space<vmem>> -> memref<1x40x128xf32, #tpu.memory_space<vmem>>
    %dma_start3A_786 = tpu.memref_squeeze %dma_start3A_785 : memref<1x40x128xf32, #tpu.memory_space<vmem>> -> memref<40x128xf32, #tpu.memory_space<vmem>>
    %dma_start3A_787 = arith.constant 0 : i32
    %dma_start3A_788 = tpu.memref_slice %arg10[%dma_start3A_781, %dma_start3A_787] : memref<125x40xi32, #tpu.memory_space<vmem>> -> memref<1x40xi32, #tpu.memory_space<vmem>>
    %dma_start3A_789 = tpu.memref_squeeze %dma_start3A_788 : memref<1x40xi32, #tpu.memory_space<vmem>> -> memref<40xi32, #tpu.memory_space<vmem>>
    %dma_start3A_790 = arith.constant 0 : i32
    %dma_start3A_791 = arith.constant 0 : i32
    %dma_start3A_792 = tpu.memref_slice %arg13[%dma_start3A_790, %dma_start3A_791] : memref<10240x128xf32, #tpu.memory_space<vmem_shared>> -> memref<10240x128xf32, #tpu.memory_space<vmem_shared>>
    %dma_start3A_793 = tpu.memref_slice %arg16[%dma_start3A_782] : memref<6x!tpu.dma_semaphore, #tpu.memory_space<semaphore_mem>> -> memref<1x!tpu.dma_semaphore, #tpu.memory_space<semaphore_mem>>
    %dma_start3A_794 = tpu.memref_squeeze %dma_start3A_793 : memref<1x!tpu.dma_semaphore, #tpu.memory_space<semaphore_mem>> -> memref<!tpu.dma_semaphore, #tpu.memory_space<semaphore_mem>>
    tpu.enqueue_indirect_dma source(%dma_start3A_786 : memref<40x128xf32, #tpu.memory_space<vmem>>) target(%dma_start3A_792 : memref<10240x128xf32, #tpu.memory_space<vmem_shared>>) offsets(%dma_start3A_789 : memref<40xi32, #tpu.memory_space<vmem>>) semaphore(%dma_start3A_794 : memref<!tpu.dma_semaphore, #tpu.memory_space<semaphore_mem>>) {add = true}
    %dma_start3A_795 = arith.constant 124 : i32
    %dma_start3A_796 = arith.constant 4 : i32
    %dma_start3A_797 = arith.constant 0 : i32
    %dma_start3A_798 = tpu.memref_slice %arg10[%dma_start3A_795, %dma_start3A_797] : memref<125x40xi32, #tpu.memory_space<vmem>> -> memref<1x40xi32, #tpu.memory_space<vmem>>
    %dma_start3A_799 = tpu.memref_squeeze %dma_start3A_798 : memref<1x40xi32, #tpu.memory_space<vmem>> -> memref<40xi32, #tpu.memory_space<vmem>>
    %dma_start3A_800 = arith.constant 0 : i32
    %dma_start3A_801 = arith.constant 0 : i32
    %dma_start3A_802 = tpu.memref_slice %arg14[%dma_start3A_800, %dma_start3A_801] : memref<10240x8xf32, #tpu.memory_space<vmem_shared>> -> memref<10240x8xf32, #tpu.memory_space<vmem_shared>>
    %dma_start3A_803 = tpu.memref_slice %arg17[%dma_start3A_796] : memref<6x!tpu.dma_semaphore, #tpu.memory_space<semaphore_mem>> -> memref<1x!tpu.dma_semaphore, #tpu.memory_space<semaphore_mem>>
    %dma_start3A_804 = tpu.memref_squeeze %dma_start3A_803 : memref<1x!tpu.dma_semaphore, #tpu.memory_space<semaphore_mem>> -> memref<!tpu.dma_semaphore, #tpu.memory_space<semaphore_mem>>
    tpu.enqueue_indirect_dma source(%arg12 : memref<40x8xf32, #tpu.memory_space<vmem>>) target(%dma_start3A_802 : memref<10240x8xf32, #tpu.memory_space<vmem_shared>>) offsets(%dma_start3A_799 : memref<40xi32, #tpu.memory_space<vmem>>) semaphore(%dma_start3A_804 : memref<!tpu.dma_semaphore, #tpu.memory_space<semaphore_mem>>) {add = true}
    %dma_wait3A_805 = arith.constant 5 : i32
    %dma_wait3A_806 = arith.constant 119 : i32
    %dma_wait3A_807 = arith.constant 5 : i32
    %dma_wait3A_808 = arith.constant 0 : i32
    %dma_wait3A_809 = arith.constant 0 : i32
    %dma_wait3A_810 = tpu.memref_slice %arg11[%dma_wait3A_805, %dma_wait3A_808, %dma_wait3A_809] : memref<6x40x128xf32, #tpu.memory_space<vmem>> -> memref<1x40x128xf32, #tpu.memory_space<vmem>>
    %dma_wait3A_811 = tpu.memref_squeeze %dma_wait3A_810 : memref<1x40x128xf32, #tpu.memory_space<vmem>> -> memref<40x128xf32, #tpu.memory_space<vmem>>
    %dma_wait3A_812 = arith.constant 0 : i32
    %dma_wait3A_813 = tpu.memref_slice %arg10[%dma_wait3A_806, %dma_wait3A_812] : memref<125x40xi32, #tpu.memory_space<vmem>> -> memref<1x40xi32, #tpu.memory_space<vmem>>
    %dma_wait3A_814 = tpu.memref_squeeze %dma_wait3A_813 : memref<1x40xi32, #tpu.memory_space<vmem>> -> memref<40xi32, #tpu.memory_space<vmem>>
    %dma_wait3A_815 = arith.constant 0 : i32
    %dma_wait3A_816 = arith.constant 0 : i32
    %dma_wait3A_817 = tpu.memref_slice %arg13[%dma_wait3A_815, %dma_wait3A_816] : memref<10240x128xf32, #tpu.memory_space<vmem_shared>> -> memref<10240x128xf32, #tpu.memory_space<vmem_shared>>
    %dma_wait3A_818 = tpu.memref_slice %arg16[%dma_wait3A_807] : memref<6x!tpu.dma_semaphore, #tpu.memory_space<semaphore_mem>> -> memref<1x!tpu.dma_semaphore, #tpu.memory_space<semaphore_mem>>
    %dma_wait3A_819 = tpu.memref_squeeze %dma_wait3A_818 : memref<1x!tpu.dma_semaphore, #tpu.memory_space<semaphore_mem>> -> memref<!tpu.dma_semaphore, #tpu.memory_space<semaphore_mem>>
    tpu.wait_indirect_dma semaphore(%dma_wait3A_819 : memref<!tpu.dma_semaphore, #tpu.memory_space<semaphore_mem>>) src(%dma_wait3A_811 : memref<40x128xf32, #tpu.memory_space<vmem>>) dst(%dma_wait3A_817 : memref<10240x128xf32, #tpu.memory_space<vmem_shared>>)
    %dma_wait3A_820 = arith.constant 119 : i32
    %dma_wait3A_821 = arith.constant 5 : i32
    %dma_wait3A_822 = arith.constant 0 : i32
    %dma_wait3A_823 = tpu.memref_slice %arg10[%dma_wait3A_820, %dma_wait3A_822] : memref<125x40xi32, #tpu.memory_space<vmem>> -> memref<1x40xi32, #tpu.memory_space<vmem>>
    %dma_wait3A_824 = tpu.memref_squeeze %dma_wait3A_823 : memref<1x40xi32, #tpu.memory_space<vmem>> -> memref<40xi32, #tpu.memory_space<vmem>>
    %dma_wait3A_825 = arith.constant 0 : i32
    %dma_wait3A_826 = arith.constant 0 : i32
    %dma_wait3A_827 = tpu.memref_slice %arg14[%dma_wait3A_825, %dma_wait3A_826] : memref<10240x8xf32, #tpu.memory_space<vmem_shared>> -> memref<10240x8xf32, #tpu.memory_space<vmem_shared>>
    %dma_wait3A_828 = tpu.memref_slice %arg17[%dma_wait3A_821] : memref<6x!tpu.dma_semaphore, #tpu.memory_space<semaphore_mem>> -> memref<1x!tpu.dma_semaphore, #tpu.memory_space<semaphore_mem>>
    %dma_wait3A_829 = tpu.memref_squeeze %dma_wait3A_828 : memref<1x!tpu.dma_semaphore, #tpu.memory_space<semaphore_mem>> -> memref<!tpu.dma_semaphore, #tpu.memory_space<semaphore_mem>>
    tpu.wait_indirect_dma semaphore(%dma_wait3A_829 : memref<!tpu.dma_semaphore, #tpu.memory_space<semaphore_mem>>) src(%arg12 : memref<40x8xf32, #tpu.memory_space<vmem>>) dst(%dma_wait3A_827 : memref<10240x8xf32, #tpu.memory_space<vmem_shared>>)
    %dma_wait3A_830 = arith.constant 0 : i32
    %dma_wait3A_831 = arith.constant 120 : i32
    %dma_wait3A_832 = arith.constant 0 : i32
    %dma_wait3A_833 = arith.constant 0 : i32
    %dma_wait3A_834 = arith.constant 0 : i32
    %dma_wait3A_835 = tpu.memref_slice %arg11[%dma_wait3A_830, %dma_wait3A_833, %dma_wait3A_834] : memref<6x40x128xf32, #tpu.memory_space<vmem>> -> memref<1x40x128xf32, #tpu.memory_space<vmem>>
    %dma_wait3A_836 = tpu.memref_squeeze %dma_wait3A_835 : memref<1x40x128xf32, #tpu.memory_space<vmem>> -> memref<40x128xf32, #tpu.memory_space<vmem>>
    %dma_wait3A_837 = arith.constant 0 : i32
    %dma_wait3A_838 = tpu.memref_slice %arg10[%dma_wait3A_831, %dma_wait3A_837] : memref<125x40xi32, #tpu.memory_space<vmem>> -> memref<1x40xi32, #tpu.memory_space<vmem>>
    %dma_wait3A_839 = tpu.memref_squeeze %dma_wait3A_838 : memref<1x40xi32, #tpu.memory_space<vmem>> -> memref<40xi32, #tpu.memory_space<vmem>>
    %dma_wait3A_840 = arith.constant 0 : i32
    %dma_wait3A_841 = arith.constant 0 : i32
    %dma_wait3A_842 = tpu.memref_slice %arg13[%dma_wait3A_840, %dma_wait3A_841] : memref<10240x128xf32, #tpu.memory_space<vmem_shared>> -> memref<10240x128xf32, #tpu.memory_space<vmem_shared>>
    %dma_wait3A_843 = tpu.memref_slice %arg16[%dma_wait3A_832] : memref<6x!tpu.dma_semaphore, #tpu.memory_space<semaphore_mem>> -> memref<1x!tpu.dma_semaphore, #tpu.memory_space<semaphore_mem>>
    %dma_wait3A_844 = tpu.memref_squeeze %dma_wait3A_843 : memref<1x!tpu.dma_semaphore, #tpu.memory_space<semaphore_mem>> -> memref<!tpu.dma_semaphore, #tpu.memory_space<semaphore_mem>>
    tpu.wait_indirect_dma semaphore(%dma_wait3A_844 : memref<!tpu.dma_semaphore, #tpu.memory_space<semaphore_mem>>) src(%dma_wait3A_836 : memref<40x128xf32, #tpu.memory_space<vmem>>) dst(%dma_wait3A_842 : memref<10240x128xf32, #tpu.memory_space<vmem_shared>>)
    %dma_wait3A_845 = arith.constant 120 : i32
    %dma_wait3A_846 = arith.constant 0 : i32
    %dma_wait3A_847 = arith.constant 0 : i32
    %dma_wait3A_848 = tpu.memref_slice %arg10[%dma_wait3A_845, %dma_wait3A_847] : memref<125x40xi32, #tpu.memory_space<vmem>> -> memref<1x40xi32, #tpu.memory_space<vmem>>
    %dma_wait3A_849 = tpu.memref_squeeze %dma_wait3A_848 : memref<1x40xi32, #tpu.memory_space<vmem>> -> memref<40xi32, #tpu.memory_space<vmem>>
    %dma_wait3A_850 = arith.constant 0 : i32
    %dma_wait3A_851 = arith.constant 0 : i32
    %dma_wait3A_852 = tpu.memref_slice %arg14[%dma_wait3A_850, %dma_wait3A_851] : memref<10240x8xf32, #tpu.memory_space<vmem_shared>> -> memref<10240x8xf32, #tpu.memory_space<vmem_shared>>
    %dma_wait3A_853 = tpu.memref_slice %arg17[%dma_wait3A_846] : memref<6x!tpu.dma_semaphore, #tpu.memory_space<semaphore_mem>> -> memref<1x!tpu.dma_semaphore, #tpu.memory_space<semaphore_mem>>
    %dma_wait3A_854 = tpu.memref_squeeze %dma_wait3A_853 : memref<1x!tpu.dma_semaphore, #tpu.memory_space<semaphore_mem>> -> memref<!tpu.dma_semaphore, #tpu.memory_space<semaphore_mem>>
    tpu.wait_indirect_dma semaphore(%dma_wait3A_854 : memref<!tpu.dma_semaphore, #tpu.memory_space<semaphore_mem>>) src(%arg12 : memref<40x8xf32, #tpu.memory_space<vmem>>) dst(%dma_wait3A_852 : memref<10240x8xf32, #tpu.memory_space<vmem_shared>>)
    %dma_wait3A_855 = arith.constant 1 : i32
    %dma_wait3A_856 = arith.constant 121 : i32
    %dma_wait3A_857 = arith.constant 1 : i32
    %dma_wait3A_858 = arith.constant 0 : i32
    %dma_wait3A_859 = arith.constant 0 : i32
    %dma_wait3A_860 = tpu.memref_slice %arg11[%dma_wait3A_855, %dma_wait3A_858, %dma_wait3A_859] : memref<6x40x128xf32, #tpu.memory_space<vmem>> -> memref<1x40x128xf32, #tpu.memory_space<vmem>>
    %dma_wait3A_861 = tpu.memref_squeeze %dma_wait3A_860 : memref<1x40x128xf32, #tpu.memory_space<vmem>> -> memref<40x128xf32, #tpu.memory_space<vmem>>
    %dma_wait3A_862 = arith.constant 0 : i32
    %dma_wait3A_863 = tpu.memref_slice %arg10[%dma_wait3A_856, %dma_wait3A_862] : memref<125x40xi32, #tpu.memory_space<vmem>> -> memref<1x40xi32, #tpu.memory_space<vmem>>
    %dma_wait3A_864 = tpu.memref_squeeze %dma_wait3A_863 : memref<1x40xi32, #tpu.memory_space<vmem>> -> memref<40xi32, #tpu.memory_space<vmem>>
    %dma_wait3A_865 = arith.constant 0 : i32
    %dma_wait3A_866 = arith.constant 0 : i32
    %dma_wait3A_867 = tpu.memref_slice %arg13[%dma_wait3A_865, %dma_wait3A_866] : memref<10240x128xf32, #tpu.memory_space<vmem_shared>> -> memref<10240x128xf32, #tpu.memory_space<vmem_shared>>
    %dma_wait3A_868 = tpu.memref_slice %arg16[%dma_wait3A_857] : memref<6x!tpu.dma_semaphore, #tpu.memory_space<semaphore_mem>> -> memref<1x!tpu.dma_semaphore, #tpu.memory_space<semaphore_mem>>
    %dma_wait3A_869 = tpu.memref_squeeze %dma_wait3A_868 : memref<1x!tpu.dma_semaphore, #tpu.memory_space<semaphore_mem>> -> memref<!tpu.dma_semaphore, #tpu.memory_space<semaphore_mem>>
    tpu.wait_indirect_dma semaphore(%dma_wait3A_869 : memref<!tpu.dma_semaphore, #tpu.memory_space<semaphore_mem>>) src(%dma_wait3A_861 : memref<40x128xf32, #tpu.memory_space<vmem>>) dst(%dma_wait3A_867 : memref<10240x128xf32, #tpu.memory_space<vmem_shared>>)
    %dma_wait3A_870 = arith.constant 121 : i32
    %dma_wait3A_871 = arith.constant 1 : i32
    %dma_wait3A_872 = arith.constant 0 : i32
    %dma_wait3A_873 = tpu.memref_slice %arg10[%dma_wait3A_870, %dma_wait3A_872] : memref<125x40xi32, #tpu.memory_space<vmem>> -> memref<1x40xi32, #tpu.memory_space<vmem>>
    %dma_wait3A_874 = tpu.memref_squeeze %dma_wait3A_873 : memref<1x40xi32, #tpu.memory_space<vmem>> -> memref<40xi32, #tpu.memory_space<vmem>>
    %dma_wait3A_875 = arith.constant 0 : i32
    %dma_wait3A_876 = arith.constant 0 : i32
    %dma_wait3A_877 = tpu.memref_slice %arg14[%dma_wait3A_875, %dma_wait3A_876] : memref<10240x8xf32, #tpu.memory_space<vmem_shared>> -> memref<10240x8xf32, #tpu.memory_space<vmem_shared>>
    %dma_wait3A_878 = tpu.memref_slice %arg17[%dma_wait3A_871] : memref<6x!tpu.dma_semaphore, #tpu.memory_space<semaphore_mem>> -> memref<1x!tpu.dma_semaphore, #tpu.memory_space<semaphore_mem>>
    %dma_wait3A_879 = tpu.memref_squeeze %dma_wait3A_878 : memref<1x!tpu.dma_semaphore, #tpu.memory_space<semaphore_mem>> -> memref<!tpu.dma_semaphore, #tpu.memory_space<semaphore_mem>>
    tpu.wait_indirect_dma semaphore(%dma_wait3A_879 : memref<!tpu.dma_semaphore, #tpu.memory_space<semaphore_mem>>) src(%arg12 : memref<40x8xf32, #tpu.memory_space<vmem>>) dst(%dma_wait3A_877 : memref<10240x8xf32, #tpu.memory_space<vmem_shared>>)
    %dma_wait3A_880 = arith.constant 2 : i32
    %dma_wait3A_881 = arith.constant 122 : i32
    %dma_wait3A_882 = arith.constant 2 : i32
    %dma_wait3A_883 = arith.constant 0 : i32
    %dma_wait3A_884 = arith.constant 0 : i32
    %dma_wait3A_885 = tpu.memref_slice %arg11[%dma_wait3A_880, %dma_wait3A_883, %dma_wait3A_884] : memref<6x40x128xf32, #tpu.memory_space<vmem>> -> memref<1x40x128xf32, #tpu.memory_space<vmem>>
    %dma_wait3A_886 = tpu.memref_squeeze %dma_wait3A_885 : memref<1x40x128xf32, #tpu.memory_space<vmem>> -> memref<40x128xf32, #tpu.memory_space<vmem>>
    %dma_wait3A_887 = arith.constant 0 : i32
    %dma_wait3A_888 = tpu.memref_slice %arg10[%dma_wait3A_881, %dma_wait3A_887] : memref<125x40xi32, #tpu.memory_space<vmem>> -> memref<1x40xi32, #tpu.memory_space<vmem>>
    %dma_wait3A_889 = tpu.memref_squeeze %dma_wait3A_888 : memref<1x40xi32, #tpu.memory_space<vmem>> -> memref<40xi32, #tpu.memory_space<vmem>>
    %dma_wait3A_890 = arith.constant 0 : i32
    %dma_wait3A_891 = arith.constant 0 : i32
    %dma_wait3A_892 = tpu.memref_slice %arg13[%dma_wait3A_890, %dma_wait3A_891] : memref<10240x128xf32, #tpu.memory_space<vmem_shared>> -> memref<10240x128xf32, #tpu.memory_space<vmem_shared>>
    %dma_wait3A_893 = tpu.memref_slice %arg16[%dma_wait3A_882] : memref<6x!tpu.dma_semaphore, #tpu.memory_space<semaphore_mem>> -> memref<1x!tpu.dma_semaphore, #tpu.memory_space<semaphore_mem>>
    %dma_wait3A_894 = tpu.memref_squeeze %dma_wait3A_893 : memref<1x!tpu.dma_semaphore, #tpu.memory_space<semaphore_mem>> -> memref<!tpu.dma_semaphore, #tpu.memory_space<semaphore_mem>>
    tpu.wait_indirect_dma semaphore(%dma_wait3A_894 : memref<!tpu.dma_semaphore, #tpu.memory_space<semaphore_mem>>) src(%dma_wait3A_886 : memref<40x128xf32, #tpu.memory_space<vmem>>) dst(%dma_wait3A_892 : memref<10240x128xf32, #tpu.memory_space<vmem_shared>>)
    %dma_wait3A_895 = arith.constant 122 : i32
    %dma_wait3A_896 = arith.constant 2 : i32
    %dma_wait3A_897 = arith.constant 0 : i32
    %dma_wait3A_898 = tpu.memref_slice %arg10[%dma_wait3A_895, %dma_wait3A_897] : memref<125x40xi32, #tpu.memory_space<vmem>> -> memref<1x40xi32, #tpu.memory_space<vmem>>
    %dma_wait3A_899 = tpu.memref_squeeze %dma_wait3A_898 : memref<1x40xi32, #tpu.memory_space<vmem>> -> memref<40xi32, #tpu.memory_space<vmem>>
    %dma_wait3A_900 = arith.constant 0 : i32
    %dma_wait3A_901 = arith.constant 0 : i32
    %dma_wait3A_902 = tpu.memref_slice %arg14[%dma_wait3A_900, %dma_wait3A_901] : memref<10240x8xf32, #tpu.memory_space<vmem_shared>> -> memref<10240x8xf32, #tpu.memory_space<vmem_shared>>
    %dma_wait3A_903 = tpu.memref_slice %arg17[%dma_wait3A_896] : memref<6x!tpu.dma_semaphore, #tpu.memory_space<semaphore_mem>> -> memref<1x!tpu.dma_semaphore, #tpu.memory_space<semaphore_mem>>
    %dma_wait3A_904 = tpu.memref_squeeze %dma_wait3A_903 : memref<1x!tpu.dma_semaphore, #tpu.memory_space<semaphore_mem>> -> memref<!tpu.dma_semaphore, #tpu.memory_space<semaphore_mem>>
    tpu.wait_indirect_dma semaphore(%dma_wait3A_904 : memref<!tpu.dma_semaphore, #tpu.memory_space<semaphore_mem>>) src(%arg12 : memref<40x8xf32, #tpu.memory_space<vmem>>) dst(%dma_wait3A_902 : memref<10240x8xf32, #tpu.memory_space<vmem_shared>>)
    %dma_wait3A_905 = arith.constant 3 : i32
    %dma_wait3A_906 = arith.constant 123 : i32
    %dma_wait3A_907 = arith.constant 3 : i32
    %dma_wait3A_908 = arith.constant 0 : i32
    %dma_wait3A_909 = arith.constant 0 : i32
    %dma_wait3A_910 = tpu.memref_slice %arg11[%dma_wait3A_905, %dma_wait3A_908, %dma_wait3A_909] : memref<6x40x128xf32, #tpu.memory_space<vmem>> -> memref<1x40x128xf32, #tpu.memory_space<vmem>>
    %dma_wait3A_911 = tpu.memref_squeeze %dma_wait3A_910 : memref<1x40x128xf32, #tpu.memory_space<vmem>> -> memref<40x128xf32, #tpu.memory_space<vmem>>
    %dma_wait3A_912 = arith.constant 0 : i32
    %dma_wait3A_913 = tpu.memref_slice %arg10[%dma_wait3A_906, %dma_wait3A_912] : memref<125x40xi32, #tpu.memory_space<vmem>> -> memref<1x40xi32, #tpu.memory_space<vmem>>
    %dma_wait3A_914 = tpu.memref_squeeze %dma_wait3A_913 : memref<1x40xi32, #tpu.memory_space<vmem>> -> memref<40xi32, #tpu.memory_space<vmem>>
    %dma_wait3A_915 = arith.constant 0 : i32
    %dma_wait3A_916 = arith.constant 0 : i32
    %dma_wait3A_917 = tpu.memref_slice %arg13[%dma_wait3A_915, %dma_wait3A_916] : memref<10240x128xf32, #tpu.memory_space<vmem_shared>> -> memref<10240x128xf32, #tpu.memory_space<vmem_shared>>
    %dma_wait3A_918 = tpu.memref_slice %arg16[%dma_wait3A_907] : memref<6x!tpu.dma_semaphore, #tpu.memory_space<semaphore_mem>> -> memref<1x!tpu.dma_semaphore, #tpu.memory_space<semaphore_mem>>
    %dma_wait3A_919 = tpu.memref_squeeze %dma_wait3A_918 : memref<1x!tpu.dma_semaphore, #tpu.memory_space<semaphore_mem>> -> memref<!tpu.dma_semaphore, #tpu.memory_space<semaphore_mem>>
    tpu.wait_indirect_dma semaphore(%dma_wait3A_919 : memref<!tpu.dma_semaphore, #tpu.memory_space<semaphore_mem>>) src(%dma_wait3A_911 : memref<40x128xf32, #tpu.memory_space<vmem>>) dst(%dma_wait3A_917 : memref<10240x128xf32, #tpu.memory_space<vmem_shared>>)
    %dma_wait3A_920 = arith.constant 123 : i32
    %dma_wait3A_921 = arith.constant 3 : i32
    %dma_wait3A_922 = arith.constant 0 : i32
    %dma_wait3A_923 = tpu.memref_slice %arg10[%dma_wait3A_920, %dma_wait3A_922] : memref<125x40xi32, #tpu.memory_space<vmem>> -> memref<1x40xi32, #tpu.memory_space<vmem>>
    %dma_wait3A_924 = tpu.memref_squeeze %dma_wait3A_923 : memref<1x40xi32, #tpu.memory_space<vmem>> -> memref<40xi32, #tpu.memory_space<vmem>>
    %dma_wait3A_925 = arith.constant 0 : i32
    %dma_wait3A_926 = arith.constant 0 : i32
    %dma_wait3A_927 = tpu.memref_slice %arg14[%dma_wait3A_925, %dma_wait3A_926] : memref<10240x8xf32, #tpu.memory_space<vmem_shared>> -> memref<10240x8xf32, #tpu.memory_space<vmem_shared>>
    %dma_wait3A_928 = tpu.memref_slice %arg17[%dma_wait3A_921] : memref<6x!tpu.dma_semaphore, #tpu.memory_space<semaphore_mem>> -> memref<1x!tpu.dma_semaphore, #tpu.memory_space<semaphore_mem>>
    %dma_wait3A_929 = tpu.memref_squeeze %dma_wait3A_928 : memref<1x!tpu.dma_semaphore, #tpu.memory_space<semaphore_mem>> -> memref<!tpu.dma_semaphore, #tpu.memory_space<semaphore_mem>>
    tpu.wait_indirect_dma semaphore(%dma_wait3A_929 : memref<!tpu.dma_semaphore, #tpu.memory_space<semaphore_mem>>) src(%arg12 : memref<40x8xf32, #tpu.memory_space<vmem>>) dst(%dma_wait3A_927 : memref<10240x8xf32, #tpu.memory_space<vmem_shared>>)
    %dma_wait3A_930 = arith.constant 4 : i32
    %dma_wait3A_931 = arith.constant 124 : i32
    %dma_wait3A_932 = arith.constant 4 : i32
    %dma_wait3A_933 = arith.constant 0 : i32
    %dma_wait3A_934 = arith.constant 0 : i32
    %dma_wait3A_935 = tpu.memref_slice %arg11[%dma_wait3A_930, %dma_wait3A_933, %dma_wait3A_934] : memref<6x40x128xf32, #tpu.memory_space<vmem>> -> memref<1x40x128xf32, #tpu.memory_space<vmem>>
    %dma_wait3A_936 = tpu.memref_squeeze %dma_wait3A_935 : memref<1x40x128xf32, #tpu.memory_space<vmem>> -> memref<40x128xf32, #tpu.memory_space<vmem>>
    %dma_wait3A_937 = arith.constant 0 : i32
    %dma_wait3A_938 = tpu.memref_slice %arg10[%dma_wait3A_931, %dma_wait3A_937] : memref<125x40xi32, #tpu.memory_space<vmem>> -> memref<1x40xi32, #tpu.memory_space<vmem>>
    %dma_wait3A_939 = tpu.memref_squeeze %dma_wait3A_938 : memref<1x40xi32, #tpu.memory_space<vmem>> -> memref<40xi32, #tpu.memory_space<vmem>>
    %dma_wait3A_940 = arith.constant 0 : i32
    %dma_wait3A_941 = arith.constant 0 : i32
    %dma_wait3A_942 = tpu.memref_slice %arg13[%dma_wait3A_940, %dma_wait3A_941] : memref<10240x128xf32, #tpu.memory_space<vmem_shared>> -> memref<10240x128xf32, #tpu.memory_space<vmem_shared>>
    %dma_wait3A_943 = tpu.memref_slice %arg16[%dma_wait3A_932] : memref<6x!tpu.dma_semaphore, #tpu.memory_space<semaphore_mem>> -> memref<1x!tpu.dma_semaphore, #tpu.memory_space<semaphore_mem>>
    %dma_wait3A_944 = tpu.memref_squeeze %dma_wait3A_943 : memref<1x!tpu.dma_semaphore, #tpu.memory_space<semaphore_mem>> -> memref<!tpu.dma_semaphore, #tpu.memory_space<semaphore_mem>>
    tpu.wait_indirect_dma semaphore(%dma_wait3A_944 : memref<!tpu.dma_semaphore, #tpu.memory_space<semaphore_mem>>) src(%dma_wait3A_936 : memref<40x128xf32, #tpu.memory_space<vmem>>) dst(%dma_wait3A_942 : memref<10240x128xf32, #tpu.memory_space<vmem_shared>>)
    %dma_wait3A_945 = arith.constant 124 : i32
    %dma_wait3A_946 = arith.constant 4 : i32
    %dma_wait3A_947 = arith.constant 0 : i32
    %dma_wait3A_948 = tpu.memref_slice %arg10[%dma_wait3A_945, %dma_wait3A_947] : memref<125x40xi32, #tpu.memory_space<vmem>> -> memref<1x40xi32, #tpu.memory_space<vmem>>
    %dma_wait3A_949 = tpu.memref_squeeze %dma_wait3A_948 : memref<1x40xi32, #tpu.memory_space<vmem>> -> memref<40xi32, #tpu.memory_space<vmem>>
    %dma_wait3A_950 = arith.constant 0 : i32
    %dma_wait3A_951 = arith.constant 0 : i32
    %dma_wait3A_952 = tpu.memref_slice %arg14[%dma_wait3A_950, %dma_wait3A_951] : memref<10240x8xf32, #tpu.memory_space<vmem_shared>> -> memref<10240x8xf32, #tpu.memory_space<vmem_shared>>
    %dma_wait3A_953 = tpu.memref_slice %arg17[%dma_wait3A_946] : memref<6x!tpu.dma_semaphore, #tpu.memory_space<semaphore_mem>> -> memref<1x!tpu.dma_semaphore, #tpu.memory_space<semaphore_mem>>
    %dma_wait3A_954 = tpu.memref_squeeze %dma_wait3A_953 : memref<1x!tpu.dma_semaphore, #tpu.memory_space<semaphore_mem>> -> memref<!tpu.dma_semaphore, #tpu.memory_space<semaphore_mem>>
    tpu.wait_indirect_dma semaphore(%dma_wait3A_954 : memref<!tpu.dma_semaphore, #tpu.memory_space<semaphore_mem>>) src(%arg12 : memref<40x8xf32, #tpu.memory_space<vmem>>) dst(%dma_wait3A_952 : memref<10240x8xf32, #tpu.memory_space<vmem_shared>>)
    %add3A_955 = arith.constant 125 : i32
    %add3A_956 = arith.addi %mul3A_2, %add3A_955 : i32
    %run_scoped3A = arith.constant 0 : i32
    "tpu.region"() ({
      %run_scoped3A_1848 = tpu.sem_alloc : memref<!tpu.dma_semaphore, #tpu.memory_space<semaphore_mem>>
      %dma_start3A_1849 = arith.constant 0 : i32
      %dma_start3A_1850 = tpu.memref_slice %arg3[%run_scoped3A, %add3A_956, %dma_start3A_1849] : memref<2x8000x40xi32, #tpu.memory_space<hbm>> -> memref<1x125x40xi32, #tpu.memory_space<hbm>>
      %dma_start3A_1851 = tpu.memref_squeeze %dma_start3A_1850 : memref<1x125x40xi32, #tpu.memory_space<hbm>> -> memref<125x40xi32, #tpu.memory_space<hbm>>
      %dma_start3A_1852 = arith.constant 0 : i32
      %dma_start3A_1853 = tpu.memref_slice %arg3[%run_scoped3A, %add3A_956, %dma_start3A_1852] : memref<2x8000x40xi32, #tpu.memory_space<hbm>> -> memref<1x125x40xi32, #tpu.memory_space<hbm>>
      %dma_start3A_1854 = tpu.memref_squeeze %dma_start3A_1853 : memref<1x125x40xi32, #tpu.memory_space<hbm>> -> memref<125x40xi32, #tpu.memory_space<hbm>>
      tpu.enqueue_dma source(%dma_start3A_1854 : memref<125x40xi32, #tpu.memory_space<hbm>>) target(%arg9 : memref<125x40xi32, #tpu.memory_space<vmem>>) target_semaphore(%run_scoped3A_1848 : memref<!tpu.dma_semaphore, #tpu.memory_space<semaphore_mem>>)
      %dma_wait3A_1855 = arith.constant 0 : i32
      %dma_wait3A_1856 = tpu.memref_slice %arg3[%run_scoped3A, %add3A_956, %dma_wait3A_1855] : memref<2x8000x40xi32, #tpu.memory_space<hbm>> -> memref<1x125x40xi32, #tpu.memory_space<hbm>>
      %dma_wait3A_1857 = tpu.memref_squeeze %dma_wait3A_1856 : memref<1x125x40xi32, #tpu.memory_space<hbm>> -> memref<125x40xi32, #tpu.memory_space<hbm>>
      %dma_wait3A_1858 = arith.constant 0 : i32
      %dma_wait3A_1859 = tpu.memref_slice %arg3[%run_scoped3A, %add3A_956, %dma_wait3A_1858] : memref<2x8000x40xi32, #tpu.memory_space<hbm>> -> memref<1x125x40xi32, #tpu.memory_space<hbm>>
      %dma_wait3A_1860 = tpu.memref_squeeze %dma_wait3A_1859 : memref<1x125x40xi32, #tpu.memory_space<hbm>> -> memref<125x40xi32, #tpu.memory_space<hbm>>
      tpu.wait_dma2 semaphore(%run_scoped3A_1848 : memref<!tpu.dma_semaphore, #tpu.memory_space<semaphore_mem>>) src(%dma_wait3A_1860 : memref<125x40xi32, #tpu.memory_space<hbm>>) dst(%arg9 : memref<125x40xi32, #tpu.memory_space<vmem>>)
      tpu.yield
    }) : () -> ()
    %add3A_957 = arith.constant 125 : i32
    %add3A_958 = arith.addi %mul3A_2, %add3A_957 : i32
    %run_scoped3A_959 = arith.constant 1 : i32
    "tpu.region"() ({
      %run_scoped3A_1848 = tpu.sem_alloc : memref<!tpu.dma_semaphore, #tpu.memory_space<semaphore_mem>>
      %dma_start3A_1849 = arith.constant 0 : i32
      %dma_start3A_1850 = tpu.memref_slice %arg3[%run_scoped3A_959, %add3A_958, %dma_start3A_1849] : memref<2x8000x40xi32, #tpu.memory_space<hbm>> -> memref<1x125x40xi32, #tpu.memory_space<hbm>>
      %dma_start3A_1851 = tpu.memref_squeeze %dma_start3A_1850 : memref<1x125x40xi32, #tpu.memory_space<hbm>> -> memref<125x40xi32, #tpu.memory_space<hbm>>
      %dma_start3A_1852 = arith.constant 0 : i32
      %dma_start3A_1853 = tpu.memref_slice %arg3[%run_scoped3A_959, %add3A_958, %dma_start3A_1852] : memref<2x8000x40xi32, #tpu.memory_space<hbm>> -> memref<1x125x40xi32, #tpu.memory_space<hbm>>
      %dma_start3A_1854 = tpu.memref_squeeze %dma_start3A_1853 : memref<1x125x40xi32, #tpu.memory_space<hbm>> -> memref<125x40xi32, #tpu.memory_space<hbm>>
      tpu.enqueue_dma source(%dma_start3A_1854 : memref<125x40xi32, #tpu.memory_space<hbm>>) target(%arg10 : memref<125x40xi32, #tpu.memory_space<vmem>>) target_semaphore(%run_scoped3A_1848 : memref<!tpu.dma_semaphore, #tpu.memory_space<semaphore_mem>>)
      %dma_wait3A_1855 = arith.constant 0 : i32
      %dma_wait3A_1856 = tpu.memref_slice %arg3[%run_scoped3A_959, %add3A_958, %dma_wait3A_1855] : memref<2x8000x40xi32, #tpu.memory_space<hbm>> -> memref<1x125x40xi32, #tpu.memory_space<hbm>>
      %dma_wait3A_1857 = tpu.memref_squeeze %dma_wait3A_1856 : memref<1x125x40xi32, #tpu.memory_space<hbm>> -> memref<125x40xi32, #tpu.memory_space<hbm>>
      %dma_wait3A_1858 = arith.constant 0 : i32
      %dma_wait3A_1859 = tpu.memref_slice %arg3[%run_scoped3A_959, %add3A_958, %dma_wait3A_1858] : memref<2x8000x40xi32, #tpu.memory_space<hbm>> -> memref<1x125x40xi32, #tpu.memory_space<hbm>>
      %dma_wait3A_1860 = tpu.memref_squeeze %dma_wait3A_1859 : memref<1x125x40xi32, #tpu.memory_space<hbm>> -> memref<125x40xi32, #tpu.memory_space<hbm>>
      tpu.wait_dma2 semaphore(%run_scoped3A_1848 : memref<!tpu.dma_semaphore, #tpu.memory_space<semaphore_mem>>) src(%dma_wait3A_1860 : memref<125x40xi32, #tpu.memory_space<hbm>>) dst(%arg10 : memref<125x40xi32, #tpu.memory_space<vmem>>)
      tpu.yield
    }) : () -> ()
    %dma_start3A_960 = arith.constant 0 : i32
    %dma_start3A_961 = arith.constant 0 : i32
    %dma_start3A_962 = arith.constant 0 : i32
    %dma_start3A_963 = arith.constant 0 : i32
    %dma_start3A_964 = arith.constant 0 : i32
    %dma_start3A_965 = tpu.memref_slice %arg11[%dma_start3A_961, %dma_start3A_963, %dma_start3A_964] : memref<6x40x128xf32, #tpu.memory_space<vmem>> -> memref<1x40x128xf32, #tpu.memory_space<vmem>>
    %dma_start3A_966 = tpu.memref_squeeze %dma_start3A_965 : memref<1x40x128xf32, #tpu.memory_space<vmem>> -> memref<40x128xf32, #tpu.memory_space<vmem>>
    %dma_start3A_967 = arith.constant 0 : i32
    %dma_start3A_968 = tpu.memref_slice %arg9[%dma_start3A_960, %dma_start3A_967] : memref<125x40xi32, #tpu.memory_space<vmem>> -> memref<1x40xi32, #tpu.memory_space<vmem>>
    %dma_start3A_969 = tpu.memref_squeeze %dma_start3A_968 : memref<1x40xi32, #tpu.memory_space<vmem>> -> memref<40xi32, #tpu.memory_space<vmem>>
    %dma_start3A_970 = arith.constant 0 : i32
    %dma_start3A_971 = arith.constant 0 : i32
    %dma_start3A_972 = tpu.memref_slice %arg2[%dma_start3A_970, %dma_start3A_971] : memref<10000x128xf32, #tpu.memory_space<hbm>> -> memref<10000x128xf32, #tpu.memory_space<hbm>>
    %dma_start3A_973 = tpu.memref_slice %arg15[%dma_start3A_962] : memref<6x!tpu.dma_semaphore, #tpu.memory_space<semaphore_mem>> -> memref<1x!tpu.dma_semaphore, #tpu.memory_space<semaphore_mem>>
    %dma_start3A_974 = tpu.memref_squeeze %dma_start3A_973 : memref<1x!tpu.dma_semaphore, #tpu.memory_space<semaphore_mem>> -> memref<!tpu.dma_semaphore, #tpu.memory_space<semaphore_mem>>
    tpu.enqueue_indirect_dma source(%dma_start3A_972 : memref<10000x128xf32, #tpu.memory_space<hbm>>) target(%dma_start3A_966 : memref<40x128xf32, #tpu.memory_space<vmem>>) offsets(%dma_start3A_969 : memref<40xi32, #tpu.memory_space<vmem>>) semaphore(%dma_start3A_974 : memref<!tpu.dma_semaphore, #tpu.memory_space<semaphore_mem>>)
    %dma_start3A_975 = arith.constant 1 : i32
    %dma_start3A_976 = arith.constant 1 : i32
    %dma_start3A_977 = arith.constant 1 : i32
    %dma_start3A_978 = arith.constant 0 : i32
    %dma_start3A_979 = arith.constant 0 : i32
    %dma_start3A_980 = tpu.memref_slice %arg11[%dma_start3A_976, %dma_start3A_978, %dma_start3A_979] : memref<6x40x128xf32, #tpu.memory_space<vmem>> -> memref<1x40x128xf32, #tpu.memory_space<vmem>>
    %dma_start3A_981 = tpu.memref_squeeze %dma_start3A_980 : memref<1x40x128xf32, #tpu.memory_space<vmem>> -> memref<40x128xf32, #tpu.memory_space<vmem>>
    %dma_start3A_982 = arith.constant 0 : i32
    %dma_start3A_983 = tpu.memref_slice %arg9[%dma_start3A_975, %dma_start3A_982] : memref<125x40xi32, #tpu.memory_space<vmem>> -> memref<1x40xi32, #tpu.memory_space<vmem>>
    %dma_start3A_984 = tpu.memref_squeeze %dma_start3A_983 : memref<1x40xi32, #tpu.memory_space<vmem>> -> memref<40xi32, #tpu.memory_space<vmem>>
    %dma_start3A_985 = arith.constant 0 : i32
    %dma_start3A_986 = arith.constant 0 : i32
    %dma_start3A_987 = tpu.memref_slice %arg2[%dma_start3A_985, %dma_start3A_986] : memref<10000x128xf32, #tpu.memory_space<hbm>> -> memref<10000x128xf32, #tpu.memory_space<hbm>>
    %dma_start3A_988 = tpu.memref_slice %arg15[%dma_start3A_977] : memref<6x!tpu.dma_semaphore, #tpu.memory_space<semaphore_mem>> -> memref<1x!tpu.dma_semaphore, #tpu.memory_space<semaphore_mem>>
    %dma_start3A_989 = tpu.memref_squeeze %dma_start3A_988 : memref<1x!tpu.dma_semaphore, #tpu.memory_space<semaphore_mem>> -> memref<!tpu.dma_semaphore, #tpu.memory_space<semaphore_mem>>
    tpu.enqueue_indirect_dma source(%dma_start3A_987 : memref<10000x128xf32, #tpu.memory_space<hbm>>) target(%dma_start3A_981 : memref<40x128xf32, #tpu.memory_space<vmem>>) offsets(%dma_start3A_984 : memref<40xi32, #tpu.memory_space<vmem>>) semaphore(%dma_start3A_989 : memref<!tpu.dma_semaphore, #tpu.memory_space<semaphore_mem>>)
    %dma_start3A_990 = arith.constant 2 : i32
    %dma_start3A_991 = arith.constant 2 : i32
    %dma_start3A_992 = arith.constant 2 : i32
    %dma_start3A_993 = arith.constant 0 : i32
    %dma_start3A_994 = arith.constant 0 : i32
    %dma_start3A_995 = tpu.memref_slice %arg11[%dma_start3A_991, %dma_start3A_993, %dma_start3A_994] : memref<6x40x128xf32, #tpu.memory_space<vmem>> -> memref<1x40x128xf32, #tpu.memory_space<vmem>>
    %dma_start3A_996 = tpu.memref_squeeze %dma_start3A_995 : memref<1x40x128xf32, #tpu.memory_space<vmem>> -> memref<40x128xf32, #tpu.memory_space<vmem>>
    %dma_start3A_997 = arith.constant 0 : i32
    %dma_start3A_998 = tpu.memref_slice %arg9[%dma_start3A_990, %dma_start3A_997] : memref<125x40xi32, #tpu.memory_space<vmem>> -> memref<1x40xi32, #tpu.memory_space<vmem>>
    %dma_start3A_999 = tpu.memref_squeeze %dma_start3A_998 : memref<1x40xi32, #tpu.memory_space<vmem>> -> memref<40xi32, #tpu.memory_space<vmem>>
    %dma_start3A_1000 = arith.constant 0 : i32
    %dma_start3A_1001 = arith.constant 0 : i32
    %dma_start3A_1002 = tpu.memref_slice %arg2[%dma_start3A_1000, %dma_start3A_1001] : memref<10000x128xf32, #tpu.memory_space<hbm>> -> memref<10000x128xf32, #tpu.memory_space<hbm>>
    %dma_start3A_1003 = tpu.memref_slice %arg15[%dma_start3A_992] : memref<6x!tpu.dma_semaphore, #tpu.memory_space<semaphore_mem>> -> memref<1x!tpu.dma_semaphore, #tpu.memory_space<semaphore_mem>>
    %dma_start3A_1004 = tpu.memref_squeeze %dma_start3A_1003 : memref<1x!tpu.dma_semaphore, #tpu.memory_space<semaphore_mem>> -> memref<!tpu.dma_semaphore, #tpu.memory_space<semaphore_mem>>
    tpu.enqueue_indirect_dma source(%dma_start3A_1002 : memref<10000x128xf32, #tpu.memory_space<hbm>>) target(%dma_start3A_996 : memref<40x128xf32, #tpu.memory_space<vmem>>) offsets(%dma_start3A_999 : memref<40xi32, #tpu.memory_space<vmem>>) semaphore(%dma_start3A_1004 : memref<!tpu.dma_semaphore, #tpu.memory_space<semaphore_mem>>)
    %dma_start3A_1005 = arith.constant 3 : i32
    %dma_start3A_1006 = arith.constant 3 : i32
    %dma_start3A_1007 = arith.constant 3 : i32
    %dma_start3A_1008 = arith.constant 0 : i32
    %dma_start3A_1009 = arith.constant 0 : i32
    %dma_start3A_1010 = tpu.memref_slice %arg11[%dma_start3A_1006, %dma_start3A_1008, %dma_start3A_1009] : memref<6x40x128xf32, #tpu.memory_space<vmem>> -> memref<1x40x128xf32, #tpu.memory_space<vmem>>
    %dma_start3A_1011 = tpu.memref_squeeze %dma_start3A_1010 : memref<1x40x128xf32, #tpu.memory_space<vmem>> -> memref<40x128xf32, #tpu.memory_space<vmem>>
    %dma_start3A_1012 = arith.constant 0 : i32
    %dma_start3A_1013 = tpu.memref_slice %arg9[%dma_start3A_1005, %dma_start3A_1012] : memref<125x40xi32, #tpu.memory_space<vmem>> -> memref<1x40xi32, #tpu.memory_space<vmem>>
    %dma_start3A_1014 = tpu.memref_squeeze %dma_start3A_1013 : memref<1x40xi32, #tpu.memory_space<vmem>> -> memref<40xi32, #tpu.memory_space<vmem>>
    %dma_start3A_1015 = arith.constant 0 : i32
    %dma_start3A_1016 = arith.constant 0 : i32
    %dma_start3A_1017 = tpu.memref_slice %arg2[%dma_start3A_1015, %dma_start3A_1016] : memref<10000x128xf32, #tpu.memory_space<hbm>> -> memref<10000x128xf32, #tpu.memory_space<hbm>>
    %dma_start3A_1018 = tpu.memref_slice %arg15[%dma_start3A_1007] : memref<6x!tpu.dma_semaphore, #tpu.memory_space<semaphore_mem>> -> memref<1x!tpu.dma_semaphore, #tpu.memory_space<semaphore_mem>>
    %dma_start3A_1019 = tpu.memref_squeeze %dma_start3A_1018 : memref<1x!tpu.dma_semaphore, #tpu.memory_space<semaphore_mem>> -> memref<!tpu.dma_semaphore, #tpu.memory_space<semaphore_mem>>
    tpu.enqueue_indirect_dma source(%dma_start3A_1017 : memref<10000x128xf32, #tpu.memory_space<hbm>>) target(%dma_start3A_1011 : memref<40x128xf32, #tpu.memory_space<vmem>>) offsets(%dma_start3A_1014 : memref<40xi32, #tpu.memory_space<vmem>>) semaphore(%dma_start3A_1019 : memref<!tpu.dma_semaphore, #tpu.memory_space<semaphore_mem>>)
    %dma_start3A_1020 = arith.constant 4 : i32
    %dma_start3A_1021 = arith.constant 4 : i32
    %dma_start3A_1022 = arith.constant 4 : i32
    %dma_start3A_1023 = arith.constant 0 : i32
    %dma_start3A_1024 = arith.constant 0 : i32
    %dma_start3A_1025 = tpu.memref_slice %arg11[%dma_start3A_1021, %dma_start3A_1023, %dma_start3A_1024] : memref<6x40x128xf32, #tpu.memory_space<vmem>> -> memref<1x40x128xf32, #tpu.memory_space<vmem>>
    %dma_start3A_1026 = tpu.memref_squeeze %dma_start3A_1025 : memref<1x40x128xf32, #tpu.memory_space<vmem>> -> memref<40x128xf32, #tpu.memory_space<vmem>>
    %dma_start3A_1027 = arith.constant 0 : i32
    %dma_start3A_1028 = tpu.memref_slice %arg9[%dma_start3A_1020, %dma_start3A_1027] : memref<125x40xi32, #tpu.memory_space<vmem>> -> memref<1x40xi32, #tpu.memory_space<vmem>>
    %dma_start3A_1029 = tpu.memref_squeeze %dma_start3A_1028 : memref<1x40xi32, #tpu.memory_space<vmem>> -> memref<40xi32, #tpu.memory_space<vmem>>
    %dma_start3A_1030 = arith.constant 0 : i32
    %dma_start3A_1031 = arith.constant 0 : i32
    %dma_start3A_1032 = tpu.memref_slice %arg2[%dma_start3A_1030, %dma_start3A_1031] : memref<10000x128xf32, #tpu.memory_space<hbm>> -> memref<10000x128xf32, #tpu.memory_space<hbm>>
    %dma_start3A_1033 = tpu.memref_slice %arg15[%dma_start3A_1022] : memref<6x!tpu.dma_semaphore, #tpu.memory_space<semaphore_mem>> -> memref<1x!tpu.dma_semaphore, #tpu.memory_space<semaphore_mem>>
    %dma_start3A_1034 = tpu.memref_squeeze %dma_start3A_1033 : memref<1x!tpu.dma_semaphore, #tpu.memory_space<semaphore_mem>> -> memref<!tpu.dma_semaphore, #tpu.memory_space<semaphore_mem>>
    tpu.enqueue_indirect_dma source(%dma_start3A_1032 : memref<10000x128xf32, #tpu.memory_space<hbm>>) target(%dma_start3A_1026 : memref<40x128xf32, #tpu.memory_space<vmem>>) offsets(%dma_start3A_1029 : memref<40xi32, #tpu.memory_space<vmem>>) semaphore(%dma_start3A_1034 : memref<!tpu.dma_semaphore, #tpu.memory_space<semaphore_mem>>)
    %dma_wait3A_1035 = arith.constant 0 : i32
    %dma_wait3A_1036 = arith.constant 0 : i32
    %dma_wait3A_1037 = arith.constant 0 : i32
    %dma_wait3A_1038 = arith.constant 0 : i32
    %dma_wait3A_1039 = arith.constant 0 : i32
    %dma_wait3A_1040 = tpu.memref_slice %arg11[%dma_wait3A_1036, %dma_wait3A_1038, %dma_wait3A_1039] : memref<6x40x128xf32, #tpu.memory_space<vmem>> -> memref<1x40x128xf32, #tpu.memory_space<vmem>>
    %dma_wait3A_1041 = tpu.memref_squeeze %dma_wait3A_1040 : memref<1x40x128xf32, #tpu.memory_space<vmem>> -> memref<40x128xf32, #tpu.memory_space<vmem>>
    %dma_wait3A_1042 = arith.constant 0 : i32
    %dma_wait3A_1043 = tpu.memref_slice %arg9[%dma_wait3A_1035, %dma_wait3A_1042] : memref<125x40xi32, #tpu.memory_space<vmem>> -> memref<1x40xi32, #tpu.memory_space<vmem>>
    %dma_wait3A_1044 = tpu.memref_squeeze %dma_wait3A_1043 : memref<1x40xi32, #tpu.memory_space<vmem>> -> memref<40xi32, #tpu.memory_space<vmem>>
    %dma_wait3A_1045 = arith.constant 0 : i32
    %dma_wait3A_1046 = arith.constant 0 : i32
    %dma_wait3A_1047 = tpu.memref_slice %arg2[%dma_wait3A_1045, %dma_wait3A_1046] : memref<10000x128xf32, #tpu.memory_space<hbm>> -> memref<10000x128xf32, #tpu.memory_space<hbm>>
    %dma_wait3A_1048 = tpu.memref_slice %arg15[%dma_wait3A_1037] : memref<6x!tpu.dma_semaphore, #tpu.memory_space<semaphore_mem>> -> memref<1x!tpu.dma_semaphore, #tpu.memory_space<semaphore_mem>>
    %dma_wait3A_1049 = tpu.memref_squeeze %dma_wait3A_1048 : memref<1x!tpu.dma_semaphore, #tpu.memory_space<semaphore_mem>> -> memref<!tpu.dma_semaphore, #tpu.memory_space<semaphore_mem>>
    tpu.wait_indirect_dma semaphore(%dma_wait3A_1049 : memref<!tpu.dma_semaphore, #tpu.memory_space<semaphore_mem>>) src(%dma_wait3A_1047 : memref<10000x128xf32, #tpu.memory_space<hbm>>) dst(%dma_wait3A_1041 : memref<40x128xf32, #tpu.memory_space<vmem>>)
    %dma_start3A_1050 = arith.constant 0 : i32
    %dma_start3A_1051 = arith.constant 0 : i32
    %dma_start3A_1052 = arith.constant 0 : i32
    %dma_start3A_1053 = arith.constant 0 : i32
    %dma_start3A_1054 = arith.constant 0 : i32
    %dma_start3A_1055 = tpu.memref_slice %arg11[%dma_start3A_1050, %dma_start3A_1053, %dma_start3A_1054] : memref<6x40x128xf32, #tpu.memory_space<vmem>> -> memref<1x40x128xf32, #tpu.memory_space<vmem>>
    %dma_start3A_1056 = tpu.memref_squeeze %dma_start3A_1055 : memref<1x40x128xf32, #tpu.memory_space<vmem>> -> memref<40x128xf32, #tpu.memory_space<vmem>>
    %dma_start3A_1057 = arith.constant 0 : i32
    %dma_start3A_1058 = tpu.memref_slice %arg10[%dma_start3A_1051, %dma_start3A_1057] : memref<125x40xi32, #tpu.memory_space<vmem>> -> memref<1x40xi32, #tpu.memory_space<vmem>>
    %dma_start3A_1059 = tpu.memref_squeeze %dma_start3A_1058 : memref<1x40xi32, #tpu.memory_space<vmem>> -> memref<40xi32, #tpu.memory_space<vmem>>
    %dma_start3A_1060 = arith.constant 0 : i32
    %dma_start3A_1061 = arith.constant 0 : i32
    %dma_start3A_1062 = tpu.memref_slice %arg13[%dma_start3A_1060, %dma_start3A_1061] : memref<10240x128xf32, #tpu.memory_space<vmem_shared>> -> memref<10240x128xf32, #tpu.memory_space<vmem_shared>>
    %dma_start3A_1063 = tpu.memref_slice %arg16[%dma_start3A_1052] : memref<6x!tpu.dma_semaphore, #tpu.memory_space<semaphore_mem>> -> memref<1x!tpu.dma_semaphore, #tpu.memory_space<semaphore_mem>>
    %dma_start3A_1064 = tpu.memref_squeeze %dma_start3A_1063 : memref<1x!tpu.dma_semaphore, #tpu.memory_space<semaphore_mem>> -> memref<!tpu.dma_semaphore, #tpu.memory_space<semaphore_mem>>
    tpu.enqueue_indirect_dma source(%dma_start3A_1056 : memref<40x128xf32, #tpu.memory_space<vmem>>) target(%dma_start3A_1062 : memref<10240x128xf32, #tpu.memory_space<vmem_shared>>) offsets(%dma_start3A_1059 : memref<40xi32, #tpu.memory_space<vmem>>) semaphore(%dma_start3A_1064 : memref<!tpu.dma_semaphore, #tpu.memory_space<semaphore_mem>>) {add = true}
    %dma_start3A_1065 = arith.constant 0 : i32
    %dma_start3A_1066 = arith.constant 0 : i32
    %dma_start3A_1067 = arith.constant 0 : i32
    %dma_start3A_1068 = tpu.memref_slice %arg10[%dma_start3A_1065, %dma_start3A_1067] : memref<125x40xi32, #tpu.memory_space<vmem>> -> memref<1x40xi32, #tpu.memory_space<vmem>>
    %dma_start3A_1069 = tpu.memref_squeeze %dma_start3A_1068 : memref<1x40xi32, #tpu.memory_space<vmem>> -> memref<40xi32, #tpu.memory_space<vmem>>
    %dma_start3A_1070 = arith.constant 0 : i32
    %dma_start3A_1071 = arith.constant 0 : i32
    %dma_start3A_1072 = tpu.memref_slice %arg14[%dma_start3A_1070, %dma_start3A_1071] : memref<10240x8xf32, #tpu.memory_space<vmem_shared>> -> memref<10240x8xf32, #tpu.memory_space<vmem_shared>>
    %dma_start3A_1073 = tpu.memref_slice %arg17[%dma_start3A_1066] : memref<6x!tpu.dma_semaphore, #tpu.memory_space<semaphore_mem>> -> memref<1x!tpu.dma_semaphore, #tpu.memory_space<semaphore_mem>>
    %dma_start3A_1074 = tpu.memref_squeeze %dma_start3A_1073 : memref<1x!tpu.dma_semaphore, #tpu.memory_space<semaphore_mem>> -> memref<!tpu.dma_semaphore, #tpu.memory_space<semaphore_mem>>
    tpu.enqueue_indirect_dma source(%arg12 : memref<40x8xf32, #tpu.memory_space<vmem>>) target(%dma_start3A_1072 : memref<10240x8xf32, #tpu.memory_space<vmem_shared>>) offsets(%dma_start3A_1069 : memref<40xi32, #tpu.memory_space<vmem>>) semaphore(%dma_start3A_1074 : memref<!tpu.dma_semaphore, #tpu.memory_space<semaphore_mem>>) {add = true}
    %dma_start3A_1075 = arith.constant 5 : i32
    %dma_start3A_1076 = arith.constant 5 : i32
    %dma_start3A_1077 = arith.constant 5 : i32
    %dma_start3A_1078 = arith.constant 0 : i32
    %dma_start3A_1079 = arith.constant 0 : i32
    %dma_start3A_1080 = tpu.memref_slice %arg11[%dma_start3A_1076, %dma_start3A_1078, %dma_start3A_1079] : memref<6x40x128xf32, #tpu.memory_space<vmem>> -> memref<1x40x128xf32, #tpu.memory_space<vmem>>
    %dma_start3A_1081 = tpu.memref_squeeze %dma_start3A_1080 : memref<1x40x128xf32, #tpu.memory_space<vmem>> -> memref<40x128xf32, #tpu.memory_space<vmem>>
    %dma_start3A_1082 = arith.constant 0 : i32
    %dma_start3A_1083 = tpu.memref_slice %arg9[%dma_start3A_1075, %dma_start3A_1082] : memref<125x40xi32, #tpu.memory_space<vmem>> -> memref<1x40xi32, #tpu.memory_space<vmem>>
    %dma_start3A_1084 = tpu.memref_squeeze %dma_start3A_1083 : memref<1x40xi32, #tpu.memory_space<vmem>> -> memref<40xi32, #tpu.memory_space<vmem>>
    %dma_start3A_1085 = arith.constant 0 : i32
    %dma_start3A_1086 = arith.constant 0 : i32
    %dma_start3A_1087 = tpu.memref_slice %arg2[%dma_start3A_1085, %dma_start3A_1086] : memref<10000x128xf32, #tpu.memory_space<hbm>> -> memref<10000x128xf32, #tpu.memory_space<hbm>>
    %dma_start3A_1088 = tpu.memref_slice %arg15[%dma_start3A_1077] : memref<6x!tpu.dma_semaphore, #tpu.memory_space<semaphore_mem>> -> memref<1x!tpu.dma_semaphore, #tpu.memory_space<semaphore_mem>>
    %dma_start3A_1089 = tpu.memref_squeeze %dma_start3A_1088 : memref<1x!tpu.dma_semaphore, #tpu.memory_space<semaphore_mem>> -> memref<!tpu.dma_semaphore, #tpu.memory_space<semaphore_mem>>
    tpu.enqueue_indirect_dma source(%dma_start3A_1087 : memref<10000x128xf32, #tpu.memory_space<hbm>>) target(%dma_start3A_1081 : memref<40x128xf32, #tpu.memory_space<vmem>>) offsets(%dma_start3A_1084 : memref<40xi32, #tpu.memory_space<vmem>>) semaphore(%dma_start3A_1089 : memref<!tpu.dma_semaphore, #tpu.memory_space<semaphore_mem>>)
    %dma_wait3A_1090 = arith.constant 1 : i32
    %dma_wait3A_1091 = arith.constant 1 : i32
    %dma_wait3A_1092 = arith.constant 1 : i32
    %dma_wait3A_1093 = arith.constant 0 : i32
    %dma_wait3A_1094 = arith.constant 0 : i32
    %dma_wait3A_1095 = tpu.memref_slice %arg11[%dma_wait3A_1091, %dma_wait3A_1093, %dma_wait3A_1094] : memref<6x40x128xf32, #tpu.memory_space<vmem>> -> memref<1x40x128xf32, #tpu.memory_space<vmem>>
    %dma_wait3A_1096 = tpu.memref_squeeze %dma_wait3A_1095 : memref<1x40x128xf32, #tpu.memory_space<vmem>> -> memref<40x128xf32, #tpu.memory_space<vmem>>
    %dma_wait3A_1097 = arith.constant 0 : i32
    %dma_wait3A_1098 = tpu.memref_slice %arg9[%dma_wait3A_1090, %dma_wait3A_1097] : memref<125x40xi32, #tpu.memory_space<vmem>> -> memref<1x40xi32, #tpu.memory_space<vmem>>
    %dma_wait3A_1099 = tpu.memref_squeeze %dma_wait3A_1098 : memref<1x40xi32, #tpu.memory_space<vmem>> -> memref<40xi32, #tpu.memory_space<vmem>>
    %dma_wait3A_1100 = arith.constant 0 : i32
    %dma_wait3A_1101 = arith.constant 0 : i32
    %dma_wait3A_1102 = tpu.memref_slice %arg2[%dma_wait3A_1100, %dma_wait3A_1101] : memref<10000x128xf32, #tpu.memory_space<hbm>> -> memref<10000x128xf32, #tpu.memory_space<hbm>>
    %dma_wait3A_1103 = tpu.memref_slice %arg15[%dma_wait3A_1092] : memref<6x!tpu.dma_semaphore, #tpu.memory_space<semaphore_mem>> -> memref<1x!tpu.dma_semaphore, #tpu.memory_space<semaphore_mem>>
    %dma_wait3A_1104 = tpu.memref_squeeze %dma_wait3A_1103 : memref<1x!tpu.dma_semaphore, #tpu.memory_space<semaphore_mem>> -> memref<!tpu.dma_semaphore, #tpu.memory_space<semaphore_mem>>
    tpu.wait_indirect_dma semaphore(%dma_wait3A_1104 : memref<!tpu.dma_semaphore, #tpu.memory_space<semaphore_mem>>) src(%dma_wait3A_1102 : memref<10000x128xf32, #tpu.memory_space<hbm>>) dst(%dma_wait3A_1096 : memref<40x128xf32, #tpu.memory_space<vmem>>)
    %dma_start3A_1105 = arith.constant 1 : i32
    %dma_start3A_1106 = arith.constant 1 : i32
    %dma_start3A_1107 = arith.constant 1 : i32
    %dma_start3A_1108 = arith.constant 0 : i32
    %dma_start3A_1109 = arith.constant 0 : i32
    %dma_start3A_1110 = tpu.memref_slice %arg11[%dma_start3A_1105, %dma_start3A_1108, %dma_start3A_1109] : memref<6x40x128xf32, #tpu.memory_space<vmem>> -> memref<1x40x128xf32, #tpu.memory_space<vmem>>
    %dma_start3A_1111 = tpu.memref_squeeze %dma_start3A_1110 : memref<1x40x128xf32, #tpu.memory_space<vmem>> -> memref<40x128xf32, #tpu.memory_space<vmem>>
    %dma_start3A_1112 = arith.constant 0 : i32
    %dma_start3A_1113 = tpu.memref_slice %arg10[%dma_start3A_1106, %dma_start3A_1112] : memref<125x40xi32, #tpu.memory_space<vmem>> -> memref<1x40xi32, #tpu.memory_space<vmem>>
    %dma_start3A_1114 = tpu.memref_squeeze %dma_start3A_1113 : memref<1x40xi32, #tpu.memory_space<vmem>> -> memref<40xi32, #tpu.memory_space<vmem>>
    %dma_start3A_1115 = arith.constant 0 : i32
    %dma_start3A_1116 = arith.constant 0 : i32
    %dma_start3A_1117 = tpu.memref_slice %arg13[%dma_start3A_1115, %dma_start3A_1116] : memref<10240x128xf32, #tpu.memory_space<vmem_shared>> -> memref<10240x128xf32, #tpu.memory_space<vmem_shared>>
    %dma_start3A_1118 = tpu.memref_slice %arg16[%dma_start3A_1107] : memref<6x!tpu.dma_semaphore, #tpu.memory_space<semaphore_mem>> -> memref<1x!tpu.dma_semaphore, #tpu.memory_space<semaphore_mem>>
    %dma_start3A_1119 = tpu.memref_squeeze %dma_start3A_1118 : memref<1x!tpu.dma_semaphore, #tpu.memory_space<semaphore_mem>> -> memref<!tpu.dma_semaphore, #tpu.memory_space<semaphore_mem>>
    tpu.enqueue_indirect_dma source(%dma_start3A_1111 : memref<40x128xf32, #tpu.memory_space<vmem>>) target(%dma_start3A_1117 : memref<10240x128xf32, #tpu.memory_space<vmem_shared>>) offsets(%dma_start3A_1114 : memref<40xi32, #tpu.memory_space<vmem>>) semaphore(%dma_start3A_1119 : memref<!tpu.dma_semaphore, #tpu.memory_space<semaphore_mem>>) {add = true}
    %dma_start3A_1120 = arith.constant 1 : i32
    %dma_start3A_1121 = arith.constant 1 : i32
    %dma_start3A_1122 = arith.constant 0 : i32
    %dma_start3A_1123 = tpu.memref_slice %arg10[%dma_start3A_1120, %dma_start3A_1122] : memref<125x40xi32, #tpu.memory_space<vmem>> -> memref<1x40xi32, #tpu.memory_space<vmem>>
    %dma_start3A_1124 = tpu.memref_squeeze %dma_start3A_1123 : memref<1x40xi32, #tpu.memory_space<vmem>> -> memref<40xi32, #tpu.memory_space<vmem>>
    %dma_start3A_1125 = arith.constant 0 : i32
    %dma_start3A_1126 = arith.constant 0 : i32
    %dma_start3A_1127 = tpu.memref_slice %arg14[%dma_start3A_1125, %dma_start3A_1126] : memref<10240x8xf32, #tpu.memory_space<vmem_shared>> -> memref<10240x8xf32, #tpu.memory_space<vmem_shared>>
    %dma_start3A_1128 = tpu.memref_slice %arg17[%dma_start3A_1121] : memref<6x!tpu.dma_semaphore, #tpu.memory_space<semaphore_mem>> -> memref<1x!tpu.dma_semaphore, #tpu.memory_space<semaphore_mem>>
    %dma_start3A_1129 = tpu.memref_squeeze %dma_start3A_1128 : memref<1x!tpu.dma_semaphore, #tpu.memory_space<semaphore_mem>> -> memref<!tpu.dma_semaphore, #tpu.memory_space<semaphore_mem>>
    tpu.enqueue_indirect_dma source(%arg12 : memref<40x8xf32, #tpu.memory_space<vmem>>) target(%dma_start3A_1127 : memref<10240x8xf32, #tpu.memory_space<vmem_shared>>) offsets(%dma_start3A_1124 : memref<40xi32, #tpu.memory_space<vmem>>) semaphore(%dma_start3A_1129 : memref<!tpu.dma_semaphore, #tpu.memory_space<semaphore_mem>>) {add = true}
    %scan3A_1130 = arith.constant 0 : i32
    %scan3A_1131 = arith.constant 0 : i32
    %scan3A_1132 = arith.constant 19 : i32
    %scan3A_1133 = arith.addi %scan3A_1131, %scan3A_1132 : i32
    %scan3A_1134 = arith.constant 1 : i32
    %scan3A_1135 = scf.for %scan3A_1848 = %scan3A_1131 to %scan3A_1133 step %scan3A_1134 iter_args(%scan3A_1849 = %scan3A_1130) -> (i32)  : i32 {
      %mul3A_1850 = arith.constant 6 : i32
      %mul3A_1851 = arith.muli %scan3A_1848, %mul3A_1850 : i32
      %add3A_1852 = arith.constant 6 : i32
      %add3A_1853 = arith.addi %add3A_1852, %mul3A_1851 : i32
      %add3A_1854 = arith.constant 0 : i32
      %add3A_1855 = arith.addi %add3A_1853, %add3A_1854 : i32
      %sub3A = arith.constant 6 : i32
      %sub3A_1856 = arith.subi %add3A_1855, %sub3A : i32
      %dma_wait3A_1857 = arith.constant 0 : i32
      %dma_wait3A_1858 = arith.constant 0 : i32
      %dma_wait3A_1859 = arith.constant 0 : i32
      %dma_wait3A_1860 = arith.constant 0 : i32
      %dma_wait3A_1861 = tpu.memref_slice %arg11[%dma_wait3A_1857, %dma_wait3A_1859, %dma_wait3A_1860] : memref<6x40x128xf32, #tpu.memory_space<vmem>> -> memref<1x40x128xf32, #tpu.memory_space<vmem>>
      %dma_wait3A_1862 = tpu.memref_squeeze %dma_wait3A_1861 : memref<1x40x128xf32, #tpu.memory_space<vmem>> -> memref<40x128xf32, #tpu.memory_space<vmem>>
      %dma_wait3A_1863 = arith.constant 0 : i32
      %dma_wait3A_1864 = tpu.memref_slice %arg10[%sub3A_1856, %dma_wait3A_1863] : memref<125x40xi32, #tpu.memory_space<vmem>> -> memref<1x40xi32, #tpu.memory_space<vmem>>
      %dma_wait3A_1865 = tpu.memref_squeeze %dma_wait3A_1864 : memref<1x40xi32, #tpu.memory_space<vmem>> -> memref<40xi32, #tpu.memory_space<vmem>>
      %dma_wait3A_1866 = arith.constant 0 : i32
      %dma_wait3A_1867 = arith.constant 0 : i32
      %dma_wait3A_1868 = tpu.memref_slice %arg13[%dma_wait3A_1866, %dma_wait3A_1867] : memref<10240x128xf32, #tpu.memory_space<vmem_shared>> -> memref<10240x128xf32, #tpu.memory_space<vmem_shared>>
      %dma_wait3A_1869 = tpu.memref_slice %arg16[%dma_wait3A_1858] : memref<6x!tpu.dma_semaphore, #tpu.memory_space<semaphore_mem>> -> memref<1x!tpu.dma_semaphore, #tpu.memory_space<semaphore_mem>>
      %dma_wait3A_1870 = tpu.memref_squeeze %dma_wait3A_1869 : memref<1x!tpu.dma_semaphore, #tpu.memory_space<semaphore_mem>> -> memref<!tpu.dma_semaphore, #tpu.memory_space<semaphore_mem>>
      tpu.wait_indirect_dma semaphore(%dma_wait3A_1870 : memref<!tpu.dma_semaphore, #tpu.memory_space<semaphore_mem>>) src(%dma_wait3A_1862 : memref<40x128xf32, #tpu.memory_space<vmem>>) dst(%dma_wait3A_1868 : memref<10240x128xf32, #tpu.memory_space<vmem_shared>>)
      %dma_wait3A_1871 = arith.constant 0 : i32
      %dma_wait3A_1872 = arith.constant 0 : i32
      %dma_wait3A_1873 = tpu.memref_slice %arg10[%sub3A_1856, %dma_wait3A_1872] : memref<125x40xi32, #tpu.memory_space<vmem>> -> memref<1x40xi32, #tpu.memory_space<vmem>>
      %dma_wait3A_1874 = tpu.memref_squeeze %dma_wait3A_1873 : memref<1x40xi32, #tpu.memory_space<vmem>> -> memref<40xi32, #tpu.memory_space<vmem>>
      %dma_wait3A_1875 = arith.constant 0 : i32
      %dma_wait3A_1876 = arith.constant 0 : i32
      %dma_wait3A_1877 = tpu.memref_slice %arg14[%dma_wait3A_1875, %dma_wait3A_1876] : memref<10240x8xf32, #tpu.memory_space<vmem_shared>> -> memref<10240x8xf32, #tpu.memory_space<vmem_shared>>
      %dma_wait3A_1878 = tpu.memref_slice %arg17[%dma_wait3A_1871] : memref<6x!tpu.dma_semaphore, #tpu.memory_space<semaphore_mem>> -> memref<1x!tpu.dma_semaphore, #tpu.memory_space<semaphore_mem>>
      %dma_wait3A_1879 = tpu.memref_squeeze %dma_wait3A_1878 : memref<1x!tpu.dma_semaphore, #tpu.memory_space<semaphore_mem>> -> memref<!tpu.dma_semaphore, #tpu.memory_space<semaphore_mem>>
      tpu.wait_indirect_dma semaphore(%dma_wait3A_1879 : memref<!tpu.dma_semaphore, #tpu.memory_space<semaphore_mem>>) src(%arg12 : memref<40x8xf32, #tpu.memory_space<vmem>>) dst(%dma_wait3A_1877 : memref<10240x8xf32, #tpu.memory_space<vmem_shared>>)
      %dma_start3A_1880 = arith.constant 0 : i32
      %dma_start3A_1881 = arith.constant 0 : i32
      %dma_start3A_1882 = arith.constant 0 : i32
      %dma_start3A_1883 = arith.constant 0 : i32
      %dma_start3A_1884 = tpu.memref_slice %arg11[%dma_start3A_1880, %dma_start3A_1882, %dma_start3A_1883] : memref<6x40x128xf32, #tpu.memory_space<vmem>> -> memref<1x40x128xf32, #tpu.memory_space<vmem>>
      %dma_start3A_1885 = tpu.memref_squeeze %dma_start3A_1884 : memref<1x40x128xf32, #tpu.memory_space<vmem>> -> memref<40x128xf32, #tpu.memory_space<vmem>>
      %dma_start3A_1886 = arith.constant 0 : i32
      %dma_start3A_1887 = tpu.memref_slice %arg9[%add3A_1855, %dma_start3A_1886] : memref<125x40xi32, #tpu.memory_space<vmem>> -> memref<1x40xi32, #tpu.memory_space<vmem>>
      %dma_start3A_1888 = tpu.memref_squeeze %dma_start3A_1887 : memref<1x40xi32, #tpu.memory_space<vmem>> -> memref<40xi32, #tpu.memory_space<vmem>>
      %dma_start3A_1889 = arith.constant 0 : i32
      %dma_start3A_1890 = arith.constant 0 : i32
      %dma_start3A_1891 = tpu.memref_slice %arg2[%dma_start3A_1889, %dma_start3A_1890] : memref<10000x128xf32, #tpu.memory_space<hbm>> -> memref<10000x128xf32, #tpu.memory_space<hbm>>
      %dma_start3A_1892 = tpu.memref_slice %arg15[%dma_start3A_1881] : memref<6x!tpu.dma_semaphore, #tpu.memory_space<semaphore_mem>> -> memref<1x!tpu.dma_semaphore, #tpu.memory_space<semaphore_mem>>
      %dma_start3A_1893 = tpu.memref_squeeze %dma_start3A_1892 : memref<1x!tpu.dma_semaphore, #tpu.memory_space<semaphore_mem>> -> memref<!tpu.dma_semaphore, #tpu.memory_space<semaphore_mem>>
      tpu.enqueue_indirect_dma source(%dma_start3A_1891 : memref<10000x128xf32, #tpu.memory_space<hbm>>) target(%dma_start3A_1885 : memref<40x128xf32, #tpu.memory_space<vmem>>) offsets(%dma_start3A_1888 : memref<40xi32, #tpu.memory_space<vmem>>) semaphore(%dma_start3A_1893 : memref<!tpu.dma_semaphore, #tpu.memory_space<semaphore_mem>>)
      %sub3A_1894 = arith.constant 4 : i32
      %sub3A_1895 = arith.subi %add3A_1855, %sub3A_1894 : i32
      %dma_wait3A_1896 = arith.constant 2 : i32
      %dma_wait3A_1897 = arith.constant 2 : i32
      %dma_wait3A_1898 = arith.constant 0 : i32
      %dma_wait3A_1899 = arith.constant 0 : i32
      %dma_wait3A_1900 = tpu.memref_slice %arg11[%dma_wait3A_1896, %dma_wait3A_1898, %dma_wait3A_1899] : memref<6x40x128xf32, #tpu.memory_space<vmem>> -> memref<1x40x128xf32, #tpu.memory_space<vmem>>
      %dma_wait3A_1901 = tpu.memref_squeeze %dma_wait3A_1900 : memref<1x40x128xf32, #tpu.memory_space<vmem>> -> memref<40x128xf32, #tpu.memory_space<vmem>>
      %dma_wait3A_1902 = arith.constant 0 : i32
      %dma_wait3A_1903 = tpu.memref_slice %arg9[%sub3A_1895, %dma_wait3A_1902] : memref<125x40xi32, #tpu.memory_space<vmem>> -> memref<1x40xi32, #tpu.memory_space<vmem>>
      %dma_wait3A_1904 = tpu.memref_squeeze %dma_wait3A_1903 : memref<1x40xi32, #tpu.memory_space<vmem>> -> memref<40xi32, #tpu.memory_space<vmem>>
      %dma_wait3A_1905 = arith.constant 0 : i32
      %dma_wait3A_1906 = arith.constant 0 : i32
      %dma_wait3A_1907 = tpu.memref_slice %arg2[%dma_wait3A_1905, %dma_wait3A_1906] : memref<10000x128xf32, #tpu.memory_space<hbm>> -> memref<10000x128xf32, #tpu.memory_space<hbm>>
      %dma_wait3A_1908 = tpu.memref_slice %arg15[%dma_wait3A_1897] : memref<6x!tpu.dma_semaphore, #tpu.memory_space<semaphore_mem>> -> memref<1x!tpu.dma_semaphore, #tpu.memory_space<semaphore_mem>>
      %dma_wait3A_1909 = tpu.memref_squeeze %dma_wait3A_1908 : memref<1x!tpu.dma_semaphore, #tpu.memory_space<semaphore_mem>> -> memref<!tpu.dma_semaphore, #tpu.memory_space<semaphore_mem>>
      tpu.wait_indirect_dma semaphore(%dma_wait3A_1909 : memref<!tpu.dma_semaphore, #tpu.memory_space<semaphore_mem>>) src(%dma_wait3A_1907 : memref<10000x128xf32, #tpu.memory_space<hbm>>) dst(%dma_wait3A_1901 : memref<40x128xf32, #tpu.memory_space<vmem>>)
      %sub3A_1910 = arith.constant 4 : i32
      %sub3A_1911 = arith.subi %add3A_1855, %sub3A_1910 : i32
      %dma_start3A_1912 = arith.constant 2 : i32
      %dma_start3A_1913 = arith.constant 2 : i32
      %dma_start3A_1914 = arith.constant 0 : i32
      %dma_start3A_1915 = arith.constant 0 : i32
      %dma_start3A_1916 = tpu.memref_slice %arg11[%dma_start3A_1912, %dma_start3A_1914, %dma_start3A_1915] : memref<6x40x128xf32, #tpu.memory_space<vmem>> -> memref<1x40x128xf32, #tpu.memory_space<vmem>>
      %dma_start3A_1917 = tpu.memref_squeeze %dma_start3A_1916 : memref<1x40x128xf32, #tpu.memory_space<vmem>> -> memref<40x128xf32, #tpu.memory_space<vmem>>
      %dma_start3A_1918 = arith.constant 0 : i32
      %dma_start3A_1919 = tpu.memref_slice %arg10[%sub3A_1911, %dma_start3A_1918] : memref<125x40xi32, #tpu.memory_space<vmem>> -> memref<1x40xi32, #tpu.memory_space<vmem>>
      %dma_start3A_1920 = tpu.memref_squeeze %dma_start3A_1919 : memref<1x40xi32, #tpu.memory_space<vmem>> -> memref<40xi32, #tpu.memory_space<vmem>>
      %dma_start3A_1921 = arith.constant 0 : i32
      %dma_start3A_1922 = arith.constant 0 : i32
      %dma_start3A_1923 = tpu.memref_slice %arg13[%dma_start3A_1921, %dma_start3A_1922] : memref<10240x128xf32, #tpu.memory_space<vmem_shared>> -> memref<10240x128xf32, #tpu.memory_space<vmem_shared>>
      %dma_start3A_1924 = tpu.memref_slice %arg16[%dma_start3A_1913] : memref<6x!tpu.dma_semaphore, #tpu.memory_space<semaphore_mem>> -> memref<1x!tpu.dma_semaphore, #tpu.memory_space<semaphore_mem>>
      %dma_start3A_1925 = tpu.memref_squeeze %dma_start3A_1924 : memref<1x!tpu.dma_semaphore, #tpu.memory_space<semaphore_mem>> -> memref<!tpu.dma_semaphore, #tpu.memory_space<semaphore_mem>>
      tpu.enqueue_indirect_dma source(%dma_start3A_1917 : memref<40x128xf32, #tpu.memory_space<vmem>>) target(%dma_start3A_1923 : memref<10240x128xf32, #tpu.memory_space<vmem_shared>>) offsets(%dma_start3A_1920 : memref<40xi32, #tpu.memory_space<vmem>>) semaphore(%dma_start3A_1925 : memref<!tpu.dma_semaphore, #tpu.memory_space<semaphore_mem>>) {add = true}
      %dma_start3A_1926 = arith.constant 2 : i32
      %dma_start3A_1927 = arith.constant 0 : i32
      %dma_start3A_1928 = tpu.memref_slice %arg10[%sub3A_1911, %dma_start3A_1927] : memref<125x40xi32, #tpu.memory_space<vmem>> -> memref<1x40xi32, #tpu.memory_space<vmem>>
      %dma_start3A_1929 = tpu.memref_squeeze %dma_start3A_1928 : memref<1x40xi32, #tpu.memory_space<vmem>> -> memref<40xi32, #tpu.memory_space<vmem>>
      %dma_start3A_1930 = arith.constant 0 : i32
      %dma_start3A_1931 = arith.constant 0 : i32
      %dma_start3A_1932 = tpu.memref_slice %arg14[%dma_start3A_1930, %dma_start3A_1931] : memref<10240x8xf32, #tpu.memory_space<vmem_shared>> -> memref<10240x8xf32, #tpu.memory_space<vmem_shared>>
      %dma_start3A_1933 = tpu.memref_slice %arg17[%dma_start3A_1926] : memref<6x!tpu.dma_semaphore, #tpu.memory_space<semaphore_mem>> -> memref<1x!tpu.dma_semaphore, #tpu.memory_space<semaphore_mem>>
      %dma_start3A_1934 = tpu.memref_squeeze %dma_start3A_1933 : memref<1x!tpu.dma_semaphore, #tpu.memory_space<semaphore_mem>> -> memref<!tpu.dma_semaphore, #tpu.memory_space<semaphore_mem>>
      tpu.enqueue_indirect_dma source(%arg12 : memref<40x8xf32, #tpu.memory_space<vmem>>) target(%dma_start3A_1932 : memref<10240x8xf32, #tpu.memory_space<vmem_shared>>) offsets(%dma_start3A_1929 : memref<40xi32, #tpu.memory_space<vmem>>) semaphore(%dma_start3A_1934 : memref<!tpu.dma_semaphore, #tpu.memory_space<semaphore_mem>>) {add = true}
      %add3A_1935 = arith.constant 1 : i32
      %add3A_1936 = arith.addi %add3A_1853, %add3A_1935 : i32
      %sub3A_1937 = arith.constant 6 : i32
      %sub3A_1938 = arith.subi %add3A_1936, %sub3A_1937 : i32
      %dma_wait3A_1939 = arith.constant 1 : i32
      %dma_wait3A_1940 = arith.constant 1 : i32
      %dma_wait3A_1941 = arith.constant 0 : i32
      %dma_wait3A_1942 = arith.constant 0 : i32
      %dma_wait3A_1943 = tpu.memref_slice %arg11[%dma_wait3A_1939, %dma_wait3A_1941, %dma_wait3A_1942] : memref<6x40x128xf32, #tpu.memory_space<vmem>> -> memref<1x40x128xf32, #tpu.memory_space<vmem>>
      %dma_wait3A_1944 = tpu.memref_squeeze %dma_wait3A_1943 : memref<1x40x128xf32, #tpu.memory_space<vmem>> -> memref<40x128xf32, #tpu.memory_space<vmem>>
      %dma_wait3A_1945 = arith.constant 0 : i32
      %dma_wait3A_1946 = tpu.memref_slice %arg10[%sub3A_1938, %dma_wait3A_1945] : memref<125x40xi32, #tpu.memory_space<vmem>> -> memref<1x40xi32, #tpu.memory_space<vmem>>
      %dma_wait3A_1947 = tpu.memref_squeeze %dma_wait3A_1946 : memref<1x40xi32, #tpu.memory_space<vmem>> -> memref<40xi32, #tpu.memory_space<vmem>>
      %dma_wait3A_1948 = arith.constant 0 : i32
      %dma_wait3A_1949 = arith.constant 0 : i32
      %dma_wait3A_1950 = tpu.memref_slice %arg13[%dma_wait3A_1948, %dma_wait3A_1949] : memref<10240x128xf32, #tpu.memory_space<vmem_shared>> -> memref<10240x128xf32, #tpu.memory_space<vmem_shared>>
      %dma_wait3A_1951 = tpu.memref_slice %arg16[%dma_wait3A_1940] : memref<6x!tpu.dma_semaphore, #tpu.memory_space<semaphore_mem>> -> memref<1x!tpu.dma_semaphore, #tpu.memory_space<semaphore_mem>>
      %dma_wait3A_1952 = tpu.memref_squeeze %dma_wait3A_1951 : memref<1x!tpu.dma_semaphore, #tpu.memory_space<semaphore_mem>> -> memref<!tpu.dma_semaphore, #tpu.memory_space<semaphore_mem>>
      tpu.wait_indirect_dma semaphore(%dma_wait3A_1952 : memref<!tpu.dma_semaphore, #tpu.memory_space<semaphore_mem>>) src(%dma_wait3A_1944 : memref<40x128xf32, #tpu.memory_space<vmem>>) dst(%dma_wait3A_1950 : memref<10240x128xf32, #tpu.memory_space<vmem_shared>>)
      %dma_wait3A_1953 = arith.constant 1 : i32
      %dma_wait3A_1954 = arith.constant 0 : i32
      %dma_wait3A_1955 = tpu.memref_slice %arg10[%sub3A_1938, %dma_wait3A_1954] : memref<125x40xi32, #tpu.memory_space<vmem>> -> memref<1x40xi32, #tpu.memory_space<vmem>>
      %dma_wait3A_1956 = tpu.memref_squeeze %dma_wait3A_1955 : memref<1x40xi32, #tpu.memory_space<vmem>> -> memref<40xi32, #tpu.memory_space<vmem>>
      %dma_wait3A_1957 = arith.constant 0 : i32
      %dma_wait3A_1958 = arith.constant 0 : i32
      %dma_wait3A_1959 = tpu.memref_slice %arg14[%dma_wait3A_1957, %dma_wait3A_1958] : memref<10240x8xf32, #tpu.memory_space<vmem_shared>> -> memref<10240x8xf32, #tpu.memory_space<vmem_shared>>
      %dma_wait3A_1960 = tpu.memref_slice %arg17[%dma_wait3A_1953] : memref<6x!tpu.dma_semaphore, #tpu.memory_space<semaphore_mem>> -> memref<1x!tpu.dma_semaphore, #tpu.memory_space<semaphore_mem>>
      %dma_wait3A_1961 = tpu.memref_squeeze %dma_wait3A_1960 : memref<1x!tpu.dma_semaphore, #tpu.memory_space<semaphore_mem>> -> memref<!tpu.dma_semaphore, #tpu.memory_space<semaphore_mem>>
      tpu.wait_indirect_dma semaphore(%dma_wait3A_1961 : memref<!tpu.dma_semaphore, #tpu.memory_space<semaphore_mem>>) src(%arg12 : memref<40x8xf32, #tpu.memory_space<vmem>>) dst(%dma_wait3A_1959 : memref<10240x8xf32, #tpu.memory_space<vmem_shared>>)
      %dma_start3A_1962 = arith.constant 1 : i32
      %dma_start3A_1963 = arith.constant 1 : i32
      %dma_start3A_1964 = arith.constant 0 : i32
      %dma_start3A_1965 = arith.constant 0 : i32
      %dma_start3A_1966 = tpu.memref_slice %arg11[%dma_start3A_1962, %dma_start3A_1964, %dma_start3A_1965] : memref<6x40x128xf32, #tpu.memory_space<vmem>> -> memref<1x40x128xf32, #tpu.memory_space<vmem>>
      %dma_start3A_1967 = tpu.memref_squeeze %dma_start3A_1966 : memref<1x40x128xf32, #tpu.memory_space<vmem>> -> memref<40x128xf32, #tpu.memory_space<vmem>>
      %dma_start3A_1968 = arith.constant 0 : i32
      %dma_start3A_1969 = tpu.memref_slice %arg9[%add3A_1936, %dma_start3A_1968] : memref<125x40xi32, #tpu.memory_space<vmem>> -> memref<1x40xi32, #tpu.memory_space<vmem>>
      %dma_start3A_1970 = tpu.memref_squeeze %dma_start3A_1969 : memref<1x40xi32, #tpu.memory_space<vmem>> -> memref<40xi32, #tpu.memory_space<vmem>>
      %dma_start3A_1971 = arith.constant 0 : i32
      %dma_start3A_1972 = arith.constant 0 : i32
      %dma_start3A_1973 = tpu.memref_slice %arg2[%dma_start3A_1971, %dma_start3A_1972] : memref<10000x128xf32, #tpu.memory_space<hbm>> -> memref<10000x128xf32, #tpu.memory_space<hbm>>
      %dma_start3A_1974 = tpu.memref_slice %arg15[%dma_start3A_1963] : memref<6x!tpu.dma_semaphore, #tpu.memory_space<semaphore_mem>> -> memref<1x!tpu.dma_semaphore, #tpu.memory_space<semaphore_mem>>
      %dma_start3A_1975 = tpu.memref_squeeze %dma_start3A_1974 : memref<1x!tpu.dma_semaphore, #tpu.memory_space<semaphore_mem>> -> memref<!tpu.dma_semaphore, #tpu.memory_space<semaphore_mem>>
      tpu.enqueue_indirect_dma source(%dma_start3A_1973 : memref<10000x128xf32, #tpu.memory_space<hbm>>) target(%dma_start3A_1967 : memref<40x128xf32, #tpu.memory_space<vmem>>) offsets(%dma_start3A_1970 : memref<40xi32, #tpu.memory_space<vmem>>) semaphore(%dma_start3A_1975 : memref<!tpu.dma_semaphore, #tpu.memory_space<semaphore_mem>>)
      %sub3A_1976 = arith.constant 4 : i32
      %sub3A_1977 = arith.subi %add3A_1936, %sub3A_1976 : i32
      %dma_wait3A_1978 = arith.constant 3 : i32
      %dma_wait3A_1979 = arith.constant 3 : i32
      %dma_wait3A_1980 = arith.constant 0 : i32
      %dma_wait3A_1981 = arith.constant 0 : i32
      %dma_wait3A_1982 = tpu.memref_slice %arg11[%dma_wait3A_1978, %dma_wait3A_1980, %dma_wait3A_1981] : memref<6x40x128xf32, #tpu.memory_space<vmem>> -> memref<1x40x128xf32, #tpu.memory_space<vmem>>
      %dma_wait3A_1983 = tpu.memref_squeeze %dma_wait3A_1982 : memref<1x40x128xf32, #tpu.memory_space<vmem>> -> memref<40x128xf32, #tpu.memory_space<vmem>>
      %dma_wait3A_1984 = arith.constant 0 : i32
      %dma_wait3A_1985 = tpu.memref_slice %arg9[%sub3A_1977, %dma_wait3A_1984] : memref<125x40xi32, #tpu.memory_space<vmem>> -> memref<1x40xi32, #tpu.memory_space<vmem>>
      %dma_wait3A_1986 = tpu.memref_squeeze %dma_wait3A_1985 : memref<1x40xi32, #tpu.memory_space<vmem>> -> memref<40xi32, #tpu.memory_space<vmem>>
      %dma_wait3A_1987 = arith.constant 0 : i32
      %dma_wait3A_1988 = arith.constant 0 : i32
      %dma_wait3A_1989 = tpu.memref_slice %arg2[%dma_wait3A_1987, %dma_wait3A_1988] : memref<10000x128xf32, #tpu.memory_space<hbm>> -> memref<10000x128xf32, #tpu.memory_space<hbm>>
      %dma_wait3A_1990 = tpu.memref_slice %arg15[%dma_wait3A_1979] : memref<6x!tpu.dma_semaphore, #tpu.memory_space<semaphore_mem>> -> memref<1x!tpu.dma_semaphore, #tpu.memory_space<semaphore_mem>>
      %dma_wait3A_1991 = tpu.memref_squeeze %dma_wait3A_1990 : memref<1x!tpu.dma_semaphore, #tpu.memory_space<semaphore_mem>> -> memref<!tpu.dma_semaphore, #tpu.memory_space<semaphore_mem>>
      tpu.wait_indirect_dma semaphore(%dma_wait3A_1991 : memref<!tpu.dma_semaphore, #tpu.memory_space<semaphore_mem>>) src(%dma_wait3A_1989 : memref<10000x128xf32, #tpu.memory_space<hbm>>) dst(%dma_wait3A_1983 : memref<40x128xf32, #tpu.memory_space<vmem>>)
      %sub3A_1992 = arith.constant 4 : i32
      %sub3A_1993 = arith.subi %add3A_1936, %sub3A_1992 : i32
      %dma_start3A_1994 = arith.constant 3 : i32
      %dma_start3A_1995 = arith.constant 3 : i32
      %dma_start3A_1996 = arith.constant 0 : i32
      %dma_start3A_1997 = arith.constant 0 : i32
      %dma_start3A_1998 = tpu.memref_slice %arg11[%dma_start3A_1994, %dma_start3A_1996, %dma_start3A_1997] : memref<6x40x128xf32, #tpu.memory_space<vmem>> -> memref<1x40x128xf32, #tpu.memory_space<vmem>>
      %dma_start3A_1999 = tpu.memref_squeeze %dma_start3A_1998 : memref<1x40x128xf32, #tpu.memory_space<vmem>> -> memref<40x128xf32, #tpu.memory_space<vmem>>
      %dma_start3A_2000 = arith.constant 0 : i32
      %dma_start3A_2001 = tpu.memref_slice %arg10[%sub3A_1993, %dma_start3A_2000] : memref<125x40xi32, #tpu.memory_space<vmem>> -> memref<1x40xi32, #tpu.memory_space<vmem>>
      %dma_start3A_2002 = tpu.memref_squeeze %dma_start3A_2001 : memref<1x40xi32, #tpu.memory_space<vmem>> -> memref<40xi32, #tpu.memory_space<vmem>>
      %dma_start3A_2003 = arith.constant 0 : i32
      %dma_start3A_2004 = arith.constant 0 : i32
      %dma_start3A_2005 = tpu.memref_slice %arg13[%dma_start3A_2003, %dma_start3A_2004] : memref<10240x128xf32, #tpu.memory_space<vmem_shared>> -> memref<10240x128xf32, #tpu.memory_space<vmem_shared>>
      %dma_start3A_2006 = tpu.memref_slice %arg16[%dma_start3A_1995] : memref<6x!tpu.dma_semaphore, #tpu.memory_space<semaphore_mem>> -> memref<1x!tpu.dma_semaphore, #tpu.memory_space<semaphore_mem>>
      %dma_start3A_2007 = tpu.memref_squeeze %dma_start3A_2006 : memref<1x!tpu.dma_semaphore, #tpu.memory_space<semaphore_mem>> -> memref<!tpu.dma_semaphore, #tpu.memory_space<semaphore_mem>>
      tpu.enqueue_indirect_dma source(%dma_start3A_1999 : memref<40x128xf32, #tpu.memory_space<vmem>>) target(%dma_start3A_2005 : memref<10240x128xf32, #tpu.memory_space<vmem_shared>>) offsets(%dma_start3A_2002 : memref<40xi32, #tpu.memory_space<vmem>>) semaphore(%dma_start3A_2007 : memref<!tpu.dma_semaphore, #tpu.memory_space<semaphore_mem>>) {add = true}
      %dma_start3A_2008 = arith.constant 3 : i32
      %dma_start3A_2009 = arith.constant 0 : i32
      %dma_start3A_2010 = tpu.memref_slice %arg10[%sub3A_1993, %dma_start3A_2009] : memref<125x40xi32, #tpu.memory_space<vmem>> -> memref<1x40xi32, #tpu.memory_space<vmem>>
      %dma_start3A_2011 = tpu.memref_squeeze %dma_start3A_2010 : memref<1x40xi32, #tpu.memory_space<vmem>> -> memref<40xi32, #tpu.memory_space<vmem>>
      %dma_start3A_2012 = arith.constant 0 : i32
      %dma_start3A_2013 = arith.constant 0 : i32
      %dma_start3A_2014 = tpu.memref_slice %arg14[%dma_start3A_2012, %dma_start3A_2013] : memref<10240x8xf32, #tpu.memory_space<vmem_shared>> -> memref<10240x8xf32, #tpu.memory_space<vmem_shared>>
      %dma_start3A_2015 = tpu.memref_slice %arg17[%dma_start3A_2008] : memref<6x!tpu.dma_semaphore, #tpu.memory_space<semaphore_mem>> -> memref<1x!tpu.dma_semaphore, #tpu.memory_space<semaphore_mem>>
      %dma_start3A_2016 = tpu.memref_squeeze %dma_start3A_2015 : memref<1x!tpu.dma_semaphore, #tpu.memory_space<semaphore_mem>> -> memref<!tpu.dma_semaphore, #tpu.memory_space<semaphore_mem>>
      tpu.enqueue_indirect_dma source(%arg12 : memref<40x8xf32, #tpu.memory_space<vmem>>) target(%dma_start3A_2014 : memref<10240x8xf32, #tpu.memory_space<vmem_shared>>) offsets(%dma_start3A_2011 : memref<40xi32, #tpu.memory_space<vmem>>) semaphore(%dma_start3A_2016 : memref<!tpu.dma_semaphore, #tpu.memory_space<semaphore_mem>>) {add = true}
      %add3A_2017 = arith.constant 2 : i32
      %add3A_2018 = arith.addi %add3A_1853, %add3A_2017 : i32
      %sub3A_2019 = arith.constant 6 : i32
      %sub3A_2020 = arith.subi %add3A_2018, %sub3A_2019 : i32
      %dma_wait3A_2021 = arith.constant 2 : i32
      %dma_wait3A_2022 = arith.constant 2 : i32
      %dma_wait3A_2023 = arith.constant 0 : i32
      %dma_wait3A_2024 = arith.constant 0 : i32
      %dma_wait3A_2025 = tpu.memref_slice %arg11[%dma_wait3A_2021, %dma_wait3A_2023, %dma_wait3A_2024] : memref<6x40x128xf32, #tpu.memory_space<vmem>> -> memref<1x40x128xf32, #tpu.memory_space<vmem>>
      %dma_wait3A_2026 = tpu.memref_squeeze %dma_wait3A_2025 : memref<1x40x128xf32, #tpu.memory_space<vmem>> -> memref<40x128xf32, #tpu.memory_space<vmem>>
      %dma_wait3A_2027 = arith.constant 0 : i32
      %dma_wait3A_2028 = tpu.memref_slice %arg10[%sub3A_2020, %dma_wait3A_2027] : memref<125x40xi32, #tpu.memory_space<vmem>> -> memref<1x40xi32, #tpu.memory_space<vmem>>
      %dma_wait3A_2029 = tpu.memref_squeeze %dma_wait3A_2028 : memref<1x40xi32, #tpu.memory_space<vmem>> -> memref<40xi32, #tpu.memory_space<vmem>>
      %dma_wait3A_2030 = arith.constant 0 : i32
      %dma_wait3A_2031 = arith.constant 0 : i32
      %dma_wait3A_2032 = tpu.memref_slice %arg13[%dma_wait3A_2030, %dma_wait3A_2031] : memref<10240x128xf32, #tpu.memory_space<vmem_shared>> -> memref<10240x128xf32, #tpu.memory_space<vmem_shared>>
      %dma_wait3A_2033 = tpu.memref_slice %arg16[%dma_wait3A_2022] : memref<6x!tpu.dma_semaphore, #tpu.memory_space<semaphore_mem>> -> memref<1x!tpu.dma_semaphore, #tpu.memory_space<semaphore_mem>>
      %dma_wait3A_2034 = tpu.memref_squeeze %dma_wait3A_2033 : memref<1x!tpu.dma_semaphore, #tpu.memory_space<semaphore_mem>> -> memref<!tpu.dma_semaphore, #tpu.memory_space<semaphore_mem>>
      tpu.wait_indirect_dma semaphore(%dma_wait3A_2034 : memref<!tpu.dma_semaphore, #tpu.memory_space<semaphore_mem>>) src(%dma_wait3A_2026 : memref<40x128xf32, #tpu.memory_space<vmem>>) dst(%dma_wait3A_2032 : memref<10240x128xf32, #tpu.memory_space<vmem_shared>>)
      %dma_wait3A_2035 = arith.constant 2 : i32
      %dma_wait3A_2036 = arith.constant 0 : i32
      %dma_wait3A_2037 = tpu.memref_slice %arg10[%sub3A_2020, %dma_wait3A_2036] : memref<125x40xi32, #tpu.memory_space<vmem>> -> memref<1x40xi32, #tpu.memory_space<vmem>>
      %dma_wait3A_2038 = tpu.memref_squeeze %dma_wait3A_2037 : memref<1x40xi32, #tpu.memory_space<vmem>> -> memref<40xi32, #tpu.memory_space<vmem>>
      %dma_wait3A_2039 = arith.constant 0 : i32
      %dma_wait3A_2040 = arith.constant 0 : i32
      %dma_wait3A_2041 = tpu.memref_slice %arg14[%dma_wait3A_2039, %dma_wait3A_2040] : memref<10240x8xf32, #tpu.memory_space<vmem_shared>> -> memref<10240x8xf32, #tpu.memory_space<vmem_shared>>
      %dma_wait3A_2042 = tpu.memref_slice %arg17[%dma_wait3A_2035] : memref<6x!tpu.dma_semaphore, #tpu.memory_space<semaphore_mem>> -> memref<1x!tpu.dma_semaphore, #tpu.memory_space<semaphore_mem>>
      %dma_wait3A_2043 = tpu.memref_squeeze %dma_wait3A_2042 : memref<1x!tpu.dma_semaphore, #tpu.memory_space<semaphore_mem>> -> memref<!tpu.dma_semaphore, #tpu.memory_space<semaphore_mem>>
      tpu.wait_indirect_dma semaphore(%dma_wait3A_2043 : memref<!tpu.dma_semaphore, #tpu.memory_space<semaphore_mem>>) src(%arg12 : memref<40x8xf32, #tpu.memory_space<vmem>>) dst(%dma_wait3A_2041 : memref<10240x8xf32, #tpu.memory_space<vmem_shared>>)
      %dma_start3A_2044 = arith.constant 2 : i32
      %dma_start3A_2045 = arith.constant 2 : i32
      %dma_start3A_2046 = arith.constant 0 : i32
      %dma_start3A_2047 = arith.constant 0 : i32
      %dma_start3A_2048 = tpu.memref_slice %arg11[%dma_start3A_2044, %dma_start3A_2046, %dma_start3A_2047] : memref<6x40x128xf32, #tpu.memory_space<vmem>> -> memref<1x40x128xf32, #tpu.memory_space<vmem>>
      %dma_start3A_2049 = tpu.memref_squeeze %dma_start3A_2048 : memref<1x40x128xf32, #tpu.memory_space<vmem>> -> memref<40x128xf32, #tpu.memory_space<vmem>>
      %dma_start3A_2050 = arith.constant 0 : i32
      %dma_start3A_2051 = tpu.memref_slice %arg9[%add3A_2018, %dma_start3A_2050] : memref<125x40xi32, #tpu.memory_space<vmem>> -> memref<1x40xi32, #tpu.memory_space<vmem>>
      %dma_start3A_2052 = tpu.memref_squeeze %dma_start3A_2051 : memref<1x40xi32, #tpu.memory_space<vmem>> -> memref<40xi32, #tpu.memory_space<vmem>>
      %dma_start3A_2053 = arith.constant 0 : i32
      %dma_start3A_2054 = arith.constant 0 : i32
      %dma_start3A_2055 = tpu.memref_slice %arg2[%dma_start3A_2053, %dma_start3A_2054] : memref<10000x128xf32, #tpu.memory_space<hbm>> -> memref<10000x128xf32, #tpu.memory_space<hbm>>
      %dma_start3A_2056 = tpu.memref_slice %arg15[%dma_start3A_2045] : memref<6x!tpu.dma_semaphore, #tpu.memory_space<semaphore_mem>> -> memref<1x!tpu.dma_semaphore, #tpu.memory_space<semaphore_mem>>
      %dma_start3A_2057 = tpu.memref_squeeze %dma_start3A_2056 : memref<1x!tpu.dma_semaphore, #tpu.memory_space<semaphore_mem>> -> memref<!tpu.dma_semaphore, #tpu.memory_space<semaphore_mem>>
      tpu.enqueue_indirect_dma source(%dma_start3A_2055 : memref<10000x128xf32, #tpu.memory_space<hbm>>) target(%dma_start3A_2049 : memref<40x128xf32, #tpu.memory_space<vmem>>) offsets(%dma_start3A_2052 : memref<40xi32, #tpu.memory_space<vmem>>) semaphore(%dma_start3A_2057 : memref<!tpu.dma_semaphore, #tpu.memory_space<semaphore_mem>>)
      %sub3A_2058 = arith.constant 4 : i32
      %sub3A_2059 = arith.subi %add3A_2018, %sub3A_2058 : i32
      %dma_wait3A_2060 = arith.constant 4 : i32
      %dma_wait3A_2061 = arith.constant 4 : i32
      %dma_wait3A_2062 = arith.constant 0 : i32
      %dma_wait3A_2063 = arith.constant 0 : i32
      %dma_wait3A_2064 = tpu.memref_slice %arg11[%dma_wait3A_2060, %dma_wait3A_2062, %dma_wait3A_2063] : memref<6x40x128xf32, #tpu.memory_space<vmem>> -> memref<1x40x128xf32, #tpu.memory_space<vmem>>
      %dma_wait3A_2065 = tpu.memref_squeeze %dma_wait3A_2064 : memref<1x40x128xf32, #tpu.memory_space<vmem>> -> memref<40x128xf32, #tpu.memory_space<vmem>>
      %dma_wait3A_2066 = arith.constant 0 : i32
      %dma_wait3A_2067 = tpu.memref_slice %arg9[%sub3A_2059, %dma_wait3A_2066] : memref<125x40xi32, #tpu.memory_space<vmem>> -> memref<1x40xi32, #tpu.memory_space<vmem>>
      %dma_wait3A_2068 = tpu.memref_squeeze %dma_wait3A_2067 : memref<1x40xi32, #tpu.memory_space<vmem>> -> memref<40xi32, #tpu.memory_space<vmem>>
      %dma_wait3A_2069 = arith.constant 0 : i32
      %dma_wait3A_2070 = arith.constant 0 : i32
      %dma_wait3A_2071 = tpu.memref_slice %arg2[%dma_wait3A_2069, %dma_wait3A_2070] : memref<10000x128xf32, #tpu.memory_space<hbm>> -> memref<10000x128xf32, #tpu.memory_space<hbm>>
      %dma_wait3A_2072 = tpu.memref_slice %arg15[%dma_wait3A_2061] : memref<6x!tpu.dma_semaphore, #tpu.memory_space<semaphore_mem>> -> memref<1x!tpu.dma_semaphore, #tpu.memory_space<semaphore_mem>>
      %dma_wait3A_2073 = tpu.memref_squeeze %dma_wait3A_2072 : memref<1x!tpu.dma_semaphore, #tpu.memory_space<semaphore_mem>> -> memref<!tpu.dma_semaphore, #tpu.memory_space<semaphore_mem>>
      tpu.wait_indirect_dma semaphore(%dma_wait3A_2073 : memref<!tpu.dma_semaphore, #tpu.memory_space<semaphore_mem>>) src(%dma_wait3A_2071 : memref<10000x128xf32, #tpu.memory_space<hbm>>) dst(%dma_wait3A_2065 : memref<40x128xf32, #tpu.memory_space<vmem>>)
      %sub3A_2074 = arith.constant 4 : i32
      %sub3A_2075 = arith.subi %add3A_2018, %sub3A_2074 : i32
      %dma_start3A_2076 = arith.constant 4 : i32
      %dma_start3A_2077 = arith.constant 4 : i32
      %dma_start3A_2078 = arith.constant 0 : i32
      %dma_start3A_2079 = arith.constant 0 : i32
      %dma_start3A_2080 = tpu.memref_slice %arg11[%dma_start3A_2076, %dma_start3A_2078, %dma_start3A_2079] : memref<6x40x128xf32, #tpu.memory_space<vmem>> -> memref<1x40x128xf32, #tpu.memory_space<vmem>>
      %dma_start3A_2081 = tpu.memref_squeeze %dma_start3A_2080 : memref<1x40x128xf32, #tpu.memory_space<vmem>> -> memref<40x128xf32, #tpu.memory_space<vmem>>
      %dma_start3A_2082 = arith.constant 0 : i32
      %dma_start3A_2083 = tpu.memref_slice %arg10[%sub3A_2075, %dma_start3A_2082] : memref<125x40xi32, #tpu.memory_space<vmem>> -> memref<1x40xi32, #tpu.memory_space<vmem>>
      %dma_start3A_2084 = tpu.memref_squeeze %dma_start3A_2083 : memref<1x40xi32, #tpu.memory_space<vmem>> -> memref<40xi32, #tpu.memory_space<vmem>>
      %dma_start3A_2085 = arith.constant 0 : i32
      %dma_start3A_2086 = arith.constant 0 : i32
      %dma_start3A_2087 = tpu.memref_slice %arg13[%dma_start3A_2085, %dma_start3A_2086] : memref<10240x128xf32, #tpu.memory_space<vmem_shared>> -> memref<10240x128xf32, #tpu.memory_space<vmem_shared>>
      %dma_start3A_2088 = tpu.memref_slice %arg16[%dma_start3A_2077] : memref<6x!tpu.dma_semaphore, #tpu.memory_space<semaphore_mem>> -> memref<1x!tpu.dma_semaphore, #tpu.memory_space<semaphore_mem>>
      %dma_start3A_2089 = tpu.memref_squeeze %dma_start3A_2088 : memref<1x!tpu.dma_semaphore, #tpu.memory_space<semaphore_mem>> -> memref<!tpu.dma_semaphore, #tpu.memory_space<semaphore_mem>>
      tpu.enqueue_indirect_dma source(%dma_start3A_2081 : memref<40x128xf32, #tpu.memory_space<vmem>>) target(%dma_start3A_2087 : memref<10240x128xf32, #tpu.memory_space<vmem_shared>>) offsets(%dma_start3A_2084 : memref<40xi32, #tpu.memory_space<vmem>>) semaphore(%dma_start3A_2089 : memref<!tpu.dma_semaphore, #tpu.memory_space<semaphore_mem>>) {add = true}
      %dma_start3A_2090 = arith.constant 4 : i32
      %dma_start3A_2091 = arith.constant 0 : i32
      %dma_start3A_2092 = tpu.memref_slice %arg10[%sub3A_2075, %dma_start3A_2091] : memref<125x40xi32, #tpu.memory_space<vmem>> -> memref<1x40xi32, #tpu.memory_space<vmem>>
      %dma_start3A_2093 = tpu.memref_squeeze %dma_start3A_2092 : memref<1x40xi32, #tpu.memory_space<vmem>> -> memref<40xi32, #tpu.memory_space<vmem>>
      %dma_start3A_2094 = arith.constant 0 : i32
      %dma_start3A_2095 = arith.constant 0 : i32
      %dma_start3A_2096 = tpu.memref_slice %arg14[%dma_start3A_2094, %dma_start3A_2095] : memref<10240x8xf32, #tpu.memory_space<vmem_shared>> -> memref<10240x8xf32, #tpu.memory_space<vmem_shared>>
      %dma_start3A_2097 = tpu.memref_slice %arg17[%dma_start3A_2090] : memref<6x!tpu.dma_semaphore, #tpu.memory_space<semaphore_mem>> -> memref<1x!tpu.dma_semaphore, #tpu.memory_space<semaphore_mem>>
      %dma_start3A_2098 = tpu.memref_squeeze %dma_start3A_2097 : memref<1x!tpu.dma_semaphore, #tpu.memory_space<semaphore_mem>> -> memref<!tpu.dma_semaphore, #tpu.memory_space<semaphore_mem>>
      tpu.enqueue_indirect_dma source(%arg12 : memref<40x8xf32, #tpu.memory_space<vmem>>) target(%dma_start3A_2096 : memref<10240x8xf32, #tpu.memory_space<vmem_shared>>) offsets(%dma_start3A_2093 : memref<40xi32, #tpu.memory_space<vmem>>) semaphore(%dma_start3A_2098 : memref<!tpu.dma_semaphore, #tpu.memory_space<semaphore_mem>>) {add = true}
      %add3A_2099 = arith.constant 3 : i32
      %add3A_2100 = arith.addi %add3A_1853, %add3A_2099 : i32
      %sub3A_2101 = arith.constant 6 : i32
      %sub3A_2102 = arith.subi %add3A_2100, %sub3A_2101 : i32
      %dma_wait3A_2103 = arith.constant 3 : i32
      %dma_wait3A_2104 = arith.constant 3 : i32
      %dma_wait3A_2105 = arith.constant 0 : i32
      %dma_wait3A_2106 = arith.constant 0 : i32
      %dma_wait3A_2107 = tpu.memref_slice %arg11[%dma_wait3A_2103, %dma_wait3A_2105, %dma_wait3A_2106] : memref<6x40x128xf32, #tpu.memory_space<vmem>> -> memref<1x40x128xf32, #tpu.memory_space<vmem>>
      %dma_wait3A_2108 = tpu.memref_squeeze %dma_wait3A_2107 : memref<1x40x128xf32, #tpu.memory_space<vmem>> -> memref<40x128xf32, #tpu.memory_space<vmem>>
      %dma_wait3A_2109 = arith.constant 0 : i32
      %dma_wait3A_2110 = tpu.memref_slice %arg10[%sub3A_2102, %dma_wait3A_2109] : memref<125x40xi32, #tpu.memory_space<vmem>> -> memref<1x40xi32, #tpu.memory_space<vmem>>
      %dma_wait3A_2111 = tpu.memref_squeeze %dma_wait3A_2110 : memref<1x40xi32, #tpu.memory_space<vmem>> -> memref<40xi32, #tpu.memory_space<vmem>>
      %dma_wait3A_2112 = arith.constant 0 : i32
      %dma_wait3A_2113 = arith.constant 0 : i32
      %dma_wait3A_2114 = tpu.memref_slice %arg13[%dma_wait3A_2112, %dma_wait3A_2113] : memref<10240x128xf32, #tpu.memory_space<vmem_shared>> -> memref<10240x128xf32, #tpu.memory_space<vmem_shared>>
      %dma_wait3A_2115 = tpu.memref_slice %arg16[%dma_wait3A_2104] : memref<6x!tpu.dma_semaphore, #tpu.memory_space<semaphore_mem>> -> memref<1x!tpu.dma_semaphore, #tpu.memory_space<semaphore_mem>>
      %dma_wait3A_2116 = tpu.memref_squeeze %dma_wait3A_2115 : memref<1x!tpu.dma_semaphore, #tpu.memory_space<semaphore_mem>> -> memref<!tpu.dma_semaphore, #tpu.memory_space<semaphore_mem>>
      tpu.wait_indirect_dma semaphore(%dma_wait3A_2116 : memref<!tpu.dma_semaphore, #tpu.memory_space<semaphore_mem>>) src(%dma_wait3A_2108 : memref<40x128xf32, #tpu.memory_space<vmem>>) dst(%dma_wait3A_2114 : memref<10240x128xf32, #tpu.memory_space<vmem_shared>>)
      %dma_wait3A_2117 = arith.constant 3 : i32
      %dma_wait3A_2118 = arith.constant 0 : i32
      %dma_wait3A_2119 = tpu.memref_slice %arg10[%sub3A_2102, %dma_wait3A_2118] : memref<125x40xi32, #tpu.memory_space<vmem>> -> memref<1x40xi32, #tpu.memory_space<vmem>>
      %dma_wait3A_2120 = tpu.memref_squeeze %dma_wait3A_2119 : memref<1x40xi32, #tpu.memory_space<vmem>> -> memref<40xi32, #tpu.memory_space<vmem>>
      %dma_wait3A_2121 = arith.constant 0 : i32
      %dma_wait3A_2122 = arith.constant 0 : i32
      %dma_wait3A_2123 = tpu.memref_slice %arg14[%dma_wait3A_2121, %dma_wait3A_2122] : memref<10240x8xf32, #tpu.memory_space<vmem_shared>> -> memref<10240x8xf32, #tpu.memory_space<vmem_shared>>
      %dma_wait3A_2124 = tpu.memref_slice %arg17[%dma_wait3A_2117] : memref<6x!tpu.dma_semaphore, #tpu.memory_space<semaphore_mem>> -> memref<1x!tpu.dma_semaphore, #tpu.memory_space<semaphore_mem>>
      %dma_wait3A_2125 = tpu.memref_squeeze %dma_wait3A_2124 : memref<1x!tpu.dma_semaphore, #tpu.memory_space<semaphore_mem>> -> memref<!tpu.dma_semaphore, #tpu.memory_space<semaphore_mem>>
      tpu.wait_indirect_dma semaphore(%dma_wait3A_2125 : memref<!tpu.dma_semaphore, #tpu.memory_space<semaphore_mem>>) src(%arg12 : memref<40x8xf32, #tpu.memory_space<vmem>>) dst(%dma_wait3A_2123 : memref<10240x8xf32, #tpu.memory_space<vmem_shared>>)
      %dma_start3A_2126 = arith.constant 3 : i32
      %dma_start3A_2127 = arith.constant 3 : i32
      %dma_start3A_2128 = arith.constant 0 : i32
      %dma_start3A_2129 = arith.constant 0 : i32
      %dma_start3A_2130 = tpu.memref_slice %arg11[%dma_start3A_2126, %dma_start3A_2128, %dma_start3A_2129] : memref<6x40x128xf32, #tpu.memory_space<vmem>> -> memref<1x40x128xf32, #tpu.memory_space<vmem>>
      %dma_start3A_2131 = tpu.memref_squeeze %dma_start3A_2130 : memref<1x40x128xf32, #tpu.memory_space<vmem>> -> memref<40x128xf32, #tpu.memory_space<vmem>>
      %dma_start3A_2132 = arith.constant 0 : i32
      %dma_start3A_2133 = tpu.memref_slice %arg9[%add3A_2100, %dma_start3A_2132] : memref<125x40xi32, #tpu.memory_space<vmem>> -> memref<1x40xi32, #tpu.memory_space<vmem>>
      %dma_start3A_2134 = tpu.memref_squeeze %dma_start3A_2133 : memref<1x40xi32, #tpu.memory_space<vmem>> -> memref<40xi32, #tpu.memory_space<vmem>>
      %dma_start3A_2135 = arith.constant 0 : i32
      %dma_start3A_2136 = arith.constant 0 : i32
      %dma_start3A_2137 = tpu.memref_slice %arg2[%dma_start3A_2135, %dma_start3A_2136] : memref<10000x128xf32, #tpu.memory_space<hbm>> -> memref<10000x128xf32, #tpu.memory_space<hbm>>
      %dma_start3A_2138 = tpu.memref_slice %arg15[%dma_start3A_2127] : memref<6x!tpu.dma_semaphore, #tpu.memory_space<semaphore_mem>> -> memref<1x!tpu.dma_semaphore, #tpu.memory_space<semaphore_mem>>
      %dma_start3A_2139 = tpu.memref_squeeze %dma_start3A_2138 : memref<1x!tpu.dma_semaphore, #tpu.memory_space<semaphore_mem>> -> memref<!tpu.dma_semaphore, #tpu.memory_space<semaphore_mem>>
      tpu.enqueue_indirect_dma source(%dma_start3A_2137 : memref<10000x128xf32, #tpu.memory_space<hbm>>) target(%dma_start3A_2131 : memref<40x128xf32, #tpu.memory_space<vmem>>) offsets(%dma_start3A_2134 : memref<40xi32, #tpu.memory_space<vmem>>) semaphore(%dma_start3A_2139 : memref<!tpu.dma_semaphore, #tpu.memory_space<semaphore_mem>>)
      %sub3A_2140 = arith.constant 4 : i32
      %sub3A_2141 = arith.subi %add3A_2100, %sub3A_2140 : i32
      %dma_wait3A_2142 = arith.constant 5 : i32
      %dma_wait3A_2143 = arith.constant 5 : i32
      %dma_wait3A_2144 = arith.constant 0 : i32
      %dma_wait3A_2145 = arith.constant 0 : i32
      %dma_wait3A_2146 = tpu.memref_slice %arg11[%dma_wait3A_2142, %dma_wait3A_2144, %dma_wait3A_2145] : memref<6x40x128xf32, #tpu.memory_space<vmem>> -> memref<1x40x128xf32, #tpu.memory_space<vmem>>
      %dma_wait3A_2147 = tpu.memref_squeeze %dma_wait3A_2146 : memref<1x40x128xf32, #tpu.memory_space<vmem>> -> memref<40x128xf32, #tpu.memory_space<vmem>>
      %dma_wait3A_2148 = arith.constant 0 : i32
      %dma_wait3A_2149 = tpu.memref_slice %arg9[%sub3A_2141, %dma_wait3A_2148] : memref<125x40xi32, #tpu.memory_space<vmem>> -> memref<1x40xi32, #tpu.memory_space<vmem>>
      %dma_wait3A_2150 = tpu.memref_squeeze %dma_wait3A_2149 : memref<1x40xi32, #tpu.memory_space<vmem>> -> memref<40xi32, #tpu.memory_space<vmem>>
      %dma_wait3A_2151 = arith.constant 0 : i32
      %dma_wait3A_2152 = arith.constant 0 : i32
      %dma_wait3A_2153 = tpu.memref_slice %arg2[%dma_wait3A_2151, %dma_wait3A_2152] : memref<10000x128xf32, #tpu.memory_space<hbm>> -> memref<10000x128xf32, #tpu.memory_space<hbm>>
      %dma_wait3A_2154 = tpu.memref_slice %arg15[%dma_wait3A_2143] : memref<6x!tpu.dma_semaphore, #tpu.memory_space<semaphore_mem>> -> memref<1x!tpu.dma_semaphore, #tpu.memory_space<semaphore_mem>>
      %dma_wait3A_2155 = tpu.memref_squeeze %dma_wait3A_2154 : memref<1x!tpu.dma_semaphore, #tpu.memory_space<semaphore_mem>> -> memref<!tpu.dma_semaphore, #tpu.memory_space<semaphore_mem>>
      tpu.wait_indirect_dma semaphore(%dma_wait3A_2155 : memref<!tpu.dma_semaphore, #tpu.memory_space<semaphore_mem>>) src(%dma_wait3A_2153 : memref<10000x128xf32, #tpu.memory_space<hbm>>) dst(%dma_wait3A_2147 : memref<40x128xf32, #tpu.memory_space<vmem>>)
      %sub3A_2156 = arith.constant 4 : i32
      %sub3A_2157 = arith.subi %add3A_2100, %sub3A_2156 : i32
      %dma_start3A_2158 = arith.constant 5 : i32
      %dma_start3A_2159 = arith.constant 5 : i32
      %dma_start3A_2160 = arith.constant 0 : i32
      %dma_start3A_2161 = arith.constant 0 : i32
      %dma_start3A_2162 = tpu.memref_slice %arg11[%dma_start3A_2158, %dma_start3A_2160, %dma_start3A_2161] : memref<6x40x128xf32, #tpu.memory_space<vmem>> -> memref<1x40x128xf32, #tpu.memory_space<vmem>>
      %dma_start3A_2163 = tpu.memref_squeeze %dma_start3A_2162 : memref<1x40x128xf32, #tpu.memory_space<vmem>> -> memref<40x128xf32, #tpu.memory_space<vmem>>
      %dma_start3A_2164 = arith.constant 0 : i32
      %dma_start3A_2165 = tpu.memref_slice %arg10[%sub3A_2157, %dma_start3A_2164] : memref<125x40xi32, #tpu.memory_space<vmem>> -> memref<1x40xi32, #tpu.memory_space<vmem>>
      %dma_start3A_2166 = tpu.memref_squeeze %dma_start3A_2165 : memref<1x40xi32, #tpu.memory_space<vmem>> -> memref<40xi32, #tpu.memory_space<vmem>>
      %dma_start3A_2167 = arith.constant 0 : i32
      %dma_start3A_2168 = arith.constant 0 : i32
      %dma_start3A_2169 = tpu.memref_slice %arg13[%dma_start3A_2167, %dma_start3A_2168] : memref<10240x128xf32, #tpu.memory_space<vmem_shared>> -> memref<10240x128xf32, #tpu.memory_space<vmem_shared>>
      %dma_start3A_2170 = tpu.memref_slice %arg16[%dma_start3A_2159] : memref<6x!tpu.dma_semaphore, #tpu.memory_space<semaphore_mem>> -> memref<1x!tpu.dma_semaphore, #tpu.memory_space<semaphore_mem>>
      %dma_start3A_2171 = tpu.memref_squeeze %dma_start3A_2170 : memref<1x!tpu.dma_semaphore, #tpu.memory_space<semaphore_mem>> -> memref<!tpu.dma_semaphore, #tpu.memory_space<semaphore_mem>>
      tpu.enqueue_indirect_dma source(%dma_start3A_2163 : memref<40x128xf32, #tpu.memory_space<vmem>>) target(%dma_start3A_2169 : memref<10240x128xf32, #tpu.memory_space<vmem_shared>>) offsets(%dma_start3A_2166 : memref<40xi32, #tpu.memory_space<vmem>>) semaphore(%dma_start3A_2171 : memref<!tpu.dma_semaphore, #tpu.memory_space<semaphore_mem>>) {add = true}
      %dma_start3A_2172 = arith.constant 5 : i32
      %dma_start3A_2173 = arith.constant 0 : i32
      %dma_start3A_2174 = tpu.memref_slice %arg10[%sub3A_2157, %dma_start3A_2173] : memref<125x40xi32, #tpu.memory_space<vmem>> -> memref<1x40xi32, #tpu.memory_space<vmem>>
      %dma_start3A_2175 = tpu.memref_squeeze %dma_start3A_2174 : memref<1x40xi32, #tpu.memory_space<vmem>> -> memref<40xi32, #tpu.memory_space<vmem>>
      %dma_start3A_2176 = arith.constant 0 : i32
      %dma_start3A_2177 = arith.constant 0 : i32
      %dma_start3A_2178 = tpu.memref_slice %arg14[%dma_start3A_2176, %dma_start3A_2177] : memref<10240x8xf32, #tpu.memory_space<vmem_shared>> -> memref<10240x8xf32, #tpu.memory_space<vmem_shared>>
      %dma_start3A_2179 = tpu.memref_slice %arg17[%dma_start3A_2172] : memref<6x!tpu.dma_semaphore, #tpu.memory_space<semaphore_mem>> -> memref<1x!tpu.dma_semaphore, #tpu.memory_space<semaphore_mem>>
      %dma_start3A_2180 = tpu.memref_squeeze %dma_start3A_2179 : memref<1x!tpu.dma_semaphore, #tpu.memory_space<semaphore_mem>> -> memref<!tpu.dma_semaphore, #tpu.memory_space<semaphore_mem>>
      tpu.enqueue_indirect_dma source(%arg12 : memref<40x8xf32, #tpu.memory_space<vmem>>) target(%dma_start3A_2178 : memref<10240x8xf32, #tpu.memory_space<vmem_shared>>) offsets(%dma_start3A_2175 : memref<40xi32, #tpu.memory_space<vmem>>) semaphore(%dma_start3A_2180 : memref<!tpu.dma_semaphore, #tpu.memory_space<semaphore_mem>>) {add = true}
      %add3A_2181 = arith.constant 4 : i32
      %add3A_2182 = arith.addi %add3A_1853, %add3A_2181 : i32
      %sub3A_2183 = arith.constant 6 : i32
      %sub3A_2184 = arith.subi %add3A_2182, %sub3A_2183 : i32
      %dma_wait3A_2185 = arith.constant 4 : i32
      %dma_wait3A_2186 = arith.constant 4 : i32
      %dma_wait3A_2187 = arith.constant 0 : i32
      %dma_wait3A_2188 = arith.constant 0 : i32
      %dma_wait3A_2189 = tpu.memref_slice %arg11[%dma_wait3A_2185, %dma_wait3A_2187, %dma_wait3A_2188] : memref<6x40x128xf32, #tpu.memory_space<vmem>> -> memref<1x40x128xf32, #tpu.memory_space<vmem>>
      %dma_wait3A_2190 = tpu.memref_squeeze %dma_wait3A_2189 : memref<1x40x128xf32, #tpu.memory_space<vmem>> -> memref<40x128xf32, #tpu.memory_space<vmem>>
      %dma_wait3A_2191 = arith.constant 0 : i32
      %dma_wait3A_2192 = tpu.memref_slice %arg10[%sub3A_2184, %dma_wait3A_2191] : memref<125x40xi32, #tpu.memory_space<vmem>> -> memref<1x40xi32, #tpu.memory_space<vmem>>
      %dma_wait3A_2193 = tpu.memref_squeeze %dma_wait3A_2192 : memref<1x40xi32, #tpu.memory_space<vmem>> -> memref<40xi32, #tpu.memory_space<vmem>>
      %dma_wait3A_2194 = arith.constant 0 : i32
      %dma_wait3A_2195 = arith.constant 0 : i32
      %dma_wait3A_2196 = tpu.memref_slice %arg13[%dma_wait3A_2194, %dma_wait3A_2195] : memref<10240x128xf32, #tpu.memory_space<vmem_shared>> -> memref<10240x128xf32, #tpu.memory_space<vmem_shared>>
      %dma_wait3A_2197 = tpu.memref_slice %arg16[%dma_wait3A_2186] : memref<6x!tpu.dma_semaphore, #tpu.memory_space<semaphore_mem>> -> memref<1x!tpu.dma_semaphore, #tpu.memory_space<semaphore_mem>>
      %dma_wait3A_2198 = tpu.memref_squeeze %dma_wait3A_2197 : memref<1x!tpu.dma_semaphore, #tpu.memory_space<semaphore_mem>> -> memref<!tpu.dma_semaphore, #tpu.memory_space<semaphore_mem>>
      tpu.wait_indirect_dma semaphore(%dma_wait3A_2198 : memref<!tpu.dma_semaphore, #tpu.memory_space<semaphore_mem>>) src(%dma_wait3A_2190 : memref<40x128xf32, #tpu.memory_space<vmem>>) dst(%dma_wait3A_2196 : memref<10240x128xf32, #tpu.memory_space<vmem_shared>>)
      %dma_wait3A_2199 = arith.constant 4 : i32
      %dma_wait3A_2200 = arith.constant 0 : i32
      %dma_wait3A_2201 = tpu.memref_slice %arg10[%sub3A_2184, %dma_wait3A_2200] : memref<125x40xi32, #tpu.memory_space<vmem>> -> memref<1x40xi32, #tpu.memory_space<vmem>>
      %dma_wait3A_2202 = tpu.memref_squeeze %dma_wait3A_2201 : memref<1x40xi32, #tpu.memory_space<vmem>> -> memref<40xi32, #tpu.memory_space<vmem>>
      %dma_wait3A_2203 = arith.constant 0 : i32
      %dma_wait3A_2204 = arith.constant 0 : i32
      %dma_wait3A_2205 = tpu.memref_slice %arg14[%dma_wait3A_2203, %dma_wait3A_2204] : memref<10240x8xf32, #tpu.memory_space<vmem_shared>> -> memref<10240x8xf32, #tpu.memory_space<vmem_shared>>
      %dma_wait3A_2206 = tpu.memref_slice %arg17[%dma_wait3A_2199] : memref<6x!tpu.dma_semaphore, #tpu.memory_space<semaphore_mem>> -> memref<1x!tpu.dma_semaphore, #tpu.memory_space<semaphore_mem>>
      %dma_wait3A_2207 = tpu.memref_squeeze %dma_wait3A_2206 : memref<1x!tpu.dma_semaphore, #tpu.memory_space<semaphore_mem>> -> memref<!tpu.dma_semaphore, #tpu.memory_space<semaphore_mem>>
      tpu.wait_indirect_dma semaphore(%dma_wait3A_2207 : memref<!tpu.dma_semaphore, #tpu.memory_space<semaphore_mem>>) src(%arg12 : memref<40x8xf32, #tpu.memory_space<vmem>>) dst(%dma_wait3A_2205 : memref<10240x8xf32, #tpu.memory_space<vmem_shared>>)
      %dma_start3A_2208 = arith.constant 4 : i32
      %dma_start3A_2209 = arith.constant 4 : i32
      %dma_start3A_2210 = arith.constant 0 : i32
      %dma_start3A_2211 = arith.constant 0 : i32
      %dma_start3A_2212 = tpu.memref_slice %arg11[%dma_start3A_2208, %dma_start3A_2210, %dma_start3A_2211] : memref<6x40x128xf32, #tpu.memory_space<vmem>> -> memref<1x40x128xf32, #tpu.memory_space<vmem>>
      %dma_start3A_2213 = tpu.memref_squeeze %dma_start3A_2212 : memref<1x40x128xf32, #tpu.memory_space<vmem>> -> memref<40x128xf32, #tpu.memory_space<vmem>>
      %dma_start3A_2214 = arith.constant 0 : i32
      %dma_start3A_2215 = tpu.memref_slice %arg9[%add3A_2182, %dma_start3A_2214] : memref<125x40xi32, #tpu.memory_space<vmem>> -> memref<1x40xi32, #tpu.memory_space<vmem>>
      %dma_start3A_2216 = tpu.memref_squeeze %dma_start3A_2215 : memref<1x40xi32, #tpu.memory_space<vmem>> -> memref<40xi32, #tpu.memory_space<vmem>>
      %dma_start3A_2217 = arith.constant 0 : i32
      %dma_start3A_2218 = arith.constant 0 : i32
      %dma_start3A_2219 = tpu.memref_slice %arg2[%dma_start3A_2217, %dma_start3A_2218] : memref<10000x128xf32, #tpu.memory_space<hbm>> -> memref<10000x128xf32, #tpu.memory_space<hbm>>
      %dma_start3A_2220 = tpu.memref_slice %arg15[%dma_start3A_2209] : memref<6x!tpu.dma_semaphore, #tpu.memory_space<semaphore_mem>> -> memref<1x!tpu.dma_semaphore, #tpu.memory_space<semaphore_mem>>
      %dma_start3A_2221 = tpu.memref_squeeze %dma_start3A_2220 : memref<1x!tpu.dma_semaphore, #tpu.memory_space<semaphore_mem>> -> memref<!tpu.dma_semaphore, #tpu.memory_space<semaphore_mem>>
      tpu.enqueue_indirect_dma source(%dma_start3A_2219 : memref<10000x128xf32, #tpu.memory_space<hbm>>) target(%dma_start3A_2213 : memref<40x128xf32, #tpu.memory_space<vmem>>) offsets(%dma_start3A_2216 : memref<40xi32, #tpu.memory_space<vmem>>) semaphore(%dma_start3A_2221 : memref<!tpu.dma_semaphore, #tpu.memory_space<semaphore_mem>>)
      %sub3A_2222 = arith.constant 4 : i32
      %sub3A_2223 = arith.subi %add3A_2182, %sub3A_2222 : i32
      %dma_wait3A_2224 = arith.constant 0 : i32
      %dma_wait3A_2225 = arith.constant 0 : i32
      %dma_wait3A_2226 = arith.constant 0 : i32
      %dma_wait3A_2227 = arith.constant 0 : i32
      %dma_wait3A_2228 = tpu.memref_slice %arg11[%dma_wait3A_2224, %dma_wait3A_2226, %dma_wait3A_2227] : memref<6x40x128xf32, #tpu.memory_space<vmem>> -> memref<1x40x128xf32, #tpu.memory_space<vmem>>
      %dma_wait3A_2229 = tpu.memref_squeeze %dma_wait3A_2228 : memref<1x40x128xf32, #tpu.memory_space<vmem>> -> memref<40x128xf32, #tpu.memory_space<vmem>>
      %dma_wait3A_2230 = arith.constant 0 : i32
      %dma_wait3A_2231 = tpu.memref_slice %arg9[%sub3A_2223, %dma_wait3A_2230] : memref<125x40xi32, #tpu.memory_space<vmem>> -> memref<1x40xi32, #tpu.memory_space<vmem>>
      %dma_wait3A_2232 = tpu.memref_squeeze %dma_wait3A_2231 : memref<1x40xi32, #tpu.memory_space<vmem>> -> memref<40xi32, #tpu.memory_space<vmem>>
      %dma_wait3A_2233 = arith.constant 0 : i32
      %dma_wait3A_2234 = arith.constant 0 : i32
      %dma_wait3A_2235 = tpu.memref_slice %arg2[%dma_wait3A_2233, %dma_wait3A_2234] : memref<10000x128xf32, #tpu.memory_space<hbm>> -> memref<10000x128xf32, #tpu.memory_space<hbm>>
      %dma_wait3A_2236 = tpu.memref_slice %arg15[%dma_wait3A_2225] : memref<6x!tpu.dma_semaphore, #tpu.memory_space<semaphore_mem>> -> memref<1x!tpu.dma_semaphore, #tpu.memory_space<semaphore_mem>>
      %dma_wait3A_2237 = tpu.memref_squeeze %dma_wait3A_2236 : memref<1x!tpu.dma_semaphore, #tpu.memory_space<semaphore_mem>> -> memref<!tpu.dma_semaphore, #tpu.memory_space<semaphore_mem>>
      tpu.wait_indirect_dma semaphore(%dma_wait3A_2237 : memref<!tpu.dma_semaphore, #tpu.memory_space<semaphore_mem>>) src(%dma_wait3A_2235 : memref<10000x128xf32, #tpu.memory_space<hbm>>) dst(%dma_wait3A_2229 : memref<40x128xf32, #tpu.memory_space<vmem>>)
      %sub3A_2238 = arith.constant 4 : i32
      %sub3A_2239 = arith.subi %add3A_2182, %sub3A_2238 : i32
      %dma_start3A_2240 = arith.constant 0 : i32
      %dma_start3A_2241 = arith.constant 0 : i32
      %dma_start3A_2242 = arith.constant 0 : i32
      %dma_start3A_2243 = arith.constant 0 : i32
      %dma_start3A_2244 = tpu.memref_slice %arg11[%dma_start3A_2240, %dma_start3A_2242, %dma_start3A_2243] : memref<6x40x128xf32, #tpu.memory_space<vmem>> -> memref<1x40x128xf32, #tpu.memory_space<vmem>>
      %dma_start3A_2245 = tpu.memref_squeeze %dma_start3A_2244 : memref<1x40x128xf32, #tpu.memory_space<vmem>> -> memref<40x128xf32, #tpu.memory_space<vmem>>
      %dma_start3A_2246 = arith.constant 0 : i32
      %dma_start3A_2247 = tpu.memref_slice %arg10[%sub3A_2239, %dma_start3A_2246] : memref<125x40xi32, #tpu.memory_space<vmem>> -> memref<1x40xi32, #tpu.memory_space<vmem>>
      %dma_start3A_2248 = tpu.memref_squeeze %dma_start3A_2247 : memref<1x40xi32, #tpu.memory_space<vmem>> -> memref<40xi32, #tpu.memory_space<vmem>>
      %dma_start3A_2249 = arith.constant 0 : i32
      %dma_start3A_2250 = arith.constant 0 : i32
      %dma_start3A_2251 = tpu.memref_slice %arg13[%dma_start3A_2249, %dma_start3A_2250] : memref<10240x128xf32, #tpu.memory_space<vmem_shared>> -> memref<10240x128xf32, #tpu.memory_space<vmem_shared>>
      %dma_start3A_2252 = tpu.memref_slice %arg16[%dma_start3A_2241] : memref<6x!tpu.dma_semaphore, #tpu.memory_space<semaphore_mem>> -> memref<1x!tpu.dma_semaphore, #tpu.memory_space<semaphore_mem>>
      %dma_start3A_2253 = tpu.memref_squeeze %dma_start3A_2252 : memref<1x!tpu.dma_semaphore, #tpu.memory_space<semaphore_mem>> -> memref<!tpu.dma_semaphore, #tpu.memory_space<semaphore_mem>>
      tpu.enqueue_indirect_dma source(%dma_start3A_2245 : memref<40x128xf32, #tpu.memory_space<vmem>>) target(%dma_start3A_2251 : memref<10240x128xf32, #tpu.memory_space<vmem_shared>>) offsets(%dma_start3A_2248 : memref<40xi32, #tpu.memory_space<vmem>>) semaphore(%dma_start3A_2253 : memref<!tpu.dma_semaphore, #tpu.memory_space<semaphore_mem>>) {add = true}
      %dma_start3A_2254 = arith.constant 0 : i32
      %dma_start3A_2255 = arith.constant 0 : i32
      %dma_start3A_2256 = tpu.memref_slice %arg10[%sub3A_2239, %dma_start3A_2255] : memref<125x40xi32, #tpu.memory_space<vmem>> -> memref<1x40xi32, #tpu.memory_space<vmem>>
      %dma_start3A_2257 = tpu.memref_squeeze %dma_start3A_2256 : memref<1x40xi32, #tpu.memory_space<vmem>> -> memref<40xi32, #tpu.memory_space<vmem>>
      %dma_start3A_2258 = arith.constant 0 : i32
      %dma_start3A_2259 = arith.constant 0 : i32
      %dma_start3A_2260 = tpu.memref_slice %arg14[%dma_start3A_2258, %dma_start3A_2259] : memref<10240x8xf32, #tpu.memory_space<vmem_shared>> -> memref<10240x8xf32, #tpu.memory_space<vmem_shared>>
      %dma_start3A_2261 = tpu.memref_slice %arg17[%dma_start3A_2254] : memref<6x!tpu.dma_semaphore, #tpu.memory_space<semaphore_mem>> -> memref<1x!tpu.dma_semaphore, #tpu.memory_space<semaphore_mem>>
      %dma_start3A_2262 = tpu.memref_squeeze %dma_start3A_2261 : memref<1x!tpu.dma_semaphore, #tpu.memory_space<semaphore_mem>> -> memref<!tpu.dma_semaphore, #tpu.memory_space<semaphore_mem>>
      tpu.enqueue_indirect_dma source(%arg12 : memref<40x8xf32, #tpu.memory_space<vmem>>) target(%dma_start3A_2260 : memref<10240x8xf32, #tpu.memory_space<vmem_shared>>) offsets(%dma_start3A_2257 : memref<40xi32, #tpu.memory_space<vmem>>) semaphore(%dma_start3A_2262 : memref<!tpu.dma_semaphore, #tpu.memory_space<semaphore_mem>>) {add = true}
      %add3A_2263 = arith.constant 5 : i32
      %add3A_2264 = arith.addi %add3A_1853, %add3A_2263 : i32
      %sub3A_2265 = arith.constant 6 : i32
      %sub3A_2266 = arith.subi %add3A_2264, %sub3A_2265 : i32
      %dma_wait3A_2267 = arith.constant 5 : i32
      %dma_wait3A_2268 = arith.constant 5 : i32
      %dma_wait3A_2269 = arith.constant 0 : i32
      %dma_wait3A_2270 = arith.constant 0 : i32
      %dma_wait3A_2271 = tpu.memref_slice %arg11[%dma_wait3A_2267, %dma_wait3A_2269, %dma_wait3A_2270] : memref<6x40x128xf32, #tpu.memory_space<vmem>> -> memref<1x40x128xf32, #tpu.memory_space<vmem>>
      %dma_wait3A_2272 = tpu.memref_squeeze %dma_wait3A_2271 : memref<1x40x128xf32, #tpu.memory_space<vmem>> -> memref<40x128xf32, #tpu.memory_space<vmem>>
      %dma_wait3A_2273 = arith.constant 0 : i32
      %dma_wait3A_2274 = tpu.memref_slice %arg10[%sub3A_2266, %dma_wait3A_2273] : memref<125x40xi32, #tpu.memory_space<vmem>> -> memref<1x40xi32, #tpu.memory_space<vmem>>
      %dma_wait3A_2275 = tpu.memref_squeeze %dma_wait3A_2274 : memref<1x40xi32, #tpu.memory_space<vmem>> -> memref<40xi32, #tpu.memory_space<vmem>>
      %dma_wait3A_2276 = arith.constant 0 : i32
      %dma_wait3A_2277 = arith.constant 0 : i32
      %dma_wait3A_2278 = tpu.memref_slice %arg13[%dma_wait3A_2276, %dma_wait3A_2277] : memref<10240x128xf32, #tpu.memory_space<vmem_shared>> -> memref<10240x128xf32, #tpu.memory_space<vmem_shared>>
      %dma_wait3A_2279 = tpu.memref_slice %arg16[%dma_wait3A_2268] : memref<6x!tpu.dma_semaphore, #tpu.memory_space<semaphore_mem>> -> memref<1x!tpu.dma_semaphore, #tpu.memory_space<semaphore_mem>>
      %dma_wait3A_2280 = tpu.memref_squeeze %dma_wait3A_2279 : memref<1x!tpu.dma_semaphore, #tpu.memory_space<semaphore_mem>> -> memref<!tpu.dma_semaphore, #tpu.memory_space<semaphore_mem>>
      tpu.wait_indirect_dma semaphore(%dma_wait3A_2280 : memref<!tpu.dma_semaphore, #tpu.memory_space<semaphore_mem>>) src(%dma_wait3A_2272 : memref<40x128xf32, #tpu.memory_space<vmem>>) dst(%dma_wait3A_2278 : memref<10240x128xf32, #tpu.memory_space<vmem_shared>>)
      %dma_wait3A_2281 = arith.constant 5 : i32
      %dma_wait3A_2282 = arith.constant 0 : i32
      %dma_wait3A_2283 = tpu.memref_slice %arg10[%sub3A_2266, %dma_wait3A_2282] : memref<125x40xi32, #tpu.memory_space<vmem>> -> memref<1x40xi32, #tpu.memory_space<vmem>>
      %dma_wait3A_2284 = tpu.memref_squeeze %dma_wait3A_2283 : memref<1x40xi32, #tpu.memory_space<vmem>> -> memref<40xi32, #tpu.memory_space<vmem>>
      %dma_wait3A_2285 = arith.constant 0 : i32
      %dma_wait3A_2286 = arith.constant 0 : i32
      %dma_wait3A_2287 = tpu.memref_slice %arg14[%dma_wait3A_2285, %dma_wait3A_2286] : memref<10240x8xf32, #tpu.memory_space<vmem_shared>> -> memref<10240x8xf32, #tpu.memory_space<vmem_shared>>
      %dma_wait3A_2288 = tpu.memref_slice %arg17[%dma_wait3A_2281] : memref<6x!tpu.dma_semaphore, #tpu.memory_space<semaphore_mem>> -> memref<1x!tpu.dma_semaphore, #tpu.memory_space<semaphore_mem>>
      %dma_wait3A_2289 = tpu.memref_squeeze %dma_wait3A_2288 : memref<1x!tpu.dma_semaphore, #tpu.memory_space<semaphore_mem>> -> memref<!tpu.dma_semaphore, #tpu.memory_space<semaphore_mem>>
      tpu.wait_indirect_dma semaphore(%dma_wait3A_2289 : memref<!tpu.dma_semaphore, #tpu.memory_space<semaphore_mem>>) src(%arg12 : memref<40x8xf32, #tpu.memory_space<vmem>>) dst(%dma_wait3A_2287 : memref<10240x8xf32, #tpu.memory_space<vmem_shared>>)
      %dma_start3A_2290 = arith.constant 5 : i32
      %dma_start3A_2291 = arith.constant 5 : i32
      %dma_start3A_2292 = arith.constant 0 : i32
      %dma_start3A_2293 = arith.constant 0 : i32
      %dma_start3A_2294 = tpu.memref_slice %arg11[%dma_start3A_2290, %dma_start3A_2292, %dma_start3A_2293] : memref<6x40x128xf32, #tpu.memory_space<vmem>> -> memref<1x40x128xf32, #tpu.memory_space<vmem>>
      %dma_start3A_2295 = tpu.memref_squeeze %dma_start3A_2294 : memref<1x40x128xf32, #tpu.memory_space<vmem>> -> memref<40x128xf32, #tpu.memory_space<vmem>>
      %dma_start3A_2296 = arith.constant 0 : i32
      %dma_start3A_2297 = tpu.memref_slice %arg9[%add3A_2264, %dma_start3A_2296] : memref<125x40xi32, #tpu.memory_space<vmem>> -> memref<1x40xi32, #tpu.memory_space<vmem>>
      %dma_start3A_2298 = tpu.memref_squeeze %dma_start3A_2297 : memref<1x40xi32, #tpu.memory_space<vmem>> -> memref<40xi32, #tpu.memory_space<vmem>>
      %dma_start3A_2299 = arith.constant 0 : i32
      %dma_start3A_2300 = arith.constant 0 : i32
      %dma_start3A_2301 = tpu.memref_slice %arg2[%dma_start3A_2299, %dma_start3A_2300] : memref<10000x128xf32, #tpu.memory_space<hbm>> -> memref<10000x128xf32, #tpu.memory_space<hbm>>
      %dma_start3A_2302 = tpu.memref_slice %arg15[%dma_start3A_2291] : memref<6x!tpu.dma_semaphore, #tpu.memory_space<semaphore_mem>> -> memref<1x!tpu.dma_semaphore, #tpu.memory_space<semaphore_mem>>
      %dma_start3A_2303 = tpu.memref_squeeze %dma_start3A_2302 : memref<1x!tpu.dma_semaphore, #tpu.memory_space<semaphore_mem>> -> memref<!tpu.dma_semaphore, #tpu.memory_space<semaphore_mem>>
      tpu.enqueue_indirect_dma source(%dma_start3A_2301 : memref<10000x128xf32, #tpu.memory_space<hbm>>) target(%dma_start3A_2295 : memref<40x128xf32, #tpu.memory_space<vmem>>) offsets(%dma_start3A_2298 : memref<40xi32, #tpu.memory_space<vmem>>) semaphore(%dma_start3A_2303 : memref<!tpu.dma_semaphore, #tpu.memory_space<semaphore_mem>>)
      %sub3A_2304 = arith.constant 4 : i32
      %sub3A_2305 = arith.subi %add3A_2264, %sub3A_2304 : i32
      %dma_wait3A_2306 = arith.constant 1 : i32
      %dma_wait3A_2307 = arith.constant 1 : i32
      %dma_wait3A_2308 = arith.constant 0 : i32
      %dma_wait3A_2309 = arith.constant 0 : i32
      %dma_wait3A_2310 = tpu.memref_slice %arg11[%dma_wait3A_2306, %dma_wait3A_2308, %dma_wait3A_2309] : memref<6x40x128xf32, #tpu.memory_space<vmem>> -> memref<1x40x128xf32, #tpu.memory_space<vmem>>
      %dma_wait3A_2311 = tpu.memref_squeeze %dma_wait3A_2310 : memref<1x40x128xf32, #tpu.memory_space<vmem>> -> memref<40x128xf32, #tpu.memory_space<vmem>>
      %dma_wait3A_2312 = arith.constant 0 : i32
      %dma_wait3A_2313 = tpu.memref_slice %arg9[%sub3A_2305, %dma_wait3A_2312] : memref<125x40xi32, #tpu.memory_space<vmem>> -> memref<1x40xi32, #tpu.memory_space<vmem>>
      %dma_wait3A_2314 = tpu.memref_squeeze %dma_wait3A_2313 : memref<1x40xi32, #tpu.memory_space<vmem>> -> memref<40xi32, #tpu.memory_space<vmem>>
      %dma_wait3A_2315 = arith.constant 0 : i32
      %dma_wait3A_2316 = arith.constant 0 : i32
      %dma_wait3A_2317 = tpu.memref_slice %arg2[%dma_wait3A_2315, %dma_wait3A_2316] : memref<10000x128xf32, #tpu.memory_space<hbm>> -> memref<10000x128xf32, #tpu.memory_space<hbm>>
      %dma_wait3A_2318 = tpu.memref_slice %arg15[%dma_wait3A_2307] : memref<6x!tpu.dma_semaphore, #tpu.memory_space<semaphore_mem>> -> memref<1x!tpu.dma_semaphore, #tpu.memory_space<semaphore_mem>>
      %dma_wait3A_2319 = tpu.memref_squeeze %dma_wait3A_2318 : memref<1x!tpu.dma_semaphore, #tpu.memory_space<semaphore_mem>> -> memref<!tpu.dma_semaphore, #tpu.memory_space<semaphore_mem>>
      tpu.wait_indirect_dma semaphore(%dma_wait3A_2319 : memref<!tpu.dma_semaphore, #tpu.memory_space<semaphore_mem>>) src(%dma_wait3A_2317 : memref<10000x128xf32, #tpu.memory_space<hbm>>) dst(%dma_wait3A_2311 : memref<40x128xf32, #tpu.memory_space<vmem>>)
      %sub3A_2320 = arith.constant 4 : i32
      %sub3A_2321 = arith.subi %add3A_2264, %sub3A_2320 : i32
      %dma_start3A_2322 = arith.constant 1 : i32
      %dma_start3A_2323 = arith.constant 1 : i32
      %dma_start3A_2324 = arith.constant 0 : i32
      %dma_start3A_2325 = arith.constant 0 : i32
      %dma_start3A_2326 = tpu.memref_slice %arg11[%dma_start3A_2322, %dma_start3A_2324, %dma_start3A_2325] : memref<6x40x128xf32, #tpu.memory_space<vmem>> -> memref<1x40x128xf32, #tpu.memory_space<vmem>>
      %dma_start3A_2327 = tpu.memref_squeeze %dma_start3A_2326 : memref<1x40x128xf32, #tpu.memory_space<vmem>> -> memref<40x128xf32, #tpu.memory_space<vmem>>
      %dma_start3A_2328 = arith.constant 0 : i32
      %dma_start3A_2329 = tpu.memref_slice %arg10[%sub3A_2321, %dma_start3A_2328] : memref<125x40xi32, #tpu.memory_space<vmem>> -> memref<1x40xi32, #tpu.memory_space<vmem>>
      %dma_start3A_2330 = tpu.memref_squeeze %dma_start3A_2329 : memref<1x40xi32, #tpu.memory_space<vmem>> -> memref<40xi32, #tpu.memory_space<vmem>>
      %dma_start3A_2331 = arith.constant 0 : i32
      %dma_start3A_2332 = arith.constant 0 : i32
      %dma_start3A_2333 = tpu.memref_slice %arg13[%dma_start3A_2331, %dma_start3A_2332] : memref<10240x128xf32, #tpu.memory_space<vmem_shared>> -> memref<10240x128xf32, #tpu.memory_space<vmem_shared>>
      %dma_start3A_2334 = tpu.memref_slice %arg16[%dma_start3A_2323] : memref<6x!tpu.dma_semaphore, #tpu.memory_space<semaphore_mem>> -> memref<1x!tpu.dma_semaphore, #tpu.memory_space<semaphore_mem>>
      %dma_start3A_2335 = tpu.memref_squeeze %dma_start3A_2334 : memref<1x!tpu.dma_semaphore, #tpu.memory_space<semaphore_mem>> -> memref<!tpu.dma_semaphore, #tpu.memory_space<semaphore_mem>>
      tpu.enqueue_indirect_dma source(%dma_start3A_2327 : memref<40x128xf32, #tpu.memory_space<vmem>>) target(%dma_start3A_2333 : memref<10240x128xf32, #tpu.memory_space<vmem_shared>>) offsets(%dma_start3A_2330 : memref<40xi32, #tpu.memory_space<vmem>>) semaphore(%dma_start3A_2335 : memref<!tpu.dma_semaphore, #tpu.memory_space<semaphore_mem>>) {add = true}
      %dma_start3A_2336 = arith.constant 1 : i32
      %dma_start3A_2337 = arith.constant 0 : i32
      %dma_start3A_2338 = tpu.memref_slice %arg10[%sub3A_2321, %dma_start3A_2337] : memref<125x40xi32, #tpu.memory_space<vmem>> -> memref<1x40xi32, #tpu.memory_space<vmem>>
      %dma_start3A_2339 = tpu.memref_squeeze %dma_start3A_2338 : memref<1x40xi32, #tpu.memory_space<vmem>> -> memref<40xi32, #tpu.memory_space<vmem>>
      %dma_start3A_2340 = arith.constant 0 : i32
      %dma_start3A_2341 = arith.constant 0 : i32
      %dma_start3A_2342 = tpu.memref_slice %arg14[%dma_start3A_2340, %dma_start3A_2341] : memref<10240x8xf32, #tpu.memory_space<vmem_shared>> -> memref<10240x8xf32, #tpu.memory_space<vmem_shared>>
      %dma_start3A_2343 = tpu.memref_slice %arg17[%dma_start3A_2336] : memref<6x!tpu.dma_semaphore, #tpu.memory_space<semaphore_mem>> -> memref<1x!tpu.dma_semaphore, #tpu.memory_space<semaphore_mem>>
      %dma_start3A_2344 = tpu.memref_squeeze %dma_start3A_2343 : memref<1x!tpu.dma_semaphore, #tpu.memory_space<semaphore_mem>> -> memref<!tpu.dma_semaphore, #tpu.memory_space<semaphore_mem>>
      tpu.enqueue_indirect_dma source(%arg12 : memref<40x8xf32, #tpu.memory_space<vmem>>) target(%dma_start3A_2342 : memref<10240x8xf32, #tpu.memory_space<vmem_shared>>) offsets(%dma_start3A_2339 : memref<40xi32, #tpu.memory_space<vmem>>) semaphore(%dma_start3A_2344 : memref<!tpu.dma_semaphore, #tpu.memory_space<semaphore_mem>>) {add = true}
      %scan3A_2345 = arith.constant 0 : i32
      scf.yield %scan3A_2345 : i32
    }
    %scan3A_1136 = arith.constant 19 : i32
    %dma_wait3A_1137 = arith.constant 0 : i32
    %dma_wait3A_1138 = arith.constant 114 : i32
    %dma_wait3A_1139 = arith.constant 0 : i32
    %dma_wait3A_1140 = arith.constant 0 : i32
    %dma_wait3A_1141 = arith.constant 0 : i32
    %dma_wait3A_1142 = tpu.memref_slice %arg11[%dma_wait3A_1137, %dma_wait3A_1140, %dma_wait3A_1141] : memref<6x40x128xf32, #tpu.memory_space<vmem>> -> memref<1x40x128xf32, #tpu.memory_space<vmem>>
    %dma_wait3A_1143 = tpu.memref_squeeze %dma_wait3A_1142 : memref<1x40x128xf32, #tpu.memory_space<vmem>> -> memref<40x128xf32, #tpu.memory_space<vmem>>
    %dma_wait3A_1144 = arith.constant 0 : i32
    %dma_wait3A_1145 = tpu.memref_slice %arg10[%dma_wait3A_1138, %dma_wait3A_1144] : memref<125x40xi32, #tpu.memory_space<vmem>> -> memref<1x40xi32, #tpu.memory_space<vmem>>
    %dma_wait3A_1146 = tpu.memref_squeeze %dma_wait3A_1145 : memref<1x40xi32, #tpu.memory_space<vmem>> -> memref<40xi32, #tpu.memory_space<vmem>>
    %dma_wait3A_1147 = arith.constant 0 : i32
    %dma_wait3A_1148 = arith.constant 0 : i32
    %dma_wait3A_1149 = tpu.memref_slice %arg13[%dma_wait3A_1147, %dma_wait3A_1148] : memref<10240x128xf32, #tpu.memory_space<vmem_shared>> -> memref<10240x128xf32, #tpu.memory_space<vmem_shared>>
    %dma_wait3A_1150 = tpu.memref_slice %arg16[%dma_wait3A_1139] : memref<6x!tpu.dma_semaphore, #tpu.memory_space<semaphore_mem>> -> memref<1x!tpu.dma_semaphore, #tpu.memory_space<semaphore_mem>>
    %dma_wait3A_1151 = tpu.memref_squeeze %dma_wait3A_1150 : memref<1x!tpu.dma_semaphore, #tpu.memory_space<semaphore_mem>> -> memref<!tpu.dma_semaphore, #tpu.memory_space<semaphore_mem>>
    tpu.wait_indirect_dma semaphore(%dma_wait3A_1151 : memref<!tpu.dma_semaphore, #tpu.memory_space<semaphore_mem>>) src(%dma_wait3A_1143 : memref<40x128xf32, #tpu.memory_space<vmem>>) dst(%dma_wait3A_1149 : memref<10240x128xf32, #tpu.memory_space<vmem_shared>>)
    %dma_wait3A_1152 = arith.constant 114 : i32
    %dma_wait3A_1153 = arith.constant 0 : i32
    %dma_wait3A_1154 = arith.constant 0 : i32
    %dma_wait3A_1155 = tpu.memref_slice %arg10[%dma_wait3A_1152, %dma_wait3A_1154] : memref<125x40xi32, #tpu.memory_space<vmem>> -> memref<1x40xi32, #tpu.memory_space<vmem>>
    %dma_wait3A_1156 = tpu.memref_squeeze %dma_wait3A_1155 : memref<1x40xi32, #tpu.memory_space<vmem>> -> memref<40xi32, #tpu.memory_space<vmem>>
    %dma_wait3A_1157 = arith.constant 0 : i32
    %dma_wait3A_1158 = arith.constant 0 : i32
    %dma_wait3A_1159 = tpu.memref_slice %arg14[%dma_wait3A_1157, %dma_wait3A_1158] : memref<10240x8xf32, #tpu.memory_space<vmem_shared>> -> memref<10240x8xf32, #tpu.memory_space<vmem_shared>>
    %dma_wait3A_1160 = tpu.memref_slice %arg17[%dma_wait3A_1153] : memref<6x!tpu.dma_semaphore, #tpu.memory_space<semaphore_mem>> -> memref<1x!tpu.dma_semaphore, #tpu.memory_space<semaphore_mem>>
    %dma_wait3A_1161 = tpu.memref_squeeze %dma_wait3A_1160 : memref<1x!tpu.dma_semaphore, #tpu.memory_space<semaphore_mem>> -> memref<!tpu.dma_semaphore, #tpu.memory_space<semaphore_mem>>
    tpu.wait_indirect_dma semaphore(%dma_wait3A_1161 : memref<!tpu.dma_semaphore, #tpu.memory_space<semaphore_mem>>) src(%arg12 : memref<40x8xf32, #tpu.memory_space<vmem>>) dst(%dma_wait3A_1159 : memref<10240x8xf32, #tpu.memory_space<vmem_shared>>)
    %dma_start3A_1162 = arith.constant 120 : i32
    %dma_start3A_1163 = arith.constant 0 : i32
    %dma_start3A_1164 = arith.constant 0 : i32
    %dma_start3A_1165 = arith.constant 0 : i32
    %dma_start3A_1166 = arith.constant 0 : i32
    %dma_start3A_1167 = tpu.memref_slice %arg11[%dma_start3A_1163, %dma_start3A_1165, %dma_start3A_1166] : memref<6x40x128xf32, #tpu.memory_space<vmem>> -> memref<1x40x128xf32, #tpu.memory_space<vmem>>
    %dma_start3A_1168 = tpu.memref_squeeze %dma_start3A_1167 : memref<1x40x128xf32, #tpu.memory_space<vmem>> -> memref<40x128xf32, #tpu.memory_space<vmem>>
    %dma_start3A_1169 = arith.constant 0 : i32
    %dma_start3A_1170 = tpu.memref_slice %arg9[%dma_start3A_1162, %dma_start3A_1169] : memref<125x40xi32, #tpu.memory_space<vmem>> -> memref<1x40xi32, #tpu.memory_space<vmem>>
    %dma_start3A_1171 = tpu.memref_squeeze %dma_start3A_1170 : memref<1x40xi32, #tpu.memory_space<vmem>> -> memref<40xi32, #tpu.memory_space<vmem>>
    %dma_start3A_1172 = arith.constant 0 : i32
    %dma_start3A_1173 = arith.constant 0 : i32
    %dma_start3A_1174 = tpu.memref_slice %arg2[%dma_start3A_1172, %dma_start3A_1173] : memref<10000x128xf32, #tpu.memory_space<hbm>> -> memref<10000x128xf32, #tpu.memory_space<hbm>>
    %dma_start3A_1175 = tpu.memref_slice %arg15[%dma_start3A_1164] : memref<6x!tpu.dma_semaphore, #tpu.memory_space<semaphore_mem>> -> memref<1x!tpu.dma_semaphore, #tpu.memory_space<semaphore_mem>>
    %dma_start3A_1176 = tpu.memref_squeeze %dma_start3A_1175 : memref<1x!tpu.dma_semaphore, #tpu.memory_space<semaphore_mem>> -> memref<!tpu.dma_semaphore, #tpu.memory_space<semaphore_mem>>
    tpu.enqueue_indirect_dma source(%dma_start3A_1174 : memref<10000x128xf32, #tpu.memory_space<hbm>>) target(%dma_start3A_1168 : memref<40x128xf32, #tpu.memory_space<vmem>>) offsets(%dma_start3A_1171 : memref<40xi32, #tpu.memory_space<vmem>>) semaphore(%dma_start3A_1176 : memref<!tpu.dma_semaphore, #tpu.memory_space<semaphore_mem>>)
    %dma_wait3A_1177 = arith.constant 116 : i32
    %dma_wait3A_1178 = arith.constant 2 : i32
    %dma_wait3A_1179 = arith.constant 2 : i32
    %dma_wait3A_1180 = arith.constant 0 : i32
    %dma_wait3A_1181 = arith.constant 0 : i32
    %dma_wait3A_1182 = tpu.memref_slice %arg11[%dma_wait3A_1178, %dma_wait3A_1180, %dma_wait3A_1181] : memref<6x40x128xf32, #tpu.memory_space<vmem>> -> memref<1x40x128xf32, #tpu.memory_space<vmem>>
    %dma_wait3A_1183 = tpu.memref_squeeze %dma_wait3A_1182 : memref<1x40x128xf32, #tpu.memory_space<vmem>> -> memref<40x128xf32, #tpu.memory_space<vmem>>
    %dma_wait3A_1184 = arith.constant 0 : i32
    %dma_wait3A_1185 = tpu.memref_slice %arg9[%dma_wait3A_1177, %dma_wait3A_1184] : memref<125x40xi32, #tpu.memory_space<vmem>> -> memref<1x40xi32, #tpu.memory_space<vmem>>
    %dma_wait3A_1186 = tpu.memref_squeeze %dma_wait3A_1185 : memref<1x40xi32, #tpu.memory_space<vmem>> -> memref<40xi32, #tpu.memory_space<vmem>>
    %dma_wait3A_1187 = arith.constant 0 : i32
    %dma_wait3A_1188 = arith.constant 0 : i32
    %dma_wait3A_1189 = tpu.memref_slice %arg2[%dma_wait3A_1187, %dma_wait3A_1188] : memref<10000x128xf32, #tpu.memory_space<hbm>> -> memref<10000x128xf32, #tpu.memory_space<hbm>>
    %dma_wait3A_1190 = tpu.memref_slice %arg15[%dma_wait3A_1179] : memref<6x!tpu.dma_semaphore, #tpu.memory_space<semaphore_mem>> -> memref<1x!tpu.dma_semaphore, #tpu.memory_space<semaphore_mem>>
    %dma_wait3A_1191 = tpu.memref_squeeze %dma_wait3A_1190 : memref<1x!tpu.dma_semaphore, #tpu.memory_space<semaphore_mem>> -> memref<!tpu.dma_semaphore, #tpu.memory_space<semaphore_mem>>
    tpu.wait_indirect_dma semaphore(%dma_wait3A_1191 : memref<!tpu.dma_semaphore, #tpu.memory_space<semaphore_mem>>) src(%dma_wait3A_1189 : memref<10000x128xf32, #tpu.memory_space<hbm>>) dst(%dma_wait3A_1183 : memref<40x128xf32, #tpu.memory_space<vmem>>)
    %dma_start3A_1192 = arith.constant 2 : i32
    %dma_start3A_1193 = arith.constant 116 : i32
    %dma_start3A_1194 = arith.constant 2 : i32
    %dma_start3A_1195 = arith.constant 0 : i32
    %dma_start3A_1196 = arith.constant 0 : i32
    %dma_start3A_1197 = tpu.memref_slice %arg11[%dma_start3A_1192, %dma_start3A_1195, %dma_start3A_1196] : memref<6x40x128xf32, #tpu.memory_space<vmem>> -> memref<1x40x128xf32, #tpu.memory_space<vmem>>
    %dma_start3A_1198 = tpu.memref_squeeze %dma_start3A_1197 : memref<1x40x128xf32, #tpu.memory_space<vmem>> -> memref<40x128xf32, #tpu.memory_space<vmem>>
    %dma_start3A_1199 = arith.constant 0 : i32
    %dma_start3A_1200 = tpu.memref_slice %arg10[%dma_start3A_1193, %dma_start3A_1199] : memref<125x40xi32, #tpu.memory_space<vmem>> -> memref<1x40xi32, #tpu.memory_space<vmem>>
    %dma_start3A_1201 = tpu.memref_squeeze %dma_start3A_1200 : memref<1x40xi32, #tpu.memory_space<vmem>> -> memref<40xi32, #tpu.memory_space<vmem>>
    %dma_start3A_1202 = arith.constant 0 : i32
    %dma_start3A_1203 = arith.constant 0 : i32
    %dma_start3A_1204 = tpu.memref_slice %arg13[%dma_start3A_1202, %dma_start3A_1203] : memref<10240x128xf32, #tpu.memory_space<vmem_shared>> -> memref<10240x128xf32, #tpu.memory_space<vmem_shared>>
    %dma_start3A_1205 = tpu.memref_slice %arg16[%dma_start3A_1194] : memref<6x!tpu.dma_semaphore, #tpu.memory_space<semaphore_mem>> -> memref<1x!tpu.dma_semaphore, #tpu.memory_space<semaphore_mem>>
    %dma_start3A_1206 = tpu.memref_squeeze %dma_start3A_1205 : memref<1x!tpu.dma_semaphore, #tpu.memory_space<semaphore_mem>> -> memref<!tpu.dma_semaphore, #tpu.memory_space<semaphore_mem>>
    tpu.enqueue_indirect_dma source(%dma_start3A_1198 : memref<40x128xf32, #tpu.memory_space<vmem>>) target(%dma_start3A_1204 : memref<10240x128xf32, #tpu.memory_space<vmem_shared>>) offsets(%dma_start3A_1201 : memref<40xi32, #tpu.memory_space<vmem>>) semaphore(%dma_start3A_1206 : memref<!tpu.dma_semaphore, #tpu.memory_space<semaphore_mem>>) {add = true}
    %dma_start3A_1207 = arith.constant 116 : i32
    %dma_start3A_1208 = arith.constant 2 : i32
    %dma_start3A_1209 = arith.constant 0 : i32
    %dma_start3A_1210 = tpu.memref_slice %arg10[%dma_start3A_1207, %dma_start3A_1209] : memref<125x40xi32, #tpu.memory_space<vmem>> -> memref<1x40xi32, #tpu.memory_space<vmem>>
    %dma_start3A_1211 = tpu.memref_squeeze %dma_start3A_1210 : memref<1x40xi32, #tpu.memory_space<vmem>> -> memref<40xi32, #tpu.memory_space<vmem>>
    %dma_start3A_1212 = arith.constant 0 : i32
    %dma_start3A_1213 = arith.constant 0 : i32
    %dma_start3A_1214 = tpu.memref_slice %arg14[%dma_start3A_1212, %dma_start3A_1213] : memref<10240x8xf32, #tpu.memory_space<vmem_shared>> -> memref<10240x8xf32, #tpu.memory_space<vmem_shared>>
    %dma_start3A_1215 = tpu.memref_slice %arg17[%dma_start3A_1208] : memref<6x!tpu.dma_semaphore, #tpu.memory_space<semaphore_mem>> -> memref<1x!tpu.dma_semaphore, #tpu.memory_space<semaphore_mem>>
    %dma_start3A_1216 = tpu.memref_squeeze %dma_start3A_1215 : memref<1x!tpu.dma_semaphore, #tpu.memory_space<semaphore_mem>> -> memref<!tpu.dma_semaphore, #tpu.memory_space<semaphore_mem>>
    tpu.enqueue_indirect_dma source(%arg12 : memref<40x8xf32, #tpu.memory_space<vmem>>) target(%dma_start3A_1214 : memref<10240x8xf32, #tpu.memory_space<vmem_shared>>) offsets(%dma_start3A_1211 : memref<40xi32, #tpu.memory_space<vmem>>) semaphore(%dma_start3A_1216 : memref<!tpu.dma_semaphore, #tpu.memory_space<semaphore_mem>>) {add = true}
    %dma_wait3A_1217 = arith.constant 1 : i32
    %dma_wait3A_1218 = arith.constant 115 : i32
    %dma_wait3A_1219 = arith.constant 1 : i32
    %dma_wait3A_1220 = arith.constant 0 : i32
    %dma_wait3A_1221 = arith.constant 0 : i32
    %dma_wait3A_1222 = tpu.memref_slice %arg11[%dma_wait3A_1217, %dma_wait3A_1220, %dma_wait3A_1221] : memref<6x40x128xf32, #tpu.memory_space<vmem>> -> memref<1x40x128xf32, #tpu.memory_space<vmem>>
    %dma_wait3A_1223 = tpu.memref_squeeze %dma_wait3A_1222 : memref<1x40x128xf32, #tpu.memory_space<vmem>> -> memref<40x128xf32, #tpu.memory_space<vmem>>
    %dma_wait3A_1224 = arith.constant 0 : i32
    %dma_wait3A_1225 = tpu.memref_slice %arg10[%dma_wait3A_1218, %dma_wait3A_1224] : memref<125x40xi32, #tpu.memory_space<vmem>> -> memref<1x40xi32, #tpu.memory_space<vmem>>
    %dma_wait3A_1226 = tpu.memref_squeeze %dma_wait3A_1225 : memref<1x40xi32, #tpu.memory_space<vmem>> -> memref<40xi32, #tpu.memory_space<vmem>>
    %dma_wait3A_1227 = arith.constant 0 : i32
    %dma_wait3A_1228 = arith.constant 0 : i32
    %dma_wait3A_1229 = tpu.memref_slice %arg13[%dma_wait3A_1227, %dma_wait3A_1228] : memref<10240x128xf32, #tpu.memory_space<vmem_shared>> -> memref<10240x128xf32, #tpu.memory_space<vmem_shared>>
    %dma_wait3A_1230 = tpu.memref_slice %arg16[%dma_wait3A_1219] : memref<6x!tpu.dma_semaphore, #tpu.memory_space<semaphore_mem>> -> memref<1x!tpu.dma_semaphore, #tpu.memory_space<semaphore_mem>>
    %dma_wait3A_1231 = tpu.memref_squeeze %dma_wait3A_1230 : memref<1x!tpu.dma_semaphore, #tpu.memory_space<semaphore_mem>> -> memref<!tpu.dma_semaphore, #tpu.memory_space<semaphore_mem>>
    tpu.wait_indirect_dma semaphore(%dma_wait3A_1231 : memref<!tpu.dma_semaphore, #tpu.memory_space<semaphore_mem>>) src(%dma_wait3A_1223 : memref<40x128xf32, #tpu.memory_space<vmem>>) dst(%dma_wait3A_1229 : memref<10240x128xf32, #tpu.memory_space<vmem_shared>>)
    %dma_wait3A_1232 = arith.constant 115 : i32
    %dma_wait3A_1233 = arith.constant 1 : i32
    %dma_wait3A_1234 = arith.constant 0 : i32
    %dma_wait3A_1235 = tpu.memref_slice %arg10[%dma_wait3A_1232, %dma_wait3A_1234] : memref<125x40xi32, #tpu.memory_space<vmem>> -> memref<1x40xi32, #tpu.memory_space<vmem>>
    %dma_wait3A_1236 = tpu.memref_squeeze %dma_wait3A_1235 : memref<1x40xi32, #tpu.memory_space<vmem>> -> memref<40xi32, #tpu.memory_space<vmem>>
    %dma_wait3A_1237 = arith.constant 0 : i32
    %dma_wait3A_1238 = arith.constant 0 : i32
    %dma_wait3A_1239 = tpu.memref_slice %arg14[%dma_wait3A_1237, %dma_wait3A_1238] : memref<10240x8xf32, #tpu.memory_space<vmem_shared>> -> memref<10240x8xf32, #tpu.memory_space<vmem_shared>>
    %dma_wait3A_1240 = tpu.memref_slice %arg17[%dma_wait3A_1233] : memref<6x!tpu.dma_semaphore, #tpu.memory_space<semaphore_mem>> -> memref<1x!tpu.dma_semaphore, #tpu.memory_space<semaphore_mem>>
    %dma_wait3A_1241 = tpu.memref_squeeze %dma_wait3A_1240 : memref<1x!tpu.dma_semaphore, #tpu.memory_space<semaphore_mem>> -> memref<!tpu.dma_semaphore, #tpu.memory_space<semaphore_mem>>
    tpu.wait_indirect_dma semaphore(%dma_wait3A_1241 : memref<!tpu.dma_semaphore, #tpu.memory_space<semaphore_mem>>) src(%arg12 : memref<40x8xf32, #tpu.memory_space<vmem>>) dst(%dma_wait3A_1239 : memref<10240x8xf32, #tpu.memory_space<vmem_shared>>)
    %dma_start3A_1242 = arith.constant 121 : i32
    %dma_start3A_1243 = arith.constant 1 : i32
    %dma_start3A_1244 = arith.constant 1 : i32
    %dma_start3A_1245 = arith.constant 0 : i32
    %dma_start3A_1246 = arith.constant 0 : i32
    %dma_start3A_1247 = tpu.memref_slice %arg11[%dma_start3A_1243, %dma_start3A_1245, %dma_start3A_1246] : memref<6x40x128xf32, #tpu.memory_space<vmem>> -> memref<1x40x128xf32, #tpu.memory_space<vmem>>
    %dma_start3A_1248 = tpu.memref_squeeze %dma_start3A_1247 : memref<1x40x128xf32, #tpu.memory_space<vmem>> -> memref<40x128xf32, #tpu.memory_space<vmem>>
    %dma_start3A_1249 = arith.constant 0 : i32
    %dma_start3A_1250 = tpu.memref_slice %arg9[%dma_start3A_1242, %dma_start3A_1249] : memref<125x40xi32, #tpu.memory_space<vmem>> -> memref<1x40xi32, #tpu.memory_space<vmem>>
    %dma_start3A_1251 = tpu.memref_squeeze %dma_start3A_1250 : memref<1x40xi32, #tpu.memory_space<vmem>> -> memref<40xi32, #tpu.memory_space<vmem>>
    %dma_start3A_1252 = arith.constant 0 : i32
    %dma_start3A_1253 = arith.constant 0 : i32
    %dma_start3A_1254 = tpu.memref_slice %arg2[%dma_start3A_1252, %dma_start3A_1253] : memref<10000x128xf32, #tpu.memory_space<hbm>> -> memref<10000x128xf32, #tpu.memory_space<hbm>>
    %dma_start3A_1255 = tpu.memref_slice %arg15[%dma_start3A_1244] : memref<6x!tpu.dma_semaphore, #tpu.memory_space<semaphore_mem>> -> memref<1x!tpu.dma_semaphore, #tpu.memory_space<semaphore_mem>>
    %dma_start3A_1256 = tpu.memref_squeeze %dma_start3A_1255 : memref<1x!tpu.dma_semaphore, #tpu.memory_space<semaphore_mem>> -> memref<!tpu.dma_semaphore, #tpu.memory_space<semaphore_mem>>
    tpu.enqueue_indirect_dma source(%dma_start3A_1254 : memref<10000x128xf32, #tpu.memory_space<hbm>>) target(%dma_start3A_1248 : memref<40x128xf32, #tpu.memory_space<vmem>>) offsets(%dma_start3A_1251 : memref<40xi32, #tpu.memory_space<vmem>>) semaphore(%dma_start3A_1256 : memref<!tpu.dma_semaphore, #tpu.memory_space<semaphore_mem>>)
    %dma_wait3A_1257 = arith.constant 117 : i32
    %dma_wait3A_1258 = arith.constant 3 : i32
    %dma_wait3A_1259 = arith.constant 3 : i32
    %dma_wait3A_1260 = arith.constant 0 : i32
    %dma_wait3A_1261 = arith.constant 0 : i32
    %dma_wait3A_1262 = tpu.memref_slice %arg11[%dma_wait3A_1258, %dma_wait3A_1260, %dma_wait3A_1261] : memref<6x40x128xf32, #tpu.memory_space<vmem>> -> memref<1x40x128xf32, #tpu.memory_space<vmem>>
    %dma_wait3A_1263 = tpu.memref_squeeze %dma_wait3A_1262 : memref<1x40x128xf32, #tpu.memory_space<vmem>> -> memref<40x128xf32, #tpu.memory_space<vmem>>
    %dma_wait3A_1264 = arith.constant 0 : i32
    %dma_wait3A_1265 = tpu.memref_slice %arg9[%dma_wait3A_1257, %dma_wait3A_1264] : memref<125x40xi32, #tpu.memory_space<vmem>> -> memref<1x40xi32, #tpu.memory_space<vmem>>
    %dma_wait3A_1266 = tpu.memref_squeeze %dma_wait3A_1265 : memref<1x40xi32, #tpu.memory_space<vmem>> -> memref<40xi32, #tpu.memory_space<vmem>>
    %dma_wait3A_1267 = arith.constant 0 : i32
    %dma_wait3A_1268 = arith.constant 0 : i32
    %dma_wait3A_1269 = tpu.memref_slice %arg2[%dma_wait3A_1267, %dma_wait3A_1268] : memref<10000x128xf32, #tpu.memory_space<hbm>> -> memref<10000x128xf32, #tpu.memory_space<hbm>>
    %dma_wait3A_1270 = tpu.memref_slice %arg15[%dma_wait3A_1259] : memref<6x!tpu.dma_semaphore, #tpu.memory_space<semaphore_mem>> -> memref<1x!tpu.dma_semaphore, #tpu.memory_space<semaphore_mem>>
    %dma_wait3A_1271 = tpu.memref_squeeze %dma_wait3A_1270 : memref<1x!tpu.dma_semaphore, #tpu.memory_space<semaphore_mem>> -> memref<!tpu.dma_semaphore, #tpu.memory_space<semaphore_mem>>
    tpu.wait_indirect_dma semaphore(%dma_wait3A_1271 : memref<!tpu.dma_semaphore, #tpu.memory_space<semaphore_mem>>) src(%dma_wait3A_1269 : memref<10000x128xf32, #tpu.memory_space<hbm>>) dst(%dma_wait3A_1263 : memref<40x128xf32, #tpu.memory_space<vmem>>)
    %dma_start3A_1272 = arith.constant 3 : i32
    %dma_start3A_1273 = arith.constant 117 : i32
    %dma_start3A_1274 = arith.constant 3 : i32
    %dma_start3A_1275 = arith.constant 0 : i32
    %dma_start3A_1276 = arith.constant 0 : i32
    %dma_start3A_1277 = tpu.memref_slice %arg11[%dma_start3A_1272, %dma_start3A_1275, %dma_start3A_1276] : memref<6x40x128xf32, #tpu.memory_space<vmem>> -> memref<1x40x128xf32, #tpu.memory_space<vmem>>
    %dma_start3A_1278 = tpu.memref_squeeze %dma_start3A_1277 : memref<1x40x128xf32, #tpu.memory_space<vmem>> -> memref<40x128xf32, #tpu.memory_space<vmem>>
    %dma_start3A_1279 = arith.constant 0 : i32
    %dma_start3A_1280 = tpu.memref_slice %arg10[%dma_start3A_1273, %dma_start3A_1279] : memref<125x40xi32, #tpu.memory_space<vmem>> -> memref<1x40xi32, #tpu.memory_space<vmem>>
    %dma_start3A_1281 = tpu.memref_squeeze %dma_start3A_1280 : memref<1x40xi32, #tpu.memory_space<vmem>> -> memref<40xi32, #tpu.memory_space<vmem>>
    %dma_start3A_1282 = arith.constant 0 : i32
    %dma_start3A_1283 = arith.constant 0 : i32
    %dma_start3A_1284 = tpu.memref_slice %arg13[%dma_start3A_1282, %dma_start3A_1283] : memref<10240x128xf32, #tpu.memory_space<vmem_shared>> -> memref<10240x128xf32, #tpu.memory_space<vmem_shared>>
    %dma_start3A_1285 = tpu.memref_slice %arg16[%dma_start3A_1274] : memref<6x!tpu.dma_semaphore, #tpu.memory_space<semaphore_mem>> -> memref<1x!tpu.dma_semaphore, #tpu.memory_space<semaphore_mem>>
    %dma_start3A_1286 = tpu.memref_squeeze %dma_start3A_1285 : memref<1x!tpu.dma_semaphore, #tpu.memory_space<semaphore_mem>> -> memref<!tpu.dma_semaphore, #tpu.memory_space<semaphore_mem>>
    tpu.enqueue_indirect_dma source(%dma_start3A_1278 : memref<40x128xf32, #tpu.memory_space<vmem>>) target(%dma_start3A_1284 : memref<10240x128xf32, #tpu.memory_space<vmem_shared>>) offsets(%dma_start3A_1281 : memref<40xi32, #tpu.memory_space<vmem>>) semaphore(%dma_start3A_1286 : memref<!tpu.dma_semaphore, #tpu.memory_space<semaphore_mem>>) {add = true}
    %dma_start3A_1287 = arith.constant 117 : i32
    %dma_start3A_1288 = arith.constant 3 : i32
    %dma_start3A_1289 = arith.constant 0 : i32
    %dma_start3A_1290 = tpu.memref_slice %arg10[%dma_start3A_1287, %dma_start3A_1289] : memref<125x40xi32, #tpu.memory_space<vmem>> -> memref<1x40xi32, #tpu.memory_space<vmem>>
    %dma_start3A_1291 = tpu.memref_squeeze %dma_start3A_1290 : memref<1x40xi32, #tpu.memory_space<vmem>> -> memref<40xi32, #tpu.memory_space<vmem>>
    %dma_start3A_1292 = arith.constant 0 : i32
    %dma_start3A_1293 = arith.constant 0 : i32
    %dma_start3A_1294 = tpu.memref_slice %arg14[%dma_start3A_1292, %dma_start3A_1293] : memref<10240x8xf32, #tpu.memory_space<vmem_shared>> -> memref<10240x8xf32, #tpu.memory_space<vmem_shared>>
    %dma_start3A_1295 = tpu.memref_slice %arg17[%dma_start3A_1288] : memref<6x!tpu.dma_semaphore, #tpu.memory_space<semaphore_mem>> -> memref<1x!tpu.dma_semaphore, #tpu.memory_space<semaphore_mem>>
    %dma_start3A_1296 = tpu.memref_squeeze %dma_start3A_1295 : memref<1x!tpu.dma_semaphore, #tpu.memory_space<semaphore_mem>> -> memref<!tpu.dma_semaphore, #tpu.memory_space<semaphore_mem>>
    tpu.enqueue_indirect_dma source(%arg12 : memref<40x8xf32, #tpu.memory_space<vmem>>) target(%dma_start3A_1294 : memref<10240x8xf32, #tpu.memory_space<vmem_shared>>) offsets(%dma_start3A_1291 : memref<40xi32, #tpu.memory_space<vmem>>) semaphore(%dma_start3A_1296 : memref<!tpu.dma_semaphore, #tpu.memory_space<semaphore_mem>>) {add = true}
    %dma_wait3A_1297 = arith.constant 2 : i32
    %dma_wait3A_1298 = arith.constant 116 : i32
    %dma_wait3A_1299 = arith.constant 2 : i32
    %dma_wait3A_1300 = arith.constant 0 : i32
    %dma_wait3A_1301 = arith.constant 0 : i32
    %dma_wait3A_1302 = tpu.memref_slice %arg11[%dma_wait3A_1297, %dma_wait3A_1300, %dma_wait3A_1301] : memref<6x40x128xf32, #tpu.memory_space<vmem>> -> memref<1x40x128xf32, #tpu.memory_space<vmem>>
    %dma_wait3A_1303 = tpu.memref_squeeze %dma_wait3A_1302 : memref<1x40x128xf32, #tpu.memory_space<vmem>> -> memref<40x128xf32, #tpu.memory_space<vmem>>
    %dma_wait3A_1304 = arith.constant 0 : i32
    %dma_wait3A_1305 = tpu.memref_slice %arg10[%dma_wait3A_1298, %dma_wait3A_1304] : memref<125x40xi32, #tpu.memory_space<vmem>> -> memref<1x40xi32, #tpu.memory_space<vmem>>
    %dma_wait3A_1306 = tpu.memref_squeeze %dma_wait3A_1305 : memref<1x40xi32, #tpu.memory_space<vmem>> -> memref<40xi32, #tpu.memory_space<vmem>>
    %dma_wait3A_1307 = arith.constant 0 : i32
    %dma_wait3A_1308 = arith.constant 0 : i32
    %dma_wait3A_1309 = tpu.memref_slice %arg13[%dma_wait3A_1307, %dma_wait3A_1308] : memref<10240x128xf32, #tpu.memory_space<vmem_shared>> -> memref<10240x128xf32, #tpu.memory_space<vmem_shared>>
    %dma_wait3A_1310 = tpu.memref_slice %arg16[%dma_wait3A_1299] : memref<6x!tpu.dma_semaphore, #tpu.memory_space<semaphore_mem>> -> memref<1x!tpu.dma_semaphore, #tpu.memory_space<semaphore_mem>>
    %dma_wait3A_1311 = tpu.memref_squeeze %dma_wait3A_1310 : memref<1x!tpu.dma_semaphore, #tpu.memory_space<semaphore_mem>> -> memref<!tpu.dma_semaphore, #tpu.memory_space<semaphore_mem>>
    tpu.wait_indirect_dma semaphore(%dma_wait3A_1311 : memref<!tpu.dma_semaphore, #tpu.memory_space<semaphore_mem>>) src(%dma_wait3A_1303 : memref<40x128xf32, #tpu.memory_space<vmem>>) dst(%dma_wait3A_1309 : memref<10240x128xf32, #tpu.memory_space<vmem_shared>>)
    %dma_wait3A_1312 = arith.constant 116 : i32
    %dma_wait3A_1313 = arith.constant 2 : i32
    %dma_wait3A_1314 = arith.constant 0 : i32
    %dma_wait3A_1315 = tpu.memref_slice %arg10[%dma_wait3A_1312, %dma_wait3A_1314] : memref<125x40xi32, #tpu.memory_space<vmem>> -> memref<1x40xi32, #tpu.memory_space<vmem>>
    %dma_wait3A_1316 = tpu.memref_squeeze %dma_wait3A_1315 : memref<1x40xi32, #tpu.memory_space<vmem>> -> memref<40xi32, #tpu.memory_space<vmem>>
    %dma_wait3A_1317 = arith.constant 0 : i32
    %dma_wait3A_1318 = arith.constant 0 : i32
    %dma_wait3A_1319 = tpu.memref_slice %arg14[%dma_wait3A_1317, %dma_wait3A_1318] : memref<10240x8xf32, #tpu.memory_space<vmem_shared>> -> memref<10240x8xf32, #tpu.memory_space<vmem_shared>>
    %dma_wait3A_1320 = tpu.memref_slice %arg17[%dma_wait3A_1313] : memref<6x!tpu.dma_semaphore, #tpu.memory_space<semaphore_mem>> -> memref<1x!tpu.dma_semaphore, #tpu.memory_space<semaphore_mem>>
    %dma_wait3A_1321 = tpu.memref_squeeze %dma_wait3A_1320 : memref<1x!tpu.dma_semaphore, #tpu.memory_space<semaphore_mem>> -> memref<!tpu.dma_semaphore, #tpu.memory_space<semaphore_mem>>
    tpu.wait_indirect_dma semaphore(%dma_wait3A_1321 : memref<!tpu.dma_semaphore, #tpu.memory_space<semaphore_mem>>) src(%arg12 : memref<40x8xf32, #tpu.memory_space<vmem>>) dst(%dma_wait3A_1319 : memref<10240x8xf32, #tpu.memory_space<vmem_shared>>)
    %dma_start3A_1322 = arith.constant 122 : i32
    %dma_start3A_1323 = arith.constant 2 : i32
    %dma_start3A_1324 = arith.constant 2 : i32
    %dma_start3A_1325 = arith.constant 0 : i32
    %dma_start3A_1326 = arith.constant 0 : i32
    %dma_start3A_1327 = tpu.memref_slice %arg11[%dma_start3A_1323, %dma_start3A_1325, %dma_start3A_1326] : memref<6x40x128xf32, #tpu.memory_space<vmem>> -> memref<1x40x128xf32, #tpu.memory_space<vmem>>
    %dma_start3A_1328 = tpu.memref_squeeze %dma_start3A_1327 : memref<1x40x128xf32, #tpu.memory_space<vmem>> -> memref<40x128xf32, #tpu.memory_space<vmem>>
    %dma_start3A_1329 = arith.constant 0 : i32
    %dma_start3A_1330 = tpu.memref_slice %arg9[%dma_start3A_1322, %dma_start3A_1329] : memref<125x40xi32, #tpu.memory_space<vmem>> -> memref<1x40xi32, #tpu.memory_space<vmem>>
    %dma_start3A_1331 = tpu.memref_squeeze %dma_start3A_1330 : memref<1x40xi32, #tpu.memory_space<vmem>> -> memref<40xi32, #tpu.memory_space<vmem>>
    %dma_start3A_1332 = arith.constant 0 : i32
    %dma_start3A_1333 = arith.constant 0 : i32
    %dma_start3A_1334 = tpu.memref_slice %arg2[%dma_start3A_1332, %dma_start3A_1333] : memref<10000x128xf32, #tpu.memory_space<hbm>> -> memref<10000x128xf32, #tpu.memory_space<hbm>>
    %dma_start3A_1335 = tpu.memref_slice %arg15[%dma_start3A_1324] : memref<6x!tpu.dma_semaphore, #tpu.memory_space<semaphore_mem>> -> memref<1x!tpu.dma_semaphore, #tpu.memory_space<semaphore_mem>>
    %dma_start3A_1336 = tpu.memref_squeeze %dma_start3A_1335 : memref<1x!tpu.dma_semaphore, #tpu.memory_space<semaphore_mem>> -> memref<!tpu.dma_semaphore, #tpu.memory_space<semaphore_mem>>
    tpu.enqueue_indirect_dma source(%dma_start3A_1334 : memref<10000x128xf32, #tpu.memory_space<hbm>>) target(%dma_start3A_1328 : memref<40x128xf32, #tpu.memory_space<vmem>>) offsets(%dma_start3A_1331 : memref<40xi32, #tpu.memory_space<vmem>>) semaphore(%dma_start3A_1336 : memref<!tpu.dma_semaphore, #tpu.memory_space<semaphore_mem>>)
    %dma_wait3A_1337 = arith.constant 118 : i32
    %dma_wait3A_1338 = arith.constant 4 : i32
    %dma_wait3A_1339 = arith.constant 4 : i32
    %dma_wait3A_1340 = arith.constant 0 : i32
    %dma_wait3A_1341 = arith.constant 0 : i32
    %dma_wait3A_1342 = tpu.memref_slice %arg11[%dma_wait3A_1338, %dma_wait3A_1340, %dma_wait3A_1341] : memref<6x40x128xf32, #tpu.memory_space<vmem>> -> memref<1x40x128xf32, #tpu.memory_space<vmem>>
    %dma_wait3A_1343 = tpu.memref_squeeze %dma_wait3A_1342 : memref<1x40x128xf32, #tpu.memory_space<vmem>> -> memref<40x128xf32, #tpu.memory_space<vmem>>
    %dma_wait3A_1344 = arith.constant 0 : i32
    %dma_wait3A_1345 = tpu.memref_slice %arg9[%dma_wait3A_1337, %dma_wait3A_1344] : memref<125x40xi32, #tpu.memory_space<vmem>> -> memref<1x40xi32, #tpu.memory_space<vmem>>
    %dma_wait3A_1346 = tpu.memref_squeeze %dma_wait3A_1345 : memref<1x40xi32, #tpu.memory_space<vmem>> -> memref<40xi32, #tpu.memory_space<vmem>>
    %dma_wait3A_1347 = arith.constant 0 : i32
    %dma_wait3A_1348 = arith.constant 0 : i32
    %dma_wait3A_1349 = tpu.memref_slice %arg2[%dma_wait3A_1347, %dma_wait3A_1348] : memref<10000x128xf32, #tpu.memory_space<hbm>> -> memref<10000x128xf32, #tpu.memory_space<hbm>>
    %dma_wait3A_1350 = tpu.memref_slice %arg15[%dma_wait3A_1339] : memref<6x!tpu.dma_semaphore, #tpu.memory_space<semaphore_mem>> -> memref<1x!tpu.dma_semaphore, #tpu.memory_space<semaphore_mem>>
    %dma_wait3A_1351 = tpu.memref_squeeze %dma_wait3A_1350 : memref<1x!tpu.dma_semaphore, #tpu.memory_space<semaphore_mem>> -> memref<!tpu.dma_semaphore, #tpu.memory_space<semaphore_mem>>
    tpu.wait_indirect_dma semaphore(%dma_wait3A_1351 : memref<!tpu.dma_semaphore, #tpu.memory_space<semaphore_mem>>) src(%dma_wait3A_1349 : memref<10000x128xf32, #tpu.memory_space<hbm>>) dst(%dma_wait3A_1343 : memref<40x128xf32, #tpu.memory_space<vmem>>)
    %dma_start3A_1352 = arith.constant 4 : i32
    %dma_start3A_1353 = arith.constant 118 : i32
    %dma_start3A_1354 = arith.constant 4 : i32
    %dma_start3A_1355 = arith.constant 0 : i32
    %dma_start3A_1356 = arith.constant 0 : i32
    %dma_start3A_1357 = tpu.memref_slice %arg11[%dma_start3A_1352, %dma_start3A_1355, %dma_start3A_1356] : memref<6x40x128xf32, #tpu.memory_space<vmem>> -> memref<1x40x128xf32, #tpu.memory_space<vmem>>
    %dma_start3A_1358 = tpu.memref_squeeze %dma_start3A_1357 : memref<1x40x128xf32, #tpu.memory_space<vmem>> -> memref<40x128xf32, #tpu.memory_space<vmem>>
    %dma_start3A_1359 = arith.constant 0 : i32
    %dma_start3A_1360 = tpu.memref_slice %arg10[%dma_start3A_1353, %dma_start3A_1359] : memref<125x40xi32, #tpu.memory_space<vmem>> -> memref<1x40xi32, #tpu.memory_space<vmem>>
    %dma_start3A_1361 = tpu.memref_squeeze %dma_start3A_1360 : memref<1x40xi32, #tpu.memory_space<vmem>> -> memref<40xi32, #tpu.memory_space<vmem>>
    %dma_start3A_1362 = arith.constant 0 : i32
    %dma_start3A_1363 = arith.constant 0 : i32
    %dma_start3A_1364 = tpu.memref_slice %arg13[%dma_start3A_1362, %dma_start3A_1363] : memref<10240x128xf32, #tpu.memory_space<vmem_shared>> -> memref<10240x128xf32, #tpu.memory_space<vmem_shared>>
    %dma_start3A_1365 = tpu.memref_slice %arg16[%dma_start3A_1354] : memref<6x!tpu.dma_semaphore, #tpu.memory_space<semaphore_mem>> -> memref<1x!tpu.dma_semaphore, #tpu.memory_space<semaphore_mem>>
    %dma_start3A_1366 = tpu.memref_squeeze %dma_start3A_1365 : memref<1x!tpu.dma_semaphore, #tpu.memory_space<semaphore_mem>> -> memref<!tpu.dma_semaphore, #tpu.memory_space<semaphore_mem>>
    tpu.enqueue_indirect_dma source(%dma_start3A_1358 : memref<40x128xf32, #tpu.memory_space<vmem>>) target(%dma_start3A_1364 : memref<10240x128xf32, #tpu.memory_space<vmem_shared>>) offsets(%dma_start3A_1361 : memref<40xi32, #tpu.memory_space<vmem>>) semaphore(%dma_start3A_1366 : memref<!tpu.dma_semaphore, #tpu.memory_space<semaphore_mem>>) {add = true}
    %dma_start3A_1367 = arith.constant 118 : i32
    %dma_start3A_1368 = arith.constant 4 : i32
    %dma_start3A_1369 = arith.constant 0 : i32
    %dma_start3A_1370 = tpu.memref_slice %arg10[%dma_start3A_1367, %dma_start3A_1369] : memref<125x40xi32, #tpu.memory_space<vmem>> -> memref<1x40xi32, #tpu.memory_space<vmem>>
    %dma_start3A_1371 = tpu.memref_squeeze %dma_start3A_1370 : memref<1x40xi32, #tpu.memory_space<vmem>> -> memref<40xi32, #tpu.memory_space<vmem>>
    %dma_start3A_1372 = arith.constant 0 : i32
    %dma_start3A_1373 = arith.constant 0 : i32
    %dma_start3A_1374 = tpu.memref_slice %arg14[%dma_start3A_1372, %dma_start3A_1373] : memref<10240x8xf32, #tpu.memory_space<vmem_shared>> -> memref<10240x8xf32, #tpu.memory_space<vmem_shared>>
    %dma_start3A_1375 = tpu.memref_slice %arg17[%dma_start3A_1368] : memref<6x!tpu.dma_semaphore, #tpu.memory_space<semaphore_mem>> -> memref<1x!tpu.dma_semaphore, #tpu.memory_space<semaphore_mem>>
    %dma_start3A_1376 = tpu.memref_squeeze %dma_start3A_1375 : memref<1x!tpu.dma_semaphore, #tpu.memory_space<semaphore_mem>> -> memref<!tpu.dma_semaphore, #tpu.memory_space<semaphore_mem>>
    tpu.enqueue_indirect_dma source(%arg12 : memref<40x8xf32, #tpu.memory_space<vmem>>) target(%dma_start3A_1374 : memref<10240x8xf32, #tpu.memory_space<vmem_shared>>) offsets(%dma_start3A_1371 : memref<40xi32, #tpu.memory_space<vmem>>) semaphore(%dma_start3A_1376 : memref<!tpu.dma_semaphore, #tpu.memory_space<semaphore_mem>>) {add = true}
    %dma_wait3A_1377 = arith.constant 3 : i32
    %dma_wait3A_1378 = arith.constant 117 : i32
    %dma_wait3A_1379 = arith.constant 3 : i32
    %dma_wait3A_1380 = arith.constant 0 : i32
    %dma_wait3A_1381 = arith.constant 0 : i32
    %dma_wait3A_1382 = tpu.memref_slice %arg11[%dma_wait3A_1377, %dma_wait3A_1380, %dma_wait3A_1381] : memref<6x40x128xf32, #tpu.memory_space<vmem>> -> memref<1x40x128xf32, #tpu.memory_space<vmem>>
    %dma_wait3A_1383 = tpu.memref_squeeze %dma_wait3A_1382 : memref<1x40x128xf32, #tpu.memory_space<vmem>> -> memref<40x128xf32, #tpu.memory_space<vmem>>
    %dma_wait3A_1384 = arith.constant 0 : i32
    %dma_wait3A_1385 = tpu.memref_slice %arg10[%dma_wait3A_1378, %dma_wait3A_1384] : memref<125x40xi32, #tpu.memory_space<vmem>> -> memref<1x40xi32, #tpu.memory_space<vmem>>
    %dma_wait3A_1386 = tpu.memref_squeeze %dma_wait3A_1385 : memref<1x40xi32, #tpu.memory_space<vmem>> -> memref<40xi32, #tpu.memory_space<vmem>>
    %dma_wait3A_1387 = arith.constant 0 : i32
    %dma_wait3A_1388 = arith.constant 0 : i32
    %dma_wait3A_1389 = tpu.memref_slice %arg13[%dma_wait3A_1387, %dma_wait3A_1388] : memref<10240x128xf32, #tpu.memory_space<vmem_shared>> -> memref<10240x128xf32, #tpu.memory_space<vmem_shared>>
    %dma_wait3A_1390 = tpu.memref_slice %arg16[%dma_wait3A_1379] : memref<6x!tpu.dma_semaphore, #tpu.memory_space<semaphore_mem>> -> memref<1x!tpu.dma_semaphore, #tpu.memory_space<semaphore_mem>>
    %dma_wait3A_1391 = tpu.memref_squeeze %dma_wait3A_1390 : memref<1x!tpu.dma_semaphore, #tpu.memory_space<semaphore_mem>> -> memref<!tpu.dma_semaphore, #tpu.memory_space<semaphore_mem>>
    tpu.wait_indirect_dma semaphore(%dma_wait3A_1391 : memref<!tpu.dma_semaphore, #tpu.memory_space<semaphore_mem>>) src(%dma_wait3A_1383 : memref<40x128xf32, #tpu.memory_space<vmem>>) dst(%dma_wait3A_1389 : memref<10240x128xf32, #tpu.memory_space<vmem_shared>>)
    %dma_wait3A_1392 = arith.constant 117 : i32
    %dma_wait3A_1393 = arith.constant 3 : i32
    %dma_wait3A_1394 = arith.constant 0 : i32
    %dma_wait3A_1395 = tpu.memref_slice %arg10[%dma_wait3A_1392, %dma_wait3A_1394] : memref<125x40xi32, #tpu.memory_space<vmem>> -> memref<1x40xi32, #tpu.memory_space<vmem>>
    %dma_wait3A_1396 = tpu.memref_squeeze %dma_wait3A_1395 : memref<1x40xi32, #tpu.memory_space<vmem>> -> memref<40xi32, #tpu.memory_space<vmem>>
    %dma_wait3A_1397 = arith.constant 0 : i32
    %dma_wait3A_1398 = arith.constant 0 : i32
    %dma_wait3A_1399 = tpu.memref_slice %arg14[%dma_wait3A_1397, %dma_wait3A_1398] : memref<10240x8xf32, #tpu.memory_space<vmem_shared>> -> memref<10240x8xf32, #tpu.memory_space<vmem_shared>>
    %dma_wait3A_1400 = tpu.memref_slice %arg17[%dma_wait3A_1393] : memref<6x!tpu.dma_semaphore, #tpu.memory_space<semaphore_mem>> -> memref<1x!tpu.dma_semaphore, #tpu.memory_space<semaphore_mem>>
    %dma_wait3A_1401 = tpu.memref_squeeze %dma_wait3A_1400 : memref<1x!tpu.dma_semaphore, #tpu.memory_space<semaphore_mem>> -> memref<!tpu.dma_semaphore, #tpu.memory_space<semaphore_mem>>
    tpu.wait_indirect_dma semaphore(%dma_wait3A_1401 : memref<!tpu.dma_semaphore, #tpu.memory_space<semaphore_mem>>) src(%arg12 : memref<40x8xf32, #tpu.memory_space<vmem>>) dst(%dma_wait3A_1399 : memref<10240x8xf32, #tpu.memory_space<vmem_shared>>)
    %dma_start3A_1402 = arith.constant 123 : i32
    %dma_start3A_1403 = arith.constant 3 : i32
    %dma_start3A_1404 = arith.constant 3 : i32
    %dma_start3A_1405 = arith.constant 0 : i32
    %dma_start3A_1406 = arith.constant 0 : i32
    %dma_start3A_1407 = tpu.memref_slice %arg11[%dma_start3A_1403, %dma_start3A_1405, %dma_start3A_1406] : memref<6x40x128xf32, #tpu.memory_space<vmem>> -> memref<1x40x128xf32, #tpu.memory_space<vmem>>
    %dma_start3A_1408 = tpu.memref_squeeze %dma_start3A_1407 : memref<1x40x128xf32, #tpu.memory_space<vmem>> -> memref<40x128xf32, #tpu.memory_space<vmem>>
    %dma_start3A_1409 = arith.constant 0 : i32
    %dma_start3A_1410 = tpu.memref_slice %arg9[%dma_start3A_1402, %dma_start3A_1409] : memref<125x40xi32, #tpu.memory_space<vmem>> -> memref<1x40xi32, #tpu.memory_space<vmem>>
    %dma_start3A_1411 = tpu.memref_squeeze %dma_start3A_1410 : memref<1x40xi32, #tpu.memory_space<vmem>> -> memref<40xi32, #tpu.memory_space<vmem>>
    %dma_start3A_1412 = arith.constant 0 : i32
    %dma_start3A_1413 = arith.constant 0 : i32
    %dma_start3A_1414 = tpu.memref_slice %arg2[%dma_start3A_1412, %dma_start3A_1413] : memref<10000x128xf32, #tpu.memory_space<hbm>> -> memref<10000x128xf32, #tpu.memory_space<hbm>>
    %dma_start3A_1415 = tpu.memref_slice %arg15[%dma_start3A_1404] : memref<6x!tpu.dma_semaphore, #tpu.memory_space<semaphore_mem>> -> memref<1x!tpu.dma_semaphore, #tpu.memory_space<semaphore_mem>>
    %dma_start3A_1416 = tpu.memref_squeeze %dma_start3A_1415 : memref<1x!tpu.dma_semaphore, #tpu.memory_space<semaphore_mem>> -> memref<!tpu.dma_semaphore, #tpu.memory_space<semaphore_mem>>
    tpu.enqueue_indirect_dma source(%dma_start3A_1414 : memref<10000x128xf32, #tpu.memory_space<hbm>>) target(%dma_start3A_1408 : memref<40x128xf32, #tpu.memory_space<vmem>>) offsets(%dma_start3A_1411 : memref<40xi32, #tpu.memory_space<vmem>>) semaphore(%dma_start3A_1416 : memref<!tpu.dma_semaphore, #tpu.memory_space<semaphore_mem>>)
    %dma_wait3A_1417 = arith.constant 119 : i32
    %dma_wait3A_1418 = arith.constant 5 : i32
    %dma_wait3A_1419 = arith.constant 5 : i32
    %dma_wait3A_1420 = arith.constant 0 : i32
    %dma_wait3A_1421 = arith.constant 0 : i32
    %dma_wait3A_1422 = tpu.memref_slice %arg11[%dma_wait3A_1418, %dma_wait3A_1420, %dma_wait3A_1421] : memref<6x40x128xf32, #tpu.memory_space<vmem>> -> memref<1x40x128xf32, #tpu.memory_space<vmem>>
    %dma_wait3A_1423 = tpu.memref_squeeze %dma_wait3A_1422 : memref<1x40x128xf32, #tpu.memory_space<vmem>> -> memref<40x128xf32, #tpu.memory_space<vmem>>
    %dma_wait3A_1424 = arith.constant 0 : i32
    %dma_wait3A_1425 = tpu.memref_slice %arg9[%dma_wait3A_1417, %dma_wait3A_1424] : memref<125x40xi32, #tpu.memory_space<vmem>> -> memref<1x40xi32, #tpu.memory_space<vmem>>
    %dma_wait3A_1426 = tpu.memref_squeeze %dma_wait3A_1425 : memref<1x40xi32, #tpu.memory_space<vmem>> -> memref<40xi32, #tpu.memory_space<vmem>>
    %dma_wait3A_1427 = arith.constant 0 : i32
    %dma_wait3A_1428 = arith.constant 0 : i32
    %dma_wait3A_1429 = tpu.memref_slice %arg2[%dma_wait3A_1427, %dma_wait3A_1428] : memref<10000x128xf32, #tpu.memory_space<hbm>> -> memref<10000x128xf32, #tpu.memory_space<hbm>>
    %dma_wait3A_1430 = tpu.memref_slice %arg15[%dma_wait3A_1419] : memref<6x!tpu.dma_semaphore, #tpu.memory_space<semaphore_mem>> -> memref<1x!tpu.dma_semaphore, #tpu.memory_space<semaphore_mem>>
    %dma_wait3A_1431 = tpu.memref_squeeze %dma_wait3A_1430 : memref<1x!tpu.dma_semaphore, #tpu.memory_space<semaphore_mem>> -> memref<!tpu.dma_semaphore, #tpu.memory_space<semaphore_mem>>
    tpu.wait_indirect_dma semaphore(%dma_wait3A_1431 : memref<!tpu.dma_semaphore, #tpu.memory_space<semaphore_mem>>) src(%dma_wait3A_1429 : memref<10000x128xf32, #tpu.memory_space<hbm>>) dst(%dma_wait3A_1423 : memref<40x128xf32, #tpu.memory_space<vmem>>)
    %dma_start3A_1432 = arith.constant 5 : i32
    %dma_start3A_1433 = arith.constant 119 : i32
    %dma_start3A_1434 = arith.constant 5 : i32
    %dma_start3A_1435 = arith.constant 0 : i32
    %dma_start3A_1436 = arith.constant 0 : i32
    %dma_start3A_1437 = tpu.memref_slice %arg11[%dma_start3A_1432, %dma_start3A_1435, %dma_start3A_1436] : memref<6x40x128xf32, #tpu.memory_space<vmem>> -> memref<1x40x128xf32, #tpu.memory_space<vmem>>
    %dma_start3A_1438 = tpu.memref_squeeze %dma_start3A_1437 : memref<1x40x128xf32, #tpu.memory_space<vmem>> -> memref<40x128xf32, #tpu.memory_space<vmem>>
    %dma_start3A_1439 = arith.constant 0 : i32
    %dma_start3A_1440 = tpu.memref_slice %arg10[%dma_start3A_1433, %dma_start3A_1439] : memref<125x40xi32, #tpu.memory_space<vmem>> -> memref<1x40xi32, #tpu.memory_space<vmem>>
    %dma_start3A_1441 = tpu.memref_squeeze %dma_start3A_1440 : memref<1x40xi32, #tpu.memory_space<vmem>> -> memref<40xi32, #tpu.memory_space<vmem>>
    %dma_start3A_1442 = arith.constant 0 : i32
    %dma_start3A_1443 = arith.constant 0 : i32
    %dma_start3A_1444 = tpu.memref_slice %arg13[%dma_start3A_1442, %dma_start3A_1443] : memref<10240x128xf32, #tpu.memory_space<vmem_shared>> -> memref<10240x128xf32, #tpu.memory_space<vmem_shared>>
    %dma_start3A_1445 = tpu.memref_slice %arg16[%dma_start3A_1434] : memref<6x!tpu.dma_semaphore, #tpu.memory_space<semaphore_mem>> -> memref<1x!tpu.dma_semaphore, #tpu.memory_space<semaphore_mem>>
    %dma_start3A_1446 = tpu.memref_squeeze %dma_start3A_1445 : memref<1x!tpu.dma_semaphore, #tpu.memory_space<semaphore_mem>> -> memref<!tpu.dma_semaphore, #tpu.memory_space<semaphore_mem>>
    tpu.enqueue_indirect_dma source(%dma_start3A_1438 : memref<40x128xf32, #tpu.memory_space<vmem>>) target(%dma_start3A_1444 : memref<10240x128xf32, #tpu.memory_space<vmem_shared>>) offsets(%dma_start3A_1441 : memref<40xi32, #tpu.memory_space<vmem>>) semaphore(%dma_start3A_1446 : memref<!tpu.dma_semaphore, #tpu.memory_space<semaphore_mem>>) {add = true}
    %dma_start3A_1447 = arith.constant 119 : i32
    %dma_start3A_1448 = arith.constant 5 : i32
    %dma_start3A_1449 = arith.constant 0 : i32
    %dma_start3A_1450 = tpu.memref_slice %arg10[%dma_start3A_1447, %dma_start3A_1449] : memref<125x40xi32, #tpu.memory_space<vmem>> -> memref<1x40xi32, #tpu.memory_space<vmem>>
    %dma_start3A_1451 = tpu.memref_squeeze %dma_start3A_1450 : memref<1x40xi32, #tpu.memory_space<vmem>> -> memref<40xi32, #tpu.memory_space<vmem>>
    %dma_start3A_1452 = arith.constant 0 : i32
    %dma_start3A_1453 = arith.constant 0 : i32
    %dma_start3A_1454 = tpu.memref_slice %arg14[%dma_start3A_1452, %dma_start3A_1453] : memref<10240x8xf32, #tpu.memory_space<vmem_shared>> -> memref<10240x8xf32, #tpu.memory_space<vmem_shared>>
    %dma_start3A_1455 = tpu.memref_slice %arg17[%dma_start3A_1448] : memref<6x!tpu.dma_semaphore, #tpu.memory_space<semaphore_mem>> -> memref<1x!tpu.dma_semaphore, #tpu.memory_space<semaphore_mem>>
    %dma_start3A_1456 = tpu.memref_squeeze %dma_start3A_1455 : memref<1x!tpu.dma_semaphore, #tpu.memory_space<semaphore_mem>> -> memref<!tpu.dma_semaphore, #tpu.memory_space<semaphore_mem>>
    tpu.enqueue_indirect_dma source(%arg12 : memref<40x8xf32, #tpu.memory_space<vmem>>) target(%dma_start3A_1454 : memref<10240x8xf32, #tpu.memory_space<vmem_shared>>) offsets(%dma_start3A_1451 : memref<40xi32, #tpu.memory_space<vmem>>) semaphore(%dma_start3A_1456 : memref<!tpu.dma_semaphore, #tpu.memory_space<semaphore_mem>>) {add = true}
    %dma_wait3A_1457 = arith.constant 4 : i32
    %dma_wait3A_1458 = arith.constant 118 : i32
    %dma_wait3A_1459 = arith.constant 4 : i32
    %dma_wait3A_1460 = arith.constant 0 : i32
    %dma_wait3A_1461 = arith.constant 0 : i32
    %dma_wait3A_1462 = tpu.memref_slice %arg11[%dma_wait3A_1457, %dma_wait3A_1460, %dma_wait3A_1461] : memref<6x40x128xf32, #tpu.memory_space<vmem>> -> memref<1x40x128xf32, #tpu.memory_space<vmem>>
    %dma_wait3A_1463 = tpu.memref_squeeze %dma_wait3A_1462 : memref<1x40x128xf32, #tpu.memory_space<vmem>> -> memref<40x128xf32, #tpu.memory_space<vmem>>
    %dma_wait3A_1464 = arith.constant 0 : i32
    %dma_wait3A_1465 = tpu.memref_slice %arg10[%dma_wait3A_1458, %dma_wait3A_1464] : memref<125x40xi32, #tpu.memory_space<vmem>> -> memref<1x40xi32, #tpu.memory_space<vmem>>
    %dma_wait3A_1466 = tpu.memref_squeeze %dma_wait3A_1465 : memref<1x40xi32, #tpu.memory_space<vmem>> -> memref<40xi32, #tpu.memory_space<vmem>>
    %dma_wait3A_1467 = arith.constant 0 : i32
    %dma_wait3A_1468 = arith.constant 0 : i32
    %dma_wait3A_1469 = tpu.memref_slice %arg13[%dma_wait3A_1467, %dma_wait3A_1468] : memref<10240x128xf32, #tpu.memory_space<vmem_shared>> -> memref<10240x128xf32, #tpu.memory_space<vmem_shared>>
    %dma_wait3A_1470 = tpu.memref_slice %arg16[%dma_wait3A_1459] : memref<6x!tpu.dma_semaphore, #tpu.memory_space<semaphore_mem>> -> memref<1x!tpu.dma_semaphore, #tpu.memory_space<semaphore_mem>>
    %dma_wait3A_1471 = tpu.memref_squeeze %dma_wait3A_1470 : memref<1x!tpu.dma_semaphore, #tpu.memory_space<semaphore_mem>> -> memref<!tpu.dma_semaphore, #tpu.memory_space<semaphore_mem>>
    tpu.wait_indirect_dma semaphore(%dma_wait3A_1471 : memref<!tpu.dma_semaphore, #tpu.memory_space<semaphore_mem>>) src(%dma_wait3A_1463 : memref<40x128xf32, #tpu.memory_space<vmem>>) dst(%dma_wait3A_1469 : memref<10240x128xf32, #tpu.memory_space<vmem_shared>>)
    %dma_wait3A_1472 = arith.constant 118 : i32
    %dma_wait3A_1473 = arith.constant 4 : i32
    %dma_wait3A_1474 = arith.constant 0 : i32
    %dma_wait3A_1475 = tpu.memref_slice %arg10[%dma_wait3A_1472, %dma_wait3A_1474] : memref<125x40xi32, #tpu.memory_space<vmem>> -> memref<1x40xi32, #tpu.memory_space<vmem>>
    %dma_wait3A_1476 = tpu.memref_squeeze %dma_wait3A_1475 : memref<1x40xi32, #tpu.memory_space<vmem>> -> memref<40xi32, #tpu.memory_space<vmem>>
    %dma_wait3A_1477 = arith.constant 0 : i32
    %dma_wait3A_1478 = arith.constant 0 : i32
    %dma_wait3A_1479 = tpu.memref_slice %arg14[%dma_wait3A_1477, %dma_wait3A_1478] : memref<10240x8xf32, #tpu.memory_space<vmem_shared>> -> memref<10240x8xf32, #tpu.memory_space<vmem_shared>>
    %dma_wait3A_1480 = tpu.memref_slice %arg17[%dma_wait3A_1473] : memref<6x!tpu.dma_semaphore, #tpu.memory_space<semaphore_mem>> -> memref<1x!tpu.dma_semaphore, #tpu.memory_space<semaphore_mem>>
    %dma_wait3A_1481 = tpu.memref_squeeze %dma_wait3A_1480 : memref<1x!tpu.dma_semaphore, #tpu.memory_space<semaphore_mem>> -> memref<!tpu.dma_semaphore, #tpu.memory_space<semaphore_mem>>
    tpu.wait_indirect_dma semaphore(%dma_wait3A_1481 : memref<!tpu.dma_semaphore, #tpu.memory_space<semaphore_mem>>) src(%arg12 : memref<40x8xf32, #tpu.memory_space<vmem>>) dst(%dma_wait3A_1479 : memref<10240x8xf32, #tpu.memory_space<vmem_shared>>)
    %dma_start3A_1482 = arith.constant 124 : i32
    %dma_start3A_1483 = arith.constant 4 : i32
    %dma_start3A_1484 = arith.constant 4 : i32
    %dma_start3A_1485 = arith.constant 0 : i32
    %dma_start3A_1486 = arith.constant 0 : i32
    %dma_start3A_1487 = tpu.memref_slice %arg11[%dma_start3A_1483, %dma_start3A_1485, %dma_start3A_1486] : memref<6x40x128xf32, #tpu.memory_space<vmem>> -> memref<1x40x128xf32, #tpu.memory_space<vmem>>
    %dma_start3A_1488 = tpu.memref_squeeze %dma_start3A_1487 : memref<1x40x128xf32, #tpu.memory_space<vmem>> -> memref<40x128xf32, #tpu.memory_space<vmem>>
    %dma_start3A_1489 = arith.constant 0 : i32
    %dma_start3A_1490 = tpu.memref_slice %arg9[%dma_start3A_1482, %dma_start3A_1489] : memref<125x40xi32, #tpu.memory_space<vmem>> -> memref<1x40xi32, #tpu.memory_space<vmem>>
    %dma_start3A_1491 = tpu.memref_squeeze %dma_start3A_1490 : memref<1x40xi32, #tpu.memory_space<vmem>> -> memref<40xi32, #tpu.memory_space<vmem>>
    %dma_start3A_1492 = arith.constant 0 : i32
    %dma_start3A_1493 = arith.constant 0 : i32
    %dma_start3A_1494 = tpu.memref_slice %arg2[%dma_start3A_1492, %dma_start3A_1493] : memref<10000x128xf32, #tpu.memory_space<hbm>> -> memref<10000x128xf32, #tpu.memory_space<hbm>>
    %dma_start3A_1495 = tpu.memref_slice %arg15[%dma_start3A_1484] : memref<6x!tpu.dma_semaphore, #tpu.memory_space<semaphore_mem>> -> memref<1x!tpu.dma_semaphore, #tpu.memory_space<semaphore_mem>>
    %dma_start3A_1496 = tpu.memref_squeeze %dma_start3A_1495 : memref<1x!tpu.dma_semaphore, #tpu.memory_space<semaphore_mem>> -> memref<!tpu.dma_semaphore, #tpu.memory_space<semaphore_mem>>
    tpu.enqueue_indirect_dma source(%dma_start3A_1494 : memref<10000x128xf32, #tpu.memory_space<hbm>>) target(%dma_start3A_1488 : memref<40x128xf32, #tpu.memory_space<vmem>>) offsets(%dma_start3A_1491 : memref<40xi32, #tpu.memory_space<vmem>>) semaphore(%dma_start3A_1496 : memref<!tpu.dma_semaphore, #tpu.memory_space<semaphore_mem>>)
    %dma_wait3A_1497 = arith.constant 120 : i32
    %dma_wait3A_1498 = arith.constant 0 : i32
    %dma_wait3A_1499 = arith.constant 0 : i32
    %dma_wait3A_1500 = arith.constant 0 : i32
    %dma_wait3A_1501 = arith.constant 0 : i32
    %dma_wait3A_1502 = tpu.memref_slice %arg11[%dma_wait3A_1498, %dma_wait3A_1500, %dma_wait3A_1501] : memref<6x40x128xf32, #tpu.memory_space<vmem>> -> memref<1x40x128xf32, #tpu.memory_space<vmem>>
    %dma_wait3A_1503 = tpu.memref_squeeze %dma_wait3A_1502 : memref<1x40x128xf32, #tpu.memory_space<vmem>> -> memref<40x128xf32, #tpu.memory_space<vmem>>
    %dma_wait3A_1504 = arith.constant 0 : i32
    %dma_wait3A_1505 = tpu.memref_slice %arg9[%dma_wait3A_1497, %dma_wait3A_1504] : memref<125x40xi32, #tpu.memory_space<vmem>> -> memref<1x40xi32, #tpu.memory_space<vmem>>
    %dma_wait3A_1506 = tpu.memref_squeeze %dma_wait3A_1505 : memref<1x40xi32, #tpu.memory_space<vmem>> -> memref<40xi32, #tpu.memory_space<vmem>>
    %dma_wait3A_1507 = arith.constant 0 : i32
    %dma_wait3A_1508 = arith.constant 0 : i32
    %dma_wait3A_1509 = tpu.memref_slice %arg2[%dma_wait3A_1507, %dma_wait3A_1508] : memref<10000x128xf32, #tpu.memory_space<hbm>> -> memref<10000x128xf32, #tpu.memory_space<hbm>>
    %dma_wait3A_1510 = tpu.memref_slice %arg15[%dma_wait3A_1499] : memref<6x!tpu.dma_semaphore, #tpu.memory_space<semaphore_mem>> -> memref<1x!tpu.dma_semaphore, #tpu.memory_space<semaphore_mem>>
    %dma_wait3A_1511 = tpu.memref_squeeze %dma_wait3A_1510 : memref<1x!tpu.dma_semaphore, #tpu.memory_space<semaphore_mem>> -> memref<!tpu.dma_semaphore, #tpu.memory_space<semaphore_mem>>
    tpu.wait_indirect_dma semaphore(%dma_wait3A_1511 : memref<!tpu.dma_semaphore, #tpu.memory_space<semaphore_mem>>) src(%dma_wait3A_1509 : memref<10000x128xf32, #tpu.memory_space<hbm>>) dst(%dma_wait3A_1503 : memref<40x128xf32, #tpu.memory_space<vmem>>)
    %dma_start3A_1512 = arith.constant 0 : i32
    %dma_start3A_1513 = arith.constant 120 : i32
    %dma_start3A_1514 = arith.constant 0 : i32
    %dma_start3A_1515 = arith.constant 0 : i32
    %dma_start3A_1516 = arith.constant 0 : i32
    %dma_start3A_1517 = tpu.memref_slice %arg11[%dma_start3A_1512, %dma_start3A_1515, %dma_start3A_1516] : memref<6x40x128xf32, #tpu.memory_space<vmem>> -> memref<1x40x128xf32, #tpu.memory_space<vmem>>
    %dma_start3A_1518 = tpu.memref_squeeze %dma_start3A_1517 : memref<1x40x128xf32, #tpu.memory_space<vmem>> -> memref<40x128xf32, #tpu.memory_space<vmem>>
    %dma_start3A_1519 = arith.constant 0 : i32
    %dma_start3A_1520 = tpu.memref_slice %arg10[%dma_start3A_1513, %dma_start3A_1519] : memref<125x40xi32, #tpu.memory_space<vmem>> -> memref<1x40xi32, #tpu.memory_space<vmem>>
    %dma_start3A_1521 = tpu.memref_squeeze %dma_start3A_1520 : memref<1x40xi32, #tpu.memory_space<vmem>> -> memref<40xi32, #tpu.memory_space<vmem>>
    %dma_start3A_1522 = arith.constant 0 : i32
    %dma_start3A_1523 = arith.constant 0 : i32
    %dma_start3A_1524 = tpu.memref_slice %arg13[%dma_start3A_1522, %dma_start3A_1523] : memref<10240x128xf32, #tpu.memory_space<vmem_shared>> -> memref<10240x128xf32, #tpu.memory_space<vmem_shared>>
    %dma_start3A_1525 = tpu.memref_slice %arg16[%dma_start3A_1514] : memref<6x!tpu.dma_semaphore, #tpu.memory_space<semaphore_mem>> -> memref<1x!tpu.dma_semaphore, #tpu.memory_space<semaphore_mem>>
    %dma_start3A_1526 = tpu.memref_squeeze %dma_start3A_1525 : memref<1x!tpu.dma_semaphore, #tpu.memory_space<semaphore_mem>> -> memref<!tpu.dma_semaphore, #tpu.memory_space<semaphore_mem>>
    tpu.enqueue_indirect_dma source(%dma_start3A_1518 : memref<40x128xf32, #tpu.memory_space<vmem>>) target(%dma_start3A_1524 : memref<10240x128xf32, #tpu.memory_space<vmem_shared>>) offsets(%dma_start3A_1521 : memref<40xi32, #tpu.memory_space<vmem>>) semaphore(%dma_start3A_1526 : memref<!tpu.dma_semaphore, #tpu.memory_space<semaphore_mem>>) {add = true}
    %dma_start3A_1527 = arith.constant 120 : i32
    %dma_start3A_1528 = arith.constant 0 : i32
    %dma_start3A_1529 = arith.constant 0 : i32
    %dma_start3A_1530 = tpu.memref_slice %arg10[%dma_start3A_1527, %dma_start3A_1529] : memref<125x40xi32, #tpu.memory_space<vmem>> -> memref<1x40xi32, #tpu.memory_space<vmem>>
    %dma_start3A_1531 = tpu.memref_squeeze %dma_start3A_1530 : memref<1x40xi32, #tpu.memory_space<vmem>> -> memref<40xi32, #tpu.memory_space<vmem>>
    %dma_start3A_1532 = arith.constant 0 : i32
    %dma_start3A_1533 = arith.constant 0 : i32
    %dma_start3A_1534 = tpu.memref_slice %arg14[%dma_start3A_1532, %dma_start3A_1533] : memref<10240x8xf32, #tpu.memory_space<vmem_shared>> -> memref<10240x8xf32, #tpu.memory_space<vmem_shared>>
    %dma_start3A_1535 = tpu.memref_slice %arg17[%dma_start3A_1528] : memref<6x!tpu.dma_semaphore, #tpu.memory_space<semaphore_mem>> -> memref<1x!tpu.dma_semaphore, #tpu.memory_space<semaphore_mem>>
    %dma_start3A_1536 = tpu.memref_squeeze %dma_start3A_1535 : memref<1x!tpu.dma_semaphore, #tpu.memory_space<semaphore_mem>> -> memref<!tpu.dma_semaphore, #tpu.memory_space<semaphore_mem>>
    tpu.enqueue_indirect_dma source(%arg12 : memref<40x8xf32, #tpu.memory_space<vmem>>) target(%dma_start3A_1534 : memref<10240x8xf32, #tpu.memory_space<vmem_shared>>) offsets(%dma_start3A_1531 : memref<40xi32, #tpu.memory_space<vmem>>) semaphore(%dma_start3A_1536 : memref<!tpu.dma_semaphore, #tpu.memory_space<semaphore_mem>>) {add = true}
    %dma_wait3A_1537 = arith.constant 121 : i32
    %dma_wait3A_1538 = arith.constant 1 : i32
    %dma_wait3A_1539 = arith.constant 1 : i32
    %dma_wait3A_1540 = arith.constant 0 : i32
    %dma_wait3A_1541 = arith.constant 0 : i32
    %dma_wait3A_1542 = tpu.memref_slice %arg11[%dma_wait3A_1538, %dma_wait3A_1540, %dma_wait3A_1541] : memref<6x40x128xf32, #tpu.memory_space<vmem>> -> memref<1x40x128xf32, #tpu.memory_space<vmem>>
    %dma_wait3A_1543 = tpu.memref_squeeze %dma_wait3A_1542 : memref<1x40x128xf32, #tpu.memory_space<vmem>> -> memref<40x128xf32, #tpu.memory_space<vmem>>
    %dma_wait3A_1544 = arith.constant 0 : i32
    %dma_wait3A_1545 = tpu.memref_slice %arg9[%dma_wait3A_1537, %dma_wait3A_1544] : memref<125x40xi32, #tpu.memory_space<vmem>> -> memref<1x40xi32, #tpu.memory_space<vmem>>
    %dma_wait3A_1546 = tpu.memref_squeeze %dma_wait3A_1545 : memref<1x40xi32, #tpu.memory_space<vmem>> -> memref<40xi32, #tpu.memory_space<vmem>>
    %dma_wait3A_1547 = arith.constant 0 : i32
    %dma_wait3A_1548 = arith.constant 0 : i32
    %dma_wait3A_1549 = tpu.memref_slice %arg2[%dma_wait3A_1547, %dma_wait3A_1548] : memref<10000x128xf32, #tpu.memory_space<hbm>> -> memref<10000x128xf32, #tpu.memory_space<hbm>>
    %dma_wait3A_1550 = tpu.memref_slice %arg15[%dma_wait3A_1539] : memref<6x!tpu.dma_semaphore, #tpu.memory_space<semaphore_mem>> -> memref<1x!tpu.dma_semaphore, #tpu.memory_space<semaphore_mem>>
    %dma_wait3A_1551 = tpu.memref_squeeze %dma_wait3A_1550 : memref<1x!tpu.dma_semaphore, #tpu.memory_space<semaphore_mem>> -> memref<!tpu.dma_semaphore, #tpu.memory_space<semaphore_mem>>
    tpu.wait_indirect_dma semaphore(%dma_wait3A_1551 : memref<!tpu.dma_semaphore, #tpu.memory_space<semaphore_mem>>) src(%dma_wait3A_1549 : memref<10000x128xf32, #tpu.memory_space<hbm>>) dst(%dma_wait3A_1543 : memref<40x128xf32, #tpu.memory_space<vmem>>)
    %dma_start3A_1552 = arith.constant 1 : i32
    %dma_start3A_1553 = arith.constant 121 : i32
    %dma_start3A_1554 = arith.constant 1 : i32
    %dma_start3A_1555 = arith.constant 0 : i32
    %dma_start3A_1556 = arith.constant 0 : i32
    %dma_start3A_1557 = tpu.memref_slice %arg11[%dma_start3A_1552, %dma_start3A_1555, %dma_start3A_1556] : memref<6x40x128xf32, #tpu.memory_space<vmem>> -> memref<1x40x128xf32, #tpu.memory_space<vmem>>
    %dma_start3A_1558 = tpu.memref_squeeze %dma_start3A_1557 : memref<1x40x128xf32, #tpu.memory_space<vmem>> -> memref<40x128xf32, #tpu.memory_space<vmem>>
    %dma_start3A_1559 = arith.constant 0 : i32
    %dma_start3A_1560 = tpu.memref_slice %arg10[%dma_start3A_1553, %dma_start3A_1559] : memref<125x40xi32, #tpu.memory_space<vmem>> -> memref<1x40xi32, #tpu.memory_space<vmem>>
    %dma_start3A_1561 = tpu.memref_squeeze %dma_start3A_1560 : memref<1x40xi32, #tpu.memory_space<vmem>> -> memref<40xi32, #tpu.memory_space<vmem>>
    %dma_start3A_1562 = arith.constant 0 : i32
    %dma_start3A_1563 = arith.constant 0 : i32
    %dma_start3A_1564 = tpu.memref_slice %arg13[%dma_start3A_1562, %dma_start3A_1563] : memref<10240x128xf32, #tpu.memory_space<vmem_shared>> -> memref<10240x128xf32, #tpu.memory_space<vmem_shared>>
    %dma_start3A_1565 = tpu.memref_slice %arg16[%dma_start3A_1554] : memref<6x!tpu.dma_semaphore, #tpu.memory_space<semaphore_mem>> -> memref<1x!tpu.dma_semaphore, #tpu.memory_space<semaphore_mem>>
    %dma_start3A_1566 = tpu.memref_squeeze %dma_start3A_1565 : memref<1x!tpu.dma_semaphore, #tpu.memory_space<semaphore_mem>> -> memref<!tpu.dma_semaphore, #tpu.memory_space<semaphore_mem>>
    tpu.enqueue_indirect_dma source(%dma_start3A_1558 : memref<40x128xf32, #tpu.memory_space<vmem>>) target(%dma_start3A_1564 : memref<10240x128xf32, #tpu.memory_space<vmem_shared>>) offsets(%dma_start3A_1561 : memref<40xi32, #tpu.memory_space<vmem>>) semaphore(%dma_start3A_1566 : memref<!tpu.dma_semaphore, #tpu.memory_space<semaphore_mem>>) {add = true}
    %dma_start3A_1567 = arith.constant 121 : i32
    %dma_start3A_1568 = arith.constant 1 : i32
    %dma_start3A_1569 = arith.constant 0 : i32
    %dma_start3A_1570 = tpu.memref_slice %arg10[%dma_start3A_1567, %dma_start3A_1569] : memref<125x40xi32, #tpu.memory_space<vmem>> -> memref<1x40xi32, #tpu.memory_space<vmem>>
    %dma_start3A_1571 = tpu.memref_squeeze %dma_start3A_1570 : memref<1x40xi32, #tpu.memory_space<vmem>> -> memref<40xi32, #tpu.memory_space<vmem>>
    %dma_start3A_1572 = arith.constant 0 : i32
    %dma_start3A_1573 = arith.constant 0 : i32
    %dma_start3A_1574 = tpu.memref_slice %arg14[%dma_start3A_1572, %dma_start3A_1573] : memref<10240x8xf32, #tpu.memory_space<vmem_shared>> -> memref<10240x8xf32, #tpu.memory_space<vmem_shared>>
    %dma_start3A_1575 = tpu.memref_slice %arg17[%dma_start3A_1568] : memref<6x!tpu.dma_semaphore, #tpu.memory_space<semaphore_mem>> -> memref<1x!tpu.dma_semaphore, #tpu.memory_space<semaphore_mem>>
    %dma_start3A_1576 = tpu.memref_squeeze %dma_start3A_1575 : memref<1x!tpu.dma_semaphore, #tpu.memory_space<semaphore_mem>> -> memref<!tpu.dma_semaphore, #tpu.memory_space<semaphore_mem>>
    tpu.enqueue_indirect_dma source(%arg12 : memref<40x8xf32, #tpu.memory_space<vmem>>) target(%dma_start3A_1574 : memref<10240x8xf32, #tpu.memory_space<vmem_shared>>) offsets(%dma_start3A_1571 : memref<40xi32, #tpu.memory_space<vmem>>) semaphore(%dma_start3A_1576 : memref<!tpu.dma_semaphore, #tpu.memory_space<semaphore_mem>>) {add = true}
    %dma_wait3A_1577 = arith.constant 122 : i32
    %dma_wait3A_1578 = arith.constant 2 : i32
    %dma_wait3A_1579 = arith.constant 2 : i32
    %dma_wait3A_1580 = arith.constant 0 : i32
    %dma_wait3A_1581 = arith.constant 0 : i32
    %dma_wait3A_1582 = tpu.memref_slice %arg11[%dma_wait3A_1578, %dma_wait3A_1580, %dma_wait3A_1581] : memref<6x40x128xf32, #tpu.memory_space<vmem>> -> memref<1x40x128xf32, #tpu.memory_space<vmem>>
    %dma_wait3A_1583 = tpu.memref_squeeze %dma_wait3A_1582 : memref<1x40x128xf32, #tpu.memory_space<vmem>> -> memref<40x128xf32, #tpu.memory_space<vmem>>
    %dma_wait3A_1584 = arith.constant 0 : i32
    %dma_wait3A_1585 = tpu.memref_slice %arg9[%dma_wait3A_1577, %dma_wait3A_1584] : memref<125x40xi32, #tpu.memory_space<vmem>> -> memref<1x40xi32, #tpu.memory_space<vmem>>
    %dma_wait3A_1586 = tpu.memref_squeeze %dma_wait3A_1585 : memref<1x40xi32, #tpu.memory_space<vmem>> -> memref<40xi32, #tpu.memory_space<vmem>>
    %dma_wait3A_1587 = arith.constant 0 : i32
    %dma_wait3A_1588 = arith.constant 0 : i32
    %dma_wait3A_1589 = tpu.memref_slice %arg2[%dma_wait3A_1587, %dma_wait3A_1588] : memref<10000x128xf32, #tpu.memory_space<hbm>> -> memref<10000x128xf32, #tpu.memory_space<hbm>>
    %dma_wait3A_1590 = tpu.memref_slice %arg15[%dma_wait3A_1579] : memref<6x!tpu.dma_semaphore, #tpu.memory_space<semaphore_mem>> -> memref<1x!tpu.dma_semaphore, #tpu.memory_space<semaphore_mem>>
    %dma_wait3A_1591 = tpu.memref_squeeze %dma_wait3A_1590 : memref<1x!tpu.dma_semaphore, #tpu.memory_space<semaphore_mem>> -> memref<!tpu.dma_semaphore, #tpu.memory_space<semaphore_mem>>
    tpu.wait_indirect_dma semaphore(%dma_wait3A_1591 : memref<!tpu.dma_semaphore, #tpu.memory_space<semaphore_mem>>) src(%dma_wait3A_1589 : memref<10000x128xf32, #tpu.memory_space<hbm>>) dst(%dma_wait3A_1583 : memref<40x128xf32, #tpu.memory_space<vmem>>)
    %dma_start3A_1592 = arith.constant 2 : i32
    %dma_start3A_1593 = arith.constant 122 : i32
    %dma_start3A_1594 = arith.constant 2 : i32
    %dma_start3A_1595 = arith.constant 0 : i32
    %dma_start3A_1596 = arith.constant 0 : i32
    %dma_start3A_1597 = tpu.memref_slice %arg11[%dma_start3A_1592, %dma_start3A_1595, %dma_start3A_1596] : memref<6x40x128xf32, #tpu.memory_space<vmem>> -> memref<1x40x128xf32, #tpu.memory_space<vmem>>
    %dma_start3A_1598 = tpu.memref_squeeze %dma_start3A_1597 : memref<1x40x128xf32, #tpu.memory_space<vmem>> -> memref<40x128xf32, #tpu.memory_space<vmem>>
    %dma_start3A_1599 = arith.constant 0 : i32
    %dma_start3A_1600 = tpu.memref_slice %arg10[%dma_start3A_1593, %dma_start3A_1599] : memref<125x40xi32, #tpu.memory_space<vmem>> -> memref<1x40xi32, #tpu.memory_space<vmem>>
    %dma_start3A_1601 = tpu.memref_squeeze %dma_start3A_1600 : memref<1x40xi32, #tpu.memory_space<vmem>> -> memref<40xi32, #tpu.memory_space<vmem>>
    %dma_start3A_1602 = arith.constant 0 : i32
    %dma_start3A_1603 = arith.constant 0 : i32
    %dma_start3A_1604 = tpu.memref_slice %arg13[%dma_start3A_1602, %dma_start3A_1603] : memref<10240x128xf32, #tpu.memory_space<vmem_shared>> -> memref<10240x128xf32, #tpu.memory_space<vmem_shared>>
    %dma_start3A_1605 = tpu.memref_slice %arg16[%dma_start3A_1594] : memref<6x!tpu.dma_semaphore, #tpu.memory_space<semaphore_mem>> -> memref<1x!tpu.dma_semaphore, #tpu.memory_space<semaphore_mem>>
    %dma_start3A_1606 = tpu.memref_squeeze %dma_start3A_1605 : memref<1x!tpu.dma_semaphore, #tpu.memory_space<semaphore_mem>> -> memref<!tpu.dma_semaphore, #tpu.memory_space<semaphore_mem>>
    tpu.enqueue_indirect_dma source(%dma_start3A_1598 : memref<40x128xf32, #tpu.memory_space<vmem>>) target(%dma_start3A_1604 : memref<10240x128xf32, #tpu.memory_space<vmem_shared>>) offsets(%dma_start3A_1601 : memref<40xi32, #tpu.memory_space<vmem>>) semaphore(%dma_start3A_1606 : memref<!tpu.dma_semaphore, #tpu.memory_space<semaphore_mem>>) {add = true}
    %dma_start3A_1607 = arith.constant 122 : i32
    %dma_start3A_1608 = arith.constant 2 : i32
    %dma_start3A_1609 = arith.constant 0 : i32
    %dma_start3A_1610 = tpu.memref_slice %arg10[%dma_start3A_1607, %dma_start3A_1609] : memref<125x40xi32, #tpu.memory_space<vmem>> -> memref<1x40xi32, #tpu.memory_space<vmem>>
    %dma_start3A_1611 = tpu.memref_squeeze %dma_start3A_1610 : memref<1x40xi32, #tpu.memory_space<vmem>> -> memref<40xi32, #tpu.memory_space<vmem>>
    %dma_start3A_1612 = arith.constant 0 : i32
    %dma_start3A_1613 = arith.constant 0 : i32
    %dma_start3A_1614 = tpu.memref_slice %arg14[%dma_start3A_1612, %dma_start3A_1613] : memref<10240x8xf32, #tpu.memory_space<vmem_shared>> -> memref<10240x8xf32, #tpu.memory_space<vmem_shared>>
    %dma_start3A_1615 = tpu.memref_slice %arg17[%dma_start3A_1608] : memref<6x!tpu.dma_semaphore, #tpu.memory_space<semaphore_mem>> -> memref<1x!tpu.dma_semaphore, #tpu.memory_space<semaphore_mem>>
    %dma_start3A_1616 = tpu.memref_squeeze %dma_start3A_1615 : memref<1x!tpu.dma_semaphore, #tpu.memory_space<semaphore_mem>> -> memref<!tpu.dma_semaphore, #tpu.memory_space<semaphore_mem>>
    tpu.enqueue_indirect_dma source(%arg12 : memref<40x8xf32, #tpu.memory_space<vmem>>) target(%dma_start3A_1614 : memref<10240x8xf32, #tpu.memory_space<vmem_shared>>) offsets(%dma_start3A_1611 : memref<40xi32, #tpu.memory_space<vmem>>) semaphore(%dma_start3A_1616 : memref<!tpu.dma_semaphore, #tpu.memory_space<semaphore_mem>>) {add = true}
    %dma_wait3A_1617 = arith.constant 123 : i32
    %dma_wait3A_1618 = arith.constant 3 : i32
    %dma_wait3A_1619 = arith.constant 3 : i32
    %dma_wait3A_1620 = arith.constant 0 : i32
    %dma_wait3A_1621 = arith.constant 0 : i32
    %dma_wait3A_1622 = tpu.memref_slice %arg11[%dma_wait3A_1618, %dma_wait3A_1620, %dma_wait3A_1621] : memref<6x40x128xf32, #tpu.memory_space<vmem>> -> memref<1x40x128xf32, #tpu.memory_space<vmem>>
    %dma_wait3A_1623 = tpu.memref_squeeze %dma_wait3A_1622 : memref<1x40x128xf32, #tpu.memory_space<vmem>> -> memref<40x128xf32, #tpu.memory_space<vmem>>
    %dma_wait3A_1624 = arith.constant 0 : i32
    %dma_wait3A_1625 = tpu.memref_slice %arg9[%dma_wait3A_1617, %dma_wait3A_1624] : memref<125x40xi32, #tpu.memory_space<vmem>> -> memref<1x40xi32, #tpu.memory_space<vmem>>
    %dma_wait3A_1626 = tpu.memref_squeeze %dma_wait3A_1625 : memref<1x40xi32, #tpu.memory_space<vmem>> -> memref<40xi32, #tpu.memory_space<vmem>>
    %dma_wait3A_1627 = arith.constant 0 : i32
    %dma_wait3A_1628 = arith.constant 0 : i32
    %dma_wait3A_1629 = tpu.memref_slice %arg2[%dma_wait3A_1627, %dma_wait3A_1628] : memref<10000x128xf32, #tpu.memory_space<hbm>> -> memref<10000x128xf32, #tpu.memory_space<hbm>>
    %dma_wait3A_1630 = tpu.memref_slice %arg15[%dma_wait3A_1619] : memref<6x!tpu.dma_semaphore, #tpu.memory_space<semaphore_mem>> -> memref<1x!tpu.dma_semaphore, #tpu.memory_space<semaphore_mem>>
    %dma_wait3A_1631 = tpu.memref_squeeze %dma_wait3A_1630 : memref<1x!tpu.dma_semaphore, #tpu.memory_space<semaphore_mem>> -> memref<!tpu.dma_semaphore, #tpu.memory_space<semaphore_mem>>
    tpu.wait_indirect_dma semaphore(%dma_wait3A_1631 : memref<!tpu.dma_semaphore, #tpu.memory_space<semaphore_mem>>) src(%dma_wait3A_1629 : memref<10000x128xf32, #tpu.memory_space<hbm>>) dst(%dma_wait3A_1623 : memref<40x128xf32, #tpu.memory_space<vmem>>)
    %dma_start3A_1632 = arith.constant 3 : i32
    %dma_start3A_1633 = arith.constant 123 : i32
    %dma_start3A_1634 = arith.constant 3 : i32
    %dma_start3A_1635 = arith.constant 0 : i32
    %dma_start3A_1636 = arith.constant 0 : i32
    %dma_start3A_1637 = tpu.memref_slice %arg11[%dma_start3A_1632, %dma_start3A_1635, %dma_start3A_1636] : memref<6x40x128xf32, #tpu.memory_space<vmem>> -> memref<1x40x128xf32, #tpu.memory_space<vmem>>
    %dma_start3A_1638 = tpu.memref_squeeze %dma_start3A_1637 : memref<1x40x128xf32, #tpu.memory_space<vmem>> -> memref<40x128xf32, #tpu.memory_space<vmem>>
    %dma_start3A_1639 = arith.constant 0 : i32
    %dma_start3A_1640 = tpu.memref_slice %arg10[%dma_start3A_1633, %dma_start3A_1639] : memref<125x40xi32, #tpu.memory_space<vmem>> -> memref<1x40xi32, #tpu.memory_space<vmem>>
    %dma_start3A_1641 = tpu.memref_squeeze %dma_start3A_1640 : memref<1x40xi32, #tpu.memory_space<vmem>> -> memref<40xi32, #tpu.memory_space<vmem>>
    %dma_start3A_1642 = arith.constant 0 : i32
    %dma_start3A_1643 = arith.constant 0 : i32
    %dma_start3A_1644 = tpu.memref_slice %arg13[%dma_start3A_1642, %dma_start3A_1643] : memref<10240x128xf32, #tpu.memory_space<vmem_shared>> -> memref<10240x128xf32, #tpu.memory_space<vmem_shared>>
    %dma_start3A_1645 = tpu.memref_slice %arg16[%dma_start3A_1634] : memref<6x!tpu.dma_semaphore, #tpu.memory_space<semaphore_mem>> -> memref<1x!tpu.dma_semaphore, #tpu.memory_space<semaphore_mem>>
    %dma_start3A_1646 = tpu.memref_squeeze %dma_start3A_1645 : memref<1x!tpu.dma_semaphore, #tpu.memory_space<semaphore_mem>> -> memref<!tpu.dma_semaphore, #tpu.memory_space<semaphore_mem>>
    tpu.enqueue_indirect_dma source(%dma_start3A_1638 : memref<40x128xf32, #tpu.memory_space<vmem>>) target(%dma_start3A_1644 : memref<10240x128xf32, #tpu.memory_space<vmem_shared>>) offsets(%dma_start3A_1641 : memref<40xi32, #tpu.memory_space<vmem>>) semaphore(%dma_start3A_1646 : memref<!tpu.dma_semaphore, #tpu.memory_space<semaphore_mem>>) {add = true}
    %dma_start3A_1647 = arith.constant 123 : i32
    %dma_start3A_1648 = arith.constant 3 : i32
    %dma_start3A_1649 = arith.constant 0 : i32
    %dma_start3A_1650 = tpu.memref_slice %arg10[%dma_start3A_1647, %dma_start3A_1649] : memref<125x40xi32, #tpu.memory_space<vmem>> -> memref<1x40xi32, #tpu.memory_space<vmem>>
    %dma_start3A_1651 = tpu.memref_squeeze %dma_start3A_1650 : memref<1x40xi32, #tpu.memory_space<vmem>> -> memref<40xi32, #tpu.memory_space<vmem>>
    %dma_start3A_1652 = arith.constant 0 : i32
    %dma_start3A_1653 = arith.constant 0 : i32
    %dma_start3A_1654 = tpu.memref_slice %arg14[%dma_start3A_1652, %dma_start3A_1653] : memref<10240x8xf32, #tpu.memory_space<vmem_shared>> -> memref<10240x8xf32, #tpu.memory_space<vmem_shared>>
    %dma_start3A_1655 = tpu.memref_slice %arg17[%dma_start3A_1648] : memref<6x!tpu.dma_semaphore, #tpu.memory_space<semaphore_mem>> -> memref<1x!tpu.dma_semaphore, #tpu.memory_space<semaphore_mem>>
    %dma_start3A_1656 = tpu.memref_squeeze %dma_start3A_1655 : memref<1x!tpu.dma_semaphore, #tpu.memory_space<semaphore_mem>> -> memref<!tpu.dma_semaphore, #tpu.memory_space<semaphore_mem>>
    tpu.enqueue_indirect_dma source(%arg12 : memref<40x8xf32, #tpu.memory_space<vmem>>) target(%dma_start3A_1654 : memref<10240x8xf32, #tpu.memory_space<vmem_shared>>) offsets(%dma_start3A_1651 : memref<40xi32, #tpu.memory_space<vmem>>) semaphore(%dma_start3A_1656 : memref<!tpu.dma_semaphore, #tpu.memory_space<semaphore_mem>>) {add = true}
    %dma_wait3A_1657 = arith.constant 124 : i32
    %dma_wait3A_1658 = arith.constant 4 : i32
    %dma_wait3A_1659 = arith.constant 4 : i32
    %dma_wait3A_1660 = arith.constant 0 : i32
    %dma_wait3A_1661 = arith.constant 0 : i32
    %dma_wait3A_1662 = tpu.memref_slice %arg11[%dma_wait3A_1658, %dma_wait3A_1660, %dma_wait3A_1661] : memref<6x40x128xf32, #tpu.memory_space<vmem>> -> memref<1x40x128xf32, #tpu.memory_space<vmem>>
    %dma_wait3A_1663 = tpu.memref_squeeze %dma_wait3A_1662 : memref<1x40x128xf32, #tpu.memory_space<vmem>> -> memref<40x128xf32, #tpu.memory_space<vmem>>
    %dma_wait3A_1664 = arith.constant 0 : i32
    %dma_wait3A_1665 = tpu.memref_slice %arg9[%dma_wait3A_1657, %dma_wait3A_1664] : memref<125x40xi32, #tpu.memory_space<vmem>> -> memref<1x40xi32, #tpu.memory_space<vmem>>
    %dma_wait3A_1666 = tpu.memref_squeeze %dma_wait3A_1665 : memref<1x40xi32, #tpu.memory_space<vmem>> -> memref<40xi32, #tpu.memory_space<vmem>>
    %dma_wait3A_1667 = arith.constant 0 : i32
    %dma_wait3A_1668 = arith.constant 0 : i32
    %dma_wait3A_1669 = tpu.memref_slice %arg2[%dma_wait3A_1667, %dma_wait3A_1668] : memref<10000x128xf32, #tpu.memory_space<hbm>> -> memref<10000x128xf32, #tpu.memory_space<hbm>>
    %dma_wait3A_1670 = tpu.memref_slice %arg15[%dma_wait3A_1659] : memref<6x!tpu.dma_semaphore, #tpu.memory_space<semaphore_mem>> -> memref<1x!tpu.dma_semaphore, #tpu.memory_space<semaphore_mem>>
    %dma_wait3A_1671 = tpu.memref_squeeze %dma_wait3A_1670 : memref<1x!tpu.dma_semaphore, #tpu.memory_space<semaphore_mem>> -> memref<!tpu.dma_semaphore, #tpu.memory_space<semaphore_mem>>
    tpu.wait_indirect_dma semaphore(%dma_wait3A_1671 : memref<!tpu.dma_semaphore, #tpu.memory_space<semaphore_mem>>) src(%dma_wait3A_1669 : memref<10000x128xf32, #tpu.memory_space<hbm>>) dst(%dma_wait3A_1663 : memref<40x128xf32, #tpu.memory_space<vmem>>)
    %dma_start3A_1672 = arith.constant 4 : i32
    %dma_start3A_1673 = arith.constant 124 : i32
    %dma_start3A_1674 = arith.constant 4 : i32
    %dma_start3A_1675 = arith.constant 0 : i32
    %dma_start3A_1676 = arith.constant 0 : i32
    %dma_start3A_1677 = tpu.memref_slice %arg11[%dma_start3A_1672, %dma_start3A_1675, %dma_start3A_1676] : memref<6x40x128xf32, #tpu.memory_space<vmem>> -> memref<1x40x128xf32, #tpu.memory_space<vmem>>
    %dma_start3A_1678 = tpu.memref_squeeze %dma_start3A_1677 : memref<1x40x128xf32, #tpu.memory_space<vmem>> -> memref<40x128xf32, #tpu.memory_space<vmem>>
    %dma_start3A_1679 = arith.constant 0 : i32
    %dma_start3A_1680 = tpu.memref_slice %arg10[%dma_start3A_1673, %dma_start3A_1679] : memref<125x40xi32, #tpu.memory_space<vmem>> -> memref<1x40xi32, #tpu.memory_space<vmem>>
    %dma_start3A_1681 = tpu.memref_squeeze %dma_start3A_1680 : memref<1x40xi32, #tpu.memory_space<vmem>> -> memref<40xi32, #tpu.memory_space<vmem>>
    %dma_start3A_1682 = arith.constant 0 : i32
    %dma_start3A_1683 = arith.constant 0 : i32
    %dma_start3A_1684 = tpu.memref_slice %arg13[%dma_start3A_1682, %dma_start3A_1683] : memref<10240x128xf32, #tpu.memory_space<vmem_shared>> -> memref<10240x128xf32, #tpu.memory_space<vmem_shared>>
    %dma_start3A_1685 = tpu.memref_slice %arg16[%dma_start3A_1674] : memref<6x!tpu.dma_semaphore, #tpu.memory_space<semaphore_mem>> -> memref<1x!tpu.dma_semaphore, #tpu.memory_space<semaphore_mem>>
    %dma_start3A_1686 = tpu.memref_squeeze %dma_start3A_1685 : memref<1x!tpu.dma_semaphore, #tpu.memory_space<semaphore_mem>> -> memref<!tpu.dma_semaphore, #tpu.memory_space<semaphore_mem>>
    tpu.enqueue_indirect_dma source(%dma_start3A_1678 : memref<40x128xf32, #tpu.memory_space<vmem>>) target(%dma_start3A_1684 : memref<10240x128xf32, #tpu.memory_space<vmem_shared>>) offsets(%dma_start3A_1681 : memref<40xi32, #tpu.memory_space<vmem>>) semaphore(%dma_start3A_1686 : memref<!tpu.dma_semaphore, #tpu.memory_space<semaphore_mem>>) {add = true}
    %dma_start3A_1687 = arith.constant 124 : i32
    %dma_start3A_1688 = arith.constant 4 : i32
    %dma_start3A_1689 = arith.constant 0 : i32
    %dma_start3A_1690 = tpu.memref_slice %arg10[%dma_start3A_1687, %dma_start3A_1689] : memref<125x40xi32, #tpu.memory_space<vmem>> -> memref<1x40xi32, #tpu.memory_space<vmem>>
    %dma_start3A_1691 = tpu.memref_squeeze %dma_start3A_1690 : memref<1x40xi32, #tpu.memory_space<vmem>> -> memref<40xi32, #tpu.memory_space<vmem>>
    %dma_start3A_1692 = arith.constant 0 : i32
    %dma_start3A_1693 = arith.constant 0 : i32
    %dma_start3A_1694 = tpu.memref_slice %arg14[%dma_start3A_1692, %dma_start3A_1693] : memref<10240x8xf32, #tpu.memory_space<vmem_shared>> -> memref<10240x8xf32, #tpu.memory_space<vmem_shared>>
    %dma_start3A_1695 = tpu.memref_slice %arg17[%dma_start3A_1688] : memref<6x!tpu.dma_semaphore, #tpu.memory_space<semaphore_mem>> -> memref<1x!tpu.dma_semaphore, #tpu.memory_space<semaphore_mem>>
    %dma_start3A_1696 = tpu.memref_squeeze %dma_start3A_1695 : memref<1x!tpu.dma_semaphore, #tpu.memory_space<semaphore_mem>> -> memref<!tpu.dma_semaphore, #tpu.memory_space<semaphore_mem>>
    tpu.enqueue_indirect_dma source(%arg12 : memref<40x8xf32, #tpu.memory_space<vmem>>) target(%dma_start3A_1694 : memref<10240x8xf32, #tpu.memory_space<vmem_shared>>) offsets(%dma_start3A_1691 : memref<40xi32, #tpu.memory_space<vmem>>) semaphore(%dma_start3A_1696 : memref<!tpu.dma_semaphore, #tpu.memory_space<semaphore_mem>>) {add = true}
    %dma_wait3A_1697 = arith.constant 5 : i32
    %dma_wait3A_1698 = arith.constant 119 : i32
    %dma_wait3A_1699 = arith.constant 5 : i32
    %dma_wait3A_1700 = arith.constant 0 : i32
    %dma_wait3A_1701 = arith.constant 0 : i32
    %dma_wait3A_1702 = tpu.memref_slice %arg11[%dma_wait3A_1697, %dma_wait3A_1700, %dma_wait3A_1701] : memref<6x40x128xf32, #tpu.memory_space<vmem>> -> memref<1x40x128xf32, #tpu.memory_space<vmem>>
    %dma_wait3A_1703 = tpu.memref_squeeze %dma_wait3A_1702 : memref<1x40x128xf32, #tpu.memory_space<vmem>> -> memref<40x128xf32, #tpu.memory_space<vmem>>
    %dma_wait3A_1704 = arith.constant 0 : i32
    %dma_wait3A_1705 = tpu.memref_slice %arg10[%dma_wait3A_1698, %dma_wait3A_1704] : memref<125x40xi32, #tpu.memory_space<vmem>> -> memref<1x40xi32, #tpu.memory_space<vmem>>
    %dma_wait3A_1706 = tpu.memref_squeeze %dma_wait3A_1705 : memref<1x40xi32, #tpu.memory_space<vmem>> -> memref<40xi32, #tpu.memory_space<vmem>>
    %dma_wait3A_1707 = arith.constant 0 : i32
    %dma_wait3A_1708 = arith.constant 0 : i32
    %dma_wait3A_1709 = tpu.memref_slice %arg13[%dma_wait3A_1707, %dma_wait3A_1708] : memref<10240x128xf32, #tpu.memory_space<vmem_shared>> -> memref<10240x128xf32, #tpu.memory_space<vmem_shared>>
    %dma_wait3A_1710 = tpu.memref_slice %arg16[%dma_wait3A_1699] : memref<6x!tpu.dma_semaphore, #tpu.memory_space<semaphore_mem>> -> memref<1x!tpu.dma_semaphore, #tpu.memory_space<semaphore_mem>>
    %dma_wait3A_1711 = tpu.memref_squeeze %dma_wait3A_1710 : memref<1x!tpu.dma_semaphore, #tpu.memory_space<semaphore_mem>> -> memref<!tpu.dma_semaphore, #tpu.memory_space<semaphore_mem>>
    tpu.wait_indirect_dma semaphore(%dma_wait3A_1711 : memref<!tpu.dma_semaphore, #tpu.memory_space<semaphore_mem>>) src(%dma_wait3A_1703 : memref<40x128xf32, #tpu.memory_space<vmem>>) dst(%dma_wait3A_1709 : memref<10240x128xf32, #tpu.memory_space<vmem_shared>>)
    %dma_wait3A_1712 = arith.constant 119 : i32
    %dma_wait3A_1713 = arith.constant 5 : i32
    %dma_wait3A_1714 = arith.constant 0 : i32
    %dma_wait3A_1715 = tpu.memref_slice %arg10[%dma_wait3A_1712, %dma_wait3A_1714] : memref<125x40xi32, #tpu.memory_space<vmem>> -> memref<1x40xi32, #tpu.memory_space<vmem>>
    %dma_wait3A_1716 = tpu.memref_squeeze %dma_wait3A_1715 : memref<1x40xi32, #tpu.memory_space<vmem>> -> memref<40xi32, #tpu.memory_space<vmem>>
    %dma_wait3A_1717 = arith.constant 0 : i32
    %dma_wait3A_1718 = arith.constant 0 : i32
    %dma_wait3A_1719 = tpu.memref_slice %arg14[%dma_wait3A_1717, %dma_wait3A_1718] : memref<10240x8xf32, #tpu.memory_space<vmem_shared>> -> memref<10240x8xf32, #tpu.memory_space<vmem_shared>>
    %dma_wait3A_1720 = tpu.memref_slice %arg17[%dma_wait3A_1713] : memref<6x!tpu.dma_semaphore, #tpu.memory_space<semaphore_mem>> -> memref<1x!tpu.dma_semaphore, #tpu.memory_space<semaphore_mem>>
    %dma_wait3A_1721 = tpu.memref_squeeze %dma_wait3A_1720 : memref<1x!tpu.dma_semaphore, #tpu.memory_space<semaphore_mem>> -> memref<!tpu.dma_semaphore, #tpu.memory_space<semaphore_mem>>
    tpu.wait_indirect_dma semaphore(%dma_wait3A_1721 : memref<!tpu.dma_semaphore, #tpu.memory_space<semaphore_mem>>) src(%arg12 : memref<40x8xf32, #tpu.memory_space<vmem>>) dst(%dma_wait3A_1719 : memref<10240x8xf32, #tpu.memory_space<vmem_shared>>)
    %dma_wait3A_1722 = arith.constant 0 : i32
    %dma_wait3A_1723 = arith.constant 120 : i32
    %dma_wait3A_1724 = arith.constant 0 : i32
    %dma_wait3A_1725 = arith.constant 0 : i32
    %dma_wait3A_1726 = arith.constant 0 : i32
    %dma_wait3A_1727 = tpu.memref_slice %arg11[%dma_wait3A_1722, %dma_wait3A_1725, %dma_wait3A_1726] : memref<6x40x128xf32, #tpu.memory_space<vmem>> -> memref<1x40x128xf32, #tpu.memory_space<vmem>>
    %dma_wait3A_1728 = tpu.memref_squeeze %dma_wait3A_1727 : memref<1x40x128xf32, #tpu.memory_space<vmem>> -> memref<40x128xf32, #tpu.memory_space<vmem>>
    %dma_wait3A_1729 = arith.constant 0 : i32
    %dma_wait3A_1730 = tpu.memref_slice %arg10[%dma_wait3A_1723, %dma_wait3A_1729] : memref<125x40xi32, #tpu.memory_space<vmem>> -> memref<1x40xi32, #tpu.memory_space<vmem>>
    %dma_wait3A_1731 = tpu.memref_squeeze %dma_wait3A_1730 : memref<1x40xi32, #tpu.memory_space<vmem>> -> memref<40xi32, #tpu.memory_space<vmem>>
    %dma_wait3A_1732 = arith.constant 0 : i32
    %dma_wait3A_1733 = arith.constant 0 : i32
    %dma_wait3A_1734 = tpu.memref_slice %arg13[%dma_wait3A_1732, %dma_wait3A_1733] : memref<10240x128xf32, #tpu.memory_space<vmem_shared>> -> memref<10240x128xf32, #tpu.memory_space<vmem_shared>>
    %dma_wait3A_1735 = tpu.memref_slice %arg16[%dma_wait3A_1724] : memref<6x!tpu.dma_semaphore, #tpu.memory_space<semaphore_mem>> -> memref<1x!tpu.dma_semaphore, #tpu.memory_space<semaphore_mem>>
    %dma_wait3A_1736 = tpu.memref_squeeze %dma_wait3A_1735 : memref<1x!tpu.dma_semaphore, #tpu.memory_space<semaphore_mem>> -> memref<!tpu.dma_semaphore, #tpu.memory_space<semaphore_mem>>
    tpu.wait_indirect_dma semaphore(%dma_wait3A_1736 : memref<!tpu.dma_semaphore, #tpu.memory_space<semaphore_mem>>) src(%dma_wait3A_1728 : memref<40x128xf32, #tpu.memory_space<vmem>>) dst(%dma_wait3A_1734 : memref<10240x128xf32, #tpu.memory_space<vmem_shared>>)
    %dma_wait3A_1737 = arith.constant 120 : i32
    %dma_wait3A_1738 = arith.constant 0 : i32
    %dma_wait3A_1739 = arith.constant 0 : i32
    %dma_wait3A_1740 = tpu.memref_slice %arg10[%dma_wait3A_1737, %dma_wait3A_1739] : memref<125x40xi32, #tpu.memory_space<vmem>> -> memref<1x40xi32, #tpu.memory_space<vmem>>
    %dma_wait3A_1741 = tpu.memref_squeeze %dma_wait3A_1740 : memref<1x40xi32, #tpu.memory_space<vmem>> -> memref<40xi32, #tpu.memory_space<vmem>>
    %dma_wait3A_1742 = arith.constant 0 : i32
    %dma_wait3A_1743 = arith.constant 0 : i32
    %dma_wait3A_1744 = tpu.memref_slice %arg14[%dma_wait3A_1742, %dma_wait3A_1743] : memref<10240x8xf32, #tpu.memory_space<vmem_shared>> -> memref<10240x8xf32, #tpu.memory_space<vmem_shared>>
    %dma_wait3A_1745 = tpu.memref_slice %arg17[%dma_wait3A_1738] : memref<6x!tpu.dma_semaphore, #tpu.memory_space<semaphore_mem>> -> memref<1x!tpu.dma_semaphore, #tpu.memory_space<semaphore_mem>>
    %dma_wait3A_1746 = tpu.memref_squeeze %dma_wait3A_1745 : memref<1x!tpu.dma_semaphore, #tpu.memory_space<semaphore_mem>> -> memref<!tpu.dma_semaphore, #tpu.memory_space<semaphore_mem>>
    tpu.wait_indirect_dma semaphore(%dma_wait3A_1746 : memref<!tpu.dma_semaphore, #tpu.memory_space<semaphore_mem>>) src(%arg12 : memref<40x8xf32, #tpu.memory_space<vmem>>) dst(%dma_wait3A_1744 : memref<10240x8xf32, #tpu.memory_space<vmem_shared>>)
    %dma_wait3A_1747 = arith.constant 1 : i32
    %dma_wait3A_1748 = arith.constant 121 : i32
    %dma_wait3A_1749 = arith.constant 1 : i32
    %dma_wait3A_1750 = arith.constant 0 : i32
    %dma_wait3A_1751 = arith.constant 0 : i32
    %dma_wait3A_1752 = tpu.memref_slice %arg11[%dma_wait3A_1747, %dma_wait3A_1750, %dma_wait3A_1751] : memref<6x40x128xf32, #tpu.memory_space<vmem>> -> memref<1x40x128xf32, #tpu.memory_space<vmem>>
    %dma_wait3A_1753 = tpu.memref_squeeze %dma_wait3A_1752 : memref<1x40x128xf32, #tpu.memory_space<vmem>> -> memref<40x128xf32, #tpu.memory_space<vmem>>
    %dma_wait3A_1754 = arith.constant 0 : i32
    %dma_wait3A_1755 = tpu.memref_slice %arg10[%dma_wait3A_1748, %dma_wait3A_1754] : memref<125x40xi32, #tpu.memory_space<vmem>> -> memref<1x40xi32, #tpu.memory_space<vmem>>
    %dma_wait3A_1756 = tpu.memref_squeeze %dma_wait3A_1755 : memref<1x40xi32, #tpu.memory_space<vmem>> -> memref<40xi32, #tpu.memory_space<vmem>>
    %dma_wait3A_1757 = arith.constant 0 : i32
    %dma_wait3A_1758 = arith.constant 0 : i32
    %dma_wait3A_1759 = tpu.memref_slice %arg13[%dma_wait3A_1757, %dma_wait3A_1758] : memref<10240x128xf32, #tpu.memory_space<vmem_shared>> -> memref<10240x128xf32, #tpu.memory_space<vmem_shared>>
    %dma_wait3A_1760 = tpu.memref_slice %arg16[%dma_wait3A_1749] : memref<6x!tpu.dma_semaphore, #tpu.memory_space<semaphore_mem>> -> memref<1x!tpu.dma_semaphore, #tpu.memory_space<semaphore_mem>>
    %dma_wait3A_1761 = tpu.memref_squeeze %dma_wait3A_1760 : memref<1x!tpu.dma_semaphore, #tpu.memory_space<semaphore_mem>> -> memref<!tpu.dma_semaphore, #tpu.memory_space<semaphore_mem>>
    tpu.wait_indirect_dma semaphore(%dma_wait3A_1761 : memref<!tpu.dma_semaphore, #tpu.memory_space<semaphore_mem>>) src(%dma_wait3A_1753 : memref<40x128xf32, #tpu.memory_space<vmem>>) dst(%dma_wait3A_1759 : memref<10240x128xf32, #tpu.memory_space<vmem_shared>>)
    %dma_wait3A_1762 = arith.constant 121 : i32
    %dma_wait3A_1763 = arith.constant 1 : i32
    %dma_wait3A_1764 = arith.constant 0 : i32
    %dma_wait3A_1765 = tpu.memref_slice %arg10[%dma_wait3A_1762, %dma_wait3A_1764] : memref<125x40xi32, #tpu.memory_space<vmem>> -> memref<1x40xi32, #tpu.memory_space<vmem>>
    %dma_wait3A_1766 = tpu.memref_squeeze %dma_wait3A_1765 : memref<1x40xi32, #tpu.memory_space<vmem>> -> memref<40xi32, #tpu.memory_space<vmem>>
    %dma_wait3A_1767 = arith.constant 0 : i32
    %dma_wait3A_1768 = arith.constant 0 : i32
    %dma_wait3A_1769 = tpu.memref_slice %arg14[%dma_wait3A_1767, %dma_wait3A_1768] : memref<10240x8xf32, #tpu.memory_space<vmem_shared>> -> memref<10240x8xf32, #tpu.memory_space<vmem_shared>>
    %dma_wait3A_1770 = tpu.memref_slice %arg17[%dma_wait3A_1763] : memref<6x!tpu.dma_semaphore, #tpu.memory_space<semaphore_mem>> -> memref<1x!tpu.dma_semaphore, #tpu.memory_space<semaphore_mem>>
    %dma_wait3A_1771 = tpu.memref_squeeze %dma_wait3A_1770 : memref<1x!tpu.dma_semaphore, #tpu.memory_space<semaphore_mem>> -> memref<!tpu.dma_semaphore, #tpu.memory_space<semaphore_mem>>
    tpu.wait_indirect_dma semaphore(%dma_wait3A_1771 : memref<!tpu.dma_semaphore, #tpu.memory_space<semaphore_mem>>) src(%arg12 : memref<40x8xf32, #tpu.memory_space<vmem>>) dst(%dma_wait3A_1769 : memref<10240x8xf32, #tpu.memory_space<vmem_shared>>)
    %dma_wait3A_1772 = arith.constant 2 : i32
    %dma_wait3A_1773 = arith.constant 122 : i32
    %dma_wait3A_1774 = arith.constant 2 : i32
    %dma_wait3A_1775 = arith.constant 0 : i32
    %dma_wait3A_1776 = arith.constant 0 : i32
    %dma_wait3A_1777 = tpu.memref_slice %arg11[%dma_wait3A_1772, %dma_wait3A_1775, %dma_wait3A_1776] : memref<6x40x128xf32, #tpu.memory_space<vmem>> -> memref<1x40x128xf32, #tpu.memory_space<vmem>>
    %dma_wait3A_1778 = tpu.memref_squeeze %dma_wait3A_1777 : memref<1x40x128xf32, #tpu.memory_space<vmem>> -> memref<40x128xf32, #tpu.memory_space<vmem>>
    %dma_wait3A_1779 = arith.constant 0 : i32
    %dma_wait3A_1780 = tpu.memref_slice %arg10[%dma_wait3A_1773, %dma_wait3A_1779] : memref<125x40xi32, #tpu.memory_space<vmem>> -> memref<1x40xi32, #tpu.memory_space<vmem>>
    %dma_wait3A_1781 = tpu.memref_squeeze %dma_wait3A_1780 : memref<1x40xi32, #tpu.memory_space<vmem>> -> memref<40xi32, #tpu.memory_space<vmem>>
    %dma_wait3A_1782 = arith.constant 0 : i32
    %dma_wait3A_1783 = arith.constant 0 : i32
    %dma_wait3A_1784 = tpu.memref_slice %arg13[%dma_wait3A_1782, %dma_wait3A_1783] : memref<10240x128xf32, #tpu.memory_space<vmem_shared>> -> memref<10240x128xf32, #tpu.memory_space<vmem_shared>>
    %dma_wait3A_1785 = tpu.memref_slice %arg16[%dma_wait3A_1774] : memref<6x!tpu.dma_semaphore, #tpu.memory_space<semaphore_mem>> -> memref<1x!tpu.dma_semaphore, #tpu.memory_space<semaphore_mem>>
    %dma_wait3A_1786 = tpu.memref_squeeze %dma_wait3A_1785 : memref<1x!tpu.dma_semaphore, #tpu.memory_space<semaphore_mem>> -> memref<!tpu.dma_semaphore, #tpu.memory_space<semaphore_mem>>
    tpu.wait_indirect_dma semaphore(%dma_wait3A_1786 : memref<!tpu.dma_semaphore, #tpu.memory_space<semaphore_mem>>) src(%dma_wait3A_1778 : memref<40x128xf32, #tpu.memory_space<vmem>>) dst(%dma_wait3A_1784 : memref<10240x128xf32, #tpu.memory_space<vmem_shared>>)
    %dma_wait3A_1787 = arith.constant 122 : i32
    %dma_wait3A_1788 = arith.constant 2 : i32
    %dma_wait3A_1789 = arith.constant 0 : i32
    %dma_wait3A_1790 = tpu.memref_slice %arg10[%dma_wait3A_1787, %dma_wait3A_1789] : memref<125x40xi32, #tpu.memory_space<vmem>> -> memref<1x40xi32, #tpu.memory_space<vmem>>
    %dma_wait3A_1791 = tpu.memref_squeeze %dma_wait3A_1790 : memref<1x40xi32, #tpu.memory_space<vmem>> -> memref<40xi32, #tpu.memory_space<vmem>>
    %dma_wait3A_1792 = arith.constant 0 : i32
    %dma_wait3A_1793 = arith.constant 0 : i32
    %dma_wait3A_1794 = tpu.memref_slice %arg14[%dma_wait3A_1792, %dma_wait3A_1793] : memref<10240x8xf32, #tpu.memory_space<vmem_shared>> -> memref<10240x8xf32, #tpu.memory_space<vmem_shared>>
    %dma_wait3A_1795 = tpu.memref_slice %arg17[%dma_wait3A_1788] : memref<6x!tpu.dma_semaphore, #tpu.memory_space<semaphore_mem>> -> memref<1x!tpu.dma_semaphore, #tpu.memory_space<semaphore_mem>>
    %dma_wait3A_1796 = tpu.memref_squeeze %dma_wait3A_1795 : memref<1x!tpu.dma_semaphore, #tpu.memory_space<semaphore_mem>> -> memref<!tpu.dma_semaphore, #tpu.memory_space<semaphore_mem>>
    tpu.wait_indirect_dma semaphore(%dma_wait3A_1796 : memref<!tpu.dma_semaphore, #tpu.memory_space<semaphore_mem>>) src(%arg12 : memref<40x8xf32, #tpu.memory_space<vmem>>) dst(%dma_wait3A_1794 : memref<10240x8xf32, #tpu.memory_space<vmem_shared>>)
    %dma_wait3A_1797 = arith.constant 3 : i32
    %dma_wait3A_1798 = arith.constant 123 : i32
    %dma_wait3A_1799 = arith.constant 3 : i32
    %dma_wait3A_1800 = arith.constant 0 : i32
    %dma_wait3A_1801 = arith.constant 0 : i32
    %dma_wait3A_1802 = tpu.memref_slice %arg11[%dma_wait3A_1797, %dma_wait3A_1800, %dma_wait3A_1801] : memref<6x40x128xf32, #tpu.memory_space<vmem>> -> memref<1x40x128xf32, #tpu.memory_space<vmem>>
    %dma_wait3A_1803 = tpu.memref_squeeze %dma_wait3A_1802 : memref<1x40x128xf32, #tpu.memory_space<vmem>> -> memref<40x128xf32, #tpu.memory_space<vmem>>
    %dma_wait3A_1804 = arith.constant 0 : i32
    %dma_wait3A_1805 = tpu.memref_slice %arg10[%dma_wait3A_1798, %dma_wait3A_1804] : memref<125x40xi32, #tpu.memory_space<vmem>> -> memref<1x40xi32, #tpu.memory_space<vmem>>
    %dma_wait3A_1806 = tpu.memref_squeeze %dma_wait3A_1805 : memref<1x40xi32, #tpu.memory_space<vmem>> -> memref<40xi32, #tpu.memory_space<vmem>>
    %dma_wait3A_1807 = arith.constant 0 : i32
    %dma_wait3A_1808 = arith.constant 0 : i32
    %dma_wait3A_1809 = tpu.memref_slice %arg13[%dma_wait3A_1807, %dma_wait3A_1808] : memref<10240x128xf32, #tpu.memory_space<vmem_shared>> -> memref<10240x128xf32, #tpu.memory_space<vmem_shared>>
    %dma_wait3A_1810 = tpu.memref_slice %arg16[%dma_wait3A_1799] : memref<6x!tpu.dma_semaphore, #tpu.memory_space<semaphore_mem>> -> memref<1x!tpu.dma_semaphore, #tpu.memory_space<semaphore_mem>>
    %dma_wait3A_1811 = tpu.memref_squeeze %dma_wait3A_1810 : memref<1x!tpu.dma_semaphore, #tpu.memory_space<semaphore_mem>> -> memref<!tpu.dma_semaphore, #tpu.memory_space<semaphore_mem>>
    tpu.wait_indirect_dma semaphore(%dma_wait3A_1811 : memref<!tpu.dma_semaphore, #tpu.memory_space<semaphore_mem>>) src(%dma_wait3A_1803 : memref<40x128xf32, #tpu.memory_space<vmem>>) dst(%dma_wait3A_1809 : memref<10240x128xf32, #tpu.memory_space<vmem_shared>>)
    %dma_wait3A_1812 = arith.constant 123 : i32
    %dma_wait3A_1813 = arith.constant 3 : i32
    %dma_wait3A_1814 = arith.constant 0 : i32
    %dma_wait3A_1815 = tpu.memref_slice %arg10[%dma_wait3A_1812, %dma_wait3A_1814] : memref<125x40xi32, #tpu.memory_space<vmem>> -> memref<1x40xi32, #tpu.memory_space<vmem>>
    %dma_wait3A_1816 = tpu.memref_squeeze %dma_wait3A_1815 : memref<1x40xi32, #tpu.memory_space<vmem>> -> memref<40xi32, #tpu.memory_space<vmem>>
    %dma_wait3A_1817 = arith.constant 0 : i32
    %dma_wait3A_1818 = arith.constant 0 : i32
    %dma_wait3A_1819 = tpu.memref_slice %arg14[%dma_wait3A_1817, %dma_wait3A_1818] : memref<10240x8xf32, #tpu.memory_space<vmem_shared>> -> memref<10240x8xf32, #tpu.memory_space<vmem_shared>>
    %dma_wait3A_1820 = tpu.memref_slice %arg17[%dma_wait3A_1813] : memref<6x!tpu.dma_semaphore, #tpu.memory_space<semaphore_mem>> -> memref<1x!tpu.dma_semaphore, #tpu.memory_space<semaphore_mem>>
    %dma_wait3A_1821 = tpu.memref_squeeze %dma_wait3A_1820 : memref<1x!tpu.dma_semaphore, #tpu.memory_space<semaphore_mem>> -> memref<!tpu.dma_semaphore, #tpu.memory_space<semaphore_mem>>
    tpu.wait_indirect_dma semaphore(%dma_wait3A_1821 : memref<!tpu.dma_semaphore, #tpu.memory_space<semaphore_mem>>) src(%arg12 : memref<40x8xf32, #tpu.memory_space<vmem>>) dst(%dma_wait3A_1819 : memref<10240x8xf32, #tpu.memory_space<vmem_shared>>)
    %dma_wait3A_1822 = arith.constant 4 : i32
    %dma_wait3A_1823 = arith.constant 124 : i32
    %dma_wait3A_1824 = arith.constant 4 : i32
    %dma_wait3A_1825 = arith.constant 0 : i32
    %dma_wait3A_1826 = arith.constant 0 : i32
    %dma_wait3A_1827 = tpu.memref_slice %arg11[%dma_wait3A_1822, %dma_wait3A_1825, %dma_wait3A_1826] : memref<6x40x128xf32, #tpu.memory_space<vmem>> -> memref<1x40x128xf32, #tpu.memory_space<vmem>>
    %dma_wait3A_1828 = tpu.memref_squeeze %dma_wait3A_1827 : memref<1x40x128xf32, #tpu.memory_space<vmem>> -> memref<40x128xf32, #tpu.memory_space<vmem>>
    %dma_wait3A_1829 = arith.constant 0 : i32
    %dma_wait3A_1830 = tpu.memref_slice %arg10[%dma_wait3A_1823, %dma_wait3A_1829] : memref<125x40xi32, #tpu.memory_space<vmem>> -> memref<1x40xi32, #tpu.memory_space<vmem>>
    %dma_wait3A_1831 = tpu.memref_squeeze %dma_wait3A_1830 : memref<1x40xi32, #tpu.memory_space<vmem>> -> memref<40xi32, #tpu.memory_space<vmem>>
    %dma_wait3A_1832 = arith.constant 0 : i32
    %dma_wait3A_1833 = arith.constant 0 : i32
    %dma_wait3A_1834 = tpu.memref_slice %arg13[%dma_wait3A_1832, %dma_wait3A_1833] : memref<10240x128xf32, #tpu.memory_space<vmem_shared>> -> memref<10240x128xf32, #tpu.memory_space<vmem_shared>>
    %dma_wait3A_1835 = tpu.memref_slice %arg16[%dma_wait3A_1824] : memref<6x!tpu.dma_semaphore, #tpu.memory_space<semaphore_mem>> -> memref<1x!tpu.dma_semaphore, #tpu.memory_space<semaphore_mem>>
    %dma_wait3A_1836 = tpu.memref_squeeze %dma_wait3A_1835 : memref<1x!tpu.dma_semaphore, #tpu.memory_space<semaphore_mem>> -> memref<!tpu.dma_semaphore, #tpu.memory_space<semaphore_mem>>
    tpu.wait_indirect_dma semaphore(%dma_wait3A_1836 : memref<!tpu.dma_semaphore, #tpu.memory_space<semaphore_mem>>) src(%dma_wait3A_1828 : memref<40x128xf32, #tpu.memory_space<vmem>>) dst(%dma_wait3A_1834 : memref<10240x128xf32, #tpu.memory_space<vmem_shared>>)
    %dma_wait3A_1837 = arith.constant 124 : i32
    %dma_wait3A_1838 = arith.constant 4 : i32
    %dma_wait3A_1839 = arith.constant 0 : i32
    %dma_wait3A_1840 = tpu.memref_slice %arg10[%dma_wait3A_1837, %dma_wait3A_1839] : memref<125x40xi32, #tpu.memory_space<vmem>> -> memref<1x40xi32, #tpu.memory_space<vmem>>
    %dma_wait3A_1841 = tpu.memref_squeeze %dma_wait3A_1840 : memref<1x40xi32, #tpu.memory_space<vmem>> -> memref<40xi32, #tpu.memory_space<vmem>>
    %dma_wait3A_1842 = arith.constant 0 : i32
    %dma_wait3A_1843 = arith.constant 0 : i32
    %dma_wait3A_1844 = tpu.memref_slice %arg14[%dma_wait3A_1842, %dma_wait3A_1843] : memref<10240x8xf32, #tpu.memory_space<vmem_shared>> -> memref<10240x8xf32, #tpu.memory_space<vmem_shared>>
    %dma_wait3A_1845 = tpu.memref_slice %arg17[%dma_wait3A_1838] : memref<6x!tpu.dma_semaphore, #tpu.memory_space<semaphore_mem>> -> memref<1x!tpu.dma_semaphore, #tpu.memory_space<semaphore_mem>>
    %dma_wait3A_1846 = tpu.memref_squeeze %dma_wait3A_1845 : memref<1x!tpu.dma_semaphore, #tpu.memory_space<semaphore_mem>> -> memref<!tpu.dma_semaphore, #tpu.memory_space<semaphore_mem>>
    tpu.wait_indirect_dma semaphore(%dma_wait3A_1846 : memref<!tpu.dma_semaphore, #tpu.memory_space<semaphore_mem>>) src(%arg12 : memref<40x8xf32, #tpu.memory_space<vmem>>) dst(%dma_wait3A_1844 : memref<10240x8xf32, #tpu.memory_space<vmem_shared>>)
    %barrier3A_1847 = arith.constant 0 : index
    tpu.barrier barrier_id(%barrier3A_1847)
    "tpu.region"() ({
      %run_scoped3A_1848 = tpu.sem_alloc : memref<!tpu.dma_semaphore, #tpu.memory_space<semaphore_mem>>
      %dma_start3A_1849 = arith.constant 0 : i32
      %dma_start3A_1850 = tpu.memref_slice %arg7[%arg0, %mul3A_4, %dma_start3A_1849] : memref<2x10240x128xf32, #tpu.memory_space<hbm>> -> memref<1x640x128xf32, #tpu.memory_space<hbm>>
      %dma_start3A_1851 = tpu.memref_squeeze %dma_start3A_1850 : memref<1x640x128xf32, #tpu.memory_space<hbm>> -> memref<640x128xf32, #tpu.memory_space<hbm>>
      %dma_start3A_1852 = arith.constant 0 : i32
      %dma_start3A_1853 = tpu.memref_slice %arg13[%mul3A_4, %dma_start3A_1852] : memref<10240x128xf32, #tpu.memory_space<vmem_shared>> -> memref<640x128xf32, #tpu.memory_space<vmem_shared>>
      tpu.enqueue_dma source(%dma_start3A_1853 : memref<640x128xf32, #tpu.memory_space<vmem_shared>>) target(%dma_start3A_1851 : memref<640x128xf32, #tpu.memory_space<hbm>>) target_semaphore(%run_scoped3A_1848 : memref<!tpu.dma_semaphore, #tpu.memory_space<semaphore_mem>>)
      %dma_wait3A_1854 = arith.constant 0 : i32
      %dma_wait3A_1855 = tpu.memref_slice %arg7[%arg0, %mul3A_4, %dma_wait3A_1854] : memref<2x10240x128xf32, #tpu.memory_space<hbm>> -> memref<1x640x128xf32, #tpu.memory_space<hbm>>
      %dma_wait3A_1856 = tpu.memref_squeeze %dma_wait3A_1855 : memref<1x640x128xf32, #tpu.memory_space<hbm>> -> memref<640x128xf32, #tpu.memory_space<hbm>>
      %dma_wait3A_1857 = arith.constant 0 : i32
      %dma_wait3A_1858 = tpu.memref_slice %arg13[%mul3A_4, %dma_wait3A_1857] : memref<10240x128xf32, #tpu.memory_space<vmem_shared>> -> memref<640x128xf32, #tpu.memory_space<vmem_shared>>
      tpu.wait_dma2 semaphore(%run_scoped3A_1848 : memref<!tpu.dma_semaphore, #tpu.memory_space<semaphore_mem>>) src(%dma_wait3A_1858 : memref<640x128xf32, #tpu.memory_space<vmem_shared>>) dst(%dma_wait3A_1856 : memref<640x128xf32, #tpu.memory_space<hbm>>)
      tpu.yield
    }) : () -> ()
    "tpu.region"() ({
      %run_scoped3A_1848 = tpu.sem_alloc : memref<!tpu.dma_semaphore, #tpu.memory_space<semaphore_mem>>
      %dma_start3A_1849 = arith.constant 0 : i32
      %dma_start3A_1850 = tpu.memref_slice %arg8[%arg0, %mul3A_4, %dma_start3A_1849] : memref<2x10240x8xf32, #tpu.memory_space<hbm>> -> memref<1x640x8xf32, #tpu.memory_space<hbm>>
      %dma_start3A_1851 = tpu.memref_squeeze %dma_start3A_1850 : memref<1x640x8xf32, #tpu.memory_space<hbm>> -> memref<640x8xf32, #tpu.memory_space<hbm>>
      %dma_start3A_1852 = arith.constant 0 : i32
      %dma_start3A_1853 = tpu.memref_slice %arg14[%mul3A_4, %dma_start3A_1852] : memref<10240x8xf32, #tpu.memory_space<vmem_shared>> -> memref<640x8xf32, #tpu.memory_space<vmem_shared>>
      tpu.enqueue_dma source(%dma_start3A_1853 : memref<640x8xf32, #tpu.memory_space<vmem_shared>>) target(%dma_start3A_1851 : memref<640x8xf32, #tpu.memory_space<hbm>>) target_semaphore(%run_scoped3A_1848 : memref<!tpu.dma_semaphore, #tpu.memory_space<semaphore_mem>>)
      %dma_wait3A_1854 = arith.constant 0 : i32
      %dma_wait3A_1855 = tpu.memref_slice %arg8[%arg0, %mul3A_4, %dma_wait3A_1854] : memref<2x10240x8xf32, #tpu.memory_space<hbm>> -> memref<1x640x8xf32, #tpu.memory_space<hbm>>
      %dma_wait3A_1856 = tpu.memref_squeeze %dma_wait3A_1855 : memref<1x640x8xf32, #tpu.memory_space<hbm>> -> memref<640x8xf32, #tpu.memory_space<hbm>>
      %dma_wait3A_1857 = arith.constant 0 : i32
      %dma_wait3A_1858 = tpu.memref_slice %arg14[%mul3A_4, %dma_wait3A_1857] : memref<10240x8xf32, #tpu.memory_space<vmem_shared>> -> memref<640x8xf32, #tpu.memory_space<vmem_shared>>
      tpu.wait_dma2 semaphore(%run_scoped3A_1848 : memref<!tpu.dma_semaphore, #tpu.memory_space<semaphore_mem>>) src(%dma_wait3A_1858 : memref<640x8xf32, #tpu.memory_space<vmem_shared>>) dst(%dma_wait3A_1856 : memref<640x8xf32, #tpu.memory_space<hbm>>)
      tpu.yield
    }) : () -> ()
    return
  }
}

module attributes {stable_mosaic.version = 14 : i64} {
  func.func @body(%arg0: i32, %arg1: memref<2000x128xf32, #tpu.memory_space<vmem>>, %arg2: memref<256x128xf32, #tpu.memory_space<vmem>>, %arg3: memref<1x128xf32, #tpu.memory_space<vmem>>, %arg4: memref<2000x128xf32, #tpu.memory_space<vmem>>) attributes {dimension_semantics = [#tpu.dimension_semantics<arbitrary>], iteration_bounds = array<i64: 5>, scalar_prefetch = 0 : i64, scratch_operands = 0 : i64, tpu.core_type = #tpu.core_type<tc>, window_params = [{transform_indices = @transform_0, window_bounds = array<i64: 2000, 128>}, {pipeline_mode = #tpu.pipeline_mode<synchronous>, transform_indices = @transform_1, window_bounds = array<i64: 256, 128>}, {pipeline_mode = #tpu.pipeline_mode<synchronous>, transform_indices = @transform_2, window_bounds = array<i64: 1, 128>}, {transform_indices = @transform_3, window_bounds = array<i64: 2000, 128>}]} {
    %get3A = arith.constant 0 : index
    %get3A_0 = arith.constant 0 : index
    %get3A_1 = vector.load %arg1[%get3A, %get3A_0] : memref<2000x128xf32, #tpu.memory_space<vmem>>, vector<2000x128xf32>
    %get3A_2 = arith.constant 0 : index
    %get3A_3 = arith.constant 0 : index
    %get3A_4 = vector.load %arg2[%get3A_2, %get3A_3] : memref<256x128xf32, #tpu.memory_space<vmem>>, vector<128x128xf32>
    %dot_general3A = arith.constant dense<0.000000e+00> : vector<2000x128xf32>
    %dot_general3A_5 = tpu.matmul %get3A_1, %get3A_4, %dot_general3A {dimension_numbers = #tpu.dot_dimension_numbers<[1], [0], [0], [1], [0, 0, 1, 1], [], []>, transpose_lhs_hint = false} : vector<2000x128xf32>, vector<128x128xf32>, vector<2000x128xf32> -> vector<2000x128xf32>
    %get3A_6 = arith.constant 0 : index
    %get3A_7 = arith.constant 0 : index
    %get3A_8 = vector.load %arg3[%get3A_6, %get3A_7] : memref<1x128xf32, #tpu.memory_space<vmem>>, vector<1x128xf32>
    %add3A = vector.broadcast %get3A_8 : vector<1x128xf32> to vector<2000x128xf32>
    %add3A_9 = arith.addf %dot_general3A_5, %add3A : vector<2000x128xf32>
    %swap3A = arith.constant 0 : index
    %swap3A_10 = arith.constant 0 : index
    %swap3A_11 = vector.load %arg4[%swap3A, %swap3A_10] : memref<2000x128xf32, #tpu.memory_space<vmem>>, vector<2000x128xf32>
    tpu.vector_store %arg4[%swap3A, %swap3A_10], %add3A_9 {strides = array<i32>} : memref<2000x128xf32, #tpu.memory_space<vmem>>, vector<2000x128xf32>,
    return
  }
  func.func @transform_0(%arg0: i32) -> (i32, i32) {
    %c0_i32 = arith.constant 0 : i32
    %c0_i32_0 = arith.constant 0 : i32
    return %arg0, %c0_i32 : i32, i32
  }
  func.func @transform_1(%arg0: i32) -> (i32, i32) {
    %c0_i32 = arith.constant 0 : i32
    %c0_i32_0 = arith.constant 0 : i32
    %c0_i32_1 = arith.constant 0 : i32
    return %c0_i32, %c0_i32_0 : i32, i32
  }
  func.func @transform_2(%arg0: i32) -> (i32, i32) {
    %c0_i32 = arith.constant 0 : i32
    %c0_i32_0 = arith.constant 0 : i32
    %c0_i32_1 = arith.constant 0 : i32
    return %c0_i32, %c0_i32_0 : i32, i32
  }
  func.func @transform_3(%arg0: i32) -> (i32, i32) {
    %c0_i32 = arith.constant 0 : i32
    %c0_i32_0 = arith.constant 0 : i32
    return %arg0, %c0_i32 : i32, i32
  }
}

module attributes {stable_mosaic.version = 14 : i64} {
  func.func @body(%arg0: i32, %arg1: memref<2000x128xf32, #tpu.memory_space<vmem>>, %arg2: memref<2x2000x128xf32, #tpu.memory_space<vmem>>, %arg3: memref<2x2000x8xf32, #tpu.memory_space<vmem>>, %arg4: memref<256x128xf32, #tpu.memory_space<vmem>>, %arg5: memref<2000x128xf32, #tpu.memory_space<vmem>>) attributes {dimension_semantics = [#tpu.dimension_semantics<arbitrary>], iteration_bounds = array<i64: 5>, scalar_prefetch = 0 : i64, scratch_operands = 0 : i64, tpu.core_type = #tpu.core_type<tc>, window_params = [{transform_indices = @transform_0, window_bounds = array<i64: 2000, 128>}, {transform_indices = @transform_1, window_bounds = array<i64: 2, 2000, 128>}, {transform_indices = @transform_2, window_bounds = array<i64: 2, 2000, 8>}, {pipeline_mode = #tpu.pipeline_mode<synchronous>, transform_indices = @transform_3, window_bounds = array<i64: 256, 128>}, {transform_indices = @transform_4, window_bounds = array<i64: 2000, 128>}]} {
    %get3A = arith.constant 0 : index
    %get3A_0 = arith.constant 0 : index
    %get3A_1 = arith.constant 0 : index
    %get3A_2 = vector.load %arg2[%get3A, %get3A_0, %get3A_1] : memref<2x2000x128xf32, #tpu.memory_space<vmem>>, vector<1x2000x128xf32>
    %get3A_3 = vector.shape_cast %get3A_2 : vector<1x2000x128xf32> to vector<2000x128xf32>
    %get3A_4 = arith.constant 1 : index
    %get3A_5 = arith.constant 0 : index
    %get3A_6 = arith.constant 0 : index
    %get3A_7 = vector.load %arg2[%get3A_4, %get3A_5, %get3A_6] : memref<2x2000x128xf32, #tpu.memory_space<vmem>>, vector<1x2000x128xf32>
    %get3A_8 = vector.shape_cast %get3A_7 : vector<1x2000x128xf32> to vector<2000x128xf32>
    %add3A = arith.addf %get3A_3, %get3A_8 : vector<2000x128xf32>
    %get3A_9 = arith.constant 0 : index
    %get3A_10 = arith.constant 0 : index
    %get3A_11 = arith.constant 0 : index
    %get3A_12 = vector.load %arg3[%get3A_9, %get3A_10, %get3A_11] : memref<2x2000x8xf32, #tpu.memory_space<vmem>>, vector<1x2000x8xf32>
    %get3A_13 = vector.shape_cast %get3A_12 : vector<1x2000x8xf32> to vector<2000x8xf32>
    %get3A_14 = arith.constant 1 : index
    %get3A_15 = arith.constant 0 : index
    %get3A_16 = arith.constant 0 : index
    %get3A_17 = vector.load %arg3[%get3A_14, %get3A_15, %get3A_16] : memref<2x2000x8xf32, #tpu.memory_space<vmem>>, vector<1x2000x8xf32>
    %get3A_18 = vector.shape_cast %get3A_17 : vector<1x2000x8xf32> to vector<2000x8xf32>
    %add3A_19 = arith.addf %get3A_13, %get3A_18 : vector<2000x8xf32>
    %slice3A = vector.extract_strided_slice %add3A_19 {offsets = [0, 0], sizes = [2000, 1], strides = [1, 1]} : vector<2000x8xf32> to vector<2000x1xf32>
    %max3A = arith.constant 1.000000e+00 : f32
    %max3A_20 = vector.broadcast %max3A : f32 to vector<2000x1xf32>
    %max3A_21 = arith.maximumf %slice3A, %max3A_20 : vector<2000x1xf32>
    %div3A = vector.broadcast %max3A_21 : vector<2000x1xf32> to vector<2000x128xf32>
    %div3A_22 = arith.divf %add3A, %div3A : vector<2000x128xf32>
    %get3A_23 = arith.constant 0 : index
    %get3A_24 = arith.constant 0 : index
    %get3A_25 = vector.load %arg1[%get3A_23, %get3A_24] : memref<2000x128xf32, #tpu.memory_space<vmem>>, vector<2000x128xf32>
    %get3A_26 = arith.constant 128 : index
    %get3A_27 = arith.constant 0 : index
    %get3A_28 = vector.load %arg4[%get3A_26, %get3A_27] : memref<256x128xf32, #tpu.memory_space<vmem>>, vector<128x128xf32>
    %dot_general3A = arith.constant dense<0.000000e+00> : vector<2000x128xf32>
    %dot_general3A_29 = tpu.matmul %div3A_22, %get3A_28, %dot_general3A {dimension_numbers = #tpu.dot_dimension_numbers<[1], [0], [0], [1], [0, 0, 1, 1], [], []>, transpose_lhs_hint = false} : vector<2000x128xf32>, vector<128x128xf32>, vector<2000x128xf32> -> vector<2000x128xf32>
    %add3A_30 = arith.addf %get3A_25, %dot_general3A_29 : vector<2000x128xf32>
    %swap3A = arith.constant 0 : index
    %swap3A_31 = arith.constant 0 : index
    %swap3A_32 = vector.load %arg5[%swap3A, %swap3A_31] : memref<2000x128xf32, #tpu.memory_space<vmem>>, vector<2000x128xf32>
    tpu.vector_store %arg5[%swap3A, %swap3A_31], %add3A_30 {strides = array<i32>} : memref<2000x128xf32, #tpu.memory_space<vmem>>, vector<2000x128xf32>,
    return
  }
  func.func @transform_0(%arg0: i32) -> (i32, i32) {
    %c0_i32 = arith.constant 0 : i32
    %c0_i32_0 = arith.constant 0 : i32
    return %arg0, %c0_i32 : i32, i32
  }
  func.func @transform_1(%arg0: i32) -> (i32, i32, i32) {
    %c0_i32 = arith.constant 0 : i32
    %c0_i32_0 = arith.constant 0 : i32
    %c0_i32_1 = arith.constant 0 : i32
    return %c0_i32, %arg0, %c0_i32_0 : i32, i32, i32
  }
  func.func @transform_2(%arg0: i32) -> (i32, i32, i32) {
    %c0_i32 = arith.constant 0 : i32
    %c0_i32_0 = arith.constant 0 : i32
    %c0_i32_1 = arith.constant 0 : i32
    return %c0_i32, %arg0, %c0_i32_0 : i32, i32, i32
  }
  func.func @transform_3(%arg0: i32) -> (i32, i32) {
    %c0_i32 = arith.constant 0 : i32
    %c0_i32_0 = arith.constant 0 : i32
    %c0_i32_1 = arith.constant 0 : i32
    return %c0_i32, %c0_i32_0 : i32, i32
  }
  func.func @transform_4(%arg0: i32) -> (i32, i32) {
    %c0_i32 = arith.constant 0 : i32
    %c0_i32_0 = arith.constant 0 : i32
    return %arg0, %c0_i32 : i32, i32
  }
}

</mosaic_0001>

<sc_bundles>
// kernel: kernel.5.cloned.1.call-start
scs
__scs_entry_jumppad:
0x0: {  	(pc) =	sbr.rel $0x88, $3  }
0x1: {  	(tag) =	ssettag $0x0;
	lr =	simm.s32 $0x1  }
0x2: {  	[smem:$0x3F9D] =	sst lr;
	_ =	strace $0xD0000000  }
0x3: {  	_ = 	snop  }
0x4: {  	_ = 	snop  }
0x5: {  	_ = 	snop  }
0x6: {  	_ = 	snop  }
0x7: {  	_ = 	snop  }
__scs_overlays_trampoline_lowered:
0x8: {  	[smem:$0x3FAC] =	sst s0  }
0x9: {  	[smem:$0x3FAD] =	sst s1  }
0xa: {  	[smem:$0x3FAE] =	sst s2  }
0xb: {  	[smem:$0x3FAF] =	sst s3  }
0xc: {  	[smem:$0x3FB0] =	sst s4  }
0xd: {  	[smem:$0x3FB1] =	sst s5  }
0xe: {  	[smem:$0x3FB2] =	sst s6  }
0xf: {  	[smem:$0x3FB3] =	sst s7  }
0x10: {  	[smem:$0x3FB4] =	sst s8  }
0x11: {  	[smem:$0x3FB5] =	sst s9;
	s0 =	simm.s32 @!p0 $0x0  }
0x12: {  	s1 =	sld [smem:$0x3F9B];
	s0 =	simm.s32 @p0 $0x1  }
0x13: {  	[smem:$0x3FB6] =	sst s0;
	s0 =	simm.s32 @!p1 $0x0  }
0x14: {  	s2 =	sld [smem:$0x3F9A];
	s0 =	simm.s32 @p1 $0x1  }
0x15: {  	[smem:$0x3FB7] =	sst s0;
	s0 =	simm.s32 @!p2 $0x0  }
0x16: {  	s3 =	sld [smem:$0x3FDB];
	s0 =	simm.s32 @p2 $0x1  }
0x17: {  	s4 =	simm.s32 $0x1BF5;
	[smem:$0x3FB9] =	sst s0  }
0x18: {  	s0 =	sld [smem:$0x3F9C];
	_ =	swait.ge [sflag:s4], $0x0  }
0x19: {  	s7 =	sld [smem:$0x3F9D]  }
0x1a: {  	s8 =	sadd.s32 $0xFFFFE003, lr  }
0x1b: {  	s9 =	sadd.s32 $0xFFFFFEF7, lr;
	s5 =	simm.s32 $0xFFFFFFFF;
	p2 =	slt.u32 s8, $0xFFFFF086  }
0x1c: {  	p1 =	slt.u32 s9, $0xF7A;
	s5 =	simm.s32 @!p2 $0x0  }
0x1d: {  	s5 =	simm.s32 @p1 $0x1;
	p0 =	seq.s32 s7, s2  }
0x1e: {  	s7 =	smul.u32 @!p0 $0xF7A, s2;
	p2 =	seq.s32 @!p0 s5, $0x0  }
0x1f: {  	s9 =	smul.u32 $0xF7A, s1;
	s8 =	simm.s32 @!p0 $0x1BF5;
	p2 =	por !p2, p0  }
0x20: {  	[sflag:s8] =	ssyncset.s32 @!p0 $0xFFFFF086;
	s6 =	sadd.s32 @!p0 s3, s7;
	s7 =	simm.s32 @!p0 $0x108  }
0x21: {  	s3 =	sadd.s32 s3, s9;
	s6 =	sadd.s32 @!p0 $0x88, s6;
	s7 =	simm.s32 @p2 $0x1082  }
0x22: {  	[simem:s7], [sflag:s8] =	dma.local @!p0 [hbm:s6], $0xF7A  }
0x23: {  	s9 =	sor.u32 $0xD0000000, s2;
	s6 =	simm.s32 $0x108;
	_ =	swait.ge @!p0 [sflag:s8], $0x0  }
0x24: {  	s3 =	sadd.s32 $0x88, s3;
	s6 =	simm.s32 @!p1 $0x1082;
	[sflag:s4] =	ssyncset.s32 $0xFFFFF086  }
0x25: {  	[simem:s6], [sflag:s4] =	dma.local [hbm:s3], $0xF7A  }
0x26: {  	[smem:$0x3F9D] =	sst s1;
	(tag) =	ssettag s2;
	_ =	strace s9  }
0x27: {  	s1 =	sld [smem:$0x3FAD]  }
0x28: {  	s2 =	sld [smem:$0x3FAE]  }
0x29: {  	s4 =	sld [smem:$0x3FB0]  }
0x2a: {  	p0 =	seq.s32 s5, $0x0;
	s5 =	sld [smem:$0x3FB1]  }
0x2b: {  	s6 =	sld [smem:$0x3FB2]  }
0x2c: {  	s7 =	sld [smem:$0x3FB3]  }
0x2d: {  	s3 =	simm.s32 $0x108;
	s8 =	sld [smem:$0x3FB4]  }
0x2e: {  	s3 =	simm.s32 @!p0 $0x1082;
	s9 =	sld [smem:$0x3FB5]  }
0x2f: {  	lr =	sadd.s32 s0, s3;
	s0 =	sld [smem:$0x3FAC]  }
0x30: {  	s3 =	sld [smem:$0x3FAF]  }
0x31: {  	[smem:$0x3FB8] =	sst s10  }
0x32: {  	s10 =	sld [smem:$0x3FB6];
	_ =	sdelay $0x3  }
0x33: {  	p0 =	seq.s32 s10, $0x1;
	s10 =	sld [smem:$0x3FB8];
	_ =	sdelay $0x3  }
0x34: {  	[smem:$0x3FB8] =	sst s10  }
0x35: {  	s10 =	sld [smem:$0x3FB7];
	_ =	sdelay $0x3  }
0x36: {  	p1 =	seq.s32 s10, $0x1;
	s10 =	sld [smem:$0x3FB8];
	_ =	sdelay $0x3  }
0x37: {  	[smem:$0x3FB8] =	sst s10  }
0x38: {  	s10 =	sld [smem:$0x3FB9]  }
0x39: {  	_ = 	snop;
	(pc) =	sbr.ind lr, $3  }
0x3a: {  	_ = 	snop  }
0x3b: {  	_ = 	snop  }
0x3c: {  	p2 =	seq.s32 s10, $0x1;
	s10 =	sld [smem:$0x3FB8]  }
0x3d: {  	_ =	shalt  }
0x3e: {  	_ =	shalt  }
0x3f: {  	_ =	shalt  }
0x40: {  	_ =	shalt  }
0x41: {  	_ =	shalt  }
0x42: {  	_ =	shalt  }
0x43: {  	_ =	shalt  }
0x44: {  	_ =	shalt  }
0x45: {  	_ =	shalt  }
0x46: {  	_ =	shalt  }
0x47: {  	_ =	shalt  }
0x48: {  	_ =	shalt  }
0x49: {  	_ =	shalt  }
0x4a: {  	_ =	shalt  }
0x4b: {  	_ =	shalt  }
0x4c: {  	_ =	shalt  }
0x4d: {  	_ =	shalt  }
0x4e: {  	_ =	shalt  }
0x4f: {  	_ =	shalt  }
0x50: {  	_ =	shalt  }
0x51: {  	_ =	shalt  }
0x52: {  	_ =	shalt  }
0x53: {  	_ =	shalt  }
0x54: {  	_ =	shalt  }
0x55: {  	_ =	shalt  }
0x56: {  	_ =	shalt  }
0x57: {  	_ =	shalt  }
0x58: {  	_ =	shalt  }
0x59: {  	_ =	shalt  }
0x5a: {  	_ =	shalt  }
0x5b: {  	_ =	shalt  }
0x5c: {  	_ =	shalt  }
0x5d: {  	_ =	shalt  }
0x5e: {  	_ =	shalt  }
0x5f: {  	_ =	shalt  }
0x60: {  	_ =	shalt  }
0x61: {  	_ =	shalt  }
0x62: {  	_ =	shalt  }
0x63: {  	_ =	shalt  }
0x64: {  	_ =	shalt  }
0x65: {  	_ =	shalt  }
0x66: {  	_ =	shalt  }
0x67: {  	_ =	shalt  }
0x68: {  	_ =	shalt  }
0x69: {  	_ =	shalt  }
0x6a: {  	_ =	shalt  }
0x6b: {  	_ =	shalt  }
0x6c: {  	_ =	shalt  }
0x6d: {  	_ =	shalt  }
0x6e: {  	_ =	shalt  }
0x6f: {  	_ =	shalt  }
0x70: {  	_ =	shalt  }
0x71: {  	_ =	shalt  }
0x72: {  	_ =	shalt  }
0x73: {  	_ =	shalt  }
0x74: {  	_ =	shalt  }
0x75: {  	_ =	shalt  }
0x76: {  	_ =	shalt  }
0x77: {  	_ =	shalt  }
0x78: {  	_ =	shalt  }
0x79: {  	_ =	shalt  }
0x7a: {  	_ =	shalt  }
0x7b: {  	_ =	shalt  }
0x7c: {  	_ =	shalt  }
0x7d: {  	_ =	shalt  }
0x7e: {  	_ =	shalt  }
0x7f: {  	_ =	shalt  }
0x80: {  	_ =	shalt  }
0x81: {  	_ =	shalt  }
0x82: {  	_ =	shalt  }
0x83: {  	_ =	shalt  }
0x84: {  	_ =	shalt  }
0x85: {  	_ =	shalt  }
0x86: {  	_ =	shalt  }
0x87: {  	_ =	shalt  }
.Lfunc_end0:
.L_simem_size_0:
called_computation_lowered:
.L_overlay_start_0:
0x88: {  	s2 =	sld [smem:$0x3FD9]  }
0x89: {  	s3 =	sld [smem:$0x3FFE];
	_ =	sdelay $0x1  }
0x8a: {  	s1 =	srdreg.scid  }
0x8b: {  	s0 =	sand.u32 $0x1, s1  }
0x8c: {  	s17 =	sshll.u32 s0, $0xA;
	s2 =	sadd.s32 s3, s2  }
0x8d: {  	s2 =	sadd.s32 s2, s17  }
0x8e: {  	[smem:$0x3FC4] =	sst s2  }
0x8f: {  	_ = 	snop  }
0x90: {  	s2 =	sld [smem:$0x3FC9]  }
0x91: {  	s18 =	sld [smem:$0x3FD0];
	(tm) =	ssettm $0x1  }
0x92: {  	s4 =	sld [smem:$0x3FFB];
	_ =	sdelay $0x3  }
0x93: {  	_ =	strace s4  }
0x94: {  	s4 =	sld [smem:$0x3FFC];
	_ =	sdelay $0x3  }
0x95: {  	_ =	strace s4  }
0x96: {  	s4 =	sld [smem:$0x3FFD];
	_ =	sdelay $0x3  }
0x97: {  	_ =	strace s4  }
0x98: {  	_ =	strace $0x8FFFFFFF  }
0x99: {  	s19 =	sld [smem:$0x3FDB];
	_ =	sdelay $0x1  }
0x9a: {  	s5 =	simm.s32 $_scs_section_size  }
0x9b: {  	s6 =	simm.s32 $_size__tile_overlayer_lowered;
	s7 =	simm.s32 $_tile_overlayer_lowered  }
0x9c: {  	s22 =	simm.s32 $0x1BFF;
	s21 =	sshll.u32 s7, $0x1;
	s4 =	sadd.s32 s5, s19  }
0x9d: {  	s8 =	simm.s32 $0x0;
	s20 =	sshll.u32 s6, $0x1;
	s6 =	sadd.s32 s21, s4  }
0x9e: {  	[timem:s8], [sflag:s22] =	dma.local [hbm:s6], s20  }
0x9f: {  	_ =	swait.ge [sflag:s22], s20  }
0xa0: {  	s5 =	ssub.s32 $0x0, s20;
	[sflag:s22] =	ssyncset.done $0x0  }
0xa1: {  	[sflag:s22] =	ssyncadd.s32 s5;
	_ =	sdelay $0x1  }
0xa2: {  	s23 =	simm.s32 $0x1B8B  }
0xa3: {  	_ =	swait.ge [sflag:s23], $0x1  }
0xa4: {  	[sflag:s23] =	ssyncset.done $0x0  }
0xa5: {  	s25 =	simm.s32 $0x1B8E;
	s24 =	sld [smem:$0x3FFE];
	[sflag:s23] =	ssyncadd.s32 $0xFFFFFFFF  }
0xa6: {  	s26 =	simm.s32 $execute0_lowered;
	[smem:$0x3FD2] =	sst s25  }
0xa7: {  	s6 =	sshll.u32 s26, $0x1;
	_ =	strace $0x80000046;
	[dreg:$0x1] =	wrdreg $0xFFFFFFFF  }
0xa8: {  	s28 =	simm.s32 $_size_execute0_lowered;
	s4 =	sadd.s32 s4, s6;
	[dreg:$0x0] =	wrdreg $0x0  }
0xa9: {  	s6 =	sshll.u32 s28, $0x1;
	[dreg:$0x2] =	wrdreg s4  }
0xaa: {  	[dreg:$0x3] =	wrdreg s6  }
0xab: {  	[dreg:$0x4] =	wrdreg $0xC0  }
0xac: {  	_ =	task [dreg:s8], $0x5FFFF  }
0xad: {  	[dreg:$0x1] =	wrdreg $0xFFFFFFFF  }
0xae: {  	[dreg:$0x0] =	wrdreg $0x60  }
0xaf: {  	[dreg:$0x2] =	wrdreg s2  }
0xb0: {  	[dreg:$0x3] =	wrdreg s18  }
0xb1: {  	[dreg:$0x4] =	wrdreg s24  }
0xb2: {  	[dreg:$0x5] =	wrdreg $0xA0500  }
0xb3: {  	[dreg:$0x6] =	wrdreg $0x1E0500  }
0xb4: {  	[dreg:$0x7] =	wrdreg $0x9  }
0xb5: {  	_ =	task.clear_ibuf [dreg:s8], $0x8FFFF;
	_ =	strace $0x90000046  }
0xb6: {  	s29 =	simm.s32 $0x9;
	_ =	strace $0x80000048  }
0xb7: {  	_ =	swait.ge [sflag:s29], $0x1  }
0xb8: {  	[sflag:s29] =	ssyncadd.s32 $0xFFFFFFFF  }
0xb9: {  	_ =	strace $0x90000048  }
0xba: {  	_ =	sfence  }
0xbb: {  	s30 =	sld [smem:$0x0];
	_ =	sdelay $0x2  }
0xbc: {  	s31 =	sshll.u32 s1, $0xD;
	s1 =	sshrl.u32 s1, $0x2  }
0xbd: {  	s3 =	sand.u32 $0x4000, s31;
	s1 =	sadd.s32 s1, s30  }
0xbe: {  	s0 =	sor.u32 s3, s0;
	s1 =	sshll.u32 s1, $0x11  }
0xbf: {  	s0 =	sor.u32 s1, s0  }
0xc0: {  	s0 =	sadd.s32 $0x8F2B, s0  }
0xc1: {  	[sflag:s0] =	ssyncadd.remote.s32 $0x1  }
0xc2: {  	_ =	sfence.sel $0xFFFF  }
0xc3: {  	[dreg:$0x0] =	wrdreg $0xFFFFFFFF;
	(pc) =	sbr.abs _section_cstart, $3  }
0xc4: {  	[dreg:$0x1] =	wrdreg $0xFFFFFFFF  }
0xc5: {  	_ =	task.clear_ibuf [dreg:s8], $0x2FFFF;
	_ =	strace $0x9FFFFFFF  }
0xc6: {  	(tm) =	ssettm $0x7FFFFFFF  }
0xc7: {  	_ =	shalt  }
tec
execute0_lowered:
.L_overlay_start_1:
0x0: {  	(tag) =	ssettag $0x1  }
0x1: {  	s0 =	rddreg [dreg:$0x0]  }
0x2: {  	s1 =	rddreg [dreg:$0x1]  }
0x3: {  	s2 =	rddreg [dreg:$0x2]  }
0x4: {  	s3 =	rddreg [dreg:$0x3];
	s5 =	srdreg.scid  }
0x5: {  	s11 =	stileid.u32;
	s4 =	rddreg [dreg:$0x4];
	s8 =	simm.s32 $0x0  }
0x6: {  	s28 =	simm.s32 $0x5;
	s29 =	simm.s32 $0x28;
	s6 =	smul.u32 $0x14000, s11  }
0x7: {  	s5 =	sand.u32 $0x1, s5;
	[smem:$0x7FF] =	sst s8;
	s14 =	smul.u32 $0x1400, s11  }
0x8: {  	s10 =	sadd.s32 $0x1800, s2;
	s15 =	sadd.s32 $0x1400, s2;
	s16 =	sadd.s32 $0x1200, s2  }
0x9: {  	s7 =	smul.u32 $0x140000, s5;
	_ =	strace $0x80000047;
	[dreg:$0x6] =	wrdreg s10  }
0xa: {  	s12 =	sshll.u32 s11, $0x6;
	s9 =	smul.u32 $0x14000, s5;
	[dreg:$0x7] =	wrdreg s15  }
0xb: {  	[dreg:$0x8] =	wrdreg s16;
	s17 =	ssub.s32 $0x2, s5;
	s5 =	sshll.u32 s5, $0x4  }
0xc: {  	s19 =	sor.u32 $0x1C02, s12;
	[dreg:$0x9] =	wrdreg s12;
	s31 =	sor.u32 $0x1C03, s12  }
0xd: {  	s15 =	simm.s32 $0x7;
	s16 =	simm.s32 $0xD;
	s12 =	simm.s32 $0x10  }
0xe: {  	s18 =	sshrl.u32 s17, $0x1;
	s5 =	sor.u32 s11, s5;
	[dreg:$0xa] =	wrdreg s19  }
0xf: {  	s8 =	sadd.s32 s14, s4;
	[dreg:$0x13] =	wrdreg s31;
	s11 =	simm.s32 $0x6  }
0x10: {  	s19 =	simm.s32 $0xC;
	s7 =	sadd.s32 s6, s7;
	s9 =	sadd.s32 s14, s9  }
0x11: {  	s5 =	smul.u32 $0x2710, s5;
	s6 =	sadd.s32 s6, s3;
	s30 =	sshrl.u32 s8, $0x3  }
0x12: {  	s8 =	simm.s32 $0xA;
	s7 =	sshrl.u32 s7, $0x3;
	s9 =	sshrl.u32 s9, $0x3  }
0x13: {  	[dreg:$0x14] =	wrdreg s30;
	s7 =	sadd.s32 s7, s2;
	s2 =	sadd.s32 s9, s2  }
0x14: {  	s9 =	ssub.s32 s17, s18;
	s20 =	sshrl.u32 s5, $0x3;
	s21 =	sadd.s32 $0x1388, s5  }
0x15: {  	s5 =	sadd.s32 $0x4F588, s5;
	s18 =	simm.s32 $0x9F10;
	s17 =	simm.s32 $0x8  }
0x16: {  	s13 =	sadd.s32 s1, s20;
	s22 =	sshrl.u32 s21, $0x3;
	s5 =	sshrl.u32 s5, $0x3  }
0x17: {  	s24 =	sadd.s32 $0x9000, s7;
	s25 =	sadd.s32 $0x4000, s2;
	s26 =	smax.u32 s9, $0x1  }
0x18: {  	s2 =	simm.s32 $0xE;
	s20 =	simm.s32 $0xF;
	[dreg:$0xb] =	wrdreg s13  }
0x19: {  	s9 =	simm.s32 $0xB;
	s21 =	simm.s32 $0x12;
	[dreg:$0xf] =	wrdreg s24  }
0x1a: {  	s7 =	simm.s32 $0x0;
	s23 =	sadd.s32 $0x9C40, s13;
	[dreg:$0x10] =	wrdreg s25  }
0x1b: {  	s10 =	sadd.s32 s1, s22;
	s1 =	sadd.s32 s1, s5;
	[dreg:$0x11] =	wrdreg s26  }
0x1c: {  	s24 =	simm.s32 $0x2;
	s25 =	simm.s32 $0x3;
	[dreg:$0xc] =	wrdreg s23  }
0x1d: {  	s26 =	simm.s32 $0x4;
	s13 =	simm.s32 $0x8B10;
	[dreg:$0xd] =	wrdreg s10  }
0x1e: {  	s5 =	simm.s32 $0x11;
	[dreg:$0xe] =	wrdreg s1;
	s10 =	sshrl.u32 s6, $0x3  }
0x1f: {  	s23 =	simm.s32 $0x1;
	s6 =	simm.s32 $0x9;
	[dreg:$0x12] =	wrdreg s10  }
.LBB2_1:
0x20: {  	[dreg:$0x15] =	wrdreg s7  }
0x21: {  	s22 =	rddreg [dreg:$0x8]  }
0x22: {  	s31 =	rddreg [dreg:$0x6]  }
0x23: {  	s1 =	simm.s32 $0x0;
	s14 =	rddreg [dreg:$0xa]  }
0x24: {  	[tilespmem:s18], [sflag:$0x1] =	stream.linear.gather [hbm4b:s22+s1], $0x140, $0x38;
	[tilespmem:$0x1F450] =	vst v63  }
0x25: {  	[spmem:s10], [sflag:s14] =	dma.local [hbm:s31], $0x2800  }
0x26: {  	s22 =	rddreg [dreg:$0x7]  }
0x27: {  	s7 =	smov.u32 s30;
	s14 =	rddreg [dreg:$0x13]  }
0x28: {  	[spmem:s7], [sflag:s14] =	dma.local [hbm:s22], $0x280  }
0x29: {  	s22 =	rddreg [dreg:$0xb]  }
0x2a: {  	[tilespmem:s1], [sflag:$0x4] =	stream.linear.gather [hbm4b:s22+s1], $0x1388, $0x38;
	[tilespmem:$0x1F450] =	vst v63  }
0x2b: {  	s14 =	simm.s32 $0x1388;
	s31 =	rddreg [dreg:$0xc]  }
0x2c: {  	[tilespmem:s14], [sflag:$0x5] =	stream.linear.gather [hbm4b:s31+s1], $0x1388, $0x38;
	[tilespmem:$0x1F450] =	vst v63  }
0x2d: {  	_ =	swait.ge [sflag:s23], $0x140  }
0x2e: {  	[sflag:s23] =	ssyncset.done $0x0  }
0x2f: {  	[sflag:s23] =	ssyncadd.s32 $0xFFFFFEC0  }
0x30: {  	_ =	swait.ge [sflag:s24], $0x2800  }
0x31: {  	[sflag:s24] =	ssyncset.done $0x0  }
0x32: {  	[sflag:s24] =	ssyncadd.s32 $0xFFFFD800  }
0x33: {  	_ =	swait.ge [sflag:s25], $0x280  }
0x34: {  	[sflag:s25] =	ssyncset.done $0x0  }
0x35: {  	[sflag:s25] =	ssyncadd.s32 $0xFFFFFD80  }
0x36: {  	_ =	swait.ge [sflag:s26], $0x1388  }
0x37: {  	[sflag:s26] =	ssyncset.done $0x0  }
0x38: {  	[sflag:s26] =	ssyncadd.s32 $0xFFFFEC78  }
0x39: {  	_ =	swait.ge [sflag:s28], $0x1388  }
0x3a: {  	[sflag:s28] =	ssyncset.done $0x0  }
0x3b: {  	[sflag:s28] =	ssyncadd.s32 $0xFFFFEC78  }
0x3c: {  	s22 =	simm.s32 $0x2710;
	[bflag:$0x0] =	sbarrier.arrive $0xFFFF  }
0x3d: {  	[tilespmem:s22], [sflag:$0x1] =	stream.indirect.gather [hbm4b:s0+s29], $0x80, s1, s29, $0xb8;
	[tilespmem:$0x1F450] =	vst v63  }
0x3e: {  	s1 =	simm.s32 $0x3B10  }
0x3f: {  	[tilespmem:s1], [sflag:$0x2] =	stream.indirect.gather [hbm4b:s0+s29], $0x80, s29, s29, $0xb8;
	[tilespmem:$0x1F450] =	vst v63  }
0x40: {  	s7 =	simm.s32 $0x50;
	s31 =	simm.s32 $0x4F10  }
0x41: {  	[tilespmem:s31], [sflag:$0x3] =	stream.indirect.gather [hbm4b:s0+s29], $0x80, s7, s29, $0xb8;
	[tilespmem:$0x1F450] =	vst v63  }
0x42: {  	s30 =	simm.s32 $0x6310;
	s10 =	simm.s32 $0x78  }
0x43: {  	[tilespmem:s30], [sflag:$0x4] =	stream.indirect.gather [hbm4b:s0+s29], $0x80, s10, s29, $0xb8;
	[tilespmem:$0x1F450] =	vst v63  }
0x44: {  	s7 =	simm.s32 $0xA0;
	s10 =	simm.s32 $0x7710  }
0x45: {  	[tilespmem:s10], [sflag:$0x5] =	stream.indirect.gather [hbm4b:s0+s29], $0x80, s7, s29, $0xb8;
	[tilespmem:$0x1F450] =	vst v63  }
0x46: {  	_ =	swait.ge [sflag:s23], $0x1400  }
0x47: {  	[sflag:s23] =	ssyncset.done $0x0  }
0x48: {  	[sflag:s23] =	ssyncadd.s32 $0xFFFFEC00  }
0x49: {  	[spmem:s3] =	stream.indirect.scatter.add.f32 [tilespmem:s22], [sflag:$0x7], $0x80, s14, s29, $0xb8;
	[tilespmem:$0x1F450] =	vst v63  }
0x4a: {  	_ = 	snop  }
0x4b: {  	[spmem:s4] =	stream.indirect.scatter.add.f32 [tilespmem:s18], [sflag:$0xD], $0x8, s14, s29, $0xb8;
	[tilespmem:$0x1F450] =	vst v63  }
0x4c: {  	s14 =	simm.s32 $0xC8  }
0x4d: {  	[tilespmem:s13], [sflag:$0x6] =	stream.indirect.gather [hbm4b:s0+s29], $0x80, s14, s29, $0xb8;
	[tilespmem:$0x1F450] =	vst v63  }
0x4e: {  	_ =	swait.ge [sflag:s24], $0x1400  }
0x4f: {  	[sflag:s24] =	ssyncset.done $0x0  }
0x50: {  	s14 =	simm.s32 $0x13B0;
	[sflag:s24] =	ssyncadd.s32 $0xFFFFEC00  }
0x51: {  	[spmem:s3] =	stream.indirect.scatter.add.f32 [tilespmem:s1], [sflag:$0x8], $0x80, s14, s29, $0xb8;
	[tilespmem:$0x1F450] =	vst v63  }
0x52: {  	_ = 	snop  }
0x53: {  	[spmem:s4] =	stream.indirect.scatter.add.f32 [tilespmem:s18], [sflag:$0xE], $0x8, s14, s29, $0xb8;
	[tilespmem:$0x1F450] =	vst v63  }
0x54: {  	_ =	swait.ge [sflag:s15], $0x1400  }
0x55: {  	[sflag:s15] =	ssyncset.done $0x0  }
0x56: {  	[sflag:s15] =	ssyncadd.s32 $0xFFFFEC00  }
0x57: {  	_ =	swait.ge [sflag:s16], $0x140  }
0x58: {  	[sflag:s16] =	ssyncset.done $0x0  }
0x59: {  	s7 =	simm.s32 $0xF0;
	[sflag:s16] =	ssyncadd.s32 $0xFFFFFEC0  }
0x5a: {  	[tilespmem:s22], [sflag:$0x1] =	stream.indirect.gather [hbm4b:s0+s29], $0x80, s7, s29, $0xb8;
	[tilespmem:$0x1F450] =	vst v63  }
0x5b: {  	_ =	swait.ge [sflag:s25], $0x1400  }
0x5c: {  	[sflag:s25] =	ssyncset.done $0x0  }
0x5d: {  	s7 =	simm.s32 $0x13D8;
	[sflag:s25] =	ssyncadd.s32 $0xFFFFEC00  }
0x5e: {  	[spmem:s3] =	stream.indirect.scatter.add.f32 [tilespmem:s31], [sflag:$0x9], $0x80, s7, s29, $0xb8;
	[tilespmem:$0x1F450] =	vst v63  }
0x5f: {  	_ = 	snop  }
0x60: {  	[spmem:s4] =	stream.indirect.scatter.add.f32 [tilespmem:s18], [sflag:$0xF], $0x8, s7, s29, $0xb8;
	[tilespmem:$0x1F450] =	vst v63  }
0x61: {  	_ =	swait.ge [sflag:s17], $0x1400  }
0x62: {  	[sflag:s17] =	ssyncset.done $0x0  }
0x63: {  	[sflag:s17] =	ssyncadd.s32 $0xFFFFEC00  }
0x64: {  	_ =	swait.ge [sflag:s2], $0x140  }
0x65: {  	[sflag:s2] =	ssyncset.done $0x0  }
0x66: {  	s7 =	simm.s32 $0x118;
	[sflag:s2] =	ssyncadd.s32 $0xFFFFFEC0  }
0x67: {  	[tilespmem:s1], [sflag:$0x2] =	stream.indirect.gather [hbm4b:s0+s29], $0x80, s7, s29, $0xb8;
	[tilespmem:$0x1F450] =	vst v63  }
0x68: {  	_ =	swait.ge [sflag:s26], $0x1400  }
0x69: {  	[sflag:s26] =	ssyncset.done $0x0  }
0x6a: {  	s7 =	simm.s32 $0x1400;
	[sflag:s26] =	ssyncadd.s32 $0xFFFFEC00  }
0x6b: {  	[spmem:s3] =	stream.indirect.scatter.add.f32 [tilespmem:s30], [sflag:$0xA], $0x80, s7, s29, $0xb8;
	[tilespmem:$0x1F450] =	vst v63  }
0x6c: {  	_ = 	snop  }
0x6d: {  	[spmem:s4] =	stream.indirect.scatter.add.f32 [tilespmem:s18], [sflag:$0x10], $0x8, s7, s29, $0xb8;
	[tilespmem:$0x1F450] =	vst v63  }
0x6e: {  	_ =	swait.ge [sflag:s6], $0x1400  }
0x6f: {  	[sflag:s6] =	ssyncset.done $0x0  }
0x70: {  	[sflag:s6] =	ssyncadd.s32 $0xFFFFEC00  }
0x71: {  	_ =	swait.ge [sflag:s20], $0x140  }
0x72: {  	[sflag:s20] =	ssyncset.done $0x0  }
0x73: {  	s7 =	simm.s32 $0x140;
	[sflag:s20] =	ssyncadd.s32 $0xFFFFFEC0  }
0x74: {  	[tilespmem:s31], [sflag:$0x3] =	stream.indirect.gather [hbm4b:s0+s29], $0x80, s7, s29, $0xb8;
	[tilespmem:$0x1F450] =	vst v63  }
0x75: {  	_ =	swait.ge [sflag:s28], $0x1400  }
0x76: {  	[sflag:s28] =	ssyncset.done $0x0  }
0x77: {  	s31 =	simm.s32 $0x1428;
	[sflag:s28] =	ssyncadd.s32 $0xFFFFEC00  }
0x78: {  	[spmem:s3] =	stream.indirect.scatter.add.f32 [tilespmem:s10], [sflag:$0xB], $0x80, s31, s29, $0xb8;
	[tilespmem:$0x1F450] =	vst v63  }
0x79: {  	_ = 	snop  }
0x7a: {  	[spmem:s4] =	stream.indirect.scatter.add.f32 [tilespmem:s18], [sflag:$0x11], $0x8, s31, s29, $0xb8;
	[tilespmem:$0x1F450] =	vst v63  }
0x7b: {  	_ =	swait.ge [sflag:s8], $0x1400  }
0x7c: {  	[sflag:s8] =	ssyncset.done $0x0  }
0x7d: {  	[sflag:s8] =	ssyncadd.s32 $0xFFFFEC00  }
0x7e: {  	_ =	swait.ge [sflag:s12], $0x140  }
0x7f: {  	[sflag:s12] =	ssyncset.done $0x0  }
0x80: {  	s7 =	simm.s32 $0x168;
	[sflag:s12] =	ssyncadd.s32 $0xFFFFFEC0  }
0x81: {  	[tilespmem:s30], [sflag:$0x4] =	stream.indirect.gather [hbm4b:s0+s29], $0x80, s7, s29, $0xb8;
	[tilespmem:$0x1F450] =	vst v63  }
0x82: {  	_ =	swait.ge [sflag:s11], $0x1400  }
0x83: {  	[sflag:s11] =	ssyncset.done $0x0  }
0x84: {  	s31 =	simm.s32 $0x1450;
	[sflag:s11] =	ssyncadd.s32 $0xFFFFEC00  }
0x85: {  	[spmem:s3] =	stream.indirect.scatter.add.f32 [tilespmem:s13], [sflag:$0xC], $0x80, s31, s29, $0xb8;
	[tilespmem:$0x1F450] =	vst v63  }
0x86: {  	_ = 	snop  }
0x87: {  	[spmem:s4] =	stream.indirect.scatter.add.f32 [tilespmem:s18], [sflag:$0x12], $0x8, s31, s29, $0xb8;
	[tilespmem:$0x1F450] =	vst v63  }
0x88: {  	_ =	swait.ge [sflag:s9], $0x1400  }
0x89: {  	[sflag:s9] =	ssyncset.done $0x0  }
0x8a: {  	[sflag:s9] =	ssyncadd.s32 $0xFFFFEC00  }
0x8b: {  	_ =	swait.ge [sflag:s5], $0x140  }
0x8c: {  	[sflag:s5] =	ssyncset.done $0x0  }
0x8d: {  	s7 =	simm.s32 $0x190;
	[sflag:s5] =	ssyncadd.s32 $0xFFFFFEC0  }
0x8e: {  	[tilespmem:s10], [sflag:$0x5] =	stream.indirect.gather [hbm4b:s0+s29], $0x80, s7, s29, $0xb8;
	[tilespmem:$0x1F450] =	vst v63  }
0x8f: {  	_ =	swait.ge [sflag:s23], $0x1400  }
0x90: {  	[sflag:s23] =	ssyncset.done $0x0  }
0x91: {  	s30 =	simm.s32 $0x1478;
	[sflag:s23] =	ssyncadd.s32 $0xFFFFEC00  }
0x92: {  	[spmem:s3] =	stream.indirect.scatter.add.f32 [tilespmem:s22], [sflag:$0x7], $0x80, s30, s29, $0xb8;
	[tilespmem:$0x1F450] =	vst v63  }
0x93: {  	_ = 	snop  }
0x94: {  	[spmem:s4] =	stream.indirect.scatter.add.f32 [tilespmem:s18], [sflag:$0xD], $0x8, s30, s29, $0xb8;
	[tilespmem:$0x1F450] =	vst v63  }
0x95: {  	_ =	swait.ge [sflag:s19], $0x1400  }
0x96: {  	[sflag:s19] =	ssyncset.done $0x0  }
0x97: {  	[sflag:s19] =	ssyncadd.s32 $0xFFFFEC00  }
0x98: {  	_ =	swait.ge [sflag:s21], $0x140  }
0x99: {  	[sflag:s21] =	ssyncset.done $0x0  }
0x9a: {  	s31 =	simm.s32 $0x1B8;
	[sflag:s21] =	ssyncadd.s32 $0xFFFFFEC0  }
0x9b: {  	[tilespmem:s13], [sflag:$0x6] =	stream.indirect.gather [hbm4b:s0+s29], $0x80, s31, s29, $0xb8;
	[tilespmem:$0x1F450] =	vst v63  }
0x9c: {  	_ =	swait.ge [sflag:s24], $0x1400  }
0x9d: {  	[sflag:s24] =	ssyncset.done $0x0  }
0x9e: {  	s14 =	simm.s32 $0x3C0;
	s22 =	simm.s32 $0x14A0;
	[sflag:s24] =	ssyncadd.s32 $0xFFFFEC00  }
0x9f: {  	[spmem:s3] =	stream.indirect.scatter.add.f32 [tilespmem:s1], [sflag:$0x8], $0x80, s22, s29, $0xb8;
	[tilespmem:$0x1F450] =	vst v63  }
.LBB2_2:
0xa0: {  	[spmem:s4] =	stream.indirect.scatter.add.f32 [tilespmem:s18], [sflag:$0xE], $0x8, s22, s29, $0xb8;
	[tilespmem:$0x1F450] =	vst v63  }
0xa1: {  	s22 =	smov.u32 s14  }
0xa2: {  	p0 =	sne.s32 s14, $0x4380;
	s14 =	sadd.s32 $0x3C0, s14;
	_ =	swait.ge [sflag:s15], $0x1400  }
0xa3: {  	[sflag:s15] =	ssyncset.done $0x0  }
0xa4: {  	[sflag:s15] =	ssyncadd.s32 $0xFFFFEC00  }
0xa5: {  	_ =	swait.ge [sflag:s16], $0x140  }
0xa6: {  	s22 =	sshra.s32 s22, $0x2;
	[sflag:s16] =	ssyncset.done $0x0  }
0xa7: {  	s31 =	simm.s32 $0x2710;
	s30 =	sadd.s32 $0xF0, s22;
	[sflag:s16] =	ssyncadd.s32 $0xFFFFFEC0  }
0xa8: {  	[tilespmem:s31], [sflag:$0x1] =	stream.indirect.gather [hbm4b:s0+s29], $0x80, s30, s29, $0xb8;
	[tilespmem:$0x1F450] =	vst v63  }
0xa9: {  	_ =	swait.ge [sflag:s25], $0x1400  }
0xaa: {  	[sflag:s25] =	ssyncset.done $0x0  }
0xab: {  	s7 =	simm.s32 $0x4F10;
	s30 =	sadd.s32 $0x13D8, s22;
	[sflag:s25] =	ssyncadd.s32 $0xFFFFEC00  }
0xac: {  	[spmem:s3] =	stream.indirect.scatter.add.f32 [tilespmem:s7], [sflag:$0x9], $0x80, s30, s29, $0xb8;
	[tilespmem:$0x1F450] =	vst v63  }
0xad: {  	_ = 	snop  }
0xae: {  	[spmem:s4] =	stream.indirect.scatter.add.f32 [tilespmem:s18], [sflag:$0xF], $0x8, s30, s29, $0xb8;
	[tilespmem:$0x1F450] =	vst v63  }
0xaf: {  	_ =	swait.ge [sflag:s17], $0x1400  }
0xb0: {  	[sflag:s17] =	ssyncset.done $0x0  }
0xb1: {  	[sflag:s17] =	ssyncadd.s32 $0xFFFFEC00  }
0xb2: {  	_ =	swait.ge [sflag:s2], $0x140  }
0xb3: {  	[sflag:s2] =	ssyncset.done $0x0  }
0xb4: {  	s1 =	simm.s32 $0x3B10;
	s30 =	sadd.s32 $0x118, s22;
	[sflag:s2] =	ssyncadd.s32 $0xFFFFFEC0  }
0xb5: {  	[tilespmem:s1], [sflag:$0x2] =	stream.indirect.gather [hbm4b:s0+s29], $0x80, s30, s29, $0xb8;
	[tilespmem:$0x1F450] =	vst v63  }
0xb6: {  	_ =	swait.ge [sflag:s26], $0x1400  }
0xb7: {  	[sflag:s26] =	ssyncset.done $0x0  }
0xb8: {  	s10 =	simm.s32 $0x6310;
	s30 =	sadd.s32 $0x1400, s22;
	[sflag:s26] =	ssyncadd.s32 $0xFFFFEC00  }
0xb9: {  	[spmem:s3] =	stream.indirect.scatter.add.f32 [tilespmem:s10], [sflag:$0xA], $0x80, s30, s29, $0xb8;
	[tilespmem:$0x1F450] =	vst v63  }
0xba: {  	_ = 	snop  }
0xbb: {  	[spmem:s4] =	stream.indirect.scatter.add.f32 [tilespmem:s18], [sflag:$0x10], $0x8, s30, s29, $0xb8;
	[tilespmem:$0x1F450] =	vst v63  }
0xbc: {  	_ =	swait.ge [sflag:s6], $0x1400  }
0xbd: {  	[sflag:s6] =	ssyncset.done $0x0  }
0xbe: {  	[sflag:s6] =	ssyncadd.s32 $0xFFFFEC00  }
0xbf: {  	_ =	swait.ge [sflag:s20], $0x140  }
0xc0: {  	[sflag:s20] =	ssyncset.done $0x0  }
0xc1: {  	s30 =	sadd.s32 $0x140, s22;
	[sflag:s20] =	ssyncadd.s32 $0xFFFFFEC0  }
0xc2: {  	[tilespmem:s7], [sflag:$0x3] =	stream.indirect.gather [hbm4b:s0+s29], $0x80, s30, s29, $0xb8;
	[tilespmem:$0x1F450] =	vst v63  }
0xc3: {  	_ =	swait.ge [sflag:s28], $0x1400  }
0xc4: {  	[sflag:s28] =	ssyncset.done $0x0  }
0xc5: {  	s30 =	sadd.s32 $0x1428, s22;
	s7 =	simm.s32 $0x7710;
	[sflag:s28] =	ssyncadd.s32 $0xFFFFEC00  }
0xc6: {  	[spmem:s3] =	stream.indirect.scatter.add.f32 [tilespmem:s7], [sflag:$0xB], $0x80, s30, s29, $0xb8;
	[tilespmem:$0x1F450] =	vst v63  }
0xc7: {  	_ = 	snop  }
0xc8: {  	[spmem:s4] =	stream.indirect.scatter.add.f32 [tilespmem:s18], [sflag:$0x11], $0x8, s30, s29, $0xb8;
	[tilespmem:$0x1F450] =	vst v63  }
0xc9: {  	_ =	swait.ge [sflag:s8], $0x1400  }
0xca: {  	[sflag:s8] =	ssyncset.done $0x0  }
0xcb: {  	[sflag:s8] =	ssyncadd.s32 $0xFFFFEC00  }
0xcc: {  	_ =	swait.ge [sflag:s12], $0x140  }
0xcd: {  	[sflag:s12] =	ssyncset.done $0x0  }
0xce: {  	s30 =	sadd.s32 $0x168, s22;
	[sflag:s12] =	ssyncadd.s32 $0xFFFFFEC0  }
0xcf: {  	[tilespmem:s10], [sflag:$0x4] =	stream.indirect.gather [hbm4b:s0+s29], $0x80, s30, s29, $0xb8;
	[tilespmem:$0x1F450] =	vst v63  }
0xd0: {  	_ =	swait.ge [sflag:s11], $0x1400  }
0xd1: {  	[sflag:s11] =	ssyncset.done $0x0  }
0xd2: {  	s30 =	sadd.s32 $0x1450, s22;
	[sflag:s11] =	ssyncadd.s32 $0xFFFFEC00  }
0xd3: {  	[spmem:s3] =	stream.indirect.scatter.add.f32 [tilespmem:s13], [sflag:$0xC], $0x80, s30, s29, $0xb8;
	[tilespmem:$0x1F450] =	vst v63  }
0xd4: {  	_ = 	snop  }
0xd5: {  	[spmem:s4] =	stream.indirect.scatter.add.f32 [tilespmem:s18], [sflag:$0x12], $0x8, s30, s29, $0xb8;
	[tilespmem:$0x1F450] =	vst v63  }
0xd6: {  	_ =	swait.ge [sflag:s9], $0x1400  }
0xd7: {  	[sflag:s9] =	ssyncset.done $0x0  }
0xd8: {  	[sflag:s9] =	ssyncadd.s32 $0xFFFFEC00  }
0xd9: {  	_ =	swait.ge [sflag:s5], $0x140  }
0xda: {  	[sflag:s5] =	ssyncset.done $0x0  }
0xdb: {  	s30 =	sadd.s32 $0x190, s22;
	[sflag:s5] =	ssyncadd.s32 $0xFFFFFEC0  }
0xdc: {  	[tilespmem:s7], [sflag:$0x5] =	stream.indirect.gather [hbm4b:s0+s29], $0x80, s30, s29, $0xb8;
	[tilespmem:$0x1F450] =	vst v63  }
0xdd: {  	_ =	swait.ge [sflag:s23], $0x1400  }
0xde: {  	[sflag:s23] =	ssyncset.done $0x0  }
0xdf: {  	s30 =	sadd.s32 $0x1478, s22;
	[sflag:s23] =	ssyncadd.s32 $0xFFFFEC00  }
0xe0: {  	[spmem:s3] =	stream.indirect.scatter.add.f32 [tilespmem:s31], [sflag:$0x7], $0x80, s30, s29, $0xb8;
	[tilespmem:$0x1F450] =	vst v63  }
0xe1: {  	_ = 	snop  }
0xe2: {  	[spmem:s4] =	stream.indirect.scatter.add.f32 [tilespmem:s18], [sflag:$0xD], $0x8, s30, s29, $0xb8;
	[tilespmem:$0x1F450] =	vst v63  }
0xe3: {  	_ =	swait.ge [sflag:s19], $0x1400  }
0xe4: {  	[sflag:s19] =	ssyncset.done $0x0  }
0xe5: {  	[sflag:s19] =	ssyncadd.s32 $0xFFFFEC00  }
0xe6: {  	_ =	swait.ge [sflag:s21], $0x140  }
0xe7: {  	[sflag:s21] =	ssyncset.done $0x0  }
0xe8: {  	s30 =	sadd.s32 $0x1B8, s22;
	[sflag:s21] =	ssyncadd.s32 $0xFFFFFEC0  }
0xe9: {  	[tilespmem:s13], [sflag:$0x6] =	stream.indirect.gather [hbm4b:s0+s29], $0x80, s30, s29, $0xb8;
	[tilespmem:$0x1F450] =	vst v63  }
.Ltmp0:
0xea: {  	_ = 	snop;
	(pc) =	sbr.rel @p0 .LBB2_2-.Ltmp0, $4  }
0xeb: {  	_ =	swait.ge [sflag:s24], $0x1400  }
0xec: {  	[sflag:s24] =	ssyncset.done $0x0  }
0xed: {  	s22 =	sadd.s32 $0x14A0, s22;
	[sflag:s24] =	ssyncadd.s32 $0xFFFFEC00  }
0xee: {  	[spmem:s3] =	stream.indirect.scatter.add.f32 [tilespmem:s1], [sflag:$0x8], $0x80, s22, s29, $0xb8;
	[tilespmem:$0x1F450] =	vst v63  }
0xef: {  	[spmem:s4] =	stream.indirect.scatter.add.f32 [tilespmem:s18], [sflag:$0xE], $0x8, s22, s29, $0xb8;
	[tilespmem:$0x1F450] =	vst v63  }
0xf0: {  	_ =	swait.ge [sflag:s15], $0x1400  }
0xf1: {  	[sflag:s15] =	ssyncset.done $0x0  }
0xf2: {  	[sflag:s15] =	ssyncadd.s32 $0xFFFFEC00  }
0xf3: {  	_ =	swait.ge [sflag:s16], $0x140  }
0xf4: {  	[sflag:s16] =	ssyncset.done $0x0  }
0xf5: {  	s7 =	simm.s32 $0x2710;
	s1 =	simm.s32 $0x12C0;
	[sflag:s16] =	ssyncadd.s32 $0xFFFFFEC0  }
0xf6: {  	[tilespmem:s7], [sflag:$0x1] =	stream.indirect.gather [hbm4b:s0+s29], $0x80, s1, s29, $0xb8;
	[tilespmem:$0x1F450] =	vst v63  }
0xf7: {  	_ =	swait.ge [sflag:s25], $0x1400  }
0xf8: {  	[sflag:s25] =	ssyncset.done $0x0  }
0xf9: {  	s31 =	simm.s32 $0x4F10;
	s7 =	simm.s32 $0x25A8;
	[sflag:s25] =	ssyncadd.s32 $0xFFFFEC00  }
0xfa: {  	[spmem:s3] =	stream.indirect.scatter.add.f32 [tilespmem:s31], [sflag:$0x9], $0x80, s7, s29, $0xb8;
	[tilespmem:$0x1F450] =	vst v63  }
0xfb: {  	_ = 	snop  }
0xfc: {  	[spmem:s4] =	stream.indirect.scatter.add.f32 [tilespmem:s18], [sflag:$0xF], $0x8, s7, s29, $0xb8;
	[tilespmem:$0x1F450] =	vst v63  }
0xfd: {  	_ =	swait.ge [sflag:s17], $0x1400  }
0xfe: {  	[sflag:s17] =	ssyncset.done $0x0  }
0xff: {  	[sflag:s17] =	ssyncadd.s32 $0xFFFFEC00  }
0x100: {  	_ =	swait.ge [sflag:s2], $0x140  }
0x101: {  	[sflag:s2] =	ssyncset.done $0x0  }
0x102: {  	s10 =	simm.s32 $0x3B10;
	s14 =	simm.s32 $0x12E8;
	[sflag:s2] =	ssyncadd.s32 $0xFFFFFEC0  }
0x103: {  	[tilespmem:s10], [sflag:$0x2] =	stream.indirect.gather [hbm4b:s0+s29], $0x80, s14, s29, $0xb8;
	[tilespmem:$0x1F450] =	vst v63  }
0x104: {  	_ =	swait.ge [sflag:s26], $0x1400  }
0x105: {  	[sflag:s26] =	ssyncset.done $0x0  }
0x106: {  	s30 =	simm.s32 $0x25D0;
	s7 =	simm.s32 $0x6310;
	[sflag:s26] =	ssyncadd.s32 $0xFFFFEC00  }
0x107: {  	[spmem:s3] =	stream.indirect.scatter.add.f32 [tilespmem:s7], [sflag:$0xA], $0x80, s30, s29, $0xb8;
	[tilespmem:$0x1F450] =	vst v63  }
0x108: {  	_ = 	snop  }
0x109: {  	[spmem:s4] =	stream.indirect.scatter.add.f32 [tilespmem:s18], [sflag:$0x10], $0x8, s30, s29, $0xb8;
	[tilespmem:$0x1F450] =	vst v63  }
0x10a: {  	_ =	swait.ge [sflag:s6], $0x1400  }
0x10b: {  	[sflag:s6] =	ssyncset.done $0x0  }
0x10c: {  	[sflag:s6] =	ssyncadd.s32 $0xFFFFEC00  }
0x10d: {  	_ =	swait.ge [sflag:s20], $0x140  }
0x10e: {  	[sflag:s20] =	ssyncset.done $0x0  }
0x10f: {  	s10 =	simm.s32 $0x1310;
	[sflag:s20] =	ssyncadd.s32 $0xFFFFFEC0  }
0x110: {  	[tilespmem:s31], [sflag:$0x3] =	stream.indirect.gather [hbm4b:s0+s29], $0x80, s10, s29, $0xb8;
	[tilespmem:$0x1F450] =	vst v63  }
0x111: {  	_ =	swait.ge [sflag:s28], $0x1400  }
0x112: {  	[sflag:s28] =	ssyncset.done $0x0  }
0x113: {  	s30 =	simm.s32 $0x25F8;
	s10 =	simm.s32 $0x7710;
	[sflag:s28] =	ssyncadd.s32 $0xFFFFEC00  }
0x114: {  	[spmem:s3] =	stream.indirect.scatter.add.f32 [tilespmem:s10], [sflag:$0xB], $0x80, s30, s29, $0xb8;
	[tilespmem:$0x1F450] =	vst v63  }
0x115: {  	_ = 	snop  }
0x116: {  	[spmem:s4] =	stream.indirect.scatter.add.f32 [tilespmem:s18], [sflag:$0x11], $0x8, s30, s29, $0xb8;
	[tilespmem:$0x1F450] =	vst v63  }
0x117: {  	_ =	swait.ge [sflag:s8], $0x1400  }
0x118: {  	[sflag:s8] =	ssyncset.done $0x0  }
0x119: {  	[sflag:s8] =	ssyncadd.s32 $0xFFFFEC00  }
0x11a: {  	_ =	swait.ge [sflag:s12], $0x140  }
0x11b: {  	[sflag:s12] =	ssyncset.done $0x0  }
0x11c: {  	s30 =	simm.s32 $0x1338;
	[sflag:s12] =	ssyncadd.s32 $0xFFFFFEC0  }
0x11d: {  	[tilespmem:s7], [sflag:$0x4] =	stream.indirect.gather [hbm4b:s0+s29], $0x80, s30, s29, $0xb8;
	[tilespmem:$0x1F450] =	vst v63  }
0x11e: {  	_ =	swait.ge [sflag:s11], $0x1400  }
0x11f: {  	[sflag:s11] =	ssyncset.done $0x0  }
0x120: {  	s30 =	simm.s32 $0x2620;
	[sflag:s11] =	ssyncadd.s32 $0xFFFFEC00  }
0x121: {  	[spmem:s3] =	stream.indirect.scatter.add.f32 [tilespmem:s13], [sflag:$0xC], $0x80, s30, s29, $0xb8;
	[tilespmem:$0x1F450] =	vst v63  }
0x122: {  	_ = 	snop  }
0x123: {  	[spmem:s4] =	stream.indirect.scatter.add.f32 [tilespmem:s18], [sflag:$0x12], $0x8, s30, s29, $0xb8;
	[tilespmem:$0x1F450] =	vst v63  }
0x124: {  	_ =	swait.ge [sflag:s9], $0x1400  }
0x125: {  	[sflag:s9] =	ssyncset.done $0x0  }
0x126: {  	[sflag:s9] =	ssyncadd.s32 $0xFFFFEC00  }
0x127: {  	_ =	swait.ge [sflag:s5], $0x140  }
0x128: {  	[sflag:s5] =	ssyncset.done $0x0  }
0x129: {  	s30 =	simm.s32 $0x1360;
	[sflag:s5] =	ssyncadd.s32 $0xFFFFFEC0  }
0x12a: {  	[tilespmem:s10], [sflag:$0x5] =	stream.indirect.gather [hbm4b:s0+s29], $0x80, s30, s29, $0xb8;
	[tilespmem:$0x1F450] =	vst v63  }
0x12b: {  	_ =	swait.ge [sflag:s23], $0x1400  }
0x12c: {  	[sflag:s23] =	ssyncset.done $0x0  }
0x12d: {  	s22 =	simm.s32 $0x2710;
	s30 =	simm.s32 $0x2648;
	[sflag:s23] =	ssyncadd.s32 $0xFFFFEC00  }
0x12e: {  	[spmem:s3] =	stream.indirect.scatter.add.f32 [tilespmem:s22], [sflag:$0x7], $0x80, s30, s29, $0xb8;
	[tilespmem:$0x1F450] =	vst v63  }
0x12f: {  	_ = 	snop  }
0x130: {  	[spmem:s4] =	stream.indirect.scatter.add.f32 [tilespmem:s18], [sflag:$0xD], $0x8, s30, s29, $0xb8;
	[tilespmem:$0x1F450] =	vst v63  }
0x131: {  	_ =	swait.ge [sflag:s24], $0x1400  }
0x132: {  	[sflag:s24] =	ssyncset.done $0x0  }
0x133: {  	s14 =	simm.s32 $0x3B10;
	s30 =	simm.s32 $0x2670;
	[sflag:s24] =	ssyncadd.s32 $0xFFFFEC00  }
0x134: {  	[spmem:s3] =	stream.indirect.scatter.add.f32 [tilespmem:s14], [sflag:$0x8], $0x80, s30, s29, $0xb8;
	[tilespmem:$0x1F450] =	vst v63  }
0x135: {  	_ = 	snop  }
0x136: {  	[spmem:s4] =	stream.indirect.scatter.add.f32 [tilespmem:s18], [sflag:$0xE], $0x8, s30, s29, $0xb8;
	[tilespmem:$0x1F450] =	vst v63  }
0x137: {  	_ =	swait.ge [sflag:s25], $0x1400  }
0x138: {  	[sflag:s25] =	ssyncset.done $0x0  }
0x139: {  	s14 =	simm.s32 $0x2698;
	[sflag:s25] =	ssyncadd.s32 $0xFFFFEC00  }
0x13a: {  	[spmem:s3] =	stream.indirect.scatter.add.f32 [tilespmem:s31], [sflag:$0x9], $0x80, s14, s29, $0xb8;
	[tilespmem:$0x1F450] =	vst v63  }
0x13b: {  	_ = 	snop  }
0x13c: {  	[spmem:s4] =	stream.indirect.scatter.add.f32 [tilespmem:s18], [sflag:$0xF], $0x8, s14, s29, $0xb8;
	[tilespmem:$0x1F450] =	vst v63  }
0x13d: {  	_ =	swait.ge [sflag:s26], $0x1400  }
0x13e: {  	[sflag:s26] =	ssyncset.done $0x0  }
0x13f: {  	s22 =	simm.s32 $0x26C0;
	[sflag:s26] =	ssyncadd.s32 $0xFFFFEC00  }
0x140: {  	[spmem:s3] =	stream.indirect.scatter.add.f32 [tilespmem:s7], [sflag:$0xA], $0x80, s22, s29, $0xb8;
	[tilespmem:$0x1F450] =	vst v63  }
0x141: {  	_ = 	snop  }
0x142: {  	[spmem:s4] =	stream.indirect.scatter.add.f32 [tilespmem:s18], [sflag:$0x10], $0x8, s22, s29, $0xb8;
	[tilespmem:$0x1F450] =	vst v63  }
0x143: {  	_ =	swait.ge [sflag:s28], $0x1400  }
0x144: {  	[sflag:s28] =	ssyncset.done $0x0  }
0x145: {  	s30 =	simm.s32 $0x26E8;
	[sflag:s28] =	ssyncadd.s32 $0xFFFFEC00  }
0x146: {  	[spmem:s3] =	stream.indirect.scatter.add.f32 [tilespmem:s10], [sflag:$0xB], $0x80, s30, s29, $0xb8;
	[tilespmem:$0x1F450] =	vst v63  }
0x147: {  	_ = 	snop  }
0x148: {  	[spmem:s4] =	stream.indirect.scatter.add.f32 [tilespmem:s18], [sflag:$0x11], $0x8, s30, s29, $0xb8;
	[tilespmem:$0x1F450] =	vst v63  }
0x149: {  	_ =	swait.ge [sflag:s19], $0x1400  }
0x14a: {  	[sflag:s19] =	ssyncset.done $0x0  }
0x14b: {  	[sflag:s19] =	ssyncadd.s32 $0xFFFFEC00  }
0x14c: {  	_ =	swait.ge [sflag:s21], $0x140  }
0x14d: {  	[sflag:s21] =	ssyncset.done $0x0  }
0x14e: {  	[sflag:s21] =	ssyncadd.s32 $0xFFFFFEC0  }
0x14f: {  	_ =	swait.ge [sflag:s15], $0x1400  }
0x150: {  	[sflag:s15] =	ssyncset.done $0x0  }
0x151: {  	[sflag:s15] =	ssyncadd.s32 $0xFFFFEC00  }
0x152: {  	_ =	swait.ge [sflag:s16], $0x140  }
0x153: {  	[sflag:s16] =	ssyncset.done $0x0  }
0x154: {  	[sflag:s16] =	ssyncadd.s32 $0xFFFFFEC0  }
0x155: {  	_ =	swait.ge [sflag:s17], $0x1400  }
0x156: {  	[sflag:s17] =	ssyncset.done $0x0  }
0x157: {  	[sflag:s17] =	ssyncadd.s32 $0xFFFFEC00  }
0x158: {  	_ =	swait.ge [sflag:s2], $0x140  }
0x159: {  	[sflag:s2] =	ssyncset.done $0x0  }
0x15a: {  	[sflag:s2] =	ssyncadd.s32 $0xFFFFFEC0  }
0x15b: {  	_ =	swait.ge [sflag:s6], $0x1400  }
0x15c: {  	[sflag:s6] =	ssyncset.done $0x0  }
0x15d: {  	[sflag:s6] =	ssyncadd.s32 $0xFFFFEC00  }
0x15e: {  	_ =	swait.ge [sflag:s20], $0x140  }
0x15f: {  	[sflag:s20] =	ssyncset.done $0x0  }
0x160: {  	[sflag:s20] =	ssyncadd.s32 $0xFFFFFEC0  }
0x161: {  	_ =	swait.ge [sflag:s8], $0x1400  }
0x162: {  	[sflag:s8] =	ssyncset.done $0x0  }
0x163: {  	[sflag:s8] =	ssyncadd.s32 $0xFFFFEC00  }
0x164: {  	_ =	swait.ge [sflag:s12], $0x140  }
0x165: {  	[sflag:s12] =	ssyncset.done $0x0  }
0x166: {  	[sflag:s12] =	ssyncadd.s32 $0xFFFFFEC0  }
0x167: {  	_ =	swait.ge [sflag:s9], $0x1400  }
0x168: {  	[sflag:s9] =	ssyncset.done $0x0  }
0x169: {  	[sflag:s9] =	ssyncadd.s32 $0xFFFFEC00  }
0x16a: {  	_ =	swait.ge [sflag:s5], $0x140  }
0x16b: {  	[sflag:s5] =	ssyncset.done $0x0  }
0x16c: {  	s14 =	simm.s32 $0x0;
	s1 =	rddreg [dreg:$0xd];
	[sflag:s5] =	ssyncadd.s32 $0xFFFFFEC0  }
0x16d: {  	[tilespmem:s14], [sflag:$0x13] =	stream.linear.gather [hbm4b:s1+s14], $0x1388, $0x38;
	[tilespmem:$0x1F450] =	vst v63  }
0x16e: {  	s1 =	simm.s32 $0x13  }
0x16f: {  	_ =	swait.ge [sflag:s1], $0x1388  }
0x170: {  	[sflag:s1] =	ssyncset.done $0x0  }
0x171: {  	s30 =	simm.s32 $0x1388;
	s22 =	rddreg [dreg:$0xe];
	[sflag:s1] =	ssyncadd.s32 $0xFFFFEC78  }
0x172: {  	[tilespmem:s30], [sflag:$0x13] =	stream.linear.gather [hbm4b:s22+s14], $0x1388, $0x38;
	[tilespmem:$0x1F450] =	vst v63  }
0x173: {  	_ =	swait.ge [sflag:s1], $0x1388  }
0x174: {  	[sflag:s1] =	ssyncset.done $0x0  }
0x175: {  	s22 =	simm.s32 $0x2710;
	[sflag:s1] =	ssyncadd.s32 $0xFFFFEC78  }
0x176: {  	[tilespmem:s22], [sflag:$0x1] =	stream.indirect.gather [hbm4b:s0+s29], $0x80, s14, s29, $0xb8;
	[tilespmem:$0x1F450] =	vst v63  }
0x177: {  	s14 =	simm.s32 $0x3B10  }
0x178: {  	[tilespmem:s14], [sflag:$0x2] =	stream.indirect.gather [hbm4b:s0+s29], $0x80, s29, s29, $0xb8;
	[tilespmem:$0x1F450] =	vst v63  }
0x179: {  	s1 =	simm.s32 $0x50  }
0x17a: {  	[tilespmem:s31], [sflag:$0x3] =	stream.indirect.gather [hbm4b:s0+s29], $0x80, s1, s29, $0xb8;
	[tilespmem:$0x1F450] =	vst v63  }
0x17b: {  	s1 =	simm.s32 $0x78  }
0x17c: {  	[tilespmem:s7], [sflag:$0x4] =	stream.indirect.gather [hbm4b:s0+s29], $0x80, s1, s29, $0xb8;
	[tilespmem:$0x1F450] =	vst v63  }
0x17d: {  	s1 =	simm.s32 $0xA0  }
0x17e: {  	[tilespmem:s10], [sflag:$0x5] =	stream.indirect.gather [hbm4b:s0+s29], $0x80, s1, s29, $0xb8;
	[tilespmem:$0x1F450] =	vst v63  }
0x17f: {  	_ =	swait.ge [sflag:s23], $0x1400  }
0x180: {  	[sflag:s23] =	ssyncset.done $0x0  }
0x181: {  	[sflag:s23] =	ssyncadd.s32 $0xFFFFEC00  }
0x182: {  	[spmem:s3] =	stream.indirect.scatter.add.f32 [tilespmem:s22], [sflag:$0x7], $0x80, s30, s29, $0xb8;
	[tilespmem:$0x1F450] =	vst v63  }
0x183: {  	_ = 	snop  }
0x184: {  	[spmem:s4] =	stream.indirect.scatter.add.f32 [tilespmem:s18], [sflag:$0xD], $0x8, s30, s29, $0xb8;
	[tilespmem:$0x1F450] =	vst v63  }
0x185: {  	s30 =	simm.s32 $0xC8  }
0x186: {  	[tilespmem:s13], [sflag:$0x6] =	stream.indirect.gather [hbm4b:s0+s29], $0x80, s30, s29, $0xb8;
	[tilespmem:$0x1F450] =	vst v63  }
0x187: {  	_ =	swait.ge [sflag:s24], $0x1400  }
0x188: {  	[sflag:s24] =	ssyncset.done $0x0  }
0x189: {  	s1 =	simm.s32 $0x13B0;
	[sflag:s24] =	ssyncadd.s32 $0xFFFFEC00  }
0x18a: {  	[spmem:s3] =	stream.indirect.scatter.add.f32 [tilespmem:s14], [sflag:$0x8], $0x80, s1, s29, $0xb8;
	[tilespmem:$0x1F450] =	vst v63  }
0x18b: {  	_ = 	snop  }
0x18c: {  	[spmem:s4] =	stream.indirect.scatter.add.f32 [tilespmem:s18], [sflag:$0xE], $0x8, s1, s29, $0xb8;
	[tilespmem:$0x1F450] =	vst v63  }
0x18d: {  	_ =	swait.ge [sflag:s15], $0x1400  }
0x18e: {  	[sflag:s15] =	ssyncset.done $0x0  }
0x18f: {  	[sflag:s15] =	ssyncadd.s32 $0xFFFFEC00  }
0x190: {  	_ =	swait.ge [sflag:s16], $0x140  }
0x191: {  	[sflag:s16] =	ssyncset.done $0x0  }
0x192: {  	s22 =	simm.s32 $0x2710;
	s1 =	simm.s32 $0xF0;
	[sflag:s16] =	ssyncadd.s32 $0xFFFFFEC0  }
0x193: {  	[tilespmem:s22], [sflag:$0x1] =	stream.indirect.gather [hbm4b:s0+s29], $0x80, s1, s29, $0xb8;
	[tilespmem:$0x1F450] =	vst v63  }
0x194: {  	_ =	swait.ge [sflag:s25], $0x1400  }
0x195: {  	[sflag:s25] =	ssyncset.done $0x0  }
0x196: {  	s1 =	simm.s32 $0x13D8;
	[sflag:s25] =	ssyncadd.s32 $0xFFFFEC00  }
0x197: {  	[spmem:s3] =	stream.indirect.scatter.add.f32 [tilespmem:s31], [sflag:$0x9], $0x80, s1, s29, $0xb8;
	[tilespmem:$0x1F450] =	vst v63  }
0x198: {  	_ = 	snop  }
0x199: {  	[spmem:s4] =	stream.indirect.scatter.add.f32 [tilespmem:s18], [sflag:$0xF], $0x8, s1, s29, $0xb8;
	[tilespmem:$0x1F450] =	vst v63  }
0x19a: {  	_ =	swait.ge [sflag:s17], $0x1400  }
0x19b: {  	[sflag:s17] =	ssyncset.done $0x0  }
0x19c: {  	[sflag:s17] =	ssyncadd.s32 $0xFFFFEC00  }
0x19d: {  	_ =	swait.ge [sflag:s2], $0x140  }
0x19e: {  	[sflag:s2] =	ssyncset.done $0x0  }
0x19f: {  	s30 =	simm.s32 $0x3B10;
	s1 =	simm.s32 $0x118;
	[sflag:s2] =	ssyncadd.s32 $0xFFFFFEC0  }
0x1a0: {  	[tilespmem:s30], [sflag:$0x2] =	stream.indirect.gather [hbm4b:s0+s29], $0x80, s1, s29, $0xb8;
	[tilespmem:$0x1F450] =	vst v63  }
0x1a1: {  	_ =	swait.ge [sflag:s26], $0x1400  }
0x1a2: {  	[sflag:s26] =	ssyncset.done $0x0  }
0x1a3: {  	s1 =	simm.s32 $0x1400;
	[sflag:s26] =	ssyncadd.s32 $0xFFFFEC00  }
0x1a4: {  	[spmem:s3] =	stream.indirect.scatter.add.f32 [tilespmem:s7], [sflag:$0xA], $0x80, s1, s29, $0xb8;
	[tilespmem:$0x1F450] =	vst v63  }
0x1a5: {  	_ = 	snop  }
0x1a6: {  	[spmem:s4] =	stream.indirect.scatter.add.f32 [tilespmem:s18], [sflag:$0x10], $0x8, s1, s29, $0xb8;
	[tilespmem:$0x1F450] =	vst v63  }
0x1a7: {  	_ =	swait.ge [sflag:s6], $0x1400  }
0x1a8: {  	[sflag:s6] =	ssyncset.done $0x0  }
0x1a9: {  	[sflag:s6] =	ssyncadd.s32 $0xFFFFEC00  }
0x1aa: {  	_ =	swait.ge [sflag:s20], $0x140  }
0x1ab: {  	[sflag:s20] =	ssyncset.done $0x0  }
0x1ac: {  	s1 =	simm.s32 $0x140;
	[sflag:s20] =	ssyncadd.s32 $0xFFFFFEC0  }
0x1ad: {  	[tilespmem:s31], [sflag:$0x3] =	stream.indirect.gather [hbm4b:s0+s29], $0x80, s1, s29, $0xb8;
	[tilespmem:$0x1F450] =	vst v63  }
0x1ae: {  	_ =	swait.ge [sflag:s28], $0x1400  }
0x1af: {  	[sflag:s28] =	ssyncset.done $0x0  }
0x1b0: {  	s1 =	simm.s32 $0x1428;
	[sflag:s28] =	ssyncadd.s32 $0xFFFFEC00  }
0x1b1: {  	[spmem:s3] =	stream.indirect.scatter.add.f32 [tilespmem:s10], [sflag:$0xB], $0x80, s1, s29, $0xb8;
	[tilespmem:$0x1F450] =	vst v63  }
0x1b2: {  	_ = 	snop  }
0x1b3: {  	[spmem:s4] =	stream.indirect.scatter.add.f32 [tilespmem:s18], [sflag:$0x11], $0x8, s1, s29, $0xb8;
	[tilespmem:$0x1F450] =	vst v63  }
0x1b4: {  	_ =	swait.ge [sflag:s8], $0x1400  }
0x1b5: {  	[sflag:s8] =	ssyncset.done $0x0  }
0x1b6: {  	[sflag:s8] =	ssyncadd.s32 $0xFFFFEC00  }
0x1b7: {  	_ =	swait.ge [sflag:s12], $0x140  }
0x1b8: {  	[sflag:s12] =	ssyncset.done $0x0  }
0x1b9: {  	s31 =	simm.s32 $0x168;
	[sflag:s12] =	ssyncadd.s32 $0xFFFFFEC0  }
0x1ba: {  	[tilespmem:s7], [sflag:$0x4] =	stream.indirect.gather [hbm4b:s0+s29], $0x80, s31, s29, $0xb8;
	[tilespmem:$0x1F450] =	vst v63  }
0x1bb: {  	_ =	swait.ge [sflag:s11], $0x1400  }
0x1bc: {  	[sflag:s11] =	ssyncset.done $0x0  }
0x1bd: {  	s1 =	simm.s32 $0x1450;
	[sflag:s11] =	ssyncadd.s32 $0xFFFFEC00  }
0x1be: {  	[spmem:s3] =	stream.indirect.scatter.add.f32 [tilespmem:s13], [sflag:$0xC], $0x80, s1, s29, $0xb8;
	[tilespmem:$0x1F450] =	vst v63  }
0x1bf: {  	_ = 	snop  }
0x1c0: {  	[spmem:s4] =	stream.indirect.scatter.add.f32 [tilespmem:s18], [sflag:$0x12], $0x8, s1, s29, $0xb8;
	[tilespmem:$0x1F450] =	vst v63  }
0x1c1: {  	_ =	swait.ge [sflag:s9], $0x1400  }
0x1c2: {  	[sflag:s9] =	ssyncset.done $0x0  }
0x1c3: {  	[sflag:s9] =	ssyncadd.s32 $0xFFFFEC00  }
0x1c4: {  	_ =	swait.ge [sflag:s5], $0x140  }
0x1c5: {  	[sflag:s5] =	ssyncset.done $0x0  }
0x1c6: {  	s7 =	simm.s32 $0x190;
	[sflag:s5] =	ssyncadd.s32 $0xFFFFFEC0  }
0x1c7: {  	[tilespmem:s10], [sflag:$0x5] =	stream.indirect.gather [hbm4b:s0+s29], $0x80, s7, s29, $0xb8;
	[tilespmem:$0x1F450] =	vst v63  }
0x1c8: {  	_ =	swait.ge [sflag:s23], $0x1400  }
0x1c9: {  	[sflag:s23] =	ssyncset.done $0x0  }
0x1ca: {  	s10 =	simm.s32 $0x1478;
	[sflag:s23] =	ssyncadd.s32 $0xFFFFEC00  }
0x1cb: {  	[spmem:s3] =	stream.indirect.scatter.add.f32 [tilespmem:s22], [sflag:$0x7], $0x80, s10, s29, $0xb8;
	[tilespmem:$0x1F450] =	vst v63  }
0x1cc: {  	_ = 	snop  }
0x1cd: {  	[spmem:s4] =	stream.indirect.scatter.add.f32 [tilespmem:s18], [sflag:$0xD], $0x8, s10, s29, $0xb8;
	[tilespmem:$0x1F450] =	vst v63  }
0x1ce: {  	_ =	swait.ge [sflag:s19], $0x1400  }
0x1cf: {  	[sflag:s19] =	ssyncset.done $0x0  }
0x1d0: {  	[sflag:s19] =	ssyncadd.s32 $0xFFFFEC00  }
0x1d1: {  	_ =	swait.ge [sflag:s21], $0x140  }
0x1d2: {  	[sflag:s21] =	ssyncset.done $0x0  }
0x1d3: {  	s31 =	simm.s32 $0x1B8;
	[sflag:s21] =	ssyncadd.s32 $0xFFFFFEC0  }
0x1d4: {  	[tilespmem:s13], [sflag:$0x6] =	stream.indirect.gather [hbm4b:s0+s29], $0x80, s31, s29, $0xb8;
	[tilespmem:$0x1F450] =	vst v63  }
0x1d5: {  	_ =	swait.ge [sflag:s24], $0x1400  }
0x1d6: {  	[sflag:s24] =	ssyncset.done $0x0  }
0x1d7: {  	s14 =	simm.s32 $0x3C0;
	s22 =	simm.s32 $0x14A0;
	[sflag:s24] =	ssyncadd.s32 $0xFFFFEC00  }
0x1d8: {  	[spmem:s3] =	stream.indirect.scatter.add.f32 [tilespmem:s30], [sflag:$0x8], $0x80, s22, s29, $0xb8;
	[tilespmem:$0x1F450] =	vst v63  }
.LBB2_4:
0x1d9: {  	[spmem:s4] =	stream.indirect.scatter.add.f32 [tilespmem:s18], [sflag:$0xE], $0x8, s22, s29, $0xb8;
	[tilespmem:$0x1F450] =	vst v63  }
0x1da: {  	s22 =	smov.u32 s14  }
0x1db: {  	p0 =	sne.s32 s14, $0x4380;
	s14 =	sadd.s32 $0x3C0, s14;
	_ =	swait.ge [sflag:s15], $0x1400  }
0x1dc: {  	[sflag:s15] =	ssyncset.done $0x0  }
0x1dd: {  	[sflag:s15] =	ssyncadd.s32 $0xFFFFEC00  }
0x1de: {  	_ =	swait.ge [sflag:s16], $0x140  }
0x1df: {  	s22 =	sshra.s32 s22, $0x2;
	[sflag:s16] =	ssyncset.done $0x0  }
0x1e0: {  	s31 =	simm.s32 $0x2710;
	s30 =	sadd.s32 $0xF0, s22;
	[sflag:s16] =	ssyncadd.s32 $0xFFFFFEC0  }
0x1e1: {  	[tilespmem:s31], [sflag:$0x1] =	stream.indirect.gather [hbm4b:s0+s29], $0x80, s30, s29, $0xb8;
	[tilespmem:$0x1F450] =	vst v63  }
0x1e2: {  	_ =	swait.ge [sflag:s25], $0x1400  }
0x1e3: {  	[sflag:s25] =	ssyncset.done $0x0  }
0x1e4: {  	s7 =	simm.s32 $0x4F10;
	s30 =	sadd.s32 $0x13D8, s22;
	[sflag:s25] =	ssyncadd.s32 $0xFFFFEC00  }
0x1e5: {  	[spmem:s3] =	stream.indirect.scatter.add.f32 [tilespmem:s7], [sflag:$0x9], $0x80, s30, s29, $0xb8;
	[tilespmem:$0x1F450] =	vst v63  }
0x1e6: {  	_ = 	snop  }
0x1e7: {  	[spmem:s4] =	stream.indirect.scatter.add.f32 [tilespmem:s18], [sflag:$0xF], $0x8, s30, s29, $0xb8;
	[tilespmem:$0x1F450] =	vst v63  }
0x1e8: {  	_ =	swait.ge [sflag:s17], $0x1400  }
0x1e9: {  	[sflag:s17] =	ssyncset.done $0x0  }
0x1ea: {  	[sflag:s17] =	ssyncadd.s32 $0xFFFFEC00  }
0x1eb: {  	_ =	swait.ge [sflag:s2], $0x140  }
0x1ec: {  	[sflag:s2] =	ssyncset.done $0x0  }
0x1ed: {  	s1 =	simm.s32 $0x3B10;
	s30 =	sadd.s32 $0x118, s22;
	[sflag:s2] =	ssyncadd.s32 $0xFFFFFEC0  }
0x1ee: {  	[tilespmem:s1], [sflag:$0x2] =	stream.indirect.gather [hbm4b:s0+s29], $0x80, s30, s29, $0xb8;
	[tilespmem:$0x1F450] =	vst v63  }
0x1ef: {  	_ =	swait.ge [sflag:s26], $0x1400  }
0x1f0: {  	[sflag:s26] =	ssyncset.done $0x0  }
0x1f1: {  	s10 =	simm.s32 $0x6310;
	s30 =	sadd.s32 $0x1400, s22;
	[sflag:s26] =	ssyncadd.s32 $0xFFFFEC00  }
0x1f2: {  	[spmem:s3] =	stream.indirect.scatter.add.f32 [tilespmem:s10], [sflag:$0xA], $0x80, s30, s29, $0xb8;
	[tilespmem:$0x1F450] =	vst v63  }
0x1f3: {  	_ = 	snop  }
0x1f4: {  	[spmem:s4] =	stream.indirect.scatter.add.f32 [tilespmem:s18], [sflag:$0x10], $0x8, s30, s29, $0xb8;
	[tilespmem:$0x1F450] =	vst v63  }
0x1f5: {  	_ =	swait.ge [sflag:s6], $0x1400  }
0x1f6: {  	[sflag:s6] =	ssyncset.done $0x0  }
0x1f7: {  	[sflag:s6] =	ssyncadd.s32 $0xFFFFEC00  }
0x1f8: {  	_ =	swait.ge [sflag:s20], $0x140  }
0x1f9: {  	[sflag:s20] =	ssyncset.done $0x0  }
0x1fa: {  	s30 =	sadd.s32 $0x140, s22;
	[sflag:s20] =	ssyncadd.s32 $0xFFFFFEC0  }
0x1fb: {  	[tilespmem:s7], [sflag:$0x3] =	stream.indirect.gather [hbm4b:s0+s29], $0x80, s30, s29, $0xb8;
	[tilespmem:$0x1F450] =	vst v63  }
0x1fc: {  	_ =	swait.ge [sflag:s28], $0x1400  }
0x1fd: {  	[sflag:s28] =	ssyncset.done $0x0  }
0x1fe: {  	s30 =	sadd.s32 $0x1428, s22;
	s7 =	simm.s32 $0x7710;
	[sflag:s28] =	ssyncadd.s32 $0xFFFFEC00  }
0x1ff: {  	[spmem:s3] =	stream.indirect.scatter.add.f32 [tilespmem:s7], [sflag:$0xB], $0x80, s30, s29, $0xb8;
	[tilespmem:$0x1F450] =	vst v63  }
0x200: {  	_ = 	snop  }
0x201: {  	[spmem:s4] =	stream.indirect.scatter.add.f32 [tilespmem:s18], [sflag:$0x11], $0x8, s30, s29, $0xb8;
	[tilespmem:$0x1F450] =	vst v63  }
0x202: {  	_ =	swait.ge [sflag:s8], $0x1400  }
0x203: {  	[sflag:s8] =	ssyncset.done $0x0  }
0x204: {  	[sflag:s8] =	ssyncadd.s32 $0xFFFFEC00  }
0x205: {  	_ =	swait.ge [sflag:s12], $0x140  }
0x206: {  	[sflag:s12] =	ssyncset.done $0x0  }
0x207: {  	s30 =	sadd.s32 $0x168, s22;
	[sflag:s12] =	ssyncadd.s32 $0xFFFFFEC0  }
0x208: {  	[tilespmem:s10], [sflag:$0x4] =	stream.indirect.gather [hbm4b:s0+s29], $0x80, s30, s29, $0xb8;
	[tilespmem:$0x1F450] =	vst v63  }
0x209: {  	_ =	swait.ge [sflag:s11], $0x1400  }
0x20a: {  	[sflag:s11] =	ssyncset.done $0x0  }
0x20b: {  	s30 =	sadd.s32 $0x1450, s22;
	[sflag:s11] =	ssyncadd.s32 $0xFFFFEC00  }
0x20c: {  	[spmem:s3] =	stream.indirect.scatter.add.f32 [tilespmem:s13], [sflag:$0xC], $0x80, s30, s29, $0xb8;
	[tilespmem:$0x1F450] =	vst v63  }
0x20d: {  	_ = 	snop  }
0x20e: {  	[spmem:s4] =	stream.indirect.scatter.add.f32 [tilespmem:s18], [sflag:$0x12], $0x8, s30, s29, $0xb8;
	[tilespmem:$0x1F450] =	vst v63  }
0x20f: {  	_ =	swait.ge [sflag:s9], $0x1400  }
0x210: {  	[sflag:s9] =	ssyncset.done $0x0  }
0x211: {  	[sflag:s9] =	ssyncadd.s32 $0xFFFFEC00  }
0x212: {  	_ =	swait.ge [sflag:s5], $0x140  }
0x213: {  	[sflag:s5] =	ssyncset.done $0x0  }
0x214: {  	s30 =	sadd.s32 $0x190, s22;
	[sflag:s5] =	ssyncadd.s32 $0xFFFFFEC0  }
0x215: {  	[tilespmem:s7], [sflag:$0x5] =	stream.indirect.gather [hbm4b:s0+s29], $0x80, s30, s29, $0xb8;
	[tilespmem:$0x1F450] =	vst v63  }
0x216: {  	_ =	swait.ge [sflag:s23], $0x1400  }
0x217: {  	[sflag:s23] =	ssyncset.done $0x0  }
0x218: {  	s30 =	sadd.s32 $0x1478, s22;
	[sflag:s23] =	ssyncadd.s32 $0xFFFFEC00  }
0x219: {  	[spmem:s3] =	stream.indirect.scatter.add.f32 [tilespmem:s31], [sflag:$0x7], $0x80, s30, s29, $0xb8;
	[tilespmem:$0x1F450] =	vst v63  }
0x21a: {  	_ = 	snop  }
0x21b: {  	[spmem:s4] =	stream.indirect.scatter.add.f32 [tilespmem:s18], [sflag:$0xD], $0x8, s30, s29, $0xb8;
	[tilespmem:$0x1F450] =	vst v63  }
0x21c: {  	_ =	swait.ge [sflag:s19], $0x1400  }
0x21d: {  	[sflag:s19] =	ssyncset.done $0x0  }
0x21e: {  	[sflag:s19] =	ssyncadd.s32 $0xFFFFEC00  }
0x21f: {  	_ =	swait.ge [sflag:s21], $0x140  }
0x220: {  	[sflag:s21] =	ssyncset.done $0x0  }
0x221: {  	s30 =	sadd.s32 $0x1B8, s22;
	[sflag:s21] =	ssyncadd.s32 $0xFFFFFEC0  }
0x222: {  	[tilespmem:s13], [sflag:$0x6] =	stream.indirect.gather [hbm4b:s0+s29], $0x80, s30, s29, $0xb8;
	[tilespmem:$0x1F450] =	vst v63  }
.Ltmp1:
0x223: {  	_ = 	snop;
	(pc) =	sbr.rel @p0 .LBB2_4-.Ltmp1, $4  }
0x224: {  	_ =	swait.ge [sflag:s24], $0x1400  }
0x225: {  	[sflag:s24] =	ssyncset.done $0x0  }
0x226: {  	s22 =	sadd.s32 $0x14A0, s22;
	[sflag:s24] =	ssyncadd.s32 $0xFFFFEC00  }
0x227: {  	[spmem:s3] =	stream.indirect.scatter.add.f32 [tilespmem:s1], [sflag:$0x8], $0x80, s22, s29, $0xb8;
	[tilespmem:$0x1F450] =	vst v63  }
0x228: {  	[spmem:s4] =	stream.indirect.scatter.add.f32 [tilespmem:s18], [sflag:$0xE], $0x8, s22, s29, $0xb8;
	[tilespmem:$0x1F450] =	vst v63  }
0x229: {  	_ =	swait.ge [sflag:s15], $0x1400  }
0x22a: {  	[sflag:s15] =	ssyncset.done $0x0  }
0x22b: {  	[sflag:s15] =	ssyncadd.s32 $0xFFFFEC00  }
0x22c: {  	_ =	swait.ge [sflag:s16], $0x140  }
0x22d: {  	[sflag:s16] =	ssyncset.done $0x0  }
0x22e: {  	s14 =	simm.s32 $0x2710;
	s1 =	simm.s32 $0x12C0;
	[sflag:s16] =	ssyncadd.s32 $0xFFFFFEC0  }
0x22f: {  	[tilespmem:s14], [sflag:$0x1] =	stream.indirect.gather [hbm4b:s0+s29], $0x80, s1, s29, $0xb8;
	[tilespmem:$0x1F450] =	vst v63  }
0x230: {  	_ =	swait.ge [sflag:s25], $0x1400  }
0x231: {  	[sflag:s25] =	ssyncset.done $0x0  }
0x232: {  	s7 =	simm.s32 $0x4F10;
	s22 =	simm.s32 $0x25A8;
	[sflag:s25] =	ssyncadd.s32 $0xFFFFEC00  }
0x233: {  	[spmem:s3] =	stream.indirect.scatter.add.f32 [tilespmem:s7], [sflag:$0x9], $0x80, s22, s29, $0xb8;
	[tilespmem:$0x1F450] =	vst v63  }
0x234: {  	_ = 	snop  }
0x235: {  	[spmem:s4] =	stream.indirect.scatter.add.f32 [tilespmem:s18], [sflag:$0xF], $0x8, s22, s29, $0xb8;
	[tilespmem:$0x1F450] =	vst v63  }
0x236: {  	_ =	swait.ge [sflag:s17], $0x1400  }
0x237: {  	[sflag:s17] =	ssyncset.done $0x0  }
0x238: {  	[sflag:s17] =	ssyncadd.s32 $0xFFFFEC00  }
0x239: {  	_ =	swait.ge [sflag:s2], $0x140  }
0x23a: {  	[sflag:s2] =	ssyncset.done $0x0  }
0x23b: {  	s10 =	simm.s32 $0x12E8;
	s1 =	simm.s32 $0x3B10;
	[sflag:s2] =	ssyncadd.s32 $0xFFFFFEC0  }
0x23c: {  	[tilespmem:s1], [sflag:$0x2] =	stream.indirect.gather [hbm4b:s0+s29], $0x80, s10, s29, $0xb8;
	[tilespmem:$0x1F450] =	vst v63  }
0x23d: {  	_ =	swait.ge [sflag:s26], $0x1400  }
0x23e: {  	[sflag:s26] =	ssyncset.done $0x0  }
0x23f: {  	s31 =	simm.s32 $0x25D0;
	s10 =	simm.s32 $0x6310;
	[sflag:s26] =	ssyncadd.s32 $0xFFFFEC00  }
0x240: {  	[spmem:s3] =	stream.indirect.scatter.add.f32 [tilespmem:s10], [sflag:$0xA], $0x80, s31, s29, $0xb8;
	[tilespmem:$0x1F450] =	vst v63  }
0x241: {  	_ = 	snop  }
0x242: {  	[spmem:s4] =	stream.indirect.scatter.add.f32 [tilespmem:s18], [sflag:$0x10], $0x8, s31, s29, $0xb8;
	[tilespmem:$0x1F450] =	vst v63  }
0x243: {  	_ =	swait.ge [sflag:s6], $0x1400  }
0x244: {  	[sflag:s6] =	ssyncset.done $0x0  }
0x245: {  	[sflag:s6] =	ssyncadd.s32 $0xFFFFEC00  }
0x246: {  	_ =	swait.ge [sflag:s20], $0x140  }
0x247: {  	[sflag:s20] =	ssyncset.done $0x0  }
0x248: {  	s31 =	simm.s32 $0x1310;
	[sflag:s20] =	ssyncadd.s32 $0xFFFFFEC0  }
0x249: {  	[tilespmem:s7], [sflag:$0x3] =	stream.indirect.gather [hbm4b:s0+s29], $0x80, s31, s29, $0xb8;
	[tilespmem:$0x1F450] =	vst v63  }
0x24a: {  	_ =	swait.ge [sflag:s28], $0x1400  }
0x24b: {  	[sflag:s28] =	ssyncset.done $0x0  }
0x24c: {  	s30 =	simm.s32 $0x25F8;
	s22 =	simm.s32 $0x7710;
	[sflag:s28] =	ssyncadd.s32 $0xFFFFEC00  }
0x24d: {  	[spmem:s3] =	stream.indirect.scatter.add.f32 [tilespmem:s22], [sflag:$0xB], $0x80, s30, s29, $0xb8;
	[tilespmem:$0x1F450] =	vst v63  }
0x24e: {  	_ = 	snop  }
0x24f: {  	[spmem:s4] =	stream.indirect.scatter.add.f32 [tilespmem:s18], [sflag:$0x11], $0x8, s30, s29, $0xb8;
	[tilespmem:$0x1F450] =	vst v63  }
0x250: {  	_ =	swait.ge [sflag:s8], $0x1400  }
0x251: {  	[sflag:s8] =	ssyncset.done $0x0  }
0x252: {  	[sflag:s8] =	ssyncadd.s32 $0xFFFFEC00  }
0x253: {  	_ =	swait.ge [sflag:s12], $0x140  }
0x254: {  	[sflag:s12] =	ssyncset.done $0x0  }
0x255: {  	s30 =	simm.s32 $0x1338;
	[sflag:s12] =	ssyncadd.s32 $0xFFFFFEC0  }
0x256: {  	[tilespmem:s10], [sflag:$0x4] =	stream.indirect.gather [hbm4b:s0+s29], $0x80, s30, s29, $0xb8;
	[tilespmem:$0x1F450] =	vst v63  }
0x257: {  	_ =	swait.ge [sflag:s11], $0x1400  }
0x258: {  	[sflag:s11] =	ssyncset.done $0x0  }
0x259: {  	s30 =	simm.s32 $0x2620;
	[sflag:s11] =	ssyncadd.s32 $0xFFFFEC00  }
0x25a: {  	[spmem:s3] =	stream.indirect.scatter.add.f32 [tilespmem:s13], [sflag:$0xC], $0x80, s30, s29, $0xb8;
	[tilespmem:$0x1F450] =	vst v63  }
0x25b: {  	_ = 	snop  }
0x25c: {  	[spmem:s4] =	stream.indirect.scatter.add.f32 [tilespmem:s18], [sflag:$0x12], $0x8, s30, s29, $0xb8;
	[tilespmem:$0x1F450] =	vst v63  }
0x25d: {  	_ =	swait.ge [sflag:s9], $0x1400  }
0x25e: {  	[sflag:s9] =	ssyncset.done $0x0  }
0x25f: {  	[sflag:s9] =	ssyncadd.s32 $0xFFFFEC00  }
0x260: {  	_ =	swait.ge [sflag:s5], $0x140  }
0x261: {  	[sflag:s5] =	ssyncset.done $0x0  }
0x262: {  	s30 =	simm.s32 $0x1360;
	[sflag:s5] =	ssyncadd.s32 $0xFFFFFEC0  }
0x263: {  	[tilespmem:s22], [sflag:$0x5] =	stream.indirect.gather [hbm4b:s0+s29], $0x80, s30, s29, $0xb8;
	[tilespmem:$0x1F450] =	vst v63  }
0x264: {  	_ =	swait.ge [sflag:s23], $0x1400  }
0x265: {  	[sflag:s23] =	ssyncset.done $0x0  }
0x266: {  	s30 =	simm.s32 $0x2648;
	[sflag:s23] =	ssyncadd.s32 $0xFFFFEC00  }
0x267: {  	[spmem:s3] =	stream.indirect.scatter.add.f32 [tilespmem:s14], [sflag:$0x7], $0x80, s30, s29, $0xb8;
	[tilespmem:$0x1F450] =	vst v63  }
0x268: {  	_ = 	snop  }
0x269: {  	[spmem:s4] =	stream.indirect.scatter.add.f32 [tilespmem:s18], [sflag:$0xD], $0x8, s30, s29, $0xb8;
	[tilespmem:$0x1F450] =	vst v63  }
0x26a: {  	_ =	swait.ge [sflag:s24], $0x1400  }
0x26b: {  	[sflag:s24] =	ssyncset.done $0x0  }
0x26c: {  	s31 =	simm.s32 $0x2670;
	[sflag:s24] =	ssyncadd.s32 $0xFFFFEC00  }
0x26d: {  	[spmem:s3] =	stream.indirect.scatter.add.f32 [tilespmem:s1], [sflag:$0x8], $0x80, s31, s29, $0xb8;
	[tilespmem:$0x1F450] =	vst v63  }
0x26e: {  	_ = 	snop  }
0x26f: {  	[spmem:s4] =	stream.indirect.scatter.add.f32 [tilespmem:s18], [sflag:$0xE], $0x8, s31, s29, $0xb8;
	[tilespmem:$0x1F450] =	vst v63  }
0x270: {  	_ =	swait.ge [sflag:s25], $0x1400  }
0x271: {  	[sflag:s25] =	ssyncset.done $0x0  }
0x272: {  	s31 =	simm.s32 $0x2698;
	[sflag:s25] =	ssyncadd.s32 $0xFFFFEC00  }
0x273: {  	[spmem:s3] =	stream.indirect.scatter.add.f32 [tilespmem:s7], [sflag:$0x9], $0x80, s31, s29, $0xb8;
	[tilespmem:$0x1F450] =	vst v63  }
0x274: {  	_ = 	snop  }
0x275: {  	[spmem:s4] =	stream.indirect.scatter.add.f32 [tilespmem:s18], [sflag:$0xF], $0x8, s31, s29, $0xb8;
	[tilespmem:$0x1F450] =	vst v63  }
0x276: {  	_ =	swait.ge [sflag:s26], $0x1400  }
0x277: {  	[sflag:s26] =	ssyncset.done $0x0  }
0x278: {  	s7 =	simm.s32 $0x26C0;
	[sflag:s26] =	ssyncadd.s32 $0xFFFFEC00  }
0x279: {  	[spmem:s3] =	stream.indirect.scatter.add.f32 [tilespmem:s10], [sflag:$0xA], $0x80, s7, s29, $0xb8;
	[tilespmem:$0x1F450] =	vst v63  }
0x27a: {  	_ = 	snop  }
0x27b: {  	[spmem:s4] =	stream.indirect.scatter.add.f32 [tilespmem:s18], [sflag:$0x10], $0x8, s7, s29, $0xb8;
	[tilespmem:$0x1F450] =	vst v63  }
0x27c: {  	_ =	swait.ge [sflag:s28], $0x1400  }
0x27d: {  	[sflag:s28] =	ssyncset.done $0x0  }
0x27e: {  	s14 =	simm.s32 $0x26E8;
	[sflag:s28] =	ssyncadd.s32 $0xFFFFEC00  }
0x27f: {  	[spmem:s3] =	stream.indirect.scatter.add.f32 [tilespmem:s22], [sflag:$0xB], $0x80, s14, s29, $0xb8;
	[tilespmem:$0x1F450] =	vst v63  }
0x280: {  	_ = 	snop  }
0x281: {  	[spmem:s4] =	stream.indirect.scatter.add.f32 [tilespmem:s18], [sflag:$0x11], $0x8, s14, s29, $0xb8;
	[tilespmem:$0x1F450] =	vst v63  }
0x282: {  	_ =	swait.ge [sflag:s19], $0x1400  }
0x283: {  	[sflag:s19] =	ssyncset.done $0x0  }
0x284: {  	[sflag:s19] =	ssyncadd.s32 $0xFFFFEC00  }
0x285: {  	_ =	swait.ge [sflag:s21], $0x140  }
0x286: {  	[sflag:s21] =	ssyncset.done $0x0  }
0x287: {  	[sflag:s21] =	ssyncadd.s32 $0xFFFFFEC0  }
0x288: {  	_ =	swait.ge [sflag:s15], $0x1400  }
0x289: {  	[sflag:s15] =	ssyncset.done $0x0  }
0x28a: {  	[sflag:s15] =	ssyncadd.s32 $0xFFFFEC00  }
0x28b: {  	_ =	swait.ge [sflag:s16], $0x140  }
0x28c: {  	[sflag:s16] =	ssyncset.done $0x0  }
0x28d: {  	[sflag:s16] =	ssyncadd.s32 $0xFFFFFEC0  }
0x28e: {  	_ =	swait.ge [sflag:s17], $0x1400  }
0x28f: {  	[sflag:s17] =	ssyncset.done $0x0  }
0x290: {  	[sflag:s17] =	ssyncadd.s32 $0xFFFFEC00  }
0x291: {  	_ =	swait.ge [sflag:s2], $0x140  }
0x292: {  	[sflag:s2] =	ssyncset.done $0x0  }
0x293: {  	[sflag:s2] =	ssyncadd.s32 $0xFFFFFEC0  }
0x294: {  	_ =	swait.ge [sflag:s6], $0x1400  }
0x295: {  	[sflag:s6] =	ssyncset.done $0x0  }
0x296: {  	[sflag:s6] =	ssyncadd.s32 $0xFFFFEC00  }
0x297: {  	_ =	swait.ge [sflag:s20], $0x140  }
0x298: {  	[sflag:s20] =	ssyncset.done $0x0  }
0x299: {  	[sflag:s20] =	ssyncadd.s32 $0xFFFFFEC0  }
0x29a: {  	_ =	swait.ge [sflag:s8], $0x1400  }
0x29b: {  	[sflag:s8] =	ssyncset.done $0x0  }
0x29c: {  	[sflag:s8] =	ssyncadd.s32 $0xFFFFEC00  }
0x29d: {  	_ =	swait.ge [sflag:s12], $0x140  }
0x29e: {  	[sflag:s12] =	ssyncset.done $0x0  }
0x29f: {  	[sflag:s12] =	ssyncadd.s32 $0xFFFFFEC0  }
0x2a0: {  	_ =	swait.ge [sflag:s9], $0x1400  }
0x2a1: {  	[sflag:s9] =	ssyncset.done $0x0  }
0x2a2: {  	[sflag:s9] =	ssyncadd.s32 $0xFFFFEC00  }
0x2a3: {  	_ =	swait.ge [sflag:s5], $0x140  }
0x2a4: {  	[sflag:s5] =	ssyncset.done $0x0  }
0x2a5: {  	[sflag:s5] =	ssyncadd.s32 $0xFFFFFEC0  }
0x2a6: {  	[bflag:$0x0] =	sbarrier.arrive $0xFFFF  }
0x2a7: {  	s31 =	rddreg [dreg:$0x9]  }
0x2a8: {  	s1 =	rddreg [dreg:$0xf]  }
0x2a9: {  	s10 =	rddreg [dreg:$0x12];
	s14 =	sor.u32 $0x1C13, s31  }
0x2aa: {  	[hbm:s1], [sflag:s14] =	dma.local [spmem:s10], $0x2800  }
0x2ab: {  	s1 =	simm.s32 $0x13  }
0x2ac: {  	_ =	swait.ge [sflag:s1], $0x2800  }
0x2ad: {  	[sflag:s1] =	ssyncset.done $0x0;
	s7 =	rddreg [dreg:$0x10]  }
0x2ae: {  	s30 =	rddreg [dreg:$0x14];
	[sflag:s1] =	ssyncadd.s32 $0xFFFFD800  }
0x2af: {  	[hbm:s7], [sflag:s14] =	dma.local [spmem:s30], $0x280  }
0x2b0: {  	_ =	swait.ge [sflag:s1], $0x280  }
0x2b1: {  	s22 =	rddreg [dreg:$0x15]  }
0x2b2: {  	s31 =	rddreg [dreg:$0x11];
	s7 =	sadd.s32 $0x1, s22  }
0x2b3: {  	p0 =	sne.s32 s7, s31  }
.Ltmp2:
0x2b4: {  	_ = 	snop;
	(pc) =	sbr.rel @p0 .LBB2_1-.Ltmp2, $3  }
0x2b5: {  	_ =	sdelay $0x1  }
0x2b6: {  	[sflag:s1] =	ssyncset.done $0x0  }
0x2b7: {  	[sflag:s1] =	ssyncadd.s32 $0xFFFFFD80  }
0x2b8: {  	_ =	sfence.sel $0x180000  }
0x2b9: {  	[bflag:$0x0] =	sbarrier.arrive $0xFFFF  }
0x2ba: {  	_ =	strace $0x90000047  }
0x2bb: {  	s0 =	stileid.u32;
	[bflag:$0x2] =	sbarrier.arrive $0xFFFF  }
0x2bc: {  	p0 =	sne.s32 s0, $0x0;
	s0 =	rddreg [dreg:$0x5]  }
0x2bd: {  	s0 =	sadd.s32 @!p0 $0x100000, s0  }
0x2be: {  	[sflag:s0] =	ssyncadd.tile.s32 @!p0 $0x1;
	_ =	shalt  }
.Lfunc_end2:
_tile_overlayer_lowered:
.L_overlay_start_2:
0x2bf: {  	(tag) =	ssettag $0x2  }
0x2c0: {  	s0 =	rddreg [dreg:$0x0];
	s2 =	stileid.u32  }
0x2c1: {  	s1 =	rddreg [dreg:$0x1];
	p0 =	sne.s32 s2, $0x0  }
0x2c2: {  	s3 =	rddreg [dreg:$0x2];
	[bflag:$0x3] =	sbarrier.arrive $0xFFFF;
	s2 =	simm.s32 @!p0 $0x1C13  }
0x2c3: {  	[timem:s3], [sflag:s2] =	dma.local @!p0 [hbm:s0], s1  }
0x2c4: {  	s0 =	simm.s32 @!p0 $0x13  }
0x2c5: {  	_ =	swait.ge @!p0 [sflag:s0], s1  }
0x2c6: {  	s1 =	ssub.s32 @!p0 $0x0, s1;
	[sflag:s0] =	ssyncset.done @!p0 $0x0  }
0x2c7: {  	[sflag:s0] =	ssyncadd.s32 @!p0 s1  }
0x2c8: {  	[bflag:$0x3] =	sbarrier.arrive $0xFFFF  }
0x2c9: {  	_ =	shalt  }

</sc_bundles>
